<compile_context>
chip_gen: v7x
topology: tpu7x:2x2x1
jax: 0.10.2.dev20260603
libtpu: 0.0.44.dev20260713+nightly
codegen_flags: <defaults>
</compile_context>

<pallas_src>
import functools

import jax
import jax.numpy as jnp
from jax import lax
from jax.experimental import pallas as pl
from jax.experimental.pallas import tpu as pltpu
from jax.experimental.pallas import tpu_sc as plsc

D = 768
E = 8
K = 2
BT = 2048

NC = 2
NS = 16
NW = NC * NS
LANES = 16


def _gate_body(x_ref, wt_ref, outt_ref):
    acc = jnp.dot(x_ref[...], wt_ref[...], preferred_element_type=jnp.float32)
    outt_ref[...] = jnp.transpose(acc.reshape(BT // 128, 128, E), (0, 2, 1))


def _gate_logits_t(x_flat, wt):
    n_tok = x_flat.shape[0]
    grid = (n_tok // BT,)
    return pl.pallas_call(
        _gate_body,
        grid=grid,
        in_specs=[
            pl.BlockSpec((BT, D), lambda i: (i, 0)),
            pl.BlockSpec((D, E), lambda i: (0, 0)),
        ],
        out_specs=pl.BlockSpec((BT // 128, E, 128), lambda i: (i, 0, 0)),
        out_shape=jax.ShapeDtypeStruct((n_tok // 128, E, 128), jnp.float32),
    )(x_flat, wt)


def _make_router(n_tiles, nc=NC):
    nw = nc * NS
    tpw = n_tiles // nw

    mesh = plsc.VectorSubcoreMesh(
        core_axis_name="c", subcore_axis_name="s", num_cores=nc)

    @functools.partial(
        pl.kernel,
        mesh=mesh,
        compiler_params=pltpu.CompilerParams(needs_layout_passes=False),
        out_type=[
            jax.ShapeDtypeStruct((n_tiles, K, 128), jnp.float32),
            jax.ShapeDtypeStruct((n_tiles, K, 128), jnp.int32),
        ],
        scratch_types=[
            pltpu.VMEM((tpw, E, 128), jnp.float32),
            pltpu.VMEM((tpw, K, 128), jnp.float32),
            pltpu.VMEM((tpw, K, 128), jnp.int32),
        ],
    )
    def router(lt_hbm, gates_hbm, idx_hbm, lv, gv, iv):
        wid = lax.axis_index("s") * nc + lax.axis_index("c")
        base = wid * tpw
        pltpu.sync_copy(lt_hbm.at[pl.ds(base, tpw)], lv)

        zero = jnp.zeros((LANES,), jnp.int32)
        neg = jnp.float32(-1e30)
        negv = jnp.full((LANES,), neg, jnp.float32)

        def tile_body(t):
            for j in range(128 // LANES):
                sl = pl.ds(j * LANES, LANES)
                ls = [lv[t, e, sl] for e in range(E)]

                m1 = ls[0]
                i1 = zero
                for e in range(1, E):
                    gt = ls[e] > m1
                    m1 = jnp.where(gt, ls[e], m1)
                    i1 = jnp.where(gt, e, i1)

                m2 = negv
                i2 = zero
                for e in range(E):
                    cand = jnp.where(i1 == e, neg, ls[e])
                    gt = cand > m2
                    m2 = jnp.where(gt, cand, m2)
                    i2 = jnp.where(gt, e, i2)

                t2 = jnp.exp(m2 - m1)
                g1 = 1.0 / (1.0 + t2)
                g2 = t2 * g1

                gv[t, 0, sl] = g1
                gv[t, 1, sl] = g2
                iv[t, 0, sl] = i1
                iv[t, 1, sl] = i2

        plsc.parallel_loop(0, tpw)(tile_body)

        pltpu.sync_copy(gv, gates_hbm.at[pl.ds(base, tpw)])
        pltpu.sync_copy(iv, idx_hbm.at[pl.ds(base, tpw)])

    return router


def kernel(x, W):
    B, S, _ = x.shape
    n_tok = B * S
    n_tiles = n_tok // 128
    x_flat = x.reshape(n_tok, D)
    logits_t = _gate_logits_t(x_flat, W.T)
    gates_t, idx_t = _make_router(n_tiles)(logits_t)

    def unpack(img, k):
        return img.reshape(B, S // 128, k, 128).transpose(0, 1, 3, 2).reshape(B, S, k)

    return (unpack(gates_t, K), unpack(idx_t, K), unpack(logits_t, E))

# --- scband reference (transcript-rebuilt; emitter-appended) ---
"""Pipeline reference for scband-mo-erouter-82514911691423 (READ-ONLY COPY).

The authoritative reference and input builder live on the scoring server;
editing this copy changes nothing except your own understanding.
"""

import jax, jax.numpy as jnp
import numpy as np

D_MODEL = 768
NUM_EXPERTS = 8
TOP_K = 2


def setup_inputs(seed: int = 0) -> dict:
    key = jax.random.key(seed)
    k1, k2 = jax.random.split(key)
    x = jax.random.normal(k1, (4, 8192, D_MODEL), dtype=jnp.float32)
    # nn.Linear(d_model, num_experts, bias=False) weight: [num_experts, d_model]
    W = jax.random.normal(k2, (NUM_EXPERTS, D_MODEL), dtype=jnp.float32) * (1.0 / np.sqrt(D_MODEL))
    return {"x": x, "W": W}


def reference(x, W):
    # logits = self.gate(x) : [B, S, E]
    logits = jnp.einsum('bsd,ed->bse', x, W)
    # torch.topk(logits, top_k, dim=-1)
    top_k_logits, top_k_indices = jax.lax.top_k(logits, TOP_K)
    # F.softmax over the selected top-k logits
    top_k_gates = jax.nn.softmax(top_k_logits, axis=-1)
    return (top_k_gates, top_k_indices, logits)

if __name__ == "__main__":
    import jax
    _d = setup_inputs()
    print(jax.jit(kernel)(*tuple(_d.values())))

</pallas_src>

<mosaic_0001>
#map = affine_map<(d0, d1) -> (0, 0, 0)>
module attributes {stable_mosaic.version = 14 : i64} {
  func.func @router(%arg0: i32, %arg1: i32, %arg2: memref<256x8x128xf32, #tpu.memory_space<hbm>>, %arg3: memref<256x2x128xf32, #tpu.memory_space<hbm>>, %arg4: memref<256x2x128xi32, #tpu.memory_space<hbm>>, %arg5: memref<8x8x128xf32, #tpu.memory_space<vmem>>, %arg6: memref<8x2x128xf32, #tpu.memory_space<vmem>>, %arg7: memref<8x2x128xi32, #tpu.memory_space<vmem>>) attributes {dimension_semantics = [#tpu.dimension_semantics<core_parallel>, #tpu.dimension_semantics<subcore_parallel>], iteration_bounds = array<i64: 2, 16>, scalar_prefetch = 0 : i64, scratch_operands = 3 : i64, tpu.core_type = #tpu.core_type<sc_vector_subcore>, window_params = [{transform_indices = #map}, {transform_indices = #map}, {transform_indices = #map}]} {
    %mul3A = arith.constant 2 : i32
    %mul3A_0 = arith.muli %arg1, %mul3A : i32
    %add3A = arith.addi %mul3A_0, %arg0 : i32
    %mul3A_1 = arith.constant 8 : i32
    %mul3A_2 = arith.muli %add3A, %mul3A_1 : i32
    "tpu.region"() ({
      %run_scoped3A = tpu.sem_alloc : memref<!tpu.dma_semaphore, #tpu.memory_space<semaphore_mem>>
      %dma_start3A = arith.constant 0 : i32
      %dma_start3A_9 = arith.constant 0 : i32
      %dma_start3A_10 = tpu.memref_slice %arg2[%mul3A_2, %dma_start3A, %dma_start3A_9] : memref<256x8x128xf32, #tpu.memory_space<hbm>> -> memref<8x8x128xf32, #tpu.memory_space<hbm>>
      %dma_start3A_11 = arith.constant 0 : i32
      %dma_start3A_12 = arith.constant 0 : i32
      %dma_start3A_13 = tpu.memref_slice %arg2[%mul3A_2, %dma_start3A_11, %dma_start3A_12] : memref<256x8x128xf32, #tpu.memory_space<hbm>> -> memref<8x8x128xf32, #tpu.memory_space<hbm>>
      tpu.enqueue_dma source(%dma_start3A_13 : memref<8x8x128xf32, #tpu.memory_space<hbm>>) target(%arg5 : memref<8x8x128xf32, #tpu.memory_space<vmem>>) target_semaphore(%run_scoped3A : memref<!tpu.dma_semaphore, #tpu.memory_space<semaphore_mem>>)
      %dma_wait3A = arith.constant 0 : i32
      %dma_wait3A_14 = arith.constant 0 : i32
      %dma_wait3A_15 = tpu.memref_slice %arg2[%mul3A_2, %dma_wait3A, %dma_wait3A_14] : memref<256x8x128xf32, #tpu.memory_space<hbm>> -> memref<8x8x128xf32, #tpu.memory_space<hbm>>
      %dma_wait3A_16 = arith.constant 0 : i32
      %dma_wait3A_17 = arith.constant 0 : i32
      %dma_wait3A_18 = tpu.memref_slice %arg2[%mul3A_2, %dma_wait3A_16, %dma_wait3A_17] : memref<256x8x128xf32, #tpu.memory_space<hbm>> -> memref<8x8x128xf32, #tpu.memory_space<hbm>>
      tpu.wait_dma2 semaphore(%run_scoped3A : memref<!tpu.dma_semaphore, #tpu.memory_space<semaphore_mem>>) src(%dma_wait3A_18 : memref<8x8x128xf32, #tpu.memory_space<hbm>>) dst(%arg5 : memref<8x8x128xf32, #tpu.memory_space<vmem>>)
      tpu.yield
    }) : () -> ()
    %broadcast_in_dim3A = arith.constant 0 : i32
    %broadcast_in_dim3A_3 = vector.broadcast %broadcast_in_dim3A : i32 to vector<16xi32>
    %broadcast_in_dim3A_4 = arith.constant -1.000000e+30 : f32
    %broadcast_in_dim3A_5 = vector.broadcast %broadcast_in_dim3A_4 : f32 to vector<16xf32>
    %parallel_loop3A = arith.constant 0 : i32
    %parallel_loop3A_6 = arith.constant 8 : i32
    %parallel_loop3A_7 = arith.constant 1 : i32
    %parallel_loop3A_8 = arith.constant -1.000000e+30 : f32
    scf.for %parallel_loop3A_9 = %parallel_loop3A to %parallel_loop3A_6 step %parallel_loop3A_7  : i32 {
      %parallel_loop3A_10 = arith.constant 0 : i32
      %parallel_loop3A_11 = arith.index_cast %parallel_loop3A_9 : i32 to index
      %parallel_loop3A_12 = arith.index_cast %parallel_loop3A_10 : i32 to index
      %parallel_loop3A_13 = arith.constant 0 : index
      %parallel_loop3A_14 = tpu.vector_load %arg5[%parallel_loop3A_11, %parallel_loop3A_12, %parallel_loop3A_13] {strides = array<i32>} : memref<8x8x128xf32, #tpu.memory_space<vmem>>, vector<16xf32>,
      %parallel_loop3A_15 = arith.constant 1 : i32
      %parallel_loop3A_16 = arith.index_cast %parallel_loop3A_9 : i32 to index
      %parallel_loop3A_17 = arith.index_cast %parallel_loop3A_15 : i32 to index
      %parallel_loop3A_18 = arith.constant 0 : index
      %parallel_loop3A_19 = tpu.vector_load %arg5[%parallel_loop3A_16, %parallel_loop3A_17, %parallel_loop3A_18] {strides = array<i32>} : memref<8x8x128xf32, #tpu.memory_space<vmem>>, vector<16xf32>,
      %parallel_loop3A_20 = arith.constant 2 : i32
      %parallel_loop3A_21 = arith.index_cast %parallel_loop3A_9 : i32 to index
      %parallel_loop3A_22 = arith.index_cast %parallel_loop3A_20 : i32 to index
      %parallel_loop3A_23 = arith.constant 0 : index
      %parallel_loop3A_24 = tpu.vector_load %arg5[%parallel_loop3A_21, %parallel_loop3A_22, %parallel_loop3A_23] {strides = array<i32>} : memref<8x8x128xf32, #tpu.memory_space<vmem>>, vector<16xf32>,
      %parallel_loop3A_25 = arith.constant 3 : i32
      %parallel_loop3A_26 = arith.index_cast %parallel_loop3A_9 : i32 to index
      %parallel_loop3A_27 = arith.index_cast %parallel_loop3A_25 : i32 to index
      %parallel_loop3A_28 = arith.constant 0 : index
      %parallel_loop3A_29 = tpu.vector_load %arg5[%parallel_loop3A_26, %parallel_loop3A_27, %parallel_loop3A_28] {strides = array<i32>} : memref<8x8x128xf32, #tpu.memory_space<vmem>>, vector<16xf32>,
      %parallel_loop3A_30 = arith.constant 4 : i32
      %parallel_loop3A_31 = arith.index_cast %parallel_loop3A_9 : i32 to index
      %parallel_loop3A_32 = arith.index_cast %parallel_loop3A_30 : i32 to index
      %parallel_loop3A_33 = arith.constant 0 : index
      %parallel_loop3A_34 = tpu.vector_load %arg5[%parallel_loop3A_31, %parallel_loop3A_32, %parallel_loop3A_33] {strides = array<i32>} : memref<8x8x128xf32, #tpu.memory_space<vmem>>, vector<16xf32>,
      %parallel_loop3A_35 = arith.constant 5 : i32
      %parallel_loop3A_36 = arith.index_cast %parallel_loop3A_9 : i32 to index
      %parallel_loop3A_37 = arith.index_cast %parallel_loop3A_35 : i32 to index
      %parallel_loop3A_38 = arith.constant 0 : index
      %parallel_loop3A_39 = tpu.vector_load %arg5[%parallel_loop3A_36, %parallel_loop3A_37, %parallel_loop3A_38] {strides = array<i32>} : memref<8x8x128xf32, #tpu.memory_space<vmem>>, vector<16xf32>,
      %parallel_loop3A_40 = arith.constant 6 : i32
      %parallel_loop3A_41 = arith.index_cast %parallel_loop3A_9 : i32 to index
      %parallel_loop3A_42 = arith.index_cast %parallel_loop3A_40 : i32 to index
      %parallel_loop3A_43 = arith.constant 0 : index
      %parallel_loop3A_44 = tpu.vector_load %arg5[%parallel_loop3A_41, %parallel_loop3A_42, %parallel_loop3A_43] {strides = array<i32>} : memref<8x8x128xf32, #tpu.memory_space<vmem>>, vector<16xf32>,
      %parallel_loop3A_45 = arith.constant 7 : i32
      %parallel_loop3A_46 = arith.index_cast %parallel_loop3A_9 : i32 to index
      %parallel_loop3A_47 = arith.index_cast %parallel_loop3A_45 : i32 to index
      %parallel_loop3A_48 = arith.constant 0 : index
      %parallel_loop3A_49 = tpu.vector_load %arg5[%parallel_loop3A_46, %parallel_loop3A_47, %parallel_loop3A_48] {strides = array<i32>} : memref<8x8x128xf32, #tpu.memory_space<vmem>>, vector<16xf32>,
      %parallel_loop3A_50 = arith.cmpf ogt, %parallel_loop3A_19, %parallel_loop3A_14 : vector<16xf32>
      %parallel_loop3A_51 = arith.select %parallel_loop3A_50, %parallel_loop3A_19, %parallel_loop3A_14 : vector<16xi1>, vector<16xf32>
      %parallel_loop3A_52 = arith.constant 1 : i32
      %parallel_loop3A_53 = vector.broadcast %parallel_loop3A_52 : i32 to vector<16xi32>
      %parallel_loop3A_54 = arith.select %parallel_loop3A_50, %parallel_loop3A_53, %broadcast_in_dim3A_3 : vector<16xi1>, vector<16xi32>
      %parallel_loop3A_55 = arith.cmpf ogt, %parallel_loop3A_24, %parallel_loop3A_51 : vector<16xf32>
      %parallel_loop3A_56 = arith.select %parallel_loop3A_55, %parallel_loop3A_24, %parallel_loop3A_51 : vector<16xi1>, vector<16xf32>
      %parallel_loop3A_57 = arith.constant 2 : i32
      %parallel_loop3A_58 = vector.broadcast %parallel_loop3A_57 : i32 to vector<16xi32>
      %parallel_loop3A_59 = arith.select %parallel_loop3A_55, %parallel_loop3A_58, %parallel_loop3A_54 : vector<16xi1>, vector<16xi32>
      %parallel_loop3A_60 = arith.cmpf ogt, %parallel_loop3A_29, %parallel_loop3A_56 : vector<16xf32>
      %parallel_loop3A_61 = arith.select %parallel_loop3A_60, %parallel_loop3A_29, %parallel_loop3A_56 : vector<16xi1>, vector<16xf32>
      %parallel_loop3A_62 = arith.constant 3 : i32
      %parallel_loop3A_63 = vector.broadcast %parallel_loop3A_62 : i32 to vector<16xi32>
      %parallel_loop3A_64 = arith.select %parallel_loop3A_60, %parallel_loop3A_63, %parallel_loop3A_59 : vector<16xi1>, vector<16xi32>
      %parallel_loop3A_65 = arith.cmpf ogt, %parallel_loop3A_34, %parallel_loop3A_61 : vector<16xf32>
      %parallel_loop3A_66 = arith.select %parallel_loop3A_65, %parallel_loop3A_34, %parallel_loop3A_61 : vector<16xi1>, vector<16xf32>
      %parallel_loop3A_67 = arith.constant 4 : i32
      %parallel_loop3A_68 = vector.broadcast %parallel_loop3A_67 : i32 to vector<16xi32>
      %parallel_loop3A_69 = arith.select %parallel_loop3A_65, %parallel_loop3A_68, %parallel_loop3A_64 : vector<16xi1>, vector<16xi32>
      %parallel_loop3A_70 = arith.cmpf ogt, %parallel_loop3A_39, %parallel_loop3A_66 : vector<16xf32>
      %parallel_loop3A_71 = arith.select %parallel_loop3A_70, %parallel_loop3A_39, %parallel_loop3A_66 : vector<16xi1>, vector<16xf32>
      %parallel_loop3A_72 = arith.constant 5 : i32
      %parallel_loop3A_73 = vector.broadcast %parallel_loop3A_72 : i32 to vector<16xi32>
      %parallel_loop3A_74 = arith.select %parallel_loop3A_70, %parallel_loop3A_73, %parallel_loop3A_69 : vector<16xi1>, vector<16xi32>
      %parallel_loop3A_75 = arith.cmpf ogt, %parallel_loop3A_44, %parallel_loop3A_71 : vector<16xf32>
      %parallel_loop3A_76 = arith.select %parallel_loop3A_75, %parallel_loop3A_44, %parallel_loop3A_71 : vector<16xi1>, vector<16xf32>
      %parallel_loop3A_77 = arith.constant 6 : i32
      %parallel_loop3A_78 = vector.broadcast %parallel_loop3A_77 : i32 to vector<16xi32>
      %parallel_loop3A_79 = arith.select %parallel_loop3A_75, %parallel_loop3A_78, %parallel_loop3A_74 : vector<16xi1>, vector<16xi32>
      %parallel_loop3A_80 = arith.cmpf ogt, %parallel_loop3A_49, %parallel_loop3A_76 : vector<16xf32>
      %parallel_loop3A_81 = arith.select %parallel_loop3A_80, %parallel_loop3A_49, %parallel_loop3A_76 : vector<16xi1>, vector<16xf32>
      %parallel_loop3A_82 = arith.constant 7 : i32
      %parallel_loop3A_83 = vector.broadcast %parallel_loop3A_82 : i32 to vector<16xi32>
      %parallel_loop3A_84 = arith.select %parallel_loop3A_80, %parallel_loop3A_83, %parallel_loop3A_79 : vector<16xi1>, vector<16xi32>
      %parallel_loop3A_85 = arith.constant 0 : i32
      %parallel_loop3A_86 = vector.broadcast %parallel_loop3A_85 : i32 to vector<16xi32>
      %parallel_loop3A_87 = arith.cmpi eq, %parallel_loop3A_84, %parallel_loop3A_86 : vector<16xi32>
      %parallel_loop3A_88 = vector.broadcast %parallel_loop3A_8 : f32 to vector<16xf32>
      %parallel_loop3A_89 = arith.select %parallel_loop3A_87, %parallel_loop3A_88, %parallel_loop3A_14 : vector<16xi1>, vector<16xf32>
      %parallel_loop3A_90 = arith.cmpf ogt, %parallel_loop3A_89, %broadcast_in_dim3A_5 : vector<16xf32>
      %parallel_loop3A_91 = arith.select %parallel_loop3A_90, %parallel_loop3A_89, %broadcast_in_dim3A_5 : vector<16xi1>, vector<16xf32>
      %parallel_loop3A_92 = arith.constant 0 : i32
      %parallel_loop3A_93 = vector.broadcast %parallel_loop3A_92 : i32 to vector<16xi32>
      %parallel_loop3A_94 = arith.select %parallel_loop3A_90, %parallel_loop3A_93, %broadcast_in_dim3A_3 : vector<16xi1>, vector<16xi32>
      %parallel_loop3A_95 = arith.constant 1 : i32
      %parallel_loop3A_96 = vector.broadcast %parallel_loop3A_95 : i32 to vector<16xi32>
      %parallel_loop3A_97 = arith.cmpi eq, %parallel_loop3A_84, %parallel_loop3A_96 : vector<16xi32>
      %parallel_loop3A_98 = vector.broadcast %parallel_loop3A_8 : f32 to vector<16xf32>
      %parallel_loop3A_99 = arith.select %parallel_loop3A_97, %parallel_loop3A_98, %parallel_loop3A_19 : vector<16xi1>, vector<16xf32>
      %parallel_loop3A_100 = arith.cmpf ogt, %parallel_loop3A_99, %parallel_loop3A_91 : vector<16xf32>
      %parallel_loop3A_101 = arith.select %parallel_loop3A_100, %parallel_loop3A_99, %parallel_loop3A_91 : vector<16xi1>, vector<16xf32>
      %parallel_loop3A_102 = arith.constant 1 : i32
      %parallel_loop3A_103 = vector.broadcast %parallel_loop3A_102 : i32 to vector<16xi32>
      %parallel_loop3A_104 = arith.select %parallel_loop3A_100, %parallel_loop3A_103, %parallel_loop3A_94 : vector<16xi1>, vector<16xi32>
      %parallel_loop3A_105 = arith.constant 2 : i32
      %parallel_loop3A_106 = vector.broadcast %parallel_loop3A_105 : i32 to vector<16xi32>
      %parallel_loop3A_107 = arith.cmpi eq, %parallel_loop3A_84, %parallel_loop3A_106 : vector<16xi32>
      %parallel_loop3A_108 = vector.broadcast %parallel_loop3A_8 : f32 to vector<16xf32>
      %parallel_loop3A_109 = arith.select %parallel_loop3A_107, %parallel_loop3A_108, %parallel_loop3A_24 : vector<16xi1>, vector<16xf32>
      %parallel_loop3A_110 = arith.cmpf ogt, %parallel_loop3A_109, %parallel_loop3A_101 : vector<16xf32>
      %parallel_loop3A_111 = arith.select %parallel_loop3A_110, %parallel_loop3A_109, %parallel_loop3A_101 : vector<16xi1>, vector<16xf32>
      %parallel_loop3A_112 = arith.constant 2 : i32
      %parallel_loop3A_113 = vector.broadcast %parallel_loop3A_112 : i32 to vector<16xi32>
      %parallel_loop3A_114 = arith.select %parallel_loop3A_110, %parallel_loop3A_113, %parallel_loop3A_104 : vector<16xi1>, vector<16xi32>
      %parallel_loop3A_115 = arith.constant 3 : i32
      %parallel_loop3A_116 = vector.broadcast %parallel_loop3A_115 : i32 to vector<16xi32>
      %parallel_loop3A_117 = arith.cmpi eq, %parallel_loop3A_84, %parallel_loop3A_116 : vector<16xi32>
      %parallel_loop3A_118 = vector.broadcast %parallel_loop3A_8 : f32 to vector<16xf32>
      %parallel_loop3A_119 = arith.select %parallel_loop3A_117, %parallel_loop3A_118, %parallel_loop3A_29 : vector<16xi1>, vector<16xf32>
      %parallel_loop3A_120 = arith.cmpf ogt, %parallel_loop3A_119, %parallel_loop3A_111 : vector<16xf32>
      %parallel_loop3A_121 = arith.select %parallel_loop3A_120, %parallel_loop3A_119, %parallel_loop3A_111 : vector<16xi1>, vector<16xf32>
      %parallel_loop3A_122 = arith.constant 3 : i32
      %parallel_loop3A_123 = vector.broadcast %parallel_loop3A_122 : i32 to vector<16xi32>
      %parallel_loop3A_124 = arith.select %parallel_loop3A_120, %parallel_loop3A_123, %parallel_loop3A_114 : vector<16xi1>, vector<16xi32>
      %parallel_loop3A_125 = arith.constant 4 : i32
      %parallel_loop3A_126 = vector.broadcast %parallel_loop3A_125 : i32 to vector<16xi32>
      %parallel_loop3A_127 = arith.cmpi eq, %parallel_loop3A_84, %parallel_loop3A_126 : vector<16xi32>
      %parallel_loop3A_128 = vector.broadcast %parallel_loop3A_8 : f32 to vector<16xf32>
      %parallel_loop3A_129 = arith.select %parallel_loop3A_127, %parallel_loop3A_128, %parallel_loop3A_34 : vector<16xi1>, vector<16xf32>
      %parallel_loop3A_130 = arith.cmpf ogt, %parallel_loop3A_129, %parallel_loop3A_121 : vector<16xf32>
      %parallel_loop3A_131 = arith.select %parallel_loop3A_130, %parallel_loop3A_129, %parallel_loop3A_121 : vector<16xi1>, vector<16xf32>
      %parallel_loop3A_132 = arith.constant 4 : i32
      %parallel_loop3A_133 = vector.broadcast %parallel_loop3A_132 : i32 to vector<16xi32>
      %parallel_loop3A_134 = arith.select %parallel_loop3A_130, %parallel_loop3A_133, %parallel_loop3A_124 : vector<16xi1>, vector<16xi32>
      %parallel_loop3A_135 = arith.constant 5 : i32
      %parallel_loop3A_136 = vector.broadcast %parallel_loop3A_135 : i32 to vector<16xi32>
      %parallel_loop3A_137 = arith.cmpi eq, %parallel_loop3A_84, %parallel_loop3A_136 : vector<16xi32>
      %parallel_loop3A_138 = vector.broadcast %parallel_loop3A_8 : f32 to vector<16xf32>
      %parallel_loop3A_139 = arith.select %parallel_loop3A_137, %parallel_loop3A_138, %parallel_loop3A_39 : vector<16xi1>, vector<16xf32>
      %parallel_loop3A_140 = arith.cmpf ogt, %parallel_loop3A_139, %parallel_loop3A_131 : vector<16xf32>
      %parallel_loop3A_141 = arith.select %parallel_loop3A_140, %parallel_loop3A_139, %parallel_loop3A_131 : vector<16xi1>, vector<16xf32>
      %parallel_loop3A_142 = arith.constant 5 : i32
      %parallel_loop3A_143 = vector.broadcast %parallel_loop3A_142 : i32 to vector<16xi32>
      %parallel_loop3A_144 = arith.select %parallel_loop3A_140, %parallel_loop3A_143, %parallel_loop3A_134 : vector<16xi1>, vector<16xi32>
      %parallel_loop3A_145 = arith.constant 6 : i32
      %parallel_loop3A_146 = vector.broadcast %parallel_loop3A_145 : i32 to vector<16xi32>
      %parallel_loop3A_147 = arith.cmpi eq, %parallel_loop3A_84, %parallel_loop3A_146 : vector<16xi32>
      %parallel_loop3A_148 = vector.broadcast %parallel_loop3A_8 : f32 to vector<16xf32>
      %parallel_loop3A_149 = arith.select %parallel_loop3A_147, %parallel_loop3A_148, %parallel_loop3A_44 : vector<16xi1>, vector<16xf32>
      %parallel_loop3A_150 = arith.cmpf ogt, %parallel_loop3A_149, %parallel_loop3A_141 : vector<16xf32>
      %parallel_loop3A_151 = arith.select %parallel_loop3A_150, %parallel_loop3A_149, %parallel_loop3A_141 : vector<16xi1>, vector<16xf32>
      %parallel_loop3A_152 = arith.constant 6 : i32
      %parallel_loop3A_153 = vector.broadcast %parallel_loop3A_152 : i32 to vector<16xi32>
      %parallel_loop3A_154 = arith.select %parallel_loop3A_150, %parallel_loop3A_153, %parallel_loop3A_144 : vector<16xi1>, vector<16xi32>
      %parallel_loop3A_155 = arith.constant 7 : i32
      %parallel_loop3A_156 = vector.broadcast %parallel_loop3A_155 : i32 to vector<16xi32>
      %parallel_loop3A_157 = arith.cmpi eq, %parallel_loop3A_84, %parallel_loop3A_156 : vector<16xi32>
      %parallel_loop3A_158 = vector.broadcast %parallel_loop3A_8 : f32 to vector<16xf32>
      %parallel_loop3A_159 = arith.select %parallel_loop3A_157, %parallel_loop3A_158, %parallel_loop3A_49 : vector<16xi1>, vector<16xf32>
      %parallel_loop3A_160 = arith.cmpf ogt, %parallel_loop3A_159, %parallel_loop3A_151 : vector<16xf32>
      %parallel_loop3A_161 = arith.select %parallel_loop3A_160, %parallel_loop3A_159, %parallel_loop3A_151 : vector<16xi1>, vector<16xf32>
      %parallel_loop3A_162 = arith.constant 7 : i32
      %parallel_loop3A_163 = vector.broadcast %parallel_loop3A_162 : i32 to vector<16xi32>
      %parallel_loop3A_164 = arith.select %parallel_loop3A_160, %parallel_loop3A_163, %parallel_loop3A_154 : vector<16xi1>, vector<16xi32>
      %parallel_loop3A_165 = arith.subf %parallel_loop3A_161, %parallel_loop3A_81 : vector<16xf32>
      %parallel_loop3A_166 = math.exp %parallel_loop3A_165 : vector<16xf32>
      %parallel_loop3A_167 = arith.constant 1.000000e+00 : f32
      %parallel_loop3A_168 = vector.broadcast %parallel_loop3A_167 : f32 to vector<16xf32>
      %parallel_loop3A_169 = arith.addf %parallel_loop3A_168, %parallel_loop3A_166 : vector<16xf32>
      %parallel_loop3A_170 = arith.constant 1.000000e+00 : f32
      %parallel_loop3A_171 = vector.broadcast %parallel_loop3A_170 : f32 to vector<16xf32>
      %parallel_loop3A_172 = arith.divf %parallel_loop3A_171, %parallel_loop3A_169 : vector<16xf32>
      %parallel_loop3A_173 = arith.mulf %parallel_loop3A_166, %parallel_loop3A_172 : vector<16xf32>
      %parallel_loop3A_174 = arith.constant 0 : i32
      %parallel_loop3A_175 = arith.index_cast %parallel_loop3A_9 : i32 to index
      %parallel_loop3A_176 = arith.index_cast %parallel_loop3A_174 : i32 to index
      %parallel_loop3A_177 = arith.constant 0 : index
      %parallel_loop3A_178 = tpu.vector_load %arg6[%parallel_loop3A_175, %parallel_loop3A_176, %parallel_loop3A_177] {strides = array<i32>} : memref<8x2x128xf32, #tpu.memory_space<vmem>>, vector<16xf32>,
      tpu.vector_store %arg6[%parallel_loop3A_175, %parallel_loop3A_176, %parallel_loop3A_177], %parallel_loop3A_172 {strides = array<i32>} : memref<8x2x128xf32, #tpu.memory_space<vmem>>, vector<16xf32>,
      %parallel_loop3A_179 = arith.constant 1 : i32
      %parallel_loop3A_180 = arith.index_cast %parallel_loop3A_9 : i32 to index
      %parallel_loop3A_181 = arith.index_cast %parallel_loop3A_179 : i32 to index
      %parallel_loop3A_182 = arith.constant 0 : index
      %parallel_loop3A_183 = tpu.vector_load %arg6[%parallel_loop3A_180, %parallel_loop3A_181, %parallel_loop3A_182] {strides = array<i32>} : memref<8x2x128xf32, #tpu.memory_space<vmem>>, vector<16xf32>,
      tpu.vector_store %arg6[%parallel_loop3A_180, %parallel_loop3A_181, %parallel_loop3A_182], %parallel_loop3A_173 {strides = array<i32>} : memref<8x2x128xf32, #tpu.memory_space<vmem>>, vector<16xf32>,
      %parallel_loop3A_184 = arith.constant 0 : i32
      %parallel_loop3A_185 = arith.index_cast %parallel_loop3A_9 : i32 to index
      %parallel_loop3A_186 = arith.index_cast %parallel_loop3A_184 : i32 to index
      %parallel_loop3A_187 = arith.constant 0 : index
      %parallel_loop3A_188 = tpu.vector_load %arg7[%parallel_loop3A_185, %parallel_loop3A_186, %parallel_loop3A_187] {strides = array<i32>} : memref<8x2x128xi32, #tpu.memory_space<vmem>>, vector<16xi32>,
      tpu.vector_store %arg7[%parallel_loop3A_185, %parallel_loop3A_186, %parallel_loop3A_187], %parallel_loop3A_84 {strides = array<i32>} : memref<8x2x128xi32, #tpu.memory_space<vmem>>, vector<16xi32>,
      %parallel_loop3A_189 = arith.constant 1 : i32
      %parallel_loop3A_190 = arith.index_cast %parallel_loop3A_9 : i32 to index
      %parallel_loop3A_191 = arith.index_cast %parallel_loop3A_189 : i32 to index
      %parallel_loop3A_192 = arith.constant 0 : index
      %parallel_loop3A_193 = tpu.vector_load %arg7[%parallel_loop3A_190, %parallel_loop3A_191, %parallel_loop3A_192] {strides = array<i32>} : memref<8x2x128xi32, #tpu.memory_space<vmem>>, vector<16xi32>,
      tpu.vector_store %arg7[%parallel_loop3A_190, %parallel_loop3A_191, %parallel_loop3A_192], %parallel_loop3A_164 {strides = array<i32>} : memref<8x2x128xi32, #tpu.memory_space<vmem>>, vector<16xi32>,
      %parallel_loop3A_194 = arith.constant 0 : i32
      %parallel_loop3A_195 = arith.index_cast %parallel_loop3A_9 : i32 to index
      %parallel_loop3A_196 = arith.index_cast %parallel_loop3A_194 : i32 to index
      %parallel_loop3A_197 = arith.constant 16 : index
      %parallel_loop3A_198 = tpu.vector_load %arg5[%parallel_loop3A_195, %parallel_loop3A_196, %parallel_loop3A_197] {strides = array<i32>} : memref<8x8x128xf32, #tpu.memory_space<vmem>>, vector<16xf32>,
      %parallel_loop3A_199 = arith.constant 1 : i32
      %parallel_loop3A_200 = arith.index_cast %parallel_loop3A_9 : i32 to index
      %parallel_loop3A_201 = arith.index_cast %parallel_loop3A_199 : i32 to index
      %parallel_loop3A_202 = arith.constant 16 : index
      %parallel_loop3A_203 = tpu.vector_load %arg5[%parallel_loop3A_200, %parallel_loop3A_201, %parallel_loop3A_202] {strides = array<i32>} : memref<8x8x128xf32, #tpu.memory_space<vmem>>, vector<16xf32>,
      %parallel_loop3A_204 = arith.constant 2 : i32
      %parallel_loop3A_205 = arith.index_cast %parallel_loop3A_9 : i32 to index
      %parallel_loop3A_206 = arith.index_cast %parallel_loop3A_204 : i32 to index
      %parallel_loop3A_207 = arith.constant 16 : index
      %parallel_loop3A_208 = tpu.vector_load %arg5[%parallel_loop3A_205, %parallel_loop3A_206, %parallel_loop3A_207] {strides = array<i32>} : memref<8x8x128xf32, #tpu.memory_space<vmem>>, vector<16xf32>,
      %parallel_loop3A_209 = arith.constant 3 : i32
      %parallel_loop3A_210 = arith.index_cast %parallel_loop3A_9 : i32 to index
      %parallel_loop3A_211 = arith.index_cast %parallel_loop3A_209 : i32 to index
      %parallel_loop3A_212 = arith.constant 16 : index
      %parallel_loop3A_213 = tpu.vector_load %arg5[%parallel_loop3A_210, %parallel_loop3A_211, %parallel_loop3A_212] {strides = array<i32>} : memref<8x8x128xf32, #tpu.memory_space<vmem>>, vector<16xf32>,
      %parallel_loop3A_214 = arith.constant 4 : i32
      %parallel_loop3A_215 = arith.index_cast %parallel_loop3A_9 : i32 to index
      %parallel_loop3A_216 = arith.index_cast %parallel_loop3A_214 : i32 to index
      %parallel_loop3A_217 = arith.constant 16 : index
      %parallel_loop3A_218 = tpu.vector_load %arg5[%parallel_loop3A_215, %parallel_loop3A_216, %parallel_loop3A_217] {strides = array<i32>} : memref<8x8x128xf32, #tpu.memory_space<vmem>>, vector<16xf32>,
      %parallel_loop3A_219 = arith.constant 5 : i32
      %parallel_loop3A_220 = arith.index_cast %parallel_loop3A_9 : i32 to index
      %parallel_loop3A_221 = arith.index_cast %parallel_loop3A_219 : i32 to index
      %parallel_loop3A_222 = arith.constant 16 : index
      %parallel_loop3A_223 = tpu.vector_load %arg5[%parallel_loop3A_220, %parallel_loop3A_221, %parallel_loop3A_222] {strides = array<i32>} : memref<8x8x128xf32, #tpu.memory_space<vmem>>, vector<16xf32>,
      %parallel_loop3A_224 = arith.constant 6 : i32
      %parallel_loop3A_225 = arith.index_cast %parallel_loop3A_9 : i32 to index
      %parallel_loop3A_226 = arith.index_cast %parallel_loop3A_224 : i32 to index
      %parallel_loop3A_227 = arith.constant 16 : index
      %parallel_loop3A_228 = tpu.vector_load %arg5[%parallel_loop3A_225, %parallel_loop3A_226, %parallel_loop3A_227] {strides = array<i32>} : memref<8x8x128xf32, #tpu.memory_space<vmem>>, vector<16xf32>,
      %parallel_loop3A_229 = arith.constant 7 : i32
      %parallel_loop3A_230 = arith.index_cast %parallel_loop3A_9 : i32 to index
      %parallel_loop3A_231 = arith.index_cast %parallel_loop3A_229 : i32 to index
      %parallel_loop3A_232 = arith.constant 16 : index
      %parallel_loop3A_233 = tpu.vector_load %arg5[%parallel_loop3A_230, %parallel_loop3A_231, %parallel_loop3A_232] {strides = array<i32>} : memref<8x8x128xf32, #tpu.memory_space<vmem>>, vector<16xf32>,
      %parallel_loop3A_234 = arith.cmpf ogt, %parallel_loop3A_203, %parallel_loop3A_198 : vector<16xf32>
      %parallel_loop3A_235 = arith.select %parallel_loop3A_234, %parallel_loop3A_203, %parallel_loop3A_198 : vector<16xi1>, vector<16xf32>
      %parallel_loop3A_236 = arith.constant 1 : i32
      %parallel_loop3A_237 = vector.broadcast %parallel_loop3A_236 : i32 to vector<16xi32>
      %parallel_loop3A_238 = arith.select %parallel_loop3A_234, %parallel_loop3A_237, %broadcast_in_dim3A_3 : vector<16xi1>, vector<16xi32>
      %parallel_loop3A_239 = arith.cmpf ogt, %parallel_loop3A_208, %parallel_loop3A_235 : vector<16xf32>
      %parallel_loop3A_240 = arith.select %parallel_loop3A_239, %parallel_loop3A_208, %parallel_loop3A_235 : vector<16xi1>, vector<16xf32>
      %parallel_loop3A_241 = arith.constant 2 : i32
      %parallel_loop3A_242 = vector.broadcast %parallel_loop3A_241 : i32 to vector<16xi32>
      %parallel_loop3A_243 = arith.select %parallel_loop3A_239, %parallel_loop3A_242, %parallel_loop3A_238 : vector<16xi1>, vector<16xi32>
      %parallel_loop3A_244 = arith.cmpf ogt, %parallel_loop3A_213, %parallel_loop3A_240 : vector<16xf32>
      %parallel_loop3A_245 = arith.select %parallel_loop3A_244, %parallel_loop3A_213, %parallel_loop3A_240 : vector<16xi1>, vector<16xf32>
      %parallel_loop3A_246 = arith.constant 3 : i32
      %parallel_loop3A_247 = vector.broadcast %parallel_loop3A_246 : i32 to vector<16xi32>
      %parallel_loop3A_248 = arith.select %parallel_loop3A_244, %parallel_loop3A_247, %parallel_loop3A_243 : vector<16xi1>, vector<16xi32>
      %parallel_loop3A_249 = arith.cmpf ogt, %parallel_loop3A_218, %parallel_loop3A_245 : vector<16xf32>
      %parallel_loop3A_250 = arith.select %parallel_loop3A_249, %parallel_loop3A_218, %parallel_loop3A_245 : vector<16xi1>, vector<16xf32>
      %parallel_loop3A_251 = arith.constant 4 : i32
      %parallel_loop3A_252 = vector.broadcast %parallel_loop3A_251 : i32 to vector<16xi32>
      %parallel_loop3A_253 = arith.select %parallel_loop3A_249, %parallel_loop3A_252, %parallel_loop3A_248 : vector<16xi1>, vector<16xi32>
      %parallel_loop3A_254 = arith.cmpf ogt, %parallel_loop3A_223, %parallel_loop3A_250 : vector<16xf32>
      %parallel_loop3A_255 = arith.select %parallel_loop3A_254, %parallel_loop3A_223, %parallel_loop3A_250 : vector<16xi1>, vector<16xf32>
      %parallel_loop3A_256 = arith.constant 5 : i32
      %parallel_loop3A_257 = vector.broadcast %parallel_loop3A_256 : i32 to vector<16xi32>
      %parallel_loop3A_258 = arith.select %parallel_loop3A_254, %parallel_loop3A_257, %parallel_loop3A_253 : vector<16xi1>, vector<16xi32>
      %parallel_loop3A_259 = arith.cmpf ogt, %parallel_loop3A_228, %parallel_loop3A_255 : vector<16xf32>
      %parallel_loop3A_260 = arith.select %parallel_loop3A_259, %parallel_loop3A_228, %parallel_loop3A_255 : vector<16xi1>, vector<16xf32>
      %parallel_loop3A_261 = arith.constant 6 : i32
      %parallel_loop3A_262 = vector.broadcast %parallel_loop3A_261 : i32 to vector<16xi32>
      %parallel_loop3A_263 = arith.select %parallel_loop3A_259, %parallel_loop3A_262, %parallel_loop3A_258 : vector<16xi1>, vector<16xi32>
      %parallel_loop3A_264 = arith.cmpf ogt, %parallel_loop3A_233, %parallel_loop3A_260 : vector<16xf32>
      %parallel_loop3A_265 = arith.select %parallel_loop3A_264, %parallel_loop3A_233, %parallel_loop3A_260 : vector<16xi1>, vector<16xf32>
      %parallel_loop3A_266 = arith.constant 7 : i32
      %parallel_loop3A_267 = vector.broadcast %parallel_loop3A_266 : i32 to vector<16xi32>
      %parallel_loop3A_268 = arith.select %parallel_loop3A_264, %parallel_loop3A_267, %parallel_loop3A_263 : vector<16xi1>, vector<16xi32>
      %parallel_loop3A_269 = arith.constant 0 : i32
      %parallel_loop3A_270 = vector.broadcast %parallel_loop3A_269 : i32 to vector<16xi32>
      %parallel_loop3A_271 = arith.cmpi eq, %parallel_loop3A_268, %parallel_loop3A_270 : vector<16xi32>
      %parallel_loop3A_272 = vector.broadcast %parallel_loop3A_8 : f32 to vector<16xf32>
      %parallel_loop3A_273 = arith.select %parallel_loop3A_271, %parallel_loop3A_272, %parallel_loop3A_198 : vector<16xi1>, vector<16xf32>
      %parallel_loop3A_274 = arith.cmpf ogt, %parallel_loop3A_273, %broadcast_in_dim3A_5 : vector<16xf32>
      %parallel_loop3A_275 = arith.select %parallel_loop3A_274, %parallel_loop3A_273, %broadcast_in_dim3A_5 : vector<16xi1>, vector<16xf32>
      %parallel_loop3A_276 = arith.constant 0 : i32
      %parallel_loop3A_277 = vector.broadcast %parallel_loop3A_276 : i32 to vector<16xi32>
      %parallel_loop3A_278 = arith.select %parallel_loop3A_274, %parallel_loop3A_277, %broadcast_in_dim3A_3 : vector<16xi1>, vector<16xi32>
      %parallel_loop3A_279 = arith.constant 1 : i32
      %parallel_loop3A_280 = vector.broadcast %parallel_loop3A_279 : i32 to vector<16xi32>
      %parallel_loop3A_281 = arith.cmpi eq, %parallel_loop3A_268, %parallel_loop3A_280 : vector<16xi32>
      %parallel_loop3A_282 = vector.broadcast %parallel_loop3A_8 : f32 to vector<16xf32>
      %parallel_loop3A_283 = arith.select %parallel_loop3A_281, %parallel_loop3A_282, %parallel_loop3A_203 : vector<16xi1>, vector<16xf32>
      %parallel_loop3A_284 = arith.cmpf ogt, %parallel_loop3A_283, %parallel_loop3A_275 : vector<16xf32>
      %parallel_loop3A_285 = arith.select %parallel_loop3A_284, %parallel_loop3A_283, %parallel_loop3A_275 : vector<16xi1>, vector<16xf32>
      %parallel_loop3A_286 = arith.constant 1 : i32
      %parallel_loop3A_287 = vector.broadcast %parallel_loop3A_286 : i32 to vector<16xi32>
      %parallel_loop3A_288 = arith.select %parallel_loop3A_284, %parallel_loop3A_287, %parallel_loop3A_278 : vector<16xi1>, vector<16xi32>
      %parallel_loop3A_289 = arith.constant 2 : i32
      %parallel_loop3A_290 = vector.broadcast %parallel_loop3A_289 : i32 to vector<16xi32>
      %parallel_loop3A_291 = arith.cmpi eq, %parallel_loop3A_268, %parallel_loop3A_290 : vector<16xi32>
      %parallel_loop3A_292 = vector.broadcast %parallel_loop3A_8 : f32 to vector<16xf32>
      %parallel_loop3A_293 = arith.select %parallel_loop3A_291, %parallel_loop3A_292, %parallel_loop3A_208 : vector<16xi1>, vector<16xf32>
      %parallel_loop3A_294 = arith.cmpf ogt, %parallel_loop3A_293, %parallel_loop3A_285 : vector<16xf32>
      %parallel_loop3A_295 = arith.select %parallel_loop3A_294, %parallel_loop3A_293, %parallel_loop3A_285 : vector<16xi1>, vector<16xf32>
      %parallel_loop3A_296 = arith.constant 2 : i32
      %parallel_loop3A_297 = vector.broadcast %parallel_loop3A_296 : i32 to vector<16xi32>
      %parallel_loop3A_298 = arith.select %parallel_loop3A_294, %parallel_loop3A_297, %parallel_loop3A_288 : vector<16xi1>, vector<16xi32>
      %parallel_loop3A_299 = arith.constant 3 : i32
      %parallel_loop3A_300 = vector.broadcast %parallel_loop3A_299 : i32 to vector<16xi32>
      %parallel_loop3A_301 = arith.cmpi eq, %parallel_loop3A_268, %parallel_loop3A_300 : vector<16xi32>
      %parallel_loop3A_302 = vector.broadcast %parallel_loop3A_8 : f32 to vector<16xf32>
      %parallel_loop3A_303 = arith.select %parallel_loop3A_301, %parallel_loop3A_302, %parallel_loop3A_213 : vector<16xi1>, vector<16xf32>
      %parallel_loop3A_304 = arith.cmpf ogt, %parallel_loop3A_303, %parallel_loop3A_295 : vector<16xf32>
      %parallel_loop3A_305 = arith.select %parallel_loop3A_304, %parallel_loop3A_303, %parallel_loop3A_295 : vector<16xi1>, vector<16xf32>
      %parallel_loop3A_306 = arith.constant 3 : i32
      %parallel_loop3A_307 = vector.broadcast %parallel_loop3A_306 : i32 to vector<16xi32>
      %parallel_loop3A_308 = arith.select %parallel_loop3A_304, %parallel_loop3A_307, %parallel_loop3A_298 : vector<16xi1>, vector<16xi32>
      %parallel_loop3A_309 = arith.constant 4 : i32
      %parallel_loop3A_310 = vector.broadcast %parallel_loop3A_309 : i32 to vector<16xi32>
      %parallel_loop3A_311 = arith.cmpi eq, %parallel_loop3A_268, %parallel_loop3A_310 : vector<16xi32>
      %parallel_loop3A_312 = vector.broadcast %parallel_loop3A_8 : f32 to vector<16xf32>
      %parallel_loop3A_313 = arith.select %parallel_loop3A_311, %parallel_loop3A_312, %parallel_loop3A_218 : vector<16xi1>, vector<16xf32>
      %parallel_loop3A_314 = arith.cmpf ogt, %parallel_loop3A_313, %parallel_loop3A_305 : vector<16xf32>
      %parallel_loop3A_315 = arith.select %parallel_loop3A_314, %parallel_loop3A_313, %parallel_loop3A_305 : vector<16xi1>, vector<16xf32>
      %parallel_loop3A_316 = arith.constant 4 : i32
      %parallel_loop3A_317 = vector.broadcast %parallel_loop3A_316 : i32 to vector<16xi32>
      %parallel_loop3A_318 = arith.select %parallel_loop3A_314, %parallel_loop3A_317, %parallel_loop3A_308 : vector<16xi1>, vector<16xi32>
      %parallel_loop3A_319 = arith.constant 5 : i32
      %parallel_loop3A_320 = vector.broadcast %parallel_loop3A_319 : i32 to vector<16xi32>
      %parallel_loop3A_321 = arith.cmpi eq, %parallel_loop3A_268, %parallel_loop3A_320 : vector<16xi32>
      %parallel_loop3A_322 = vector.broadcast %parallel_loop3A_8 : f32 to vector<16xf32>
      %parallel_loop3A_323 = arith.select %parallel_loop3A_321, %parallel_loop3A_322, %parallel_loop3A_223 : vector<16xi1>, vector<16xf32>
      %parallel_loop3A_324 = arith.cmpf ogt, %parallel_loop3A_323, %parallel_loop3A_315 : vector<16xf32>
      %parallel_loop3A_325 = arith.select %parallel_loop3A_324, %parallel_loop3A_323, %parallel_loop3A_315 : vector<16xi1>, vector<16xf32>
      %parallel_loop3A_326 = arith.constant 5 : i32
      %parallel_loop3A_327 = vector.broadcast %parallel_loop3A_326 : i32 to vector<16xi32>
      %parallel_loop3A_328 = arith.select %parallel_loop3A_324, %parallel_loop3A_327, %parallel_loop3A_318 : vector<16xi1>, vector<16xi32>
      %parallel_loop3A_329 = arith.constant 6 : i32
      %parallel_loop3A_330 = vector.broadcast %parallel_loop3A_329 : i32 to vector<16xi32>
      %parallel_loop3A_331 = arith.cmpi eq, %parallel_loop3A_268, %parallel_loop3A_330 : vector<16xi32>
      %parallel_loop3A_332 = vector.broadcast %parallel_loop3A_8 : f32 to vector<16xf32>
      %parallel_loop3A_333 = arith.select %parallel_loop3A_331, %parallel_loop3A_332, %parallel_loop3A_228 : vector<16xi1>, vector<16xf32>
      %parallel_loop3A_334 = arith.cmpf ogt, %parallel_loop3A_333, %parallel_loop3A_325 : vector<16xf32>
      %parallel_loop3A_335 = arith.select %parallel_loop3A_334, %parallel_loop3A_333, %parallel_loop3A_325 : vector<16xi1>, vector<16xf32>
      %parallel_loop3A_336 = arith.constant 6 : i32
      %parallel_loop3A_337 = vector.broadcast %parallel_loop3A_336 : i32 to vector<16xi32>
      %parallel_loop3A_338 = arith.select %parallel_loop3A_334, %parallel_loop3A_337, %parallel_loop3A_328 : vector<16xi1>, vector<16xi32>
      %parallel_loop3A_339 = arith.constant 7 : i32
      %parallel_loop3A_340 = vector.broadcast %parallel_loop3A_339 : i32 to vector<16xi32>
      %parallel_loop3A_341 = arith.cmpi eq, %parallel_loop3A_268, %parallel_loop3A_340 : vector<16xi32>
      %parallel_loop3A_342 = vector.broadcast %parallel_loop3A_8 : f32 to vector<16xf32>
      %parallel_loop3A_343 = arith.select %parallel_loop3A_341, %parallel_loop3A_342, %parallel_loop3A_233 : vector<16xi1>, vector<16xf32>
      %parallel_loop3A_344 = arith.cmpf ogt, %parallel_loop3A_343, %parallel_loop3A_335 : vector<16xf32>
      %parallel_loop3A_345 = arith.select %parallel_loop3A_344, %parallel_loop3A_343, %parallel_loop3A_335 : vector<16xi1>, vector<16xf32>
      %parallel_loop3A_346 = arith.constant 7 : i32
      %parallel_loop3A_347 = vector.broadcast %parallel_loop3A_346 : i32 to vector<16xi32>
      %parallel_loop3A_348 = arith.select %parallel_loop3A_344, %parallel_loop3A_347, %parallel_loop3A_338 : vector<16xi1>, vector<16xi32>
      %parallel_loop3A_349 = arith.subf %parallel_loop3A_345, %parallel_loop3A_265 : vector<16xf32>
      %parallel_loop3A_350 = math.exp %parallel_loop3A_349 : vector<16xf32>
      %parallel_loop3A_351 = arith.constant 1.000000e+00 : f32
      %parallel_loop3A_352 = vector.broadcast %parallel_loop3A_351 : f32 to vector<16xf32>
      %parallel_loop3A_353 = arith.addf %parallel_loop3A_352, %parallel_loop3A_350 : vector<16xf32>
      %parallel_loop3A_354 = arith.constant 1.000000e+00 : f32
      %parallel_loop3A_355 = vector.broadcast %parallel_loop3A_354 : f32 to vector<16xf32>
      %parallel_loop3A_356 = arith.divf %parallel_loop3A_355, %parallel_loop3A_353 : vector<16xf32>
      %parallel_loop3A_357 = arith.mulf %parallel_loop3A_350, %parallel_loop3A_356 : vector<16xf32>
      %parallel_loop3A_358 = arith.constant 0 : i32
      %parallel_loop3A_359 = arith.index_cast %parallel_loop3A_9 : i32 to index
      %parallel_loop3A_360 = arith.index_cast %parallel_loop3A_358 : i32 to index
      %parallel_loop3A_361 = arith.constant 16 : index
      %parallel_loop3A_362 = tpu.vector_load %arg6[%parallel_loop3A_359, %parallel_loop3A_360, %parallel_loop3A_361] {strides = array<i32>} : memref<8x2x128xf32, #tpu.memory_space<vmem>>, vector<16xf32>,
      tpu.vector_store %arg6[%parallel_loop3A_359, %parallel_loop3A_360, %parallel_loop3A_361], %parallel_loop3A_356 {strides = array<i32>} : memref<8x2x128xf32, #tpu.memory_space<vmem>>, vector<16xf32>,
      %parallel_loop3A_363 = arith.constant 1 : i32
      %parallel_loop3A_364 = arith.index_cast %parallel_loop3A_9 : i32 to index
      %parallel_loop3A_365 = arith.index_cast %parallel_loop3A_363 : i32 to index
      %parallel_loop3A_366 = arith.constant 16 : index
      %parallel_loop3A_367 = tpu.vector_load %arg6[%parallel_loop3A_364, %parallel_loop3A_365, %parallel_loop3A_366] {strides = array<i32>} : memref<8x2x128xf32, #tpu.memory_space<vmem>>, vector<16xf32>,
      tpu.vector_store %arg6[%parallel_loop3A_364, %parallel_loop3A_365, %parallel_loop3A_366], %parallel_loop3A_357 {strides = array<i32>} : memref<8x2x128xf32, #tpu.memory_space<vmem>>, vector<16xf32>,
      %parallel_loop3A_368 = arith.constant 0 : i32
      %parallel_loop3A_369 = arith.index_cast %parallel_loop3A_9 : i32 to index
      %parallel_loop3A_370 = arith.index_cast %parallel_loop3A_368 : i32 to index
      %parallel_loop3A_371 = arith.constant 16 : index
      %parallel_loop3A_372 = tpu.vector_load %arg7[%parallel_loop3A_369, %parallel_loop3A_370, %parallel_loop3A_371] {strides = array<i32>} : memref<8x2x128xi32, #tpu.memory_space<vmem>>, vector<16xi32>,
      tpu.vector_store %arg7[%parallel_loop3A_369, %parallel_loop3A_370, %parallel_loop3A_371], %parallel_loop3A_268 {strides = array<i32>} : memref<8x2x128xi32, #tpu.memory_space<vmem>>, vector<16xi32>,
      %parallel_loop3A_373 = arith.constant 1 : i32
      %parallel_loop3A_374 = arith.index_cast %parallel_loop3A_9 : i32 to index
      %parallel_loop3A_375 = arith.index_cast %parallel_loop3A_373 : i32 to index
      %parallel_loop3A_376 = arith.constant 16 : index
      %parallel_loop3A_377 = tpu.vector_load %arg7[%parallel_loop3A_374, %parallel_loop3A_375, %parallel_loop3A_376] {strides = array<i32>} : memref<8x2x128xi32, #tpu.memory_space<vmem>>, vector<16xi32>,
      tpu.vector_store %arg7[%parallel_loop3A_374, %parallel_loop3A_375, %parallel_loop3A_376], %parallel_loop3A_348 {strides = array<i32>} : memref<8x2x128xi32, #tpu.memory_space<vmem>>, vector<16xi32>,
      %parallel_loop3A_378 = arith.constant 0 : i32
      %parallel_loop3A_379 = arith.index_cast %parallel_loop3A_9 : i32 to index
      %parallel_loop3A_380 = arith.index_cast %parallel_loop3A_378 : i32 to index
      %parallel_loop3A_381 = arith.constant 32 : index
      %parallel_loop3A_382 = tpu.vector_load %arg5[%parallel_loop3A_379, %parallel_loop3A_380, %parallel_loop3A_381] {strides = array<i32>} : memref<8x8x128xf32, #tpu.memory_space<vmem>>, vector<16xf32>,
      %parallel_loop3A_383 = arith.constant 1 : i32
      %parallel_loop3A_384 = arith.index_cast %parallel_loop3A_9 : i32 to index
      %parallel_loop3A_385 = arith.index_cast %parallel_loop3A_383 : i32 to index
      %parallel_loop3A_386 = arith.constant 32 : index
      %parallel_loop3A_387 = tpu.vector_load %arg5[%parallel_loop3A_384, %parallel_loop3A_385, %parallel_loop3A_386] {strides = array<i32>} : memref<8x8x128xf32, #tpu.memory_space<vmem>>, vector<16xf32>,
      %parallel_loop3A_388 = arith.constant 2 : i32
      %parallel_loop3A_389 = arith.index_cast %parallel_loop3A_9 : i32 to index
      %parallel_loop3A_390 = arith.index_cast %parallel_loop3A_388 : i32 to index
      %parallel_loop3A_391 = arith.constant 32 : index
      %parallel_loop3A_392 = tpu.vector_load %arg5[%parallel_loop3A_389, %parallel_loop3A_390, %parallel_loop3A_391] {strides = array<i32>} : memref<8x8x128xf32, #tpu.memory_space<vmem>>, vector<16xf32>,
      %parallel_loop3A_393 = arith.constant 3 : i32
      %parallel_loop3A_394 = arith.index_cast %parallel_loop3A_9 : i32 to index
      %parallel_loop3A_395 = arith.index_cast %parallel_loop3A_393 : i32 to index
      %parallel_loop3A_396 = arith.constant 32 : index
      %parallel_loop3A_397 = tpu.vector_load %arg5[%parallel_loop3A_394, %parallel_loop3A_395, %parallel_loop3A_396] {strides = array<i32>} : memref<8x8x128xf32, #tpu.memory_space<vmem>>, vector<16xf32>,
      %parallel_loop3A_398 = arith.constant 4 : i32
      %parallel_loop3A_399 = arith.index_cast %parallel_loop3A_9 : i32 to index
      %parallel_loop3A_400 = arith.index_cast %parallel_loop3A_398 : i32 to index
      %parallel_loop3A_401 = arith.constant 32 : index
      %parallel_loop3A_402 = tpu.vector_load %arg5[%parallel_loop3A_399, %parallel_loop3A_400, %parallel_loop3A_401] {strides = array<i32>} : memref<8x8x128xf32, #tpu.memory_space<vmem>>, vector<16xf32>,
      %parallel_loop3A_403 = arith.constant 5 : i32
      %parallel_loop3A_404 = arith.index_cast %parallel_loop3A_9 : i32 to index
      %parallel_loop3A_405 = arith.index_cast %parallel_loop3A_403 : i32 to index
      %parallel_loop3A_406 = arith.constant 32 : index
      %parallel_loop3A_407 = tpu.vector_load %arg5[%parallel_loop3A_404, %parallel_loop3A_405, %parallel_loop3A_406] {strides = array<i32>} : memref<8x8x128xf32, #tpu.memory_space<vmem>>, vector<16xf32>,
      %parallel_loop3A_408 = arith.constant 6 : i32
      %parallel_loop3A_409 = arith.index_cast %parallel_loop3A_9 : i32 to index
      %parallel_loop3A_410 = arith.index_cast %parallel_loop3A_408 : i32 to index
      %parallel_loop3A_411 = arith.constant 32 : index
      %parallel_loop3A_412 = tpu.vector_load %arg5[%parallel_loop3A_409, %parallel_loop3A_410, %parallel_loop3A_411] {strides = array<i32>} : memref<8x8x128xf32, #tpu.memory_space<vmem>>, vector<16xf32>,
      %parallel_loop3A_413 = arith.constant 7 : i32
      %parallel_loop3A_414 = arith.index_cast %parallel_loop3A_9 : i32 to index
      %parallel_loop3A_415 = arith.index_cast %parallel_loop3A_413 : i32 to index
      %parallel_loop3A_416 = arith.constant 32 : index
      %parallel_loop3A_417 = tpu.vector_load %arg5[%parallel_loop3A_414, %parallel_loop3A_415, %parallel_loop3A_416] {strides = array<i32>} : memref<8x8x128xf32, #tpu.memory_space<vmem>>, vector<16xf32>,
      %parallel_loop3A_418 = arith.cmpf ogt, %parallel_loop3A_387, %parallel_loop3A_382 : vector<16xf32>
      %parallel_loop3A_419 = arith.select %parallel_loop3A_418, %parallel_loop3A_387, %parallel_loop3A_382 : vector<16xi1>, vector<16xf32>
      %parallel_loop3A_420 = arith.constant 1 : i32
      %parallel_loop3A_421 = vector.broadcast %parallel_loop3A_420 : i32 to vector<16xi32>
      %parallel_loop3A_422 = arith.select %parallel_loop3A_418, %parallel_loop3A_421, %broadcast_in_dim3A_3 : vector<16xi1>, vector<16xi32>
      %parallel_loop3A_423 = arith.cmpf ogt, %parallel_loop3A_392, %parallel_loop3A_419 : vector<16xf32>
      %parallel_loop3A_424 = arith.select %parallel_loop3A_423, %parallel_loop3A_392, %parallel_loop3A_419 : vector<16xi1>, vector<16xf32>
      %parallel_loop3A_425 = arith.constant 2 : i32
      %parallel_loop3A_426 = vector.broadcast %parallel_loop3A_425 : i32 to vector<16xi32>
      %parallel_loop3A_427 = arith.select %parallel_loop3A_423, %parallel_loop3A_426, %parallel_loop3A_422 : vector<16xi1>, vector<16xi32>
      %parallel_loop3A_428 = arith.cmpf ogt, %parallel_loop3A_397, %parallel_loop3A_424 : vector<16xf32>
      %parallel_loop3A_429 = arith.select %parallel_loop3A_428, %parallel_loop3A_397, %parallel_loop3A_424 : vector<16xi1>, vector<16xf32>
      %parallel_loop3A_430 = arith.constant 3 : i32
      %parallel_loop3A_431 = vector.broadcast %parallel_loop3A_430 : i32 to vector<16xi32>
      %parallel_loop3A_432 = arith.select %parallel_loop3A_428, %parallel_loop3A_431, %parallel_loop3A_427 : vector<16xi1>, vector<16xi32>
      %parallel_loop3A_433 = arith.cmpf ogt, %parallel_loop3A_402, %parallel_loop3A_429 : vector<16xf32>
      %parallel_loop3A_434 = arith.select %parallel_loop3A_433, %parallel_loop3A_402, %parallel_loop3A_429 : vector<16xi1>, vector<16xf32>
      %parallel_loop3A_435 = arith.constant 4 : i32
      %parallel_loop3A_436 = vector.broadcast %parallel_loop3A_435 : i32 to vector<16xi32>
      %parallel_loop3A_437 = arith.select %parallel_loop3A_433, %parallel_loop3A_436, %parallel_loop3A_432 : vector<16xi1>, vector<16xi32>
      %parallel_loop3A_438 = arith.cmpf ogt, %parallel_loop3A_407, %parallel_loop3A_434 : vector<16xf32>
      %parallel_loop3A_439 = arith.select %parallel_loop3A_438, %parallel_loop3A_407, %parallel_loop3A_434 : vector<16xi1>, vector<16xf32>
      %parallel_loop3A_440 = arith.constant 5 : i32
      %parallel_loop3A_441 = vector.broadcast %parallel_loop3A_440 : i32 to vector<16xi32>
      %parallel_loop3A_442 = arith.select %parallel_loop3A_438, %parallel_loop3A_441, %parallel_loop3A_437 : vector<16xi1>, vector<16xi32>
      %parallel_loop3A_443 = arith.cmpf ogt, %parallel_loop3A_412, %parallel_loop3A_439 : vector<16xf32>
      %parallel_loop3A_444 = arith.select %parallel_loop3A_443, %parallel_loop3A_412, %parallel_loop3A_439 : vector<16xi1>, vector<16xf32>
      %parallel_loop3A_445 = arith.constant 6 : i32
      %parallel_loop3A_446 = vector.broadcast %parallel_loop3A_445 : i32 to vector<16xi32>
      %parallel_loop3A_447 = arith.select %parallel_loop3A_443, %parallel_loop3A_446, %parallel_loop3A_442 : vector<16xi1>, vector<16xi32>
      %parallel_loop3A_448 = arith.cmpf ogt, %parallel_loop3A_417, %parallel_loop3A_444 : vector<16xf32>
      %parallel_loop3A_449 = arith.select %parallel_loop3A_448, %parallel_loop3A_417, %parallel_loop3A_444 : vector<16xi1>, vector<16xf32>
      %parallel_loop3A_450 = arith.constant 7 : i32
      %parallel_loop3A_451 = vector.broadcast %parallel_loop3A_450 : i32 to vector<16xi32>
      %parallel_loop3A_452 = arith.select %parallel_loop3A_448, %parallel_loop3A_451, %parallel_loop3A_447 : vector<16xi1>, vector<16xi32>
      %parallel_loop3A_453 = arith.constant 0 : i32
      %parallel_loop3A_454 = vector.broadcast %parallel_loop3A_453 : i32 to vector<16xi32>
      %parallel_loop3A_455 = arith.cmpi eq, %parallel_loop3A_452, %parallel_loop3A_454 : vector<16xi32>
      %parallel_loop3A_456 = vector.broadcast %parallel_loop3A_8 : f32 to vector<16xf32>
      %parallel_loop3A_457 = arith.select %parallel_loop3A_455, %parallel_loop3A_456, %parallel_loop3A_382 : vector<16xi1>, vector<16xf32>
      %parallel_loop3A_458 = arith.cmpf ogt, %parallel_loop3A_457, %broadcast_in_dim3A_5 : vector<16xf32>
      %parallel_loop3A_459 = arith.select %parallel_loop3A_458, %parallel_loop3A_457, %broadcast_in_dim3A_5 : vector<16xi1>, vector<16xf32>
      %parallel_loop3A_460 = arith.constant 0 : i32
      %parallel_loop3A_461 = vector.broadcast %parallel_loop3A_460 : i32 to vector<16xi32>
      %parallel_loop3A_462 = arith.select %parallel_loop3A_458, %parallel_loop3A_461, %broadcast_in_dim3A_3 : vector<16xi1>, vector<16xi32>
      %parallel_loop3A_463 = arith.constant 1 : i32
      %parallel_loop3A_464 = vector.broadcast %parallel_loop3A_463 : i32 to vector<16xi32>
      %parallel_loop3A_465 = arith.cmpi eq, %parallel_loop3A_452, %parallel_loop3A_464 : vector<16xi32>
      %parallel_loop3A_466 = vector.broadcast %parallel_loop3A_8 : f32 to vector<16xf32>
      %parallel_loop3A_467 = arith.select %parallel_loop3A_465, %parallel_loop3A_466, %parallel_loop3A_387 : vector<16xi1>, vector<16xf32>
      %parallel_loop3A_468 = arith.cmpf ogt, %parallel_loop3A_467, %parallel_loop3A_459 : vector<16xf32>
      %parallel_loop3A_469 = arith.select %parallel_loop3A_468, %parallel_loop3A_467, %parallel_loop3A_459 : vector<16xi1>, vector<16xf32>
      %parallel_loop3A_470 = arith.constant 1 : i32
      %parallel_loop3A_471 = vector.broadcast %parallel_loop3A_470 : i32 to vector<16xi32>
      %parallel_loop3A_472 = arith.select %parallel_loop3A_468, %parallel_loop3A_471, %parallel_loop3A_462 : vector<16xi1>, vector<16xi32>
      %parallel_loop3A_473 = arith.constant 2 : i32
      %parallel_loop3A_474 = vector.broadcast %parallel_loop3A_473 : i32 to vector<16xi32>
      %parallel_loop3A_475 = arith.cmpi eq, %parallel_loop3A_452, %parallel_loop3A_474 : vector<16xi32>
      %parallel_loop3A_476 = vector.broadcast %parallel_loop3A_8 : f32 to vector<16xf32>
      %parallel_loop3A_477 = arith.select %parallel_loop3A_475, %parallel_loop3A_476, %parallel_loop3A_392 : vector<16xi1>, vector<16xf32>
      %parallel_loop3A_478 = arith.cmpf ogt, %parallel_loop3A_477, %parallel_loop3A_469 : vector<16xf32>
      %parallel_loop3A_479 = arith.select %parallel_loop3A_478, %parallel_loop3A_477, %parallel_loop3A_469 : vector<16xi1>, vector<16xf32>
      %parallel_loop3A_480 = arith.constant 2 : i32
      %parallel_loop3A_481 = vector.broadcast %parallel_loop3A_480 : i32 to vector<16xi32>
      %parallel_loop3A_482 = arith.select %parallel_loop3A_478, %parallel_loop3A_481, %parallel_loop3A_472 : vector<16xi1>, vector<16xi32>
      %parallel_loop3A_483 = arith.constant 3 : i32
      %parallel_loop3A_484 = vector.broadcast %parallel_loop3A_483 : i32 to vector<16xi32>
      %parallel_loop3A_485 = arith.cmpi eq, %parallel_loop3A_452, %parallel_loop3A_484 : vector<16xi32>
      %parallel_loop3A_486 = vector.broadcast %parallel_loop3A_8 : f32 to vector<16xf32>
      %parallel_loop3A_487 = arith.select %parallel_loop3A_485, %parallel_loop3A_486, %parallel_loop3A_397 : vector<16xi1>, vector<16xf32>
      %parallel_loop3A_488 = arith.cmpf ogt, %parallel_loop3A_487, %parallel_loop3A_479 : vector<16xf32>
      %parallel_loop3A_489 = arith.select %parallel_loop3A_488, %parallel_loop3A_487, %parallel_loop3A_479 : vector<16xi1>, vector<16xf32>
      %parallel_loop3A_490 = arith.constant 3 : i32
      %parallel_loop3A_491 = vector.broadcast %parallel_loop3A_490 : i32 to vector<16xi32>
      %parallel_loop3A_492 = arith.select %parallel_loop3A_488, %parallel_loop3A_491, %parallel_loop3A_482 : vector<16xi1>, vector<16xi32>
      %parallel_loop3A_493 = arith.constant 4 : i32
      %parallel_loop3A_494 = vector.broadcast %parallel_loop3A_493 : i32 to vector<16xi32>
      %parallel_loop3A_495 = arith.cmpi eq, %parallel_loop3A_452, %parallel_loop3A_494 : vector<16xi32>
      %parallel_loop3A_496 = vector.broadcast %parallel_loop3A_8 : f32 to vector<16xf32>
      %parallel_loop3A_497 = arith.select %parallel_loop3A_495, %parallel_loop3A_496, %parallel_loop3A_402 : vector<16xi1>, vector<16xf32>
      %parallel_loop3A_498 = arith.cmpf ogt, %parallel_loop3A_497, %parallel_loop3A_489 : vector<16xf32>
      %parallel_loop3A_499 = arith.select %parallel_loop3A_498, %parallel_loop3A_497, %parallel_loop3A_489 : vector<16xi1>, vector<16xf32>
      %parallel_loop3A_500 = arith.constant 4 : i32
      %parallel_loop3A_501 = vector.broadcast %parallel_loop3A_500 : i32 to vector<16xi32>
      %parallel_loop3A_502 = arith.select %parallel_loop3A_498, %parallel_loop3A_501, %parallel_loop3A_492 : vector<16xi1>, vector<16xi32>
      %parallel_loop3A_503 = arith.constant 5 : i32
      %parallel_loop3A_504 = vector.broadcast %parallel_loop3A_503 : i32 to vector<16xi32>
      %parallel_loop3A_505 = arith.cmpi eq, %parallel_loop3A_452, %parallel_loop3A_504 : vector<16xi32>
      %parallel_loop3A_506 = vector.broadcast %parallel_loop3A_8 : f32 to vector<16xf32>
      %parallel_loop3A_507 = arith.select %parallel_loop3A_505, %parallel_loop3A_506, %parallel_loop3A_407 : vector<16xi1>, vector<16xf32>
      %parallel_loop3A_508 = arith.cmpf ogt, %parallel_loop3A_507, %parallel_loop3A_499 : vector<16xf32>
      %parallel_loop3A_509 = arith.select %parallel_loop3A_508, %parallel_loop3A_507, %parallel_loop3A_499 : vector<16xi1>, vector<16xf32>
      %parallel_loop3A_510 = arith.constant 5 : i32
      %parallel_loop3A_511 = vector.broadcast %parallel_loop3A_510 : i32 to vector<16xi32>
      %parallel_loop3A_512 = arith.select %parallel_loop3A_508, %parallel_loop3A_511, %parallel_loop3A_502 : vector<16xi1>, vector<16xi32>
      %parallel_loop3A_513 = arith.constant 6 : i32
      %parallel_loop3A_514 = vector.broadcast %parallel_loop3A_513 : i32 to vector<16xi32>
      %parallel_loop3A_515 = arith.cmpi eq, %parallel_loop3A_452, %parallel_loop3A_514 : vector<16xi32>
      %parallel_loop3A_516 = vector.broadcast %parallel_loop3A_8 : f32 to vector<16xf32>
      %parallel_loop3A_517 = arith.select %parallel_loop3A_515, %parallel_loop3A_516, %parallel_loop3A_412 : vector<16xi1>, vector<16xf32>
      %parallel_loop3A_518 = arith.cmpf ogt, %parallel_loop3A_517, %parallel_loop3A_509 : vector<16xf32>
      %parallel_loop3A_519 = arith.select %parallel_loop3A_518, %parallel_loop3A_517, %parallel_loop3A_509 : vector<16xi1>, vector<16xf32>
      %parallel_loop3A_520 = arith.constant 6 : i32
      %parallel_loop3A_521 = vector.broadcast %parallel_loop3A_520 : i32 to vector<16xi32>
      %parallel_loop3A_522 = arith.select %parallel_loop3A_518, %parallel_loop3A_521, %parallel_loop3A_512 : vector<16xi1>, vector<16xi32>
      %parallel_loop3A_523 = arith.constant 7 : i32
      %parallel_loop3A_524 = vector.broadcast %parallel_loop3A_523 : i32 to vector<16xi32>
      %parallel_loop3A_525 = arith.cmpi eq, %parallel_loop3A_452, %parallel_loop3A_524 : vector<16xi32>
      %parallel_loop3A_526 = vector.broadcast %parallel_loop3A_8 : f32 to vector<16xf32>
      %parallel_loop3A_527 = arith.select %parallel_loop3A_525, %parallel_loop3A_526, %parallel_loop3A_417 : vector<16xi1>, vector<16xf32>
      %parallel_loop3A_528 = arith.cmpf ogt, %parallel_loop3A_527, %parallel_loop3A_519 : vector<16xf32>
      %parallel_loop3A_529 = arith.select %parallel_loop3A_528, %parallel_loop3A_527, %parallel_loop3A_519 : vector<16xi1>, vector<16xf32>
      %parallel_loop3A_530 = arith.constant 7 : i32
      %parallel_loop3A_531 = vector.broadcast %parallel_loop3A_530 : i32 to vector<16xi32>
      %parallel_loop3A_532 = arith.select %parallel_loop3A_528, %parallel_loop3A_531, %parallel_loop3A_522 : vector<16xi1>, vector<16xi32>
      %parallel_loop3A_533 = arith.subf %parallel_loop3A_529, %parallel_loop3A_449 : vector<16xf32>
      %parallel_loop3A_534 = math.exp %parallel_loop3A_533 : vector<16xf32>
      %parallel_loop3A_535 = arith.constant 1.000000e+00 : f32
      %parallel_loop3A_536 = vector.broadcast %parallel_loop3A_535 : f32 to vector<16xf32>
      %parallel_loop3A_537 = arith.addf %parallel_loop3A_536, %parallel_loop3A_534 : vector<16xf32>
      %parallel_loop3A_538 = arith.constant 1.000000e+00 : f32
      %parallel_loop3A_539 = vector.broadcast %parallel_loop3A_538 : f32 to vector<16xf32>
      %parallel_loop3A_540 = arith.divf %parallel_loop3A_539, %parallel_loop3A_537 : vector<16xf32>
      %parallel_loop3A_541 = arith.mulf %parallel_loop3A_534, %parallel_loop3A_540 : vector<16xf32>
      %parallel_loop3A_542 = arith.constant 0 : i32
      %parallel_loop3A_543 = arith.index_cast %parallel_loop3A_9 : i32 to index
      %parallel_loop3A_544 = arith.index_cast %parallel_loop3A_542 : i32 to index
      %parallel_loop3A_545 = arith.constant 32 : index
      %parallel_loop3A_546 = tpu.vector_load %arg6[%parallel_loop3A_543, %parallel_loop3A_544, %parallel_loop3A_545] {strides = array<i32>} : memref<8x2x128xf32, #tpu.memory_space<vmem>>, vector<16xf32>,
      tpu.vector_store %arg6[%parallel_loop3A_543, %parallel_loop3A_544, %parallel_loop3A_545], %parallel_loop3A_540 {strides = array<i32>} : memref<8x2x128xf32, #tpu.memory_space<vmem>>, vector<16xf32>,
      %parallel_loop3A_547 = arith.constant 1 : i32
      %parallel_loop3A_548 = arith.index_cast %parallel_loop3A_9 : i32 to index
      %parallel_loop3A_549 = arith.index_cast %parallel_loop3A_547 : i32 to index
      %parallel_loop3A_550 = arith.constant 32 : index
      %parallel_loop3A_551 = tpu.vector_load %arg6[%parallel_loop3A_548, %parallel_loop3A_549, %parallel_loop3A_550] {strides = array<i32>} : memref<8x2x128xf32, #tpu.memory_space<vmem>>, vector<16xf32>,
      tpu.vector_store %arg6[%parallel_loop3A_548, %parallel_loop3A_549, %parallel_loop3A_550], %parallel_loop3A_541 {strides = array<i32>} : memref<8x2x128xf32, #tpu.memory_space<vmem>>, vector<16xf32>,
      %parallel_loop3A_552 = arith.constant 0 : i32
      %parallel_loop3A_553 = arith.index_cast %parallel_loop3A_9 : i32 to index
      %parallel_loop3A_554 = arith.index_cast %parallel_loop3A_552 : i32 to index
      %parallel_loop3A_555 = arith.constant 32 : index
      %parallel_loop3A_556 = tpu.vector_load %arg7[%parallel_loop3A_553, %parallel_loop3A_554, %parallel_loop3A_555] {strides = array<i32>} : memref<8x2x128xi32, #tpu.memory_space<vmem>>, vector<16xi32>,
      tpu.vector_store %arg7[%parallel_loop3A_553, %parallel_loop3A_554, %parallel_loop3A_555], %parallel_loop3A_452 {strides = array<i32>} : memref<8x2x128xi32, #tpu.memory_space<vmem>>, vector<16xi32>,
      %parallel_loop3A_557 = arith.constant 1 : i32
      %parallel_loop3A_558 = arith.index_cast %parallel_loop3A_9 : i32 to index
      %parallel_loop3A_559 = arith.index_cast %parallel_loop3A_557 : i32 to index
      %parallel_loop3A_560 = arith.constant 32 : index
      %parallel_loop3A_561 = tpu.vector_load %arg7[%parallel_loop3A_558, %parallel_loop3A_559, %parallel_loop3A_560] {strides = array<i32>} : memref<8x2x128xi32, #tpu.memory_space<vmem>>, vector<16xi32>,
      tpu.vector_store %arg7[%parallel_loop3A_558, %parallel_loop3A_559, %parallel_loop3A_560], %parallel_loop3A_532 {strides = array<i32>} : memref<8x2x128xi32, #tpu.memory_space<vmem>>, vector<16xi32>,
      %parallel_loop3A_562 = arith.constant 0 : i32
      %parallel_loop3A_563 = arith.index_cast %parallel_loop3A_9 : i32 to index
      %parallel_loop3A_564 = arith.index_cast %parallel_loop3A_562 : i32 to index
      %parallel_loop3A_565 = arith.constant 48 : index
      %parallel_loop3A_566 = tpu.vector_load %arg5[%parallel_loop3A_563, %parallel_loop3A_564, %parallel_loop3A_565] {strides = array<i32>} : memref<8x8x128xf32, #tpu.memory_space<vmem>>, vector<16xf32>,
      %parallel_loop3A_567 = arith.constant 1 : i32
      %parallel_loop3A_568 = arith.index_cast %parallel_loop3A_9 : i32 to index
      %parallel_loop3A_569 = arith.index_cast %parallel_loop3A_567 : i32 to index
      %parallel_loop3A_570 = arith.constant 48 : index
      %parallel_loop3A_571 = tpu.vector_load %arg5[%parallel_loop3A_568, %parallel_loop3A_569, %parallel_loop3A_570] {strides = array<i32>} : memref<8x8x128xf32, #tpu.memory_space<vmem>>, vector<16xf32>,
      %parallel_loop3A_572 = arith.constant 2 : i32
      %parallel_loop3A_573 = arith.index_cast %parallel_loop3A_9 : i32 to index
      %parallel_loop3A_574 = arith.index_cast %parallel_loop3A_572 : i32 to index
      %parallel_loop3A_575 = arith.constant 48 : index
      %parallel_loop3A_576 = tpu.vector_load %arg5[%parallel_loop3A_573, %parallel_loop3A_574, %parallel_loop3A_575] {strides = array<i32>} : memref<8x8x128xf32, #tpu.memory_space<vmem>>, vector<16xf32>,
      %parallel_loop3A_577 = arith.constant 3 : i32
      %parallel_loop3A_578 = arith.index_cast %parallel_loop3A_9 : i32 to index
      %parallel_loop3A_579 = arith.index_cast %parallel_loop3A_577 : i32 to index
      %parallel_loop3A_580 = arith.constant 48 : index
      %parallel_loop3A_581 = tpu.vector_load %arg5[%parallel_loop3A_578, %parallel_loop3A_579, %parallel_loop3A_580] {strides = array<i32>} : memref<8x8x128xf32, #tpu.memory_space<vmem>>, vector<16xf32>,
      %parallel_loop3A_582 = arith.constant 4 : i32
      %parallel_loop3A_583 = arith.index_cast %parallel_loop3A_9 : i32 to index
      %parallel_loop3A_584 = arith.index_cast %parallel_loop3A_582 : i32 to index
      %parallel_loop3A_585 = arith.constant 48 : index
      %parallel_loop3A_586 = tpu.vector_load %arg5[%parallel_loop3A_583, %parallel_loop3A_584, %parallel_loop3A_585] {strides = array<i32>} : memref<8x8x128xf32, #tpu.memory_space<vmem>>, vector<16xf32>,
      %parallel_loop3A_587 = arith.constant 5 : i32
      %parallel_loop3A_588 = arith.index_cast %parallel_loop3A_9 : i32 to index
      %parallel_loop3A_589 = arith.index_cast %parallel_loop3A_587 : i32 to index
      %parallel_loop3A_590 = arith.constant 48 : index
      %parallel_loop3A_591 = tpu.vector_load %arg5[%parallel_loop3A_588, %parallel_loop3A_589, %parallel_loop3A_590] {strides = array<i32>} : memref<8x8x128xf32, #tpu.memory_space<vmem>>, vector<16xf32>,
      %parallel_loop3A_592 = arith.constant 6 : i32
      %parallel_loop3A_593 = arith.index_cast %parallel_loop3A_9 : i32 to index
      %parallel_loop3A_594 = arith.index_cast %parallel_loop3A_592 : i32 to index
      %parallel_loop3A_595 = arith.constant 48 : index
      %parallel_loop3A_596 = tpu.vector_load %arg5[%parallel_loop3A_593, %parallel_loop3A_594, %parallel_loop3A_595] {strides = array<i32>} : memref<8x8x128xf32, #tpu.memory_space<vmem>>, vector<16xf32>,
      %parallel_loop3A_597 = arith.constant 7 : i32
      %parallel_loop3A_598 = arith.index_cast %parallel_loop3A_9 : i32 to index
      %parallel_loop3A_599 = arith.index_cast %parallel_loop3A_597 : i32 to index
      %parallel_loop3A_600 = arith.constant 48 : index
      %parallel_loop3A_601 = tpu.vector_load %arg5[%parallel_loop3A_598, %parallel_loop3A_599, %parallel_loop3A_600] {strides = array<i32>} : memref<8x8x128xf32, #tpu.memory_space<vmem>>, vector<16xf32>,
      %parallel_loop3A_602 = arith.cmpf ogt, %parallel_loop3A_571, %parallel_loop3A_566 : vector<16xf32>
      %parallel_loop3A_603 = arith.select %parallel_loop3A_602, %parallel_loop3A_571, %parallel_loop3A_566 : vector<16xi1>, vector<16xf32>
      %parallel_loop3A_604 = arith.constant 1 : i32
      %parallel_loop3A_605 = vector.broadcast %parallel_loop3A_604 : i32 to vector<16xi32>
      %parallel_loop3A_606 = arith.select %parallel_loop3A_602, %parallel_loop3A_605, %broadcast_in_dim3A_3 : vector<16xi1>, vector<16xi32>
      %parallel_loop3A_607 = arith.cmpf ogt, %parallel_loop3A_576, %parallel_loop3A_603 : vector<16xf32>
      %parallel_loop3A_608 = arith.select %parallel_loop3A_607, %parallel_loop3A_576, %parallel_loop3A_603 : vector<16xi1>, vector<16xf32>
      %parallel_loop3A_609 = arith.constant 2 : i32
      %parallel_loop3A_610 = vector.broadcast %parallel_loop3A_609 : i32 to vector<16xi32>
      %parallel_loop3A_611 = arith.select %parallel_loop3A_607, %parallel_loop3A_610, %parallel_loop3A_606 : vector<16xi1>, vector<16xi32>
      %parallel_loop3A_612 = arith.cmpf ogt, %parallel_loop3A_581, %parallel_loop3A_608 : vector<16xf32>
      %parallel_loop3A_613 = arith.select %parallel_loop3A_612, %parallel_loop3A_581, %parallel_loop3A_608 : vector<16xi1>, vector<16xf32>
      %parallel_loop3A_614 = arith.constant 3 : i32
      %parallel_loop3A_615 = vector.broadcast %parallel_loop3A_614 : i32 to vector<16xi32>
      %parallel_loop3A_616 = arith.select %parallel_loop3A_612, %parallel_loop3A_615, %parallel_loop3A_611 : vector<16xi1>, vector<16xi32>
      %parallel_loop3A_617 = arith.cmpf ogt, %parallel_loop3A_586, %parallel_loop3A_613 : vector<16xf32>
      %parallel_loop3A_618 = arith.select %parallel_loop3A_617, %parallel_loop3A_586, %parallel_loop3A_613 : vector<16xi1>, vector<16xf32>
      %parallel_loop3A_619 = arith.constant 4 : i32
      %parallel_loop3A_620 = vector.broadcast %parallel_loop3A_619 : i32 to vector<16xi32>
      %parallel_loop3A_621 = arith.select %parallel_loop3A_617, %parallel_loop3A_620, %parallel_loop3A_616 : vector<16xi1>, vector<16xi32>
      %parallel_loop3A_622 = arith.cmpf ogt, %parallel_loop3A_591, %parallel_loop3A_618 : vector<16xf32>
      %parallel_loop3A_623 = arith.select %parallel_loop3A_622, %parallel_loop3A_591, %parallel_loop3A_618 : vector<16xi1>, vector<16xf32>
      %parallel_loop3A_624 = arith.constant 5 : i32
      %parallel_loop3A_625 = vector.broadcast %parallel_loop3A_624 : i32 to vector<16xi32>
      %parallel_loop3A_626 = arith.select %parallel_loop3A_622, %parallel_loop3A_625, %parallel_loop3A_621 : vector<16xi1>, vector<16xi32>
      %parallel_loop3A_627 = arith.cmpf ogt, %parallel_loop3A_596, %parallel_loop3A_623 : vector<16xf32>
      %parallel_loop3A_628 = arith.select %parallel_loop3A_627, %parallel_loop3A_596, %parallel_loop3A_623 : vector<16xi1>, vector<16xf32>
      %parallel_loop3A_629 = arith.constant 6 : i32
      %parallel_loop3A_630 = vector.broadcast %parallel_loop3A_629 : i32 to vector<16xi32>
      %parallel_loop3A_631 = arith.select %parallel_loop3A_627, %parallel_loop3A_630, %parallel_loop3A_626 : vector<16xi1>, vector<16xi32>
      %parallel_loop3A_632 = arith.cmpf ogt, %parallel_loop3A_601, %parallel_loop3A_628 : vector<16xf32>
      %parallel_loop3A_633 = arith.select %parallel_loop3A_632, %parallel_loop3A_601, %parallel_loop3A_628 : vector<16xi1>, vector<16xf32>
      %parallel_loop3A_634 = arith.constant 7 : i32
      %parallel_loop3A_635 = vector.broadcast %parallel_loop3A_634 : i32 to vector<16xi32>
      %parallel_loop3A_636 = arith.select %parallel_loop3A_632, %parallel_loop3A_635, %parallel_loop3A_631 : vector<16xi1>, vector<16xi32>
      %parallel_loop3A_637 = arith.constant 0 : i32
      %parallel_loop3A_638 = vector.broadcast %parallel_loop3A_637 : i32 to vector<16xi32>
      %parallel_loop3A_639 = arith.cmpi eq, %parallel_loop3A_636, %parallel_loop3A_638 : vector<16xi32>
      %parallel_loop3A_640 = vector.broadcast %parallel_loop3A_8 : f32 to vector<16xf32>
      %parallel_loop3A_641 = arith.select %parallel_loop3A_639, %parallel_loop3A_640, %parallel_loop3A_566 : vector<16xi1>, vector<16xf32>
      %parallel_loop3A_642 = arith.cmpf ogt, %parallel_loop3A_641, %broadcast_in_dim3A_5 : vector<16xf32>
      %parallel_loop3A_643 = arith.select %parallel_loop3A_642, %parallel_loop3A_641, %broadcast_in_dim3A_5 : vector<16xi1>, vector<16xf32>
      %parallel_loop3A_644 = arith.constant 0 : i32
      %parallel_loop3A_645 = vector.broadcast %parallel_loop3A_644 : i32 to vector<16xi32>
      %parallel_loop3A_646 = arith.select %parallel_loop3A_642, %parallel_loop3A_645, %broadcast_in_dim3A_3 : vector<16xi1>, vector<16xi32>
      %parallel_loop3A_647 = arith.constant 1 : i32
      %parallel_loop3A_648 = vector.broadcast %parallel_loop3A_647 : i32 to vector<16xi32>
      %parallel_loop3A_649 = arith.cmpi eq, %parallel_loop3A_636, %parallel_loop3A_648 : vector<16xi32>
      %parallel_loop3A_650 = vector.broadcast %parallel_loop3A_8 : f32 to vector<16xf32>
      %parallel_loop3A_651 = arith.select %parallel_loop3A_649, %parallel_loop3A_650, %parallel_loop3A_571 : vector<16xi1>, vector<16xf32>
      %parallel_loop3A_652 = arith.cmpf ogt, %parallel_loop3A_651, %parallel_loop3A_643 : vector<16xf32>
      %parallel_loop3A_653 = arith.select %parallel_loop3A_652, %parallel_loop3A_651, %parallel_loop3A_643 : vector<16xi1>, vector<16xf32>
      %parallel_loop3A_654 = arith.constant 1 : i32
      %parallel_loop3A_655 = vector.broadcast %parallel_loop3A_654 : i32 to vector<16xi32>
      %parallel_loop3A_656 = arith.select %parallel_loop3A_652, %parallel_loop3A_655, %parallel_loop3A_646 : vector<16xi1>, vector<16xi32>
      %parallel_loop3A_657 = arith.constant 2 : i32
      %parallel_loop3A_658 = vector.broadcast %parallel_loop3A_657 : i32 to vector<16xi32>
      %parallel_loop3A_659 = arith.cmpi eq, %parallel_loop3A_636, %parallel_loop3A_658 : vector<16xi32>
      %parallel_loop3A_660 = vector.broadcast %parallel_loop3A_8 : f32 to vector<16xf32>
      %parallel_loop3A_661 = arith.select %parallel_loop3A_659, %parallel_loop3A_660, %parallel_loop3A_576 : vector<16xi1>, vector<16xf32>
      %parallel_loop3A_662 = arith.cmpf ogt, %parallel_loop3A_661, %parallel_loop3A_653 : vector<16xf32>
      %parallel_loop3A_663 = arith.select %parallel_loop3A_662, %parallel_loop3A_661, %parallel_loop3A_653 : vector<16xi1>, vector<16xf32>
      %parallel_loop3A_664 = arith.constant 2 : i32
      %parallel_loop3A_665 = vector.broadcast %parallel_loop3A_664 : i32 to vector<16xi32>
      %parallel_loop3A_666 = arith.select %parallel_loop3A_662, %parallel_loop3A_665, %parallel_loop3A_656 : vector<16xi1>, vector<16xi32>
      %parallel_loop3A_667 = arith.constant 3 : i32
      %parallel_loop3A_668 = vector.broadcast %parallel_loop3A_667 : i32 to vector<16xi32>
      %parallel_loop3A_669 = arith.cmpi eq, %parallel_loop3A_636, %parallel_loop3A_668 : vector<16xi32>
      %parallel_loop3A_670 = vector.broadcast %parallel_loop3A_8 : f32 to vector<16xf32>
      %parallel_loop3A_671 = arith.select %parallel_loop3A_669, %parallel_loop3A_670, %parallel_loop3A_581 : vector<16xi1>, vector<16xf32>
      %parallel_loop3A_672 = arith.cmpf ogt, %parallel_loop3A_671, %parallel_loop3A_663 : vector<16xf32>
      %parallel_loop3A_673 = arith.select %parallel_loop3A_672, %parallel_loop3A_671, %parallel_loop3A_663 : vector<16xi1>, vector<16xf32>
      %parallel_loop3A_674 = arith.constant 3 : i32
      %parallel_loop3A_675 = vector.broadcast %parallel_loop3A_674 : i32 to vector<16xi32>
      %parallel_loop3A_676 = arith.select %parallel_loop3A_672, %parallel_loop3A_675, %parallel_loop3A_666 : vector<16xi1>, vector<16xi32>
      %parallel_loop3A_677 = arith.constant 4 : i32
      %parallel_loop3A_678 = vector.broadcast %parallel_loop3A_677 : i32 to vector<16xi32>
      %parallel_loop3A_679 = arith.cmpi eq, %parallel_loop3A_636, %parallel_loop3A_678 : vector<16xi32>
      %parallel_loop3A_680 = vector.broadcast %parallel_loop3A_8 : f32 to vector<16xf32>
      %parallel_loop3A_681 = arith.select %parallel_loop3A_679, %parallel_loop3A_680, %parallel_loop3A_586 : vector<16xi1>, vector<16xf32>
      %parallel_loop3A_682 = arith.cmpf ogt, %parallel_loop3A_681, %parallel_loop3A_673 : vector<16xf32>
      %parallel_loop3A_683 = arith.select %parallel_loop3A_682, %parallel_loop3A_681, %parallel_loop3A_673 : vector<16xi1>, vector<16xf32>
      %parallel_loop3A_684 = arith.constant 4 : i32
      %parallel_loop3A_685 = vector.broadcast %parallel_loop3A_684 : i32 to vector<16xi32>
      %parallel_loop3A_686 = arith.select %parallel_loop3A_682, %parallel_loop3A_685, %parallel_loop3A_676 : vector<16xi1>, vector<16xi32>
      %parallel_loop3A_687 = arith.constant 5 : i32
      %parallel_loop3A_688 = vector.broadcast %parallel_loop3A_687 : i32 to vector<16xi32>
      %parallel_loop3A_689 = arith.cmpi eq, %parallel_loop3A_636, %parallel_loop3A_688 : vector<16xi32>
      %parallel_loop3A_690 = vector.broadcast %parallel_loop3A_8 : f32 to vector<16xf32>
      %parallel_loop3A_691 = arith.select %parallel_loop3A_689, %parallel_loop3A_690, %parallel_loop3A_591 : vector<16xi1>, vector<16xf32>
      %parallel_loop3A_692 = arith.cmpf ogt, %parallel_loop3A_691, %parallel_loop3A_683 : vector<16xf32>
      %parallel_loop3A_693 = arith.select %parallel_loop3A_692, %parallel_loop3A_691, %parallel_loop3A_683 : vector<16xi1>, vector<16xf32>
      %parallel_loop3A_694 = arith.constant 5 : i32
      %parallel_loop3A_695 = vector.broadcast %parallel_loop3A_694 : i32 to vector<16xi32>
      %parallel_loop3A_696 = arith.select %parallel_loop3A_692, %parallel_loop3A_695, %parallel_loop3A_686 : vector<16xi1>, vector<16xi32>
      %parallel_loop3A_697 = arith.constant 6 : i32
      %parallel_loop3A_698 = vector.broadcast %parallel_loop3A_697 : i32 to vector<16xi32>
      %parallel_loop3A_699 = arith.cmpi eq, %parallel_loop3A_636, %parallel_loop3A_698 : vector<16xi32>
      %parallel_loop3A_700 = vector.broadcast %parallel_loop3A_8 : f32 to vector<16xf32>
      %parallel_loop3A_701 = arith.select %parallel_loop3A_699, %parallel_loop3A_700, %parallel_loop3A_596 : vector<16xi1>, vector<16xf32>
      %parallel_loop3A_702 = arith.cmpf ogt, %parallel_loop3A_701, %parallel_loop3A_693 : vector<16xf32>
      %parallel_loop3A_703 = arith.select %parallel_loop3A_702, %parallel_loop3A_701, %parallel_loop3A_693 : vector<16xi1>, vector<16xf32>
      %parallel_loop3A_704 = arith.constant 6 : i32
      %parallel_loop3A_705 = vector.broadcast %parallel_loop3A_704 : i32 to vector<16xi32>
      %parallel_loop3A_706 = arith.select %parallel_loop3A_702, %parallel_loop3A_705, %parallel_loop3A_696 : vector<16xi1>, vector<16xi32>
      %parallel_loop3A_707 = arith.constant 7 : i32
      %parallel_loop3A_708 = vector.broadcast %parallel_loop3A_707 : i32 to vector<16xi32>
      %parallel_loop3A_709 = arith.cmpi eq, %parallel_loop3A_636, %parallel_loop3A_708 : vector<16xi32>
      %parallel_loop3A_710 = vector.broadcast %parallel_loop3A_8 : f32 to vector<16xf32>
      %parallel_loop3A_711 = arith.select %parallel_loop3A_709, %parallel_loop3A_710, %parallel_loop3A_601 : vector<16xi1>, vector<16xf32>
      %parallel_loop3A_712 = arith.cmpf ogt, %parallel_loop3A_711, %parallel_loop3A_703 : vector<16xf32>
      %parallel_loop3A_713 = arith.select %parallel_loop3A_712, %parallel_loop3A_711, %parallel_loop3A_703 : vector<16xi1>, vector<16xf32>
      %parallel_loop3A_714 = arith.constant 7 : i32
      %parallel_loop3A_715 = vector.broadcast %parallel_loop3A_714 : i32 to vector<16xi32>
      %parallel_loop3A_716 = arith.select %parallel_loop3A_712, %parallel_loop3A_715, %parallel_loop3A_706 : vector<16xi1>, vector<16xi32>
      %parallel_loop3A_717 = arith.subf %parallel_loop3A_713, %parallel_loop3A_633 : vector<16xf32>
      %parallel_loop3A_718 = math.exp %parallel_loop3A_717 : vector<16xf32>
      %parallel_loop3A_719 = arith.constant 1.000000e+00 : f32
      %parallel_loop3A_720 = vector.broadcast %parallel_loop3A_719 : f32 to vector<16xf32>
      %parallel_loop3A_721 = arith.addf %parallel_loop3A_720, %parallel_loop3A_718 : vector<16xf32>
      %parallel_loop3A_722 = arith.constant 1.000000e+00 : f32
      %parallel_loop3A_723 = vector.broadcast %parallel_loop3A_722 : f32 to vector<16xf32>
      %parallel_loop3A_724 = arith.divf %parallel_loop3A_723, %parallel_loop3A_721 : vector<16xf32>
      %parallel_loop3A_725 = arith.mulf %parallel_loop3A_718, %parallel_loop3A_724 : vector<16xf32>
      %parallel_loop3A_726 = arith.constant 0 : i32
      %parallel_loop3A_727 = arith.index_cast %parallel_loop3A_9 : i32 to index
      %parallel_loop3A_728 = arith.index_cast %parallel_loop3A_726 : i32 to index
      %parallel_loop3A_729 = arith.constant 48 : index
      %parallel_loop3A_730 = tpu.vector_load %arg6[%parallel_loop3A_727, %parallel_loop3A_728, %parallel_loop3A_729] {strides = array<i32>} : memref<8x2x128xf32, #tpu.memory_space<vmem>>, vector<16xf32>,
      tpu.vector_store %arg6[%parallel_loop3A_727, %parallel_loop3A_728, %parallel_loop3A_729], %parallel_loop3A_724 {strides = array<i32>} : memref<8x2x128xf32, #tpu.memory_space<vmem>>, vector<16xf32>,
      %parallel_loop3A_731 = arith.constant 1 : i32
      %parallel_loop3A_732 = arith.index_cast %parallel_loop3A_9 : i32 to index
      %parallel_loop3A_733 = arith.index_cast %parallel_loop3A_731 : i32 to index
      %parallel_loop3A_734 = arith.constant 48 : index
      %parallel_loop3A_735 = tpu.vector_load %arg6[%parallel_loop3A_732, %parallel_loop3A_733, %parallel_loop3A_734] {strides = array<i32>} : memref<8x2x128xf32, #tpu.memory_space<vmem>>, vector<16xf32>,
      tpu.vector_store %arg6[%parallel_loop3A_732, %parallel_loop3A_733, %parallel_loop3A_734], %parallel_loop3A_725 {strides = array<i32>} : memref<8x2x128xf32, #tpu.memory_space<vmem>>, vector<16xf32>,
      %parallel_loop3A_736 = arith.constant 0 : i32
      %parallel_loop3A_737 = arith.index_cast %parallel_loop3A_9 : i32 to index
      %parallel_loop3A_738 = arith.index_cast %parallel_loop3A_736 : i32 to index
      %parallel_loop3A_739 = arith.constant 48 : index
      %parallel_loop3A_740 = tpu.vector_load %arg7[%parallel_loop3A_737, %parallel_loop3A_738, %parallel_loop3A_739] {strides = array<i32>} : memref<8x2x128xi32, #tpu.memory_space<vmem>>, vector<16xi32>,
      tpu.vector_store %arg7[%parallel_loop3A_737, %parallel_loop3A_738, %parallel_loop3A_739], %parallel_loop3A_636 {strides = array<i32>} : memref<8x2x128xi32, #tpu.memory_space<vmem>>, vector<16xi32>,
      %parallel_loop3A_741 = arith.constant 1 : i32
      %parallel_loop3A_742 = arith.index_cast %parallel_loop3A_9 : i32 to index
      %parallel_loop3A_743 = arith.index_cast %parallel_loop3A_741 : i32 to index
      %parallel_loop3A_744 = arith.constant 48 : index
      %parallel_loop3A_745 = tpu.vector_load %arg7[%parallel_loop3A_742, %parallel_loop3A_743, %parallel_loop3A_744] {strides = array<i32>} : memref<8x2x128xi32, #tpu.memory_space<vmem>>, vector<16xi32>,
      tpu.vector_store %arg7[%parallel_loop3A_742, %parallel_loop3A_743, %parallel_loop3A_744], %parallel_loop3A_716 {strides = array<i32>} : memref<8x2x128xi32, #tpu.memory_space<vmem>>, vector<16xi32>,
      %parallel_loop3A_746 = arith.constant 0 : i32
      %parallel_loop3A_747 = arith.index_cast %parallel_loop3A_9 : i32 to index
      %parallel_loop3A_748 = arith.index_cast %parallel_loop3A_746 : i32 to index
      %parallel_loop3A_749 = arith.constant 64 : index
      %parallel_loop3A_750 = tpu.vector_load %arg5[%parallel_loop3A_747, %parallel_loop3A_748, %parallel_loop3A_749] {strides = array<i32>} : memref<8x8x128xf32, #tpu.memory_space<vmem>>, vector<16xf32>,
      %parallel_loop3A_751 = arith.constant 1 : i32
      %parallel_loop3A_752 = arith.index_cast %parallel_loop3A_9 : i32 to index
      %parallel_loop3A_753 = arith.index_cast %parallel_loop3A_751 : i32 to index
      %parallel_loop3A_754 = arith.constant 64 : index
      %parallel_loop3A_755 = tpu.vector_load %arg5[%parallel_loop3A_752, %parallel_loop3A_753, %parallel_loop3A_754] {strides = array<i32>} : memref<8x8x128xf32, #tpu.memory_space<vmem>>, vector<16xf32>,
      %parallel_loop3A_756 = arith.constant 2 : i32
      %parallel_loop3A_757 = arith.index_cast %parallel_loop3A_9 : i32 to index
      %parallel_loop3A_758 = arith.index_cast %parallel_loop3A_756 : i32 to index
      %parallel_loop3A_759 = arith.constant 64 : index
      %parallel_loop3A_760 = tpu.vector_load %arg5[%parallel_loop3A_757, %parallel_loop3A_758, %parallel_loop3A_759] {strides = array<i32>} : memref<8x8x128xf32, #tpu.memory_space<vmem>>, vector<16xf32>,
      %parallel_loop3A_761 = arith.constant 3 : i32
      %parallel_loop3A_762 = arith.index_cast %parallel_loop3A_9 : i32 to index
      %parallel_loop3A_763 = arith.index_cast %parallel_loop3A_761 : i32 to index
      %parallel_loop3A_764 = arith.constant 64 : index
      %parallel_loop3A_765 = tpu.vector_load %arg5[%parallel_loop3A_762, %parallel_loop3A_763, %parallel_loop3A_764] {strides = array<i32>} : memref<8x8x128xf32, #tpu.memory_space<vmem>>, vector<16xf32>,
      %parallel_loop3A_766 = arith.constant 4 : i32
      %parallel_loop3A_767 = arith.index_cast %parallel_loop3A_9 : i32 to index
      %parallel_loop3A_768 = arith.index_cast %parallel_loop3A_766 : i32 to index
      %parallel_loop3A_769 = arith.constant 64 : index
      %parallel_loop3A_770 = tpu.vector_load %arg5[%parallel_loop3A_767, %parallel_loop3A_768, %parallel_loop3A_769] {strides = array<i32>} : memref<8x8x128xf32, #tpu.memory_space<vmem>>, vector<16xf32>,
      %parallel_loop3A_771 = arith.constant 5 : i32
      %parallel_loop3A_772 = arith.index_cast %parallel_loop3A_9 : i32 to index
      %parallel_loop3A_773 = arith.index_cast %parallel_loop3A_771 : i32 to index
      %parallel_loop3A_774 = arith.constant 64 : index
      %parallel_loop3A_775 = tpu.vector_load %arg5[%parallel_loop3A_772, %parallel_loop3A_773, %parallel_loop3A_774] {strides = array<i32>} : memref<8x8x128xf32, #tpu.memory_space<vmem>>, vector<16xf32>,
      %parallel_loop3A_776 = arith.constant 6 : i32
      %parallel_loop3A_777 = arith.index_cast %parallel_loop3A_9 : i32 to index
      %parallel_loop3A_778 = arith.index_cast %parallel_loop3A_776 : i32 to index
      %parallel_loop3A_779 = arith.constant 64 : index
      %parallel_loop3A_780 = tpu.vector_load %arg5[%parallel_loop3A_777, %parallel_loop3A_778, %parallel_loop3A_779] {strides = array<i32>} : memref<8x8x128xf32, #tpu.memory_space<vmem>>, vector<16xf32>,
      %parallel_loop3A_781 = arith.constant 7 : i32
      %parallel_loop3A_782 = arith.index_cast %parallel_loop3A_9 : i32 to index
      %parallel_loop3A_783 = arith.index_cast %parallel_loop3A_781 : i32 to index
      %parallel_loop3A_784 = arith.constant 64 : index
      %parallel_loop3A_785 = tpu.vector_load %arg5[%parallel_loop3A_782, %parallel_loop3A_783, %parallel_loop3A_784] {strides = array<i32>} : memref<8x8x128xf32, #tpu.memory_space<vmem>>, vector<16xf32>,
      %parallel_loop3A_786 = arith.cmpf ogt, %parallel_loop3A_755, %parallel_loop3A_750 : vector<16xf32>
      %parallel_loop3A_787 = arith.select %parallel_loop3A_786, %parallel_loop3A_755, %parallel_loop3A_750 : vector<16xi1>, vector<16xf32>
      %parallel_loop3A_788 = arith.constant 1 : i32
      %parallel_loop3A_789 = vector.broadcast %parallel_loop3A_788 : i32 to vector<16xi32>
      %parallel_loop3A_790 = arith.select %parallel_loop3A_786, %parallel_loop3A_789, %broadcast_in_dim3A_3 : vector<16xi1>, vector<16xi32>
      %parallel_loop3A_791 = arith.cmpf ogt, %parallel_loop3A_760, %parallel_loop3A_787 : vector<16xf32>
      %parallel_loop3A_792 = arith.select %parallel_loop3A_791, %parallel_loop3A_760, %parallel_loop3A_787 : vector<16xi1>, vector<16xf32>
      %parallel_loop3A_793 = arith.constant 2 : i32
      %parallel_loop3A_794 = vector.broadcast %parallel_loop3A_793 : i32 to vector<16xi32>
      %parallel_loop3A_795 = arith.select %parallel_loop3A_791, %parallel_loop3A_794, %parallel_loop3A_790 : vector<16xi1>, vector<16xi32>
      %parallel_loop3A_796 = arith.cmpf ogt, %parallel_loop3A_765, %parallel_loop3A_792 : vector<16xf32>
      %parallel_loop3A_797 = arith.select %parallel_loop3A_796, %parallel_loop3A_765, %parallel_loop3A_792 : vector<16xi1>, vector<16xf32>
      %parallel_loop3A_798 = arith.constant 3 : i32
      %parallel_loop3A_799 = vector.broadcast %parallel_loop3A_798 : i32 to vector<16xi32>
      %parallel_loop3A_800 = arith.select %parallel_loop3A_796, %parallel_loop3A_799, %parallel_loop3A_795 : vector<16xi1>, vector<16xi32>
      %parallel_loop3A_801 = arith.cmpf ogt, %parallel_loop3A_770, %parallel_loop3A_797 : vector<16xf32>
      %parallel_loop3A_802 = arith.select %parallel_loop3A_801, %parallel_loop3A_770, %parallel_loop3A_797 : vector<16xi1>, vector<16xf32>
      %parallel_loop3A_803 = arith.constant 4 : i32
      %parallel_loop3A_804 = vector.broadcast %parallel_loop3A_803 : i32 to vector<16xi32>
      %parallel_loop3A_805 = arith.select %parallel_loop3A_801, %parallel_loop3A_804, %parallel_loop3A_800 : vector<16xi1>, vector<16xi32>
      %parallel_loop3A_806 = arith.cmpf ogt, %parallel_loop3A_775, %parallel_loop3A_802 : vector<16xf32>
      %parallel_loop3A_807 = arith.select %parallel_loop3A_806, %parallel_loop3A_775, %parallel_loop3A_802 : vector<16xi1>, vector<16xf32>
      %parallel_loop3A_808 = arith.constant 5 : i32
      %parallel_loop3A_809 = vector.broadcast %parallel_loop3A_808 : i32 to vector<16xi32>
      %parallel_loop3A_810 = arith.select %parallel_loop3A_806, %parallel_loop3A_809, %parallel_loop3A_805 : vector<16xi1>, vector<16xi32>
      %parallel_loop3A_811 = arith.cmpf ogt, %parallel_loop3A_780, %parallel_loop3A_807 : vector<16xf32>
      %parallel_loop3A_812 = arith.select %parallel_loop3A_811, %parallel_loop3A_780, %parallel_loop3A_807 : vector<16xi1>, vector<16xf32>
      %parallel_loop3A_813 = arith.constant 6 : i32
      %parallel_loop3A_814 = vector.broadcast %parallel_loop3A_813 : i32 to vector<16xi32>
      %parallel_loop3A_815 = arith.select %parallel_loop3A_811, %parallel_loop3A_814, %parallel_loop3A_810 : vector<16xi1>, vector<16xi32>
      %parallel_loop3A_816 = arith.cmpf ogt, %parallel_loop3A_785, %parallel_loop3A_812 : vector<16xf32>
      %parallel_loop3A_817 = arith.select %parallel_loop3A_816, %parallel_loop3A_785, %parallel_loop3A_812 : vector<16xi1>, vector<16xf32>
      %parallel_loop3A_818 = arith.constant 7 : i32
      %parallel_loop3A_819 = vector.broadcast %parallel_loop3A_818 : i32 to vector<16xi32>
      %parallel_loop3A_820 = arith.select %parallel_loop3A_816, %parallel_loop3A_819, %parallel_loop3A_815 : vector<16xi1>, vector<16xi32>
      %parallel_loop3A_821 = arith.constant 0 : i32
      %parallel_loop3A_822 = vector.broadcast %parallel_loop3A_821 : i32 to vector<16xi32>
      %parallel_loop3A_823 = arith.cmpi eq, %parallel_loop3A_820, %parallel_loop3A_822 : vector<16xi32>
      %parallel_loop3A_824 = vector.broadcast %parallel_loop3A_8 : f32 to vector<16xf32>
      %parallel_loop3A_825 = arith.select %parallel_loop3A_823, %parallel_loop3A_824, %parallel_loop3A_750 : vector<16xi1>, vector<16xf32>
      %parallel_loop3A_826 = arith.cmpf ogt, %parallel_loop3A_825, %broadcast_in_dim3A_5 : vector<16xf32>
      %parallel_loop3A_827 = arith.select %parallel_loop3A_826, %parallel_loop3A_825, %broadcast_in_dim3A_5 : vector<16xi1>, vector<16xf32>
      %parallel_loop3A_828 = arith.constant 0 : i32
      %parallel_loop3A_829 = vector.broadcast %parallel_loop3A_828 : i32 to vector<16xi32>
      %parallel_loop3A_830 = arith.select %parallel_loop3A_826, %parallel_loop3A_829, %broadcast_in_dim3A_3 : vector<16xi1>, vector<16xi32>
      %parallel_loop3A_831 = arith.constant 1 : i32
      %parallel_loop3A_832 = vector.broadcast %parallel_loop3A_831 : i32 to vector<16xi32>
      %parallel_loop3A_833 = arith.cmpi eq, %parallel_loop3A_820, %parallel_loop3A_832 : vector<16xi32>
      %parallel_loop3A_834 = vector.broadcast %parallel_loop3A_8 : f32 to vector<16xf32>
      %parallel_loop3A_835 = arith.select %parallel_loop3A_833, %parallel_loop3A_834, %parallel_loop3A_755 : vector<16xi1>, vector<16xf32>
      %parallel_loop3A_836 = arith.cmpf ogt, %parallel_loop3A_835, %parallel_loop3A_827 : vector<16xf32>
      %parallel_loop3A_837 = arith.select %parallel_loop3A_836, %parallel_loop3A_835, %parallel_loop3A_827 : vector<16xi1>, vector<16xf32>
      %parallel_loop3A_838 = arith.constant 1 : i32
      %parallel_loop3A_839 = vector.broadcast %parallel_loop3A_838 : i32 to vector<16xi32>
      %parallel_loop3A_840 = arith.select %parallel_loop3A_836, %parallel_loop3A_839, %parallel_loop3A_830 : vector<16xi1>, vector<16xi32>
      %parallel_loop3A_841 = arith.constant 2 : i32
      %parallel_loop3A_842 = vector.broadcast %parallel_loop3A_841 : i32 to vector<16xi32>
      %parallel_loop3A_843 = arith.cmpi eq, %parallel_loop3A_820, %parallel_loop3A_842 : vector<16xi32>
      %parallel_loop3A_844 = vector.broadcast %parallel_loop3A_8 : f32 to vector<16xf32>
      %parallel_loop3A_845 = arith.select %parallel_loop3A_843, %parallel_loop3A_844, %parallel_loop3A_760 : vector<16xi1>, vector<16xf32>
      %parallel_loop3A_846 = arith.cmpf ogt, %parallel_loop3A_845, %parallel_loop3A_837 : vector<16xf32>
      %parallel_loop3A_847 = arith.select %parallel_loop3A_846, %parallel_loop3A_845, %parallel_loop3A_837 : vector<16xi1>, vector<16xf32>
      %parallel_loop3A_848 = arith.constant 2 : i32
      %parallel_loop3A_849 = vector.broadcast %parallel_loop3A_848 : i32 to vector<16xi32>
      %parallel_loop3A_850 = arith.select %parallel_loop3A_846, %parallel_loop3A_849, %parallel_loop3A_840 : vector<16xi1>, vector<16xi32>
      %parallel_loop3A_851 = arith.constant 3 : i32
      %parallel_loop3A_852 = vector.broadcast %parallel_loop3A_851 : i32 to vector<16xi32>
      %parallel_loop3A_853 = arith.cmpi eq, %parallel_loop3A_820, %parallel_loop3A_852 : vector<16xi32>
      %parallel_loop3A_854 = vector.broadcast %parallel_loop3A_8 : f32 to vector<16xf32>
      %parallel_loop3A_855 = arith.select %parallel_loop3A_853, %parallel_loop3A_854, %parallel_loop3A_765 : vector<16xi1>, vector<16xf32>
      %parallel_loop3A_856 = arith.cmpf ogt, %parallel_loop3A_855, %parallel_loop3A_847 : vector<16xf32>
      %parallel_loop3A_857 = arith.select %parallel_loop3A_856, %parallel_loop3A_855, %parallel_loop3A_847 : vector<16xi1>, vector<16xf32>
      %parallel_loop3A_858 = arith.constant 3 : i32
      %parallel_loop3A_859 = vector.broadcast %parallel_loop3A_858 : i32 to vector<16xi32>
      %parallel_loop3A_860 = arith.select %parallel_loop3A_856, %parallel_loop3A_859, %parallel_loop3A_850 : vector<16xi1>, vector<16xi32>
      %parallel_loop3A_861 = arith.constant 4 : i32
      %parallel_loop3A_862 = vector.broadcast %parallel_loop3A_861 : i32 to vector<16xi32>
      %parallel_loop3A_863 = arith.cmpi eq, %parallel_loop3A_820, %parallel_loop3A_862 : vector<16xi32>
      %parallel_loop3A_864 = vector.broadcast %parallel_loop3A_8 : f32 to vector<16xf32>
      %parallel_loop3A_865 = arith.select %parallel_loop3A_863, %parallel_loop3A_864, %parallel_loop3A_770 : vector<16xi1>, vector<16xf32>
      %parallel_loop3A_866 = arith.cmpf ogt, %parallel_loop3A_865, %parallel_loop3A_857 : vector<16xf32>
      %parallel_loop3A_867 = arith.select %parallel_loop3A_866, %parallel_loop3A_865, %parallel_loop3A_857 : vector<16xi1>, vector<16xf32>
      %parallel_loop3A_868 = arith.constant 4 : i32
      %parallel_loop3A_869 = vector.broadcast %parallel_loop3A_868 : i32 to vector<16xi32>
      %parallel_loop3A_870 = arith.select %parallel_loop3A_866, %parallel_loop3A_869, %parallel_loop3A_860 : vector<16xi1>, vector<16xi32>
      %parallel_loop3A_871 = arith.constant 5 : i32
      %parallel_loop3A_872 = vector.broadcast %parallel_loop3A_871 : i32 to vector<16xi32>
      %parallel_loop3A_873 = arith.cmpi eq, %parallel_loop3A_820, %parallel_loop3A_872 : vector<16xi32>
      %parallel_loop3A_874 = vector.broadcast %parallel_loop3A_8 : f32 to vector<16xf32>
      %parallel_loop3A_875 = arith.select %parallel_loop3A_873, %parallel_loop3A_874, %parallel_loop3A_775 : vector<16xi1>, vector<16xf32>
      %parallel_loop3A_876 = arith.cmpf ogt, %parallel_loop3A_875, %parallel_loop3A_867 : vector<16xf32>
      %parallel_loop3A_877 = arith.select %parallel_loop3A_876, %parallel_loop3A_875, %parallel_loop3A_867 : vector<16xi1>, vector<16xf32>
      %parallel_loop3A_878 = arith.constant 5 : i32
      %parallel_loop3A_879 = vector.broadcast %parallel_loop3A_878 : i32 to vector<16xi32>
      %parallel_loop3A_880 = arith.select %parallel_loop3A_876, %parallel_loop3A_879, %parallel_loop3A_870 : vector<16xi1>, vector<16xi32>
      %parallel_loop3A_881 = arith.constant 6 : i32
      %parallel_loop3A_882 = vector.broadcast %parallel_loop3A_881 : i32 to vector<16xi32>
      %parallel_loop3A_883 = arith.cmpi eq, %parallel_loop3A_820, %parallel_loop3A_882 : vector<16xi32>
      %parallel_loop3A_884 = vector.broadcast %parallel_loop3A_8 : f32 to vector<16xf32>
      %parallel_loop3A_885 = arith.select %parallel_loop3A_883, %parallel_loop3A_884, %parallel_loop3A_780 : vector<16xi1>, vector<16xf32>
      %parallel_loop3A_886 = arith.cmpf ogt, %parallel_loop3A_885, %parallel_loop3A_877 : vector<16xf32>
      %parallel_loop3A_887 = arith.select %parallel_loop3A_886, %parallel_loop3A_885, %parallel_loop3A_877 : vector<16xi1>, vector<16xf32>
      %parallel_loop3A_888 = arith.constant 6 : i32
      %parallel_loop3A_889 = vector.broadcast %parallel_loop3A_888 : i32 to vector<16xi32>
      %parallel_loop3A_890 = arith.select %parallel_loop3A_886, %parallel_loop3A_889, %parallel_loop3A_880 : vector<16xi1>, vector<16xi32>
      %parallel_loop3A_891 = arith.constant 7 : i32
      %parallel_loop3A_892 = vector.broadcast %parallel_loop3A_891 : i32 to vector<16xi32>
      %parallel_loop3A_893 = arith.cmpi eq, %parallel_loop3A_820, %parallel_loop3A_892 : vector<16xi32>
      %parallel_loop3A_894 = vector.broadcast %parallel_loop3A_8 : f32 to vector<16xf32>
      %parallel_loop3A_895 = arith.select %parallel_loop3A_893, %parallel_loop3A_894, %parallel_loop3A_785 : vector<16xi1>, vector<16xf32>
      %parallel_loop3A_896 = arith.cmpf ogt, %parallel_loop3A_895, %parallel_loop3A_887 : vector<16xf32>
      %parallel_loop3A_897 = arith.select %parallel_loop3A_896, %parallel_loop3A_895, %parallel_loop3A_887 : vector<16xi1>, vector<16xf32>
      %parallel_loop3A_898 = arith.constant 7 : i32
      %parallel_loop3A_899 = vector.broadcast %parallel_loop3A_898 : i32 to vector<16xi32>
      %parallel_loop3A_900 = arith.select %parallel_loop3A_896, %parallel_loop3A_899, %parallel_loop3A_890 : vector<16xi1>, vector<16xi32>
      %parallel_loop3A_901 = arith.subf %parallel_loop3A_897, %parallel_loop3A_817 : vector<16xf32>
      %parallel_loop3A_902 = math.exp %parallel_loop3A_901 : vector<16xf32>
      %parallel_loop3A_903 = arith.constant 1.000000e+00 : f32
      %parallel_loop3A_904 = vector.broadcast %parallel_loop3A_903 : f32 to vector<16xf32>
      %parallel_loop3A_905 = arith.addf %parallel_loop3A_904, %parallel_loop3A_902 : vector<16xf32>
      %parallel_loop3A_906 = arith.constant 1.000000e+00 : f32
      %parallel_loop3A_907 = vector.broadcast %parallel_loop3A_906 : f32 to vector<16xf32>
      %parallel_loop3A_908 = arith.divf %parallel_loop3A_907, %parallel_loop3A_905 : vector<16xf32>
      %parallel_loop3A_909 = arith.mulf %parallel_loop3A_902, %parallel_loop3A_908 : vector<16xf32>
      %parallel_loop3A_910 = arith.constant 0 : i32
      %parallel_loop3A_911 = arith.index_cast %parallel_loop3A_9 : i32 to index
      %parallel_loop3A_912 = arith.index_cast %parallel_loop3A_910 : i32 to index
      %parallel_loop3A_913 = arith.constant 64 : index
      %parallel_loop3A_914 = tpu.vector_load %arg6[%parallel_loop3A_911, %parallel_loop3A_912, %parallel_loop3A_913] {strides = array<i32>} : memref<8x2x128xf32, #tpu.memory_space<vmem>>, vector<16xf32>,
      tpu.vector_store %arg6[%parallel_loop3A_911, %parallel_loop3A_912, %parallel_loop3A_913], %parallel_loop3A_908 {strides = array<i32>} : memref<8x2x128xf32, #tpu.memory_space<vmem>>, vector<16xf32>,
      %parallel_loop3A_915 = arith.constant 1 : i32
      %parallel_loop3A_916 = arith.index_cast %parallel_loop3A_9 : i32 to index
      %parallel_loop3A_917 = arith.index_cast %parallel_loop3A_915 : i32 to index
      %parallel_loop3A_918 = arith.constant 64 : index
      %parallel_loop3A_919 = tpu.vector_load %arg6[%parallel_loop3A_916, %parallel_loop3A_917, %parallel_loop3A_918] {strides = array<i32>} : memref<8x2x128xf32, #tpu.memory_space<vmem>>, vector<16xf32>,
      tpu.vector_store %arg6[%parallel_loop3A_916, %parallel_loop3A_917, %parallel_loop3A_918], %parallel_loop3A_909 {strides = array<i32>} : memref<8x2x128xf32, #tpu.memory_space<vmem>>, vector<16xf32>,
      %parallel_loop3A_920 = arith.constant 0 : i32
      %parallel_loop3A_921 = arith.index_cast %parallel_loop3A_9 : i32 to index
      %parallel_loop3A_922 = arith.index_cast %parallel_loop3A_920 : i32 to index
      %parallel_loop3A_923 = arith.constant 64 : index
      %parallel_loop3A_924 = tpu.vector_load %arg7[%parallel_loop3A_921, %parallel_loop3A_922, %parallel_loop3A_923] {strides = array<i32>} : memref<8x2x128xi32, #tpu.memory_space<vmem>>, vector<16xi32>,
      tpu.vector_store %arg7[%parallel_loop3A_921, %parallel_loop3A_922, %parallel_loop3A_923], %parallel_loop3A_820 {strides = array<i32>} : memref<8x2x128xi32, #tpu.memory_space<vmem>>, vector<16xi32>,
      %parallel_loop3A_925 = arith.constant 1 : i32
      %parallel_loop3A_926 = arith.index_cast %parallel_loop3A_9 : i32 to index
      %parallel_loop3A_927 = arith.index_cast %parallel_loop3A_925 : i32 to index
      %parallel_loop3A_928 = arith.constant 64 : index
      %parallel_loop3A_929 = tpu.vector_load %arg7[%parallel_loop3A_926, %parallel_loop3A_927, %parallel_loop3A_928] {strides = array<i32>} : memref<8x2x128xi32, #tpu.memory_space<vmem>>, vector<16xi32>,
      tpu.vector_store %arg7[%parallel_loop3A_926, %parallel_loop3A_927, %parallel_loop3A_928], %parallel_loop3A_900 {strides = array<i32>} : memref<8x2x128xi32, #tpu.memory_space<vmem>>, vector<16xi32>,
      %parallel_loop3A_930 = arith.constant 0 : i32
      %parallel_loop3A_931 = arith.index_cast %parallel_loop3A_9 : i32 to index
      %parallel_loop3A_932 = arith.index_cast %parallel_loop3A_930 : i32 to index
      %parallel_loop3A_933 = arith.constant 80 : index
      %parallel_loop3A_934 = tpu.vector_load %arg5[%parallel_loop3A_931, %parallel_loop3A_932, %parallel_loop3A_933] {strides = array<i32>} : memref<8x8x128xf32, #tpu.memory_space<vmem>>, vector<16xf32>,
      %parallel_loop3A_935 = arith.constant 1 : i32
      %parallel_loop3A_936 = arith.index_cast %parallel_loop3A_9 : i32 to index
      %parallel_loop3A_937 = arith.index_cast %parallel_loop3A_935 : i32 to index
      %parallel_loop3A_938 = arith.constant 80 : index
      %parallel_loop3A_939 = tpu.vector_load %arg5[%parallel_loop3A_936, %parallel_loop3A_937, %parallel_loop3A_938] {strides = array<i32>} : memref<8x8x128xf32, #tpu.memory_space<vmem>>, vector<16xf32>,
      %parallel_loop3A_940 = arith.constant 2 : i32
      %parallel_loop3A_941 = arith.index_cast %parallel_loop3A_9 : i32 to index
      %parallel_loop3A_942 = arith.index_cast %parallel_loop3A_940 : i32 to index
      %parallel_loop3A_943 = arith.constant 80 : index
      %parallel_loop3A_944 = tpu.vector_load %arg5[%parallel_loop3A_941, %parallel_loop3A_942, %parallel_loop3A_943] {strides = array<i32>} : memref<8x8x128xf32, #tpu.memory_space<vmem>>, vector<16xf32>,
      %parallel_loop3A_945 = arith.constant 3 : i32
      %parallel_loop3A_946 = arith.index_cast %parallel_loop3A_9 : i32 to index
      %parallel_loop3A_947 = arith.index_cast %parallel_loop3A_945 : i32 to index
      %parallel_loop3A_948 = arith.constant 80 : index
      %parallel_loop3A_949 = tpu.vector_load %arg5[%parallel_loop3A_946, %parallel_loop3A_947, %parallel_loop3A_948] {strides = array<i32>} : memref<8x8x128xf32, #tpu.memory_space<vmem>>, vector<16xf32>,
      %parallel_loop3A_950 = arith.constant 4 : i32
      %parallel_loop3A_951 = arith.index_cast %parallel_loop3A_9 : i32 to index
      %parallel_loop3A_952 = arith.index_cast %parallel_loop3A_950 : i32 to index
      %parallel_loop3A_953 = arith.constant 80 : index
      %parallel_loop3A_954 = tpu.vector_load %arg5[%parallel_loop3A_951, %parallel_loop3A_952, %parallel_loop3A_953] {strides = array<i32>} : memref<8x8x128xf32, #tpu.memory_space<vmem>>, vector<16xf32>,
      %parallel_loop3A_955 = arith.constant 5 : i32
      %parallel_loop3A_956 = arith.index_cast %parallel_loop3A_9 : i32 to index
      %parallel_loop3A_957 = arith.index_cast %parallel_loop3A_955 : i32 to index
      %parallel_loop3A_958 = arith.constant 80 : index
      %parallel_loop3A_959 = tpu.vector_load %arg5[%parallel_loop3A_956, %parallel_loop3A_957, %parallel_loop3A_958] {strides = array<i32>} : memref<8x8x128xf32, #tpu.memory_space<vmem>>, vector<16xf32>,
      %parallel_loop3A_960 = arith.constant 6 : i32
      %parallel_loop3A_961 = arith.index_cast %parallel_loop3A_9 : i32 to index
      %parallel_loop3A_962 = arith.index_cast %parallel_loop3A_960 : i32 to index
      %parallel_loop3A_963 = arith.constant 80 : index
      %parallel_loop3A_964 = tpu.vector_load %arg5[%parallel_loop3A_961, %parallel_loop3A_962, %parallel_loop3A_963] {strides = array<i32>} : memref<8x8x128xf32, #tpu.memory_space<vmem>>, vector<16xf32>,
      %parallel_loop3A_965 = arith.constant 7 : i32
      %parallel_loop3A_966 = arith.index_cast %parallel_loop3A_9 : i32 to index
      %parallel_loop3A_967 = arith.index_cast %parallel_loop3A_965 : i32 to index
      %parallel_loop3A_968 = arith.constant 80 : index
      %parallel_loop3A_969 = tpu.vector_load %arg5[%parallel_loop3A_966, %parallel_loop3A_967, %parallel_loop3A_968] {strides = array<i32>} : memref<8x8x128xf32, #tpu.memory_space<vmem>>, vector<16xf32>,
      %parallel_loop3A_970 = arith.cmpf ogt, %parallel_loop3A_939, %parallel_loop3A_934 : vector<16xf32>
      %parallel_loop3A_971 = arith.select %parallel_loop3A_970, %parallel_loop3A_939, %parallel_loop3A_934 : vector<16xi1>, vector<16xf32>
      %parallel_loop3A_972 = arith.constant 1 : i32
      %parallel_loop3A_973 = vector.broadcast %parallel_loop3A_972 : i32 to vector<16xi32>
      %parallel_loop3A_974 = arith.select %parallel_loop3A_970, %parallel_loop3A_973, %broadcast_in_dim3A_3 : vector<16xi1>, vector<16xi32>
      %parallel_loop3A_975 = arith.cmpf ogt, %parallel_loop3A_944, %parallel_loop3A_971 : vector<16xf32>
      %parallel_loop3A_976 = arith.select %parallel_loop3A_975, %parallel_loop3A_944, %parallel_loop3A_971 : vector<16xi1>, vector<16xf32>
      %parallel_loop3A_977 = arith.constant 2 : i32
      %parallel_loop3A_978 = vector.broadcast %parallel_loop3A_977 : i32 to vector<16xi32>
      %parallel_loop3A_979 = arith.select %parallel_loop3A_975, %parallel_loop3A_978, %parallel_loop3A_974 : vector<16xi1>, vector<16xi32>
      %parallel_loop3A_980 = arith.cmpf ogt, %parallel_loop3A_949, %parallel_loop3A_976 : vector<16xf32>
      %parallel_loop3A_981 = arith.select %parallel_loop3A_980, %parallel_loop3A_949, %parallel_loop3A_976 : vector<16xi1>, vector<16xf32>
      %parallel_loop3A_982 = arith.constant 3 : i32
      %parallel_loop3A_983 = vector.broadcast %parallel_loop3A_982 : i32 to vector<16xi32>
      %parallel_loop3A_984 = arith.select %parallel_loop3A_980, %parallel_loop3A_983, %parallel_loop3A_979 : vector<16xi1>, vector<16xi32>
      %parallel_loop3A_985 = arith.cmpf ogt, %parallel_loop3A_954, %parallel_loop3A_981 : vector<16xf32>
      %parallel_loop3A_986 = arith.select %parallel_loop3A_985, %parallel_loop3A_954, %parallel_loop3A_981 : vector<16xi1>, vector<16xf32>
      %parallel_loop3A_987 = arith.constant 4 : i32
      %parallel_loop3A_988 = vector.broadcast %parallel_loop3A_987 : i32 to vector<16xi32>
      %parallel_loop3A_989 = arith.select %parallel_loop3A_985, %parallel_loop3A_988, %parallel_loop3A_984 : vector<16xi1>, vector<16xi32>
      %parallel_loop3A_990 = arith.cmpf ogt, %parallel_loop3A_959, %parallel_loop3A_986 : vector<16xf32>
      %parallel_loop3A_991 = arith.select %parallel_loop3A_990, %parallel_loop3A_959, %parallel_loop3A_986 : vector<16xi1>, vector<16xf32>
      %parallel_loop3A_992 = arith.constant 5 : i32
      %parallel_loop3A_993 = vector.broadcast %parallel_loop3A_992 : i32 to vector<16xi32>
      %parallel_loop3A_994 = arith.select %parallel_loop3A_990, %parallel_loop3A_993, %parallel_loop3A_989 : vector<16xi1>, vector<16xi32>
      %parallel_loop3A_995 = arith.cmpf ogt, %parallel_loop3A_964, %parallel_loop3A_991 : vector<16xf32>
      %parallel_loop3A_996 = arith.select %parallel_loop3A_995, %parallel_loop3A_964, %parallel_loop3A_991 : vector<16xi1>, vector<16xf32>
      %parallel_loop3A_997 = arith.constant 6 : i32
      %parallel_loop3A_998 = vector.broadcast %parallel_loop3A_997 : i32 to vector<16xi32>
      %parallel_loop3A_999 = arith.select %parallel_loop3A_995, %parallel_loop3A_998, %parallel_loop3A_994 : vector<16xi1>, vector<16xi32>
      %parallel_loop3A_1000 = arith.cmpf ogt, %parallel_loop3A_969, %parallel_loop3A_996 : vector<16xf32>
      %parallel_loop3A_1001 = arith.select %parallel_loop3A_1000, %parallel_loop3A_969, %parallel_loop3A_996 : vector<16xi1>, vector<16xf32>
      %parallel_loop3A_1002 = arith.constant 7 : i32
      %parallel_loop3A_1003 = vector.broadcast %parallel_loop3A_1002 : i32 to vector<16xi32>
      %parallel_loop3A_1004 = arith.select %parallel_loop3A_1000, %parallel_loop3A_1003, %parallel_loop3A_999 : vector<16xi1>, vector<16xi32>
      %parallel_loop3A_1005 = arith.constant 0 : i32
      %parallel_loop3A_1006 = vector.broadcast %parallel_loop3A_1005 : i32 to vector<16xi32>
      %parallel_loop3A_1007 = arith.cmpi eq, %parallel_loop3A_1004, %parallel_loop3A_1006 : vector<16xi32>
      %parallel_loop3A_1008 = vector.broadcast %parallel_loop3A_8 : f32 to vector<16xf32>
      %parallel_loop3A_1009 = arith.select %parallel_loop3A_1007, %parallel_loop3A_1008, %parallel_loop3A_934 : vector<16xi1>, vector<16xf32>
      %parallel_loop3A_1010 = arith.cmpf ogt, %parallel_loop3A_1009, %broadcast_in_dim3A_5 : vector<16xf32>
      %parallel_loop3A_1011 = arith.select %parallel_loop3A_1010, %parallel_loop3A_1009, %broadcast_in_dim3A_5 : vector<16xi1>, vector<16xf32>
      %parallel_loop3A_1012 = arith.constant 0 : i32
      %parallel_loop3A_1013 = vector.broadcast %parallel_loop3A_1012 : i32 to vector<16xi32>
      %parallel_loop3A_1014 = arith.select %parallel_loop3A_1010, %parallel_loop3A_1013, %broadcast_in_dim3A_3 : vector<16xi1>, vector<16xi32>
      %parallel_loop3A_1015 = arith.constant 1 : i32
      %parallel_loop3A_1016 = vector.broadcast %parallel_loop3A_1015 : i32 to vector<16xi32>
      %parallel_loop3A_1017 = arith.cmpi eq, %parallel_loop3A_1004, %parallel_loop3A_1016 : vector<16xi32>
      %parallel_loop3A_1018 = vector.broadcast %parallel_loop3A_8 : f32 to vector<16xf32>
      %parallel_loop3A_1019 = arith.select %parallel_loop3A_1017, %parallel_loop3A_1018, %parallel_loop3A_939 : vector<16xi1>, vector<16xf32>
      %parallel_loop3A_1020 = arith.cmpf ogt, %parallel_loop3A_1019, %parallel_loop3A_1011 : vector<16xf32>
      %parallel_loop3A_1021 = arith.select %parallel_loop3A_1020, %parallel_loop3A_1019, %parallel_loop3A_1011 : vector<16xi1>, vector<16xf32>
      %parallel_loop3A_1022 = arith.constant 1 : i32
      %parallel_loop3A_1023 = vector.broadcast %parallel_loop3A_1022 : i32 to vector<16xi32>
      %parallel_loop3A_1024 = arith.select %parallel_loop3A_1020, %parallel_loop3A_1023, %parallel_loop3A_1014 : vector<16xi1>, vector<16xi32>
      %parallel_loop3A_1025 = arith.constant 2 : i32
      %parallel_loop3A_1026 = vector.broadcast %parallel_loop3A_1025 : i32 to vector<16xi32>
      %parallel_loop3A_1027 = arith.cmpi eq, %parallel_loop3A_1004, %parallel_loop3A_1026 : vector<16xi32>
      %parallel_loop3A_1028 = vector.broadcast %parallel_loop3A_8 : f32 to vector<16xf32>
      %parallel_loop3A_1029 = arith.select %parallel_loop3A_1027, %parallel_loop3A_1028, %parallel_loop3A_944 : vector<16xi1>, vector<16xf32>
      %parallel_loop3A_1030 = arith.cmpf ogt, %parallel_loop3A_1029, %parallel_loop3A_1021 : vector<16xf32>
      %parallel_loop3A_1031 = arith.select %parallel_loop3A_1030, %parallel_loop3A_1029, %parallel_loop3A_1021 : vector<16xi1>, vector<16xf32>
      %parallel_loop3A_1032 = arith.constant 2 : i32
      %parallel_loop3A_1033 = vector.broadcast %parallel_loop3A_1032 : i32 to vector<16xi32>
      %parallel_loop3A_1034 = arith.select %parallel_loop3A_1030, %parallel_loop3A_1033, %parallel_loop3A_1024 : vector<16xi1>, vector<16xi32>
      %parallel_loop3A_1035 = arith.constant 3 : i32
      %parallel_loop3A_1036 = vector.broadcast %parallel_loop3A_1035 : i32 to vector<16xi32>
      %parallel_loop3A_1037 = arith.cmpi eq, %parallel_loop3A_1004, %parallel_loop3A_1036 : vector<16xi32>
      %parallel_loop3A_1038 = vector.broadcast %parallel_loop3A_8 : f32 to vector<16xf32>
      %parallel_loop3A_1039 = arith.select %parallel_loop3A_1037, %parallel_loop3A_1038, %parallel_loop3A_949 : vector<16xi1>, vector<16xf32>
      %parallel_loop3A_1040 = arith.cmpf ogt, %parallel_loop3A_1039, %parallel_loop3A_1031 : vector<16xf32>
      %parallel_loop3A_1041 = arith.select %parallel_loop3A_1040, %parallel_loop3A_1039, %parallel_loop3A_1031 : vector<16xi1>, vector<16xf32>
      %parallel_loop3A_1042 = arith.constant 3 : i32
      %parallel_loop3A_1043 = vector.broadcast %parallel_loop3A_1042 : i32 to vector<16xi32>
      %parallel_loop3A_1044 = arith.select %parallel_loop3A_1040, %parallel_loop3A_1043, %parallel_loop3A_1034 : vector<16xi1>, vector<16xi32>
      %parallel_loop3A_1045 = arith.constant 4 : i32
      %parallel_loop3A_1046 = vector.broadcast %parallel_loop3A_1045 : i32 to vector<16xi32>
      %parallel_loop3A_1047 = arith.cmpi eq, %parallel_loop3A_1004, %parallel_loop3A_1046 : vector<16xi32>
      %parallel_loop3A_1048 = vector.broadcast %parallel_loop3A_8 : f32 to vector<16xf32>
      %parallel_loop3A_1049 = arith.select %parallel_loop3A_1047, %parallel_loop3A_1048, %parallel_loop3A_954 : vector<16xi1>, vector<16xf32>
      %parallel_loop3A_1050 = arith.cmpf ogt, %parallel_loop3A_1049, %parallel_loop3A_1041 : vector<16xf32>
      %parallel_loop3A_1051 = arith.select %parallel_loop3A_1050, %parallel_loop3A_1049, %parallel_loop3A_1041 : vector<16xi1>, vector<16xf32>
      %parallel_loop3A_1052 = arith.constant 4 : i32
      %parallel_loop3A_1053 = vector.broadcast %parallel_loop3A_1052 : i32 to vector<16xi32>
      %parallel_loop3A_1054 = arith.select %parallel_loop3A_1050, %parallel_loop3A_1053, %parallel_loop3A_1044 : vector<16xi1>, vector<16xi32>
      %parallel_loop3A_1055 = arith.constant 5 : i32
      %parallel_loop3A_1056 = vector.broadcast %parallel_loop3A_1055 : i32 to vector<16xi32>
      %parallel_loop3A_1057 = arith.cmpi eq, %parallel_loop3A_1004, %parallel_loop3A_1056 : vector<16xi32>
      %parallel_loop3A_1058 = vector.broadcast %parallel_loop3A_8 : f32 to vector<16xf32>
      %parallel_loop3A_1059 = arith.select %parallel_loop3A_1057, %parallel_loop3A_1058, %parallel_loop3A_959 : vector<16xi1>, vector<16xf32>
      %parallel_loop3A_1060 = arith.cmpf ogt, %parallel_loop3A_1059, %parallel_loop3A_1051 : vector<16xf32>
      %parallel_loop3A_1061 = arith.select %parallel_loop3A_1060, %parallel_loop3A_1059, %parallel_loop3A_1051 : vector<16xi1>, vector<16xf32>
      %parallel_loop3A_1062 = arith.constant 5 : i32
      %parallel_loop3A_1063 = vector.broadcast %parallel_loop3A_1062 : i32 to vector<16xi32>
      %parallel_loop3A_1064 = arith.select %parallel_loop3A_1060, %parallel_loop3A_1063, %parallel_loop3A_1054 : vector<16xi1>, vector<16xi32>
      %parallel_loop3A_1065 = arith.constant 6 : i32
      %parallel_loop3A_1066 = vector.broadcast %parallel_loop3A_1065 : i32 to vector<16xi32>
      %parallel_loop3A_1067 = arith.cmpi eq, %parallel_loop3A_1004, %parallel_loop3A_1066 : vector<16xi32>
      %parallel_loop3A_1068 = vector.broadcast %parallel_loop3A_8 : f32 to vector<16xf32>
      %parallel_loop3A_1069 = arith.select %parallel_loop3A_1067, %parallel_loop3A_1068, %parallel_loop3A_964 : vector<16xi1>, vector<16xf32>
      %parallel_loop3A_1070 = arith.cmpf ogt, %parallel_loop3A_1069, %parallel_loop3A_1061 : vector<16xf32>
      %parallel_loop3A_1071 = arith.select %parallel_loop3A_1070, %parallel_loop3A_1069, %parallel_loop3A_1061 : vector<16xi1>, vector<16xf32>
      %parallel_loop3A_1072 = arith.constant 6 : i32
      %parallel_loop3A_1073 = vector.broadcast %parallel_loop3A_1072 : i32 to vector<16xi32>
      %parallel_loop3A_1074 = arith.select %parallel_loop3A_1070, %parallel_loop3A_1073, %parallel_loop3A_1064 : vector<16xi1>, vector<16xi32>
      %parallel_loop3A_1075 = arith.constant 7 : i32
      %parallel_loop3A_1076 = vector.broadcast %parallel_loop3A_1075 : i32 to vector<16xi32>
      %parallel_loop3A_1077 = arith.cmpi eq, %parallel_loop3A_1004, %parallel_loop3A_1076 : vector<16xi32>
      %parallel_loop3A_1078 = vector.broadcast %parallel_loop3A_8 : f32 to vector<16xf32>
      %parallel_loop3A_1079 = arith.select %parallel_loop3A_1077, %parallel_loop3A_1078, %parallel_loop3A_969 : vector<16xi1>, vector<16xf32>
      %parallel_loop3A_1080 = arith.cmpf ogt, %parallel_loop3A_1079, %parallel_loop3A_1071 : vector<16xf32>
      %parallel_loop3A_1081 = arith.select %parallel_loop3A_1080, %parallel_loop3A_1079, %parallel_loop3A_1071 : vector<16xi1>, vector<16xf32>
      %parallel_loop3A_1082 = arith.constant 7 : i32
      %parallel_loop3A_1083 = vector.broadcast %parallel_loop3A_1082 : i32 to vector<16xi32>
      %parallel_loop3A_1084 = arith.select %parallel_loop3A_1080, %parallel_loop3A_1083, %parallel_loop3A_1074 : vector<16xi1>, vector<16xi32>
      %parallel_loop3A_1085 = arith.subf %parallel_loop3A_1081, %parallel_loop3A_1001 : vector<16xf32>
      %parallel_loop3A_1086 = math.exp %parallel_loop3A_1085 : vector<16xf32>
      %parallel_loop3A_1087 = arith.constant 1.000000e+00 : f32
      %parallel_loop3A_1088 = vector.broadcast %parallel_loop3A_1087 : f32 to vector<16xf32>
      %parallel_loop3A_1089 = arith.addf %parallel_loop3A_1088, %parallel_loop3A_1086 : vector<16xf32>
      %parallel_loop3A_1090 = arith.constant 1.000000e+00 : f32
      %parallel_loop3A_1091 = vector.broadcast %parallel_loop3A_1090 : f32 to vector<16xf32>
      %parallel_loop3A_1092 = arith.divf %parallel_loop3A_1091, %parallel_loop3A_1089 : vector<16xf32>
      %parallel_loop3A_1093 = arith.mulf %parallel_loop3A_1086, %parallel_loop3A_1092 : vector<16xf32>
      %parallel_loop3A_1094 = arith.constant 0 : i32
      %parallel_loop3A_1095 = arith.index_cast %parallel_loop3A_9 : i32 to index
      %parallel_loop3A_1096 = arith.index_cast %parallel_loop3A_1094 : i32 to index
      %parallel_loop3A_1097 = arith.constant 80 : index
      %parallel_loop3A_1098 = tpu.vector_load %arg6[%parallel_loop3A_1095, %parallel_loop3A_1096, %parallel_loop3A_1097] {strides = array<i32>} : memref<8x2x128xf32, #tpu.memory_space<vmem>>, vector<16xf32>,
      tpu.vector_store %arg6[%parallel_loop3A_1095, %parallel_loop3A_1096, %parallel_loop3A_1097], %parallel_loop3A_1092 {strides = array<i32>} : memref<8x2x128xf32, #tpu.memory_space<vmem>>, vector<16xf32>,
      %parallel_loop3A_1099 = arith.constant 1 : i32
      %parallel_loop3A_1100 = arith.index_cast %parallel_loop3A_9 : i32 to index
      %parallel_loop3A_1101 = arith.index_cast %parallel_loop3A_1099 : i32 to index
      %parallel_loop3A_1102 = arith.constant 80 : index
      %parallel_loop3A_1103 = tpu.vector_load %arg6[%parallel_loop3A_1100, %parallel_loop3A_1101, %parallel_loop3A_1102] {strides = array<i32>} : memref<8x2x128xf32, #tpu.memory_space<vmem>>, vector<16xf32>,
      tpu.vector_store %arg6[%parallel_loop3A_1100, %parallel_loop3A_1101, %parallel_loop3A_1102], %parallel_loop3A_1093 {strides = array<i32>} : memref<8x2x128xf32, #tpu.memory_space<vmem>>, vector<16xf32>,
      %parallel_loop3A_1104 = arith.constant 0 : i32
      %parallel_loop3A_1105 = arith.index_cast %parallel_loop3A_9 : i32 to index
      %parallel_loop3A_1106 = arith.index_cast %parallel_loop3A_1104 : i32 to index
      %parallel_loop3A_1107 = arith.constant 80 : index
      %parallel_loop3A_1108 = tpu.vector_load %arg7[%parallel_loop3A_1105, %parallel_loop3A_1106, %parallel_loop3A_1107] {strides = array<i32>} : memref<8x2x128xi32, #tpu.memory_space<vmem>>, vector<16xi32>,
      tpu.vector_store %arg7[%parallel_loop3A_1105, %parallel_loop3A_1106, %parallel_loop3A_1107], %parallel_loop3A_1004 {strides = array<i32>} : memref<8x2x128xi32, #tpu.memory_space<vmem>>, vector<16xi32>,
      %parallel_loop3A_1109 = arith.constant 1 : i32
      %parallel_loop3A_1110 = arith.index_cast %parallel_loop3A_9 : i32 to index
      %parallel_loop3A_1111 = arith.index_cast %parallel_loop3A_1109 : i32 to index
      %parallel_loop3A_1112 = arith.constant 80 : index
      %parallel_loop3A_1113 = tpu.vector_load %arg7[%parallel_loop3A_1110, %parallel_loop3A_1111, %parallel_loop3A_1112] {strides = array<i32>} : memref<8x2x128xi32, #tpu.memory_space<vmem>>, vector<16xi32>,
      tpu.vector_store %arg7[%parallel_loop3A_1110, %parallel_loop3A_1111, %parallel_loop3A_1112], %parallel_loop3A_1084 {strides = array<i32>} : memref<8x2x128xi32, #tpu.memory_space<vmem>>, vector<16xi32>,
      %parallel_loop3A_1114 = arith.constant 0 : i32
      %parallel_loop3A_1115 = arith.index_cast %parallel_loop3A_9 : i32 to index
      %parallel_loop3A_1116 = arith.index_cast %parallel_loop3A_1114 : i32 to index
      %parallel_loop3A_1117 = arith.constant 96 : index
      %parallel_loop3A_1118 = tpu.vector_load %arg5[%parallel_loop3A_1115, %parallel_loop3A_1116, %parallel_loop3A_1117] {strides = array<i32>} : memref<8x8x128xf32, #tpu.memory_space<vmem>>, vector<16xf32>,
      %parallel_loop3A_1119 = arith.constant 1 : i32
      %parallel_loop3A_1120 = arith.index_cast %parallel_loop3A_9 : i32 to index
      %parallel_loop3A_1121 = arith.index_cast %parallel_loop3A_1119 : i32 to index
      %parallel_loop3A_1122 = arith.constant 96 : index
      %parallel_loop3A_1123 = tpu.vector_load %arg5[%parallel_loop3A_1120, %parallel_loop3A_1121, %parallel_loop3A_1122] {strides = array<i32>} : memref<8x8x128xf32, #tpu.memory_space<vmem>>, vector<16xf32>,
      %parallel_loop3A_1124 = arith.constant 2 : i32
      %parallel_loop3A_1125 = arith.index_cast %parallel_loop3A_9 : i32 to index
      %parallel_loop3A_1126 = arith.index_cast %parallel_loop3A_1124 : i32 to index
      %parallel_loop3A_1127 = arith.constant 96 : index
      %parallel_loop3A_1128 = tpu.vector_load %arg5[%parallel_loop3A_1125, %parallel_loop3A_1126, %parallel_loop3A_1127] {strides = array<i32>} : memref<8x8x128xf32, #tpu.memory_space<vmem>>, vector<16xf32>,
      %parallel_loop3A_1129 = arith.constant 3 : i32
      %parallel_loop3A_1130 = arith.index_cast %parallel_loop3A_9 : i32 to index
      %parallel_loop3A_1131 = arith.index_cast %parallel_loop3A_1129 : i32 to index
      %parallel_loop3A_1132 = arith.constant 96 : index
      %parallel_loop3A_1133 = tpu.vector_load %arg5[%parallel_loop3A_1130, %parallel_loop3A_1131, %parallel_loop3A_1132] {strides = array<i32>} : memref<8x8x128xf32, #tpu.memory_space<vmem>>, vector<16xf32>,
      %parallel_loop3A_1134 = arith.constant 4 : i32
      %parallel_loop3A_1135 = arith.index_cast %parallel_loop3A_9 : i32 to index
      %parallel_loop3A_1136 = arith.index_cast %parallel_loop3A_1134 : i32 to index
      %parallel_loop3A_1137 = arith.constant 96 : index
      %parallel_loop3A_1138 = tpu.vector_load %arg5[%parallel_loop3A_1135, %parallel_loop3A_1136, %parallel_loop3A_1137] {strides = array<i32>} : memref<8x8x128xf32, #tpu.memory_space<vmem>>, vector<16xf32>,
      %parallel_loop3A_1139 = arith.constant 5 : i32
      %parallel_loop3A_1140 = arith.index_cast %parallel_loop3A_9 : i32 to index
      %parallel_loop3A_1141 = arith.index_cast %parallel_loop3A_1139 : i32 to index
      %parallel_loop3A_1142 = arith.constant 96 : index
      %parallel_loop3A_1143 = tpu.vector_load %arg5[%parallel_loop3A_1140, %parallel_loop3A_1141, %parallel_loop3A_1142] {strides = array<i32>} : memref<8x8x128xf32, #tpu.memory_space<vmem>>, vector<16xf32>,
      %parallel_loop3A_1144 = arith.constant 6 : i32
      %parallel_loop3A_1145 = arith.index_cast %parallel_loop3A_9 : i32 to index
      %parallel_loop3A_1146 = arith.index_cast %parallel_loop3A_1144 : i32 to index
      %parallel_loop3A_1147 = arith.constant 96 : index
      %parallel_loop3A_1148 = tpu.vector_load %arg5[%parallel_loop3A_1145, %parallel_loop3A_1146, %parallel_loop3A_1147] {strides = array<i32>} : memref<8x8x128xf32, #tpu.memory_space<vmem>>, vector<16xf32>,
      %parallel_loop3A_1149 = arith.constant 7 : i32
      %parallel_loop3A_1150 = arith.index_cast %parallel_loop3A_9 : i32 to index
      %parallel_loop3A_1151 = arith.index_cast %parallel_loop3A_1149 : i32 to index
      %parallel_loop3A_1152 = arith.constant 96 : index
      %parallel_loop3A_1153 = tpu.vector_load %arg5[%parallel_loop3A_1150, %parallel_loop3A_1151, %parallel_loop3A_1152] {strides = array<i32>} : memref<8x8x128xf32, #tpu.memory_space<vmem>>, vector<16xf32>,
      %parallel_loop3A_1154 = arith.cmpf ogt, %parallel_loop3A_1123, %parallel_loop3A_1118 : vector<16xf32>
      %parallel_loop3A_1155 = arith.select %parallel_loop3A_1154, %parallel_loop3A_1123, %parallel_loop3A_1118 : vector<16xi1>, vector<16xf32>
      %parallel_loop3A_1156 = arith.constant 1 : i32
      %parallel_loop3A_1157 = vector.broadcast %parallel_loop3A_1156 : i32 to vector<16xi32>
      %parallel_loop3A_1158 = arith.select %parallel_loop3A_1154, %parallel_loop3A_1157, %broadcast_in_dim3A_3 : vector<16xi1>, vector<16xi32>
      %parallel_loop3A_1159 = arith.cmpf ogt, %parallel_loop3A_1128, %parallel_loop3A_1155 : vector<16xf32>
      %parallel_loop3A_1160 = arith.select %parallel_loop3A_1159, %parallel_loop3A_1128, %parallel_loop3A_1155 : vector<16xi1>, vector<16xf32>
      %parallel_loop3A_1161 = arith.constant 2 : i32
      %parallel_loop3A_1162 = vector.broadcast %parallel_loop3A_1161 : i32 to vector<16xi32>
      %parallel_loop3A_1163 = arith.select %parallel_loop3A_1159, %parallel_loop3A_1162, %parallel_loop3A_1158 : vector<16xi1>, vector<16xi32>
      %parallel_loop3A_1164 = arith.cmpf ogt, %parallel_loop3A_1133, %parallel_loop3A_1160 : vector<16xf32>
      %parallel_loop3A_1165 = arith.select %parallel_loop3A_1164, %parallel_loop3A_1133, %parallel_loop3A_1160 : vector<16xi1>, vector<16xf32>
      %parallel_loop3A_1166 = arith.constant 3 : i32
      %parallel_loop3A_1167 = vector.broadcast %parallel_loop3A_1166 : i32 to vector<16xi32>
      %parallel_loop3A_1168 = arith.select %parallel_loop3A_1164, %parallel_loop3A_1167, %parallel_loop3A_1163 : vector<16xi1>, vector<16xi32>
      %parallel_loop3A_1169 = arith.cmpf ogt, %parallel_loop3A_1138, %parallel_loop3A_1165 : vector<16xf32>
      %parallel_loop3A_1170 = arith.select %parallel_loop3A_1169, %parallel_loop3A_1138, %parallel_loop3A_1165 : vector<16xi1>, vector<16xf32>
      %parallel_loop3A_1171 = arith.constant 4 : i32
      %parallel_loop3A_1172 = vector.broadcast %parallel_loop3A_1171 : i32 to vector<16xi32>
      %parallel_loop3A_1173 = arith.select %parallel_loop3A_1169, %parallel_loop3A_1172, %parallel_loop3A_1168 : vector<16xi1>, vector<16xi32>
      %parallel_loop3A_1174 = arith.cmpf ogt, %parallel_loop3A_1143, %parallel_loop3A_1170 : vector<16xf32>
      %parallel_loop3A_1175 = arith.select %parallel_loop3A_1174, %parallel_loop3A_1143, %parallel_loop3A_1170 : vector<16xi1>, vector<16xf32>
      %parallel_loop3A_1176 = arith.constant 5 : i32
      %parallel_loop3A_1177 = vector.broadcast %parallel_loop3A_1176 : i32 to vector<16xi32>
      %parallel_loop3A_1178 = arith.select %parallel_loop3A_1174, %parallel_loop3A_1177, %parallel_loop3A_1173 : vector<16xi1>, vector<16xi32>
      %parallel_loop3A_1179 = arith.cmpf ogt, %parallel_loop3A_1148, %parallel_loop3A_1175 : vector<16xf32>
      %parallel_loop3A_1180 = arith.select %parallel_loop3A_1179, %parallel_loop3A_1148, %parallel_loop3A_1175 : vector<16xi1>, vector<16xf32>
      %parallel_loop3A_1181 = arith.constant 6 : i32
      %parallel_loop3A_1182 = vector.broadcast %parallel_loop3A_1181 : i32 to vector<16xi32>
      %parallel_loop3A_1183 = arith.select %parallel_loop3A_1179, %parallel_loop3A_1182, %parallel_loop3A_1178 : vector<16xi1>, vector<16xi32>
      %parallel_loop3A_1184 = arith.cmpf ogt, %parallel_loop3A_1153, %parallel_loop3A_1180 : vector<16xf32>
      %parallel_loop3A_1185 = arith.select %parallel_loop3A_1184, %parallel_loop3A_1153, %parallel_loop3A_1180 : vector<16xi1>, vector<16xf32>
      %parallel_loop3A_1186 = arith.constant 7 : i32
      %parallel_loop3A_1187 = vector.broadcast %parallel_loop3A_1186 : i32 to vector<16xi32>
      %parallel_loop3A_1188 = arith.select %parallel_loop3A_1184, %parallel_loop3A_1187, %parallel_loop3A_1183 : vector<16xi1>, vector<16xi32>
      %parallel_loop3A_1189 = arith.constant 0 : i32
      %parallel_loop3A_1190 = vector.broadcast %parallel_loop3A_1189 : i32 to vector<16xi32>
      %parallel_loop3A_1191 = arith.cmpi eq, %parallel_loop3A_1188, %parallel_loop3A_1190 : vector<16xi32>
      %parallel_loop3A_1192 = vector.broadcast %parallel_loop3A_8 : f32 to vector<16xf32>
      %parallel_loop3A_1193 = arith.select %parallel_loop3A_1191, %parallel_loop3A_1192, %parallel_loop3A_1118 : vector<16xi1>, vector<16xf32>
      %parallel_loop3A_1194 = arith.cmpf ogt, %parallel_loop3A_1193, %broadcast_in_dim3A_5 : vector<16xf32>
      %parallel_loop3A_1195 = arith.select %parallel_loop3A_1194, %parallel_loop3A_1193, %broadcast_in_dim3A_5 : vector<16xi1>, vector<16xf32>
      %parallel_loop3A_1196 = arith.constant 0 : i32
      %parallel_loop3A_1197 = vector.broadcast %parallel_loop3A_1196 : i32 to vector<16xi32>
      %parallel_loop3A_1198 = arith.select %parallel_loop3A_1194, %parallel_loop3A_1197, %broadcast_in_dim3A_3 : vector<16xi1>, vector<16xi32>
      %parallel_loop3A_1199 = arith.constant 1 : i32
      %parallel_loop3A_1200 = vector.broadcast %parallel_loop3A_1199 : i32 to vector<16xi32>
      %parallel_loop3A_1201 = arith.cmpi eq, %parallel_loop3A_1188, %parallel_loop3A_1200 : vector<16xi32>
      %parallel_loop3A_1202 = vector.broadcast %parallel_loop3A_8 : f32 to vector<16xf32>
      %parallel_loop3A_1203 = arith.select %parallel_loop3A_1201, %parallel_loop3A_1202, %parallel_loop3A_1123 : vector<16xi1>, vector<16xf32>
      %parallel_loop3A_1204 = arith.cmpf ogt, %parallel_loop3A_1203, %parallel_loop3A_1195 : vector<16xf32>
      %parallel_loop3A_1205 = arith.select %parallel_loop3A_1204, %parallel_loop3A_1203, %parallel_loop3A_1195 : vector<16xi1>, vector<16xf32>
      %parallel_loop3A_1206 = arith.constant 1 : i32
      %parallel_loop3A_1207 = vector.broadcast %parallel_loop3A_1206 : i32 to vector<16xi32>
      %parallel_loop3A_1208 = arith.select %parallel_loop3A_1204, %parallel_loop3A_1207, %parallel_loop3A_1198 : vector<16xi1>, vector<16xi32>
      %parallel_loop3A_1209 = arith.constant 2 : i32
      %parallel_loop3A_1210 = vector.broadcast %parallel_loop3A_1209 : i32 to vector<16xi32>
      %parallel_loop3A_1211 = arith.cmpi eq, %parallel_loop3A_1188, %parallel_loop3A_1210 : vector<16xi32>
      %parallel_loop3A_1212 = vector.broadcast %parallel_loop3A_8 : f32 to vector<16xf32>
      %parallel_loop3A_1213 = arith.select %parallel_loop3A_1211, %parallel_loop3A_1212, %parallel_loop3A_1128 : vector<16xi1>, vector<16xf32>
      %parallel_loop3A_1214 = arith.cmpf ogt, %parallel_loop3A_1213, %parallel_loop3A_1205 : vector<16xf32>
      %parallel_loop3A_1215 = arith.select %parallel_loop3A_1214, %parallel_loop3A_1213, %parallel_loop3A_1205 : vector<16xi1>, vector<16xf32>
      %parallel_loop3A_1216 = arith.constant 2 : i32
      %parallel_loop3A_1217 = vector.broadcast %parallel_loop3A_1216 : i32 to vector<16xi32>
      %parallel_loop3A_1218 = arith.select %parallel_loop3A_1214, %parallel_loop3A_1217, %parallel_loop3A_1208 : vector<16xi1>, vector<16xi32>
      %parallel_loop3A_1219 = arith.constant 3 : i32
      %parallel_loop3A_1220 = vector.broadcast %parallel_loop3A_1219 : i32 to vector<16xi32>
      %parallel_loop3A_1221 = arith.cmpi eq, %parallel_loop3A_1188, %parallel_loop3A_1220 : vector<16xi32>
      %parallel_loop3A_1222 = vector.broadcast %parallel_loop3A_8 : f32 to vector<16xf32>
      %parallel_loop3A_1223 = arith.select %parallel_loop3A_1221, %parallel_loop3A_1222, %parallel_loop3A_1133 : vector<16xi1>, vector<16xf32>
      %parallel_loop3A_1224 = arith.cmpf ogt, %parallel_loop3A_1223, %parallel_loop3A_1215 : vector<16xf32>
      %parallel_loop3A_1225 = arith.select %parallel_loop3A_1224, %parallel_loop3A_1223, %parallel_loop3A_1215 : vector<16xi1>, vector<16xf32>
      %parallel_loop3A_1226 = arith.constant 3 : i32
      %parallel_loop3A_1227 = vector.broadcast %parallel_loop3A_1226 : i32 to vector<16xi32>
      %parallel_loop3A_1228 = arith.select %parallel_loop3A_1224, %parallel_loop3A_1227, %parallel_loop3A_1218 : vector<16xi1>, vector<16xi32>
      %parallel_loop3A_1229 = arith.constant 4 : i32
      %parallel_loop3A_1230 = vector.broadcast %parallel_loop3A_1229 : i32 to vector<16xi32>
      %parallel_loop3A_1231 = arith.cmpi eq, %parallel_loop3A_1188, %parallel_loop3A_1230 : vector<16xi32>
      %parallel_loop3A_1232 = vector.broadcast %parallel_loop3A_8 : f32 to vector<16xf32>
      %parallel_loop3A_1233 = arith.select %parallel_loop3A_1231, %parallel_loop3A_1232, %parallel_loop3A_1138 : vector<16xi1>, vector<16xf32>
      %parallel_loop3A_1234 = arith.cmpf ogt, %parallel_loop3A_1233, %parallel_loop3A_1225 : vector<16xf32>
      %parallel_loop3A_1235 = arith.select %parallel_loop3A_1234, %parallel_loop3A_1233, %parallel_loop3A_1225 : vector<16xi1>, vector<16xf32>
      %parallel_loop3A_1236 = arith.constant 4 : i32
      %parallel_loop3A_1237 = vector.broadcast %parallel_loop3A_1236 : i32 to vector<16xi32>
      %parallel_loop3A_1238 = arith.select %parallel_loop3A_1234, %parallel_loop3A_1237, %parallel_loop3A_1228 : vector<16xi1>, vector<16xi32>
      %parallel_loop3A_1239 = arith.constant 5 : i32
      %parallel_loop3A_1240 = vector.broadcast %parallel_loop3A_1239 : i32 to vector<16xi32>
      %parallel_loop3A_1241 = arith.cmpi eq, %parallel_loop3A_1188, %parallel_loop3A_1240 : vector<16xi32>
      %parallel_loop3A_1242 = vector.broadcast %parallel_loop3A_8 : f32 to vector<16xf32>
      %parallel_loop3A_1243 = arith.select %parallel_loop3A_1241, %parallel_loop3A_1242, %parallel_loop3A_1143 : vector<16xi1>, vector<16xf32>
      %parallel_loop3A_1244 = arith.cmpf ogt, %parallel_loop3A_1243, %parallel_loop3A_1235 : vector<16xf32>
      %parallel_loop3A_1245 = arith.select %parallel_loop3A_1244, %parallel_loop3A_1243, %parallel_loop3A_1235 : vector<16xi1>, vector<16xf32>
      %parallel_loop3A_1246 = arith.constant 5 : i32
      %parallel_loop3A_1247 = vector.broadcast %parallel_loop3A_1246 : i32 to vector<16xi32>
      %parallel_loop3A_1248 = arith.select %parallel_loop3A_1244, %parallel_loop3A_1247, %parallel_loop3A_1238 : vector<16xi1>, vector<16xi32>
      %parallel_loop3A_1249 = arith.constant 6 : i32
      %parallel_loop3A_1250 = vector.broadcast %parallel_loop3A_1249 : i32 to vector<16xi32>
      %parallel_loop3A_1251 = arith.cmpi eq, %parallel_loop3A_1188, %parallel_loop3A_1250 : vector<16xi32>
      %parallel_loop3A_1252 = vector.broadcast %parallel_loop3A_8 : f32 to vector<16xf32>
      %parallel_loop3A_1253 = arith.select %parallel_loop3A_1251, %parallel_loop3A_1252, %parallel_loop3A_1148 : vector<16xi1>, vector<16xf32>
      %parallel_loop3A_1254 = arith.cmpf ogt, %parallel_loop3A_1253, %parallel_loop3A_1245 : vector<16xf32>
      %parallel_loop3A_1255 = arith.select %parallel_loop3A_1254, %parallel_loop3A_1253, %parallel_loop3A_1245 : vector<16xi1>, vector<16xf32>
      %parallel_loop3A_1256 = arith.constant 6 : i32
      %parallel_loop3A_1257 = vector.broadcast %parallel_loop3A_1256 : i32 to vector<16xi32>
      %parallel_loop3A_1258 = arith.select %parallel_loop3A_1254, %parallel_loop3A_1257, %parallel_loop3A_1248 : vector<16xi1>, vector<16xi32>
      %parallel_loop3A_1259 = arith.constant 7 : i32
      %parallel_loop3A_1260 = vector.broadcast %parallel_loop3A_1259 : i32 to vector<16xi32>
      %parallel_loop3A_1261 = arith.cmpi eq, %parallel_loop3A_1188, %parallel_loop3A_1260 : vector<16xi32>
      %parallel_loop3A_1262 = vector.broadcast %parallel_loop3A_8 : f32 to vector<16xf32>
      %parallel_loop3A_1263 = arith.select %parallel_loop3A_1261, %parallel_loop3A_1262, %parallel_loop3A_1153 : vector<16xi1>, vector<16xf32>
      %parallel_loop3A_1264 = arith.cmpf ogt, %parallel_loop3A_1263, %parallel_loop3A_1255 : vector<16xf32>
      %parallel_loop3A_1265 = arith.select %parallel_loop3A_1264, %parallel_loop3A_1263, %parallel_loop3A_1255 : vector<16xi1>, vector<16xf32>
      %parallel_loop3A_1266 = arith.constant 7 : i32
      %parallel_loop3A_1267 = vector.broadcast %parallel_loop3A_1266 : i32 to vector<16xi32>
      %parallel_loop3A_1268 = arith.select %parallel_loop3A_1264, %parallel_loop3A_1267, %parallel_loop3A_1258 : vector<16xi1>, vector<16xi32>
      %parallel_loop3A_1269 = arith.subf %parallel_loop3A_1265, %parallel_loop3A_1185 : vector<16xf32>
      %parallel_loop3A_1270 = math.exp %parallel_loop3A_1269 : vector<16xf32>
      %parallel_loop3A_1271 = arith.constant 1.000000e+00 : f32
      %parallel_loop3A_1272 = vector.broadcast %parallel_loop3A_1271 : f32 to vector<16xf32>
      %parallel_loop3A_1273 = arith.addf %parallel_loop3A_1272, %parallel_loop3A_1270 : vector<16xf32>
      %parallel_loop3A_1274 = arith.constant 1.000000e+00 : f32
      %parallel_loop3A_1275 = vector.broadcast %parallel_loop3A_1274 : f32 to vector<16xf32>
      %parallel_loop3A_1276 = arith.divf %parallel_loop3A_1275, %parallel_loop3A_1273 : vector<16xf32>
      %parallel_loop3A_1277 = arith.mulf %parallel_loop3A_1270, %parallel_loop3A_1276 : vector<16xf32>
      %parallel_loop3A_1278 = arith.constant 0 : i32
      %parallel_loop3A_1279 = arith.index_cast %parallel_loop3A_9 : i32 to index
      %parallel_loop3A_1280 = arith.index_cast %parallel_loop3A_1278 : i32 to index
      %parallel_loop3A_1281 = arith.constant 96 : index
      %parallel_loop3A_1282 = tpu.vector_load %arg6[%parallel_loop3A_1279, %parallel_loop3A_1280, %parallel_loop3A_1281] {strides = array<i32>} : memref<8x2x128xf32, #tpu.memory_space<vmem>>, vector<16xf32>,
      tpu.vector_store %arg6[%parallel_loop3A_1279, %parallel_loop3A_1280, %parallel_loop3A_1281], %parallel_loop3A_1276 {strides = array<i32>} : memref<8x2x128xf32, #tpu.memory_space<vmem>>, vector<16xf32>,
      %parallel_loop3A_1283 = arith.constant 1 : i32
      %parallel_loop3A_1284 = arith.index_cast %parallel_loop3A_9 : i32 to index
      %parallel_loop3A_1285 = arith.index_cast %parallel_loop3A_1283 : i32 to index
      %parallel_loop3A_1286 = arith.constant 96 : index
      %parallel_loop3A_1287 = tpu.vector_load %arg6[%parallel_loop3A_1284, %parallel_loop3A_1285, %parallel_loop3A_1286] {strides = array<i32>} : memref<8x2x128xf32, #tpu.memory_space<vmem>>, vector<16xf32>,
      tpu.vector_store %arg6[%parallel_loop3A_1284, %parallel_loop3A_1285, %parallel_loop3A_1286], %parallel_loop3A_1277 {strides = array<i32>} : memref<8x2x128xf32, #tpu.memory_space<vmem>>, vector<16xf32>,
      %parallel_loop3A_1288 = arith.constant 0 : i32
      %parallel_loop3A_1289 = arith.index_cast %parallel_loop3A_9 : i32 to index
      %parallel_loop3A_1290 = arith.index_cast %parallel_loop3A_1288 : i32 to index
      %parallel_loop3A_1291 = arith.constant 96 : index
      %parallel_loop3A_1292 = tpu.vector_load %arg7[%parallel_loop3A_1289, %parallel_loop3A_1290, %parallel_loop3A_1291] {strides = array<i32>} : memref<8x2x128xi32, #tpu.memory_space<vmem>>, vector<16xi32>,
      tpu.vector_store %arg7[%parallel_loop3A_1289, %parallel_loop3A_1290, %parallel_loop3A_1291], %parallel_loop3A_1188 {strides = array<i32>} : memref<8x2x128xi32, #tpu.memory_space<vmem>>, vector<16xi32>,
      %parallel_loop3A_1293 = arith.constant 1 : i32
      %parallel_loop3A_1294 = arith.index_cast %parallel_loop3A_9 : i32 to index
      %parallel_loop3A_1295 = arith.index_cast %parallel_loop3A_1293 : i32 to index
      %parallel_loop3A_1296 = arith.constant 96 : index
      %parallel_loop3A_1297 = tpu.vector_load %arg7[%parallel_loop3A_1294, %parallel_loop3A_1295, %parallel_loop3A_1296] {strides = array<i32>} : memref<8x2x128xi32, #tpu.memory_space<vmem>>, vector<16xi32>,
      tpu.vector_store %arg7[%parallel_loop3A_1294, %parallel_loop3A_1295, %parallel_loop3A_1296], %parallel_loop3A_1268 {strides = array<i32>} : memref<8x2x128xi32, #tpu.memory_space<vmem>>, vector<16xi32>,
      %parallel_loop3A_1298 = arith.constant 0 : i32
      %parallel_loop3A_1299 = arith.index_cast %parallel_loop3A_9 : i32 to index
      %parallel_loop3A_1300 = arith.index_cast %parallel_loop3A_1298 : i32 to index
      %parallel_loop3A_1301 = arith.constant 112 : index
      %parallel_loop3A_1302 = tpu.vector_load %arg5[%parallel_loop3A_1299, %parallel_loop3A_1300, %parallel_loop3A_1301] {strides = array<i32>} : memref<8x8x128xf32, #tpu.memory_space<vmem>>, vector<16xf32>,
      %parallel_loop3A_1303 = arith.constant 1 : i32
      %parallel_loop3A_1304 = arith.index_cast %parallel_loop3A_9 : i32 to index
      %parallel_loop3A_1305 = arith.index_cast %parallel_loop3A_1303 : i32 to index
      %parallel_loop3A_1306 = arith.constant 112 : index
      %parallel_loop3A_1307 = tpu.vector_load %arg5[%parallel_loop3A_1304, %parallel_loop3A_1305, %parallel_loop3A_1306] {strides = array<i32>} : memref<8x8x128xf32, #tpu.memory_space<vmem>>, vector<16xf32>,
      %parallel_loop3A_1308 = arith.constant 2 : i32
      %parallel_loop3A_1309 = arith.index_cast %parallel_loop3A_9 : i32 to index
      %parallel_loop3A_1310 = arith.index_cast %parallel_loop3A_1308 : i32 to index
      %parallel_loop3A_1311 = arith.constant 112 : index
      %parallel_loop3A_1312 = tpu.vector_load %arg5[%parallel_loop3A_1309, %parallel_loop3A_1310, %parallel_loop3A_1311] {strides = array<i32>} : memref<8x8x128xf32, #tpu.memory_space<vmem>>, vector<16xf32>,
      %parallel_loop3A_1313 = arith.constant 3 : i32
      %parallel_loop3A_1314 = arith.index_cast %parallel_loop3A_9 : i32 to index
      %parallel_loop3A_1315 = arith.index_cast %parallel_loop3A_1313 : i32 to index
      %parallel_loop3A_1316 = arith.constant 112 : index
      %parallel_loop3A_1317 = tpu.vector_load %arg5[%parallel_loop3A_1314, %parallel_loop3A_1315, %parallel_loop3A_1316] {strides = array<i32>} : memref<8x8x128xf32, #tpu.memory_space<vmem>>, vector<16xf32>,
      %parallel_loop3A_1318 = arith.constant 4 : i32
      %parallel_loop3A_1319 = arith.index_cast %parallel_loop3A_9 : i32 to index
      %parallel_loop3A_1320 = arith.index_cast %parallel_loop3A_1318 : i32 to index
      %parallel_loop3A_1321 = arith.constant 112 : index
      %parallel_loop3A_1322 = tpu.vector_load %arg5[%parallel_loop3A_1319, %parallel_loop3A_1320, %parallel_loop3A_1321] {strides = array<i32>} : memref<8x8x128xf32, #tpu.memory_space<vmem>>, vector<16xf32>,
      %parallel_loop3A_1323 = arith.constant 5 : i32
      %parallel_loop3A_1324 = arith.index_cast %parallel_loop3A_9 : i32 to index
      %parallel_loop3A_1325 = arith.index_cast %parallel_loop3A_1323 : i32 to index
      %parallel_loop3A_1326 = arith.constant 112 : index
      %parallel_loop3A_1327 = tpu.vector_load %arg5[%parallel_loop3A_1324, %parallel_loop3A_1325, %parallel_loop3A_1326] {strides = array<i32>} : memref<8x8x128xf32, #tpu.memory_space<vmem>>, vector<16xf32>,
      %parallel_loop3A_1328 = arith.constant 6 : i32
      %parallel_loop3A_1329 = arith.index_cast %parallel_loop3A_9 : i32 to index
      %parallel_loop3A_1330 = arith.index_cast %parallel_loop3A_1328 : i32 to index
      %parallel_loop3A_1331 = arith.constant 112 : index
      %parallel_loop3A_1332 = tpu.vector_load %arg5[%parallel_loop3A_1329, %parallel_loop3A_1330, %parallel_loop3A_1331] {strides = array<i32>} : memref<8x8x128xf32, #tpu.memory_space<vmem>>, vector<16xf32>,
      %parallel_loop3A_1333 = arith.constant 7 : i32
      %parallel_loop3A_1334 = arith.index_cast %parallel_loop3A_9 : i32 to index
      %parallel_loop3A_1335 = arith.index_cast %parallel_loop3A_1333 : i32 to index
      %parallel_loop3A_1336 = arith.constant 112 : index
      %parallel_loop3A_1337 = tpu.vector_load %arg5[%parallel_loop3A_1334, %parallel_loop3A_1335, %parallel_loop3A_1336] {strides = array<i32>} : memref<8x8x128xf32, #tpu.memory_space<vmem>>, vector<16xf32>,
      %parallel_loop3A_1338 = arith.cmpf ogt, %parallel_loop3A_1307, %parallel_loop3A_1302 : vector<16xf32>
      %parallel_loop3A_1339 = arith.select %parallel_loop3A_1338, %parallel_loop3A_1307, %parallel_loop3A_1302 : vector<16xi1>, vector<16xf32>
      %parallel_loop3A_1340 = arith.constant 1 : i32
      %parallel_loop3A_1341 = vector.broadcast %parallel_loop3A_1340 : i32 to vector<16xi32>
      %parallel_loop3A_1342 = arith.select %parallel_loop3A_1338, %parallel_loop3A_1341, %broadcast_in_dim3A_3 : vector<16xi1>, vector<16xi32>
      %parallel_loop3A_1343 = arith.cmpf ogt, %parallel_loop3A_1312, %parallel_loop3A_1339 : vector<16xf32>
      %parallel_loop3A_1344 = arith.select %parallel_loop3A_1343, %parallel_loop3A_1312, %parallel_loop3A_1339 : vector<16xi1>, vector<16xf32>
      %parallel_loop3A_1345 = arith.constant 2 : i32
      %parallel_loop3A_1346 = vector.broadcast %parallel_loop3A_1345 : i32 to vector<16xi32>
      %parallel_loop3A_1347 = arith.select %parallel_loop3A_1343, %parallel_loop3A_1346, %parallel_loop3A_1342 : vector<16xi1>, vector<16xi32>
      %parallel_loop3A_1348 = arith.cmpf ogt, %parallel_loop3A_1317, %parallel_loop3A_1344 : vector<16xf32>
      %parallel_loop3A_1349 = arith.select %parallel_loop3A_1348, %parallel_loop3A_1317, %parallel_loop3A_1344 : vector<16xi1>, vector<16xf32>
      %parallel_loop3A_1350 = arith.constant 3 : i32
      %parallel_loop3A_1351 = vector.broadcast %parallel_loop3A_1350 : i32 to vector<16xi32>
      %parallel_loop3A_1352 = arith.select %parallel_loop3A_1348, %parallel_loop3A_1351, %parallel_loop3A_1347 : vector<16xi1>, vector<16xi32>
      %parallel_loop3A_1353 = arith.cmpf ogt, %parallel_loop3A_1322, %parallel_loop3A_1349 : vector<16xf32>
      %parallel_loop3A_1354 = arith.select %parallel_loop3A_1353, %parallel_loop3A_1322, %parallel_loop3A_1349 : vector<16xi1>, vector<16xf32>
      %parallel_loop3A_1355 = arith.constant 4 : i32
      %parallel_loop3A_1356 = vector.broadcast %parallel_loop3A_1355 : i32 to vector<16xi32>
      %parallel_loop3A_1357 = arith.select %parallel_loop3A_1353, %parallel_loop3A_1356, %parallel_loop3A_1352 : vector<16xi1>, vector<16xi32>
      %parallel_loop3A_1358 = arith.cmpf ogt, %parallel_loop3A_1327, %parallel_loop3A_1354 : vector<16xf32>
      %parallel_loop3A_1359 = arith.select %parallel_loop3A_1358, %parallel_loop3A_1327, %parallel_loop3A_1354 : vector<16xi1>, vector<16xf32>
      %parallel_loop3A_1360 = arith.constant 5 : i32
      %parallel_loop3A_1361 = vector.broadcast %parallel_loop3A_1360 : i32 to vector<16xi32>
      %parallel_loop3A_1362 = arith.select %parallel_loop3A_1358, %parallel_loop3A_1361, %parallel_loop3A_1357 : vector<16xi1>, vector<16xi32>
      %parallel_loop3A_1363 = arith.cmpf ogt, %parallel_loop3A_1332, %parallel_loop3A_1359 : vector<16xf32>
      %parallel_loop3A_1364 = arith.select %parallel_loop3A_1363, %parallel_loop3A_1332, %parallel_loop3A_1359 : vector<16xi1>, vector<16xf32>
      %parallel_loop3A_1365 = arith.constant 6 : i32
      %parallel_loop3A_1366 = vector.broadcast %parallel_loop3A_1365 : i32 to vector<16xi32>
      %parallel_loop3A_1367 = arith.select %parallel_loop3A_1363, %parallel_loop3A_1366, %parallel_loop3A_1362 : vector<16xi1>, vector<16xi32>
      %parallel_loop3A_1368 = arith.cmpf ogt, %parallel_loop3A_1337, %parallel_loop3A_1364 : vector<16xf32>
      %parallel_loop3A_1369 = arith.select %parallel_loop3A_1368, %parallel_loop3A_1337, %parallel_loop3A_1364 : vector<16xi1>, vector<16xf32>
      %parallel_loop3A_1370 = arith.constant 7 : i32
      %parallel_loop3A_1371 = vector.broadcast %parallel_loop3A_1370 : i32 to vector<16xi32>
      %parallel_loop3A_1372 = arith.select %parallel_loop3A_1368, %parallel_loop3A_1371, %parallel_loop3A_1367 : vector<16xi1>, vector<16xi32>
      %parallel_loop3A_1373 = arith.constant 0 : i32
      %parallel_loop3A_1374 = vector.broadcast %parallel_loop3A_1373 : i32 to vector<16xi32>
      %parallel_loop3A_1375 = arith.cmpi eq, %parallel_loop3A_1372, %parallel_loop3A_1374 : vector<16xi32>
      %parallel_loop3A_1376 = vector.broadcast %parallel_loop3A_8 : f32 to vector<16xf32>
      %parallel_loop3A_1377 = arith.select %parallel_loop3A_1375, %parallel_loop3A_1376, %parallel_loop3A_1302 : vector<16xi1>, vector<16xf32>
      %parallel_loop3A_1378 = arith.cmpf ogt, %parallel_loop3A_1377, %broadcast_in_dim3A_5 : vector<16xf32>
      %parallel_loop3A_1379 = arith.select %parallel_loop3A_1378, %parallel_loop3A_1377, %broadcast_in_dim3A_5 : vector<16xi1>, vector<16xf32>
      %parallel_loop3A_1380 = arith.constant 0 : i32
      %parallel_loop3A_1381 = vector.broadcast %parallel_loop3A_1380 : i32 to vector<16xi32>
      %parallel_loop3A_1382 = arith.select %parallel_loop3A_1378, %parallel_loop3A_1381, %broadcast_in_dim3A_3 : vector<16xi1>, vector<16xi32>
      %parallel_loop3A_1383 = arith.constant 1 : i32
      %parallel_loop3A_1384 = vector.broadcast %parallel_loop3A_1383 : i32 to vector<16xi32>
      %parallel_loop3A_1385 = arith.cmpi eq, %parallel_loop3A_1372, %parallel_loop3A_1384 : vector<16xi32>
      %parallel_loop3A_1386 = vector.broadcast %parallel_loop3A_8 : f32 to vector<16xf32>
      %parallel_loop3A_1387 = arith.select %parallel_loop3A_1385, %parallel_loop3A_1386, %parallel_loop3A_1307 : vector<16xi1>, vector<16xf32>
      %parallel_loop3A_1388 = arith.cmpf ogt, %parallel_loop3A_1387, %parallel_loop3A_1379 : vector<16xf32>
      %parallel_loop3A_1389 = arith.select %parallel_loop3A_1388, %parallel_loop3A_1387, %parallel_loop3A_1379 : vector<16xi1>, vector<16xf32>
      %parallel_loop3A_1390 = arith.constant 1 : i32
      %parallel_loop3A_1391 = vector.broadcast %parallel_loop3A_1390 : i32 to vector<16xi32>
      %parallel_loop3A_1392 = arith.select %parallel_loop3A_1388, %parallel_loop3A_1391, %parallel_loop3A_1382 : vector<16xi1>, vector<16xi32>
      %parallel_loop3A_1393 = arith.constant 2 : i32
      %parallel_loop3A_1394 = vector.broadcast %parallel_loop3A_1393 : i32 to vector<16xi32>
      %parallel_loop3A_1395 = arith.cmpi eq, %parallel_loop3A_1372, %parallel_loop3A_1394 : vector<16xi32>
      %parallel_loop3A_1396 = vector.broadcast %parallel_loop3A_8 : f32 to vector<16xf32>
      %parallel_loop3A_1397 = arith.select %parallel_loop3A_1395, %parallel_loop3A_1396, %parallel_loop3A_1312 : vector<16xi1>, vector<16xf32>
      %parallel_loop3A_1398 = arith.cmpf ogt, %parallel_loop3A_1397, %parallel_loop3A_1389 : vector<16xf32>
      %parallel_loop3A_1399 = arith.select %parallel_loop3A_1398, %parallel_loop3A_1397, %parallel_loop3A_1389 : vector<16xi1>, vector<16xf32>
      %parallel_loop3A_1400 = arith.constant 2 : i32
      %parallel_loop3A_1401 = vector.broadcast %parallel_loop3A_1400 : i32 to vector<16xi32>
      %parallel_loop3A_1402 = arith.select %parallel_loop3A_1398, %parallel_loop3A_1401, %parallel_loop3A_1392 : vector<16xi1>, vector<16xi32>
      %parallel_loop3A_1403 = arith.constant 3 : i32
      %parallel_loop3A_1404 = vector.broadcast %parallel_loop3A_1403 : i32 to vector<16xi32>
      %parallel_loop3A_1405 = arith.cmpi eq, %parallel_loop3A_1372, %parallel_loop3A_1404 : vector<16xi32>
      %parallel_loop3A_1406 = vector.broadcast %parallel_loop3A_8 : f32 to vector<16xf32>
      %parallel_loop3A_1407 = arith.select %parallel_loop3A_1405, %parallel_loop3A_1406, %parallel_loop3A_1317 : vector<16xi1>, vector<16xf32>
      %parallel_loop3A_1408 = arith.cmpf ogt, %parallel_loop3A_1407, %parallel_loop3A_1399 : vector<16xf32>
      %parallel_loop3A_1409 = arith.select %parallel_loop3A_1408, %parallel_loop3A_1407, %parallel_loop3A_1399 : vector<16xi1>, vector<16xf32>
      %parallel_loop3A_1410 = arith.constant 3 : i32
      %parallel_loop3A_1411 = vector.broadcast %parallel_loop3A_1410 : i32 to vector<16xi32>
      %parallel_loop3A_1412 = arith.select %parallel_loop3A_1408, %parallel_loop3A_1411, %parallel_loop3A_1402 : vector<16xi1>, vector<16xi32>
      %parallel_loop3A_1413 = arith.constant 4 : i32
      %parallel_loop3A_1414 = vector.broadcast %parallel_loop3A_1413 : i32 to vector<16xi32>
      %parallel_loop3A_1415 = arith.cmpi eq, %parallel_loop3A_1372, %parallel_loop3A_1414 : vector<16xi32>
      %parallel_loop3A_1416 = vector.broadcast %parallel_loop3A_8 : f32 to vector<16xf32>
      %parallel_loop3A_1417 = arith.select %parallel_loop3A_1415, %parallel_loop3A_1416, %parallel_loop3A_1322 : vector<16xi1>, vector<16xf32>
      %parallel_loop3A_1418 = arith.cmpf ogt, %parallel_loop3A_1417, %parallel_loop3A_1409 : vector<16xf32>
      %parallel_loop3A_1419 = arith.select %parallel_loop3A_1418, %parallel_loop3A_1417, %parallel_loop3A_1409 : vector<16xi1>, vector<16xf32>
      %parallel_loop3A_1420 = arith.constant 4 : i32
      %parallel_loop3A_1421 = vector.broadcast %parallel_loop3A_1420 : i32 to vector<16xi32>
      %parallel_loop3A_1422 = arith.select %parallel_loop3A_1418, %parallel_loop3A_1421, %parallel_loop3A_1412 : vector<16xi1>, vector<16xi32>
      %parallel_loop3A_1423 = arith.constant 5 : i32
      %parallel_loop3A_1424 = vector.broadcast %parallel_loop3A_1423 : i32 to vector<16xi32>
      %parallel_loop3A_1425 = arith.cmpi eq, %parallel_loop3A_1372, %parallel_loop3A_1424 : vector<16xi32>
      %parallel_loop3A_1426 = vector.broadcast %parallel_loop3A_8 : f32 to vector<16xf32>
      %parallel_loop3A_1427 = arith.select %parallel_loop3A_1425, %parallel_loop3A_1426, %parallel_loop3A_1327 : vector<16xi1>, vector<16xf32>
      %parallel_loop3A_1428 = arith.cmpf ogt, %parallel_loop3A_1427, %parallel_loop3A_1419 : vector<16xf32>
      %parallel_loop3A_1429 = arith.select %parallel_loop3A_1428, %parallel_loop3A_1427, %parallel_loop3A_1419 : vector<16xi1>, vector<16xf32>
      %parallel_loop3A_1430 = arith.constant 5 : i32
      %parallel_loop3A_1431 = vector.broadcast %parallel_loop3A_1430 : i32 to vector<16xi32>
      %parallel_loop3A_1432 = arith.select %parallel_loop3A_1428, %parallel_loop3A_1431, %parallel_loop3A_1422 : vector<16xi1>, vector<16xi32>
      %parallel_loop3A_1433 = arith.constant 6 : i32
      %parallel_loop3A_1434 = vector.broadcast %parallel_loop3A_1433 : i32 to vector<16xi32>
      %parallel_loop3A_1435 = arith.cmpi eq, %parallel_loop3A_1372, %parallel_loop3A_1434 : vector<16xi32>
      %parallel_loop3A_1436 = vector.broadcast %parallel_loop3A_8 : f32 to vector<16xf32>
      %parallel_loop3A_1437 = arith.select %parallel_loop3A_1435, %parallel_loop3A_1436, %parallel_loop3A_1332 : vector<16xi1>, vector<16xf32>
      %parallel_loop3A_1438 = arith.cmpf ogt, %parallel_loop3A_1437, %parallel_loop3A_1429 : vector<16xf32>
      %parallel_loop3A_1439 = arith.select %parallel_loop3A_1438, %parallel_loop3A_1437, %parallel_loop3A_1429 : vector<16xi1>, vector<16xf32>
      %parallel_loop3A_1440 = arith.constant 6 : i32
      %parallel_loop3A_1441 = vector.broadcast %parallel_loop3A_1440 : i32 to vector<16xi32>
      %parallel_loop3A_1442 = arith.select %parallel_loop3A_1438, %parallel_loop3A_1441, %parallel_loop3A_1432 : vector<16xi1>, vector<16xi32>
      %parallel_loop3A_1443 = arith.constant 7 : i32
      %parallel_loop3A_1444 = vector.broadcast %parallel_loop3A_1443 : i32 to vector<16xi32>
      %parallel_loop3A_1445 = arith.cmpi eq, %parallel_loop3A_1372, %parallel_loop3A_1444 : vector<16xi32>
      %parallel_loop3A_1446 = vector.broadcast %parallel_loop3A_8 : f32 to vector<16xf32>
      %parallel_loop3A_1447 = arith.select %parallel_loop3A_1445, %parallel_loop3A_1446, %parallel_loop3A_1337 : vector<16xi1>, vector<16xf32>
      %parallel_loop3A_1448 = arith.cmpf ogt, %parallel_loop3A_1447, %parallel_loop3A_1439 : vector<16xf32>
      %parallel_loop3A_1449 = arith.select %parallel_loop3A_1448, %parallel_loop3A_1447, %parallel_loop3A_1439 : vector<16xi1>, vector<16xf32>
      %parallel_loop3A_1450 = arith.constant 7 : i32
      %parallel_loop3A_1451 = vector.broadcast %parallel_loop3A_1450 : i32 to vector<16xi32>
      %parallel_loop3A_1452 = arith.select %parallel_loop3A_1448, %parallel_loop3A_1451, %parallel_loop3A_1442 : vector<16xi1>, vector<16xi32>
      %parallel_loop3A_1453 = arith.subf %parallel_loop3A_1449, %parallel_loop3A_1369 : vector<16xf32>
      %parallel_loop3A_1454 = math.exp %parallel_loop3A_1453 : vector<16xf32>
      %parallel_loop3A_1455 = arith.constant 1.000000e+00 : f32
      %parallel_loop3A_1456 = vector.broadcast %parallel_loop3A_1455 : f32 to vector<16xf32>
      %parallel_loop3A_1457 = arith.addf %parallel_loop3A_1456, %parallel_loop3A_1454 : vector<16xf32>
      %parallel_loop3A_1458 = arith.constant 1.000000e+00 : f32
      %parallel_loop3A_1459 = vector.broadcast %parallel_loop3A_1458 : f32 to vector<16xf32>
      %parallel_loop3A_1460 = arith.divf %parallel_loop3A_1459, %parallel_loop3A_1457 : vector<16xf32>
      %parallel_loop3A_1461 = arith.mulf %parallel_loop3A_1454, %parallel_loop3A_1460 : vector<16xf32>
      %parallel_loop3A_1462 = arith.constant 0 : i32
      %parallel_loop3A_1463 = arith.index_cast %parallel_loop3A_9 : i32 to index
      %parallel_loop3A_1464 = arith.index_cast %parallel_loop3A_1462 : i32 to index
      %parallel_loop3A_1465 = arith.constant 112 : index
      %parallel_loop3A_1466 = tpu.vector_load %arg6[%parallel_loop3A_1463, %parallel_loop3A_1464, %parallel_loop3A_1465] {strides = array<i32>} : memref<8x2x128xf32, #tpu.memory_space<vmem>>, vector<16xf32>,
      tpu.vector_store %arg6[%parallel_loop3A_1463, %parallel_loop3A_1464, %parallel_loop3A_1465], %parallel_loop3A_1460 {strides = array<i32>} : memref<8x2x128xf32, #tpu.memory_space<vmem>>, vector<16xf32>,
      %parallel_loop3A_1467 = arith.constant 1 : i32
      %parallel_loop3A_1468 = arith.index_cast %parallel_loop3A_9 : i32 to index
      %parallel_loop3A_1469 = arith.index_cast %parallel_loop3A_1467 : i32 to index
      %parallel_loop3A_1470 = arith.constant 112 : index
      %parallel_loop3A_1471 = tpu.vector_load %arg6[%parallel_loop3A_1468, %parallel_loop3A_1469, %parallel_loop3A_1470] {strides = array<i32>} : memref<8x2x128xf32, #tpu.memory_space<vmem>>, vector<16xf32>,
      tpu.vector_store %arg6[%parallel_loop3A_1468, %parallel_loop3A_1469, %parallel_loop3A_1470], %parallel_loop3A_1461 {strides = array<i32>} : memref<8x2x128xf32, #tpu.memory_space<vmem>>, vector<16xf32>,
      %parallel_loop3A_1472 = arith.constant 0 : i32
      %parallel_loop3A_1473 = arith.index_cast %parallel_loop3A_9 : i32 to index
      %parallel_loop3A_1474 = arith.index_cast %parallel_loop3A_1472 : i32 to index
      %parallel_loop3A_1475 = arith.constant 112 : index
      %parallel_loop3A_1476 = tpu.vector_load %arg7[%parallel_loop3A_1473, %parallel_loop3A_1474, %parallel_loop3A_1475] {strides = array<i32>} : memref<8x2x128xi32, #tpu.memory_space<vmem>>, vector<16xi32>,
      tpu.vector_store %arg7[%parallel_loop3A_1473, %parallel_loop3A_1474, %parallel_loop3A_1475], %parallel_loop3A_1372 {strides = array<i32>} : memref<8x2x128xi32, #tpu.memory_space<vmem>>, vector<16xi32>,
      %parallel_loop3A_1477 = arith.constant 1 : i32
      %parallel_loop3A_1478 = arith.index_cast %parallel_loop3A_9 : i32 to index
      %parallel_loop3A_1479 = arith.index_cast %parallel_loop3A_1477 : i32 to index
      %parallel_loop3A_1480 = arith.constant 112 : index
      %parallel_loop3A_1481 = tpu.vector_load %arg7[%parallel_loop3A_1478, %parallel_loop3A_1479, %parallel_loop3A_1480] {strides = array<i32>} : memref<8x2x128xi32, #tpu.memory_space<vmem>>, vector<16xi32>,
      tpu.vector_store %arg7[%parallel_loop3A_1478, %parallel_loop3A_1479, %parallel_loop3A_1480], %parallel_loop3A_1452 {strides = array<i32>} : memref<8x2x128xi32, #tpu.memory_space<vmem>>, vector<16xi32>,
    } {sc.loop_unroll_factor = 1 : i64, sc.parallel_access}
    "tpu.region"() ({
      %run_scoped3A = tpu.sem_alloc : memref<!tpu.dma_semaphore, #tpu.memory_space<semaphore_mem>>
      %dma_start3A = arith.constant 0 : i32
      %dma_start3A_9 = arith.constant 0 : i32
      %dma_start3A_10 = tpu.memref_slice %arg3[%mul3A_2, %dma_start3A, %dma_start3A_9] : memref<256x2x128xf32, #tpu.memory_space<hbm>> -> memref<8x2x128xf32, #tpu.memory_space<hbm>>
      %dma_start3A_11 = arith.constant 0 : i32
      %dma_start3A_12 = arith.constant 0 : i32
      %dma_start3A_13 = tpu.memref_slice %arg3[%mul3A_2, %dma_start3A_11, %dma_start3A_12] : memref<256x2x128xf32, #tpu.memory_space<hbm>> -> memref<8x2x128xf32, #tpu.memory_space<hbm>>
      tpu.enqueue_dma source(%arg6 : memref<8x2x128xf32, #tpu.memory_space<vmem>>) target(%dma_start3A_13 : memref<8x2x128xf32, #tpu.memory_space<hbm>>) target_semaphore(%run_scoped3A : memref<!tpu.dma_semaphore, #tpu.memory_space<semaphore_mem>>)
      %dma_wait3A = arith.constant 0 : i32
      %dma_wait3A_14 = arith.constant 0 : i32
      %dma_wait3A_15 = tpu.memref_slice %arg3[%mul3A_2, %dma_wait3A, %dma_wait3A_14] : memref<256x2x128xf32, #tpu.memory_space<hbm>> -> memref<8x2x128xf32, #tpu.memory_space<hbm>>
      %dma_wait3A_16 = arith.constant 0 : i32
      %dma_wait3A_17 = arith.constant 0 : i32
      %dma_wait3A_18 = tpu.memref_slice %arg3[%mul3A_2, %dma_wait3A_16, %dma_wait3A_17] : memref<256x2x128xf32, #tpu.memory_space<hbm>> -> memref<8x2x128xf32, #tpu.memory_space<hbm>>
      tpu.wait_dma2 semaphore(%run_scoped3A : memref<!tpu.dma_semaphore, #tpu.memory_space<semaphore_mem>>) src(%arg6 : memref<8x2x128xf32, #tpu.memory_space<vmem>>) dst(%dma_wait3A_18 : memref<8x2x128xf32, #tpu.memory_space<hbm>>)
      tpu.yield
    }) : () -> ()
    "tpu.region"() ({
      %run_scoped3A = tpu.sem_alloc : memref<!tpu.dma_semaphore, #tpu.memory_space<semaphore_mem>>
      %dma_start3A = arith.constant 0 : i32
      %dma_start3A_9 = arith.constant 0 : i32
      %dma_start3A_10 = tpu.memref_slice %arg4[%mul3A_2, %dma_start3A, %dma_start3A_9] : memref<256x2x128xi32, #tpu.memory_space<hbm>> -> memref<8x2x128xi32, #tpu.memory_space<hbm>>
      %dma_start3A_11 = arith.constant 0 : i32
      %dma_start3A_12 = arith.constant 0 : i32
      %dma_start3A_13 = tpu.memref_slice %arg4[%mul3A_2, %dma_start3A_11, %dma_start3A_12] : memref<256x2x128xi32, #tpu.memory_space<hbm>> -> memref<8x2x128xi32, #tpu.memory_space<hbm>>
      tpu.enqueue_dma source(%arg7 : memref<8x2x128xi32, #tpu.memory_space<vmem>>) target(%dma_start3A_13 : memref<8x2x128xi32, #tpu.memory_space<hbm>>) target_semaphore(%run_scoped3A : memref<!tpu.dma_semaphore, #tpu.memory_space<semaphore_mem>>)
      %dma_wait3A = arith.constant 0 : i32
      %dma_wait3A_14 = arith.constant 0 : i32
      %dma_wait3A_15 = tpu.memref_slice %arg4[%mul3A_2, %dma_wait3A, %dma_wait3A_14] : memref<256x2x128xi32, #tpu.memory_space<hbm>> -> memref<8x2x128xi32, #tpu.memory_space<hbm>>
      %dma_wait3A_16 = arith.constant 0 : i32
      %dma_wait3A_17 = arith.constant 0 : i32
      %dma_wait3A_18 = tpu.memref_slice %arg4[%mul3A_2, %dma_wait3A_16, %dma_wait3A_17] : memref<256x2x128xi32, #tpu.memory_space<hbm>> -> memref<8x2x128xi32, #tpu.memory_space<hbm>>
      tpu.wait_dma2 semaphore(%run_scoped3A : memref<!tpu.dma_semaphore, #tpu.memory_space<semaphore_mem>>) src(%arg7 : memref<8x2x128xi32, #tpu.memory_space<vmem>>) dst(%dma_wait3A_18 : memref<8x2x128xi32, #tpu.memory_space<hbm>>)
      tpu.yield
    }) : () -> ()
    return
  }
}

module attributes {stable_mosaic.version = 14 : i64} {
  func.func @_gate_body(%arg0: i32, %arg1: memref<2048x768xf32, #tpu.memory_space<vmem>>, %arg2: memref<768x8xf32, #tpu.memory_space<vmem>>, %arg3: memref<16x8x128xf32, #tpu.memory_space<vmem>>) attributes {dimension_semantics = [#tpu.dimension_semantics<arbitrary>], iteration_bounds = array<i64: 16>, scalar_prefetch = 0 : i64, scratch_operands = 0 : i64, tpu.core_type = #tpu.core_type<tc>, window_params = [{transform_indices = @transform_0, window_bounds = array<i64: 2048, 768>}, {pipeline_mode = #tpu.pipeline_mode<synchronous>, transform_indices = @transform_1, window_bounds = array<i64: 768, 8>}, {transform_indices = @transform_2, window_bounds = array<i64: 16, 8, 128>}]} {
    %get3A = arith.constant 0 : index
    %get3A_0 = arith.constant 0 : index
    %get3A_1 = vector.load %arg1[%get3A, %get3A_0] : memref<2048x768xf32, #tpu.memory_space<vmem>>, vector<2048x768xf32>
    %get3A_2 = arith.constant 0 : index
    %get3A_3 = arith.constant 0 : index
    %get3A_4 = vector.load %arg2[%get3A_2, %get3A_3] : memref<768x8xf32, #tpu.memory_space<vmem>>, vector<768x8xf32>
    %dot_general3A = arith.constant dense<0.000000e+00> : vector<2048x8xf32>
    %dot_general3A_5 = tpu.matmul %get3A_1, %get3A_4, %dot_general3A {dimension_numbers = #tpu.dot_dimension_numbers<[1], [0], [0], [1], [0, 0, 1, 1], [], []>, transpose_lhs_hint = false} : vector<2048x768xf32>, vector<768x8xf32>, vector<2048x8xf32> -> vector<2048x8xf32>
    %reshape3A = vector.shape_cast %dot_general3A_5 : vector<2048x8xf32> to vector<16x128x8xf32>
    %transpose3A = tpu.transpose %reshape3A, [0, 2, 1] : vector<16x128x8xf32> -> vector<16x8x128xf32>
    %swap3A = arith.constant 0 : index
    %swap3A_6 = arith.constant 0 : index
    %swap3A_7 = arith.constant 0 : index
    %swap3A_8 = vector.load %arg3[%swap3A, %swap3A_6, %swap3A_7] : memref<16x8x128xf32, #tpu.memory_space<vmem>>, vector<16x8x128xf32>
    tpu.vector_store %arg3[%swap3A, %swap3A_6, %swap3A_7], %transpose3A {strides = array<i32>} : memref<16x8x128xf32, #tpu.memory_space<vmem>>, vector<16x8x128xf32>,
    return
  }
  func.func @transform_0(%arg0: i32) -> (i32, i32) {
    %c0_i32 = arith.constant 0 : i32
    %c0_i32_0 = arith.constant 0 : i32
    return %arg0, %c0_i32 : i32, i32
  }
  func.func @transform_1(%arg0: i32) -> (i32, i32) {
    %c0_i32 = arith.constant 0 : i32
    %c0_i32_0 = arith.constant 0 : i32
    %c0_i32_1 = arith.constant 0 : i32
    return %c0_i32, %c0_i32_0 : i32, i32
  }
  func.func @transform_2(%arg0: i32) -> (i32, i32, i32) {
    %c0_i32 = arith.constant 0 : i32
    %c0_i32_0 = arith.constant 0 : i32
    %c0_i32_1 = arith.constant 0 : i32
    return %arg0, %c0_i32, %c0_i32_0 : i32, i32, i32
  }
}

</mosaic_0001>

<sc_bundles>
// kernel: kernel.4.cloned.1.call-start
scs
__scs_entry_jumppad:
0x0: {  	(pc) =	sbr.rel $0x88, $3  }
0x1: {  	(tag) =	ssettag $0x0;
	lr =	simm.s32 $0x1  }
0x2: {  	[smem:$0x3F9F] =	sst lr;
	_ =	strace $0xD0000000  }
0x3: {  	_ = 	snop  }
0x4: {  	_ = 	snop  }
0x5: {  	_ = 	snop  }
0x6: {  	_ = 	snop  }
0x7: {  	_ = 	snop  }
__scs_overlays_trampoline_lowered:
0x8: {  	[smem:$0x3FAE] =	sst s0  }
0x9: {  	[smem:$0x3FAF] =	sst s1  }
0xa: {  	[smem:$0x3FB0] =	sst s2  }
0xb: {  	[smem:$0x3FB1] =	sst s3  }
0xc: {  	[smem:$0x3FB2] =	sst s4  }
0xd: {  	[smem:$0x3FB3] =	sst s5  }
0xe: {  	[smem:$0x3FB4] =	sst s6  }
0xf: {  	[smem:$0x3FB5] =	sst s7  }
0x10: {  	[smem:$0x3FB6] =	sst s8  }
0x11: {  	[smem:$0x3FB7] =	sst s9;
	s0 =	simm.s32 @!p0 $0x0  }
0x12: {  	s1 =	sld [smem:$0x3F9D];
	s0 =	simm.s32 @p0 $0x1  }
0x13: {  	[smem:$0x3FB8] =	sst s0;
	s0 =	simm.s32 @!p1 $0x0  }
0x14: {  	s2 =	sld [smem:$0x3F9C];
	s0 =	simm.s32 @p1 $0x1  }
0x15: {  	[smem:$0x3FB9] =	sst s0;
	s0 =	simm.s32 @!p2 $0x0  }
0x16: {  	s3 =	sld [smem:$0x3FDB];
	s0 =	simm.s32 @p2 $0x1  }
0x17: {  	s4 =	simm.s32 $0x1BF5;
	[smem:$0x3FBB] =	sst s0  }
0x18: {  	s0 =	sld [smem:$0x3F9E];
	_ =	swait.ge [sflag:s4], $0x0  }
0x19: {  	s7 =	sld [smem:$0x3F9F]  }
0x1a: {  	s8 =	sadd.s32 $0xFFFFE003, lr  }
0x1b: {  	s9 =	sadd.s32 $0xFFFFFEF7, lr;
	s5 =	simm.s32 $0xFFFFFFFF;
	p2 =	slt.u32 s8, $0xFFFFF086  }
0x1c: {  	p1 =	slt.u32 s9, $0xF7A;
	s5 =	simm.s32 @!p2 $0x0  }
0x1d: {  	s5 =	simm.s32 @p1 $0x1;
	p0 =	seq.s32 s7, s2  }
0x1e: {  	s7 =	smul.u32 @!p0 $0xF7A, s2;
	p2 =	seq.s32 @!p0 s5, $0x0  }
0x1f: {  	s9 =	smul.u32 $0xF7A, s1;
	s8 =	simm.s32 @!p0 $0x1BF5;
	p2 =	por !p2, p0  }
0x20: {  	[sflag:s8] =	ssyncset.s32 @!p0 $0xFFFFF086;
	s6 =	sadd.s32 @!p0 s3, s7;
	s7 =	simm.s32 @!p0 $0x108  }
0x21: {  	s3 =	sadd.s32 s3, s9;
	s6 =	sadd.s32 @!p0 $0x88, s6;
	s7 =	simm.s32 @p2 $0x1082  }
0x22: {  	[simem:s7], [sflag:s8] =	dma.local @!p0 [hbm:s6], $0xF7A  }
0x23: {  	s9 =	sor.u32 $0xD0000000, s2;
	s6 =	simm.s32 $0x108;
	_ =	swait.ge @!p0 [sflag:s8], $0x0  }
0x24: {  	s3 =	sadd.s32 $0x88, s3;
	s6 =	simm.s32 @!p1 $0x1082;
	[sflag:s4] =	ssyncset.s32 $0xFFFFF086  }
0x25: {  	[simem:s6], [sflag:s4] =	dma.local [hbm:s3], $0xF7A  }
0x26: {  	[smem:$0x3F9F] =	sst s1;
	(tag) =	ssettag s2;
	_ =	strace s9  }
0x27: {  	s1 =	sld [smem:$0x3FAF]  }
0x28: {  	s2 =	sld [smem:$0x3FB0]  }
0x29: {  	s4 =	sld [smem:$0x3FB2]  }
0x2a: {  	p0 =	seq.s32 s5, $0x0;
	s5 =	sld [smem:$0x3FB3]  }
0x2b: {  	s6 =	sld [smem:$0x3FB4]  }
0x2c: {  	s7 =	sld [smem:$0x3FB5]  }
0x2d: {  	s3 =	simm.s32 $0x108;
	s8 =	sld [smem:$0x3FB6]  }
0x2e: {  	s3 =	simm.s32 @!p0 $0x1082;
	s9 =	sld [smem:$0x3FB7]  }
0x2f: {  	lr =	sadd.s32 s0, s3;
	s0 =	sld [smem:$0x3FAE]  }
0x30: {  	s3 =	sld [smem:$0x3FB1]  }
0x31: {  	[smem:$0x3FBA] =	sst s10  }
0x32: {  	s10 =	sld [smem:$0x3FB8];
	_ =	sdelay $0x3  }
0x33: {  	p0 =	seq.s32 s10, $0x1;
	s10 =	sld [smem:$0x3FBA];
	_ =	sdelay $0x3  }
0x34: {  	[smem:$0x3FBA] =	sst s10  }
0x35: {  	s10 =	sld [smem:$0x3FB9];
	_ =	sdelay $0x3  }
0x36: {  	p1 =	seq.s32 s10, $0x1;
	s10 =	sld [smem:$0x3FBA];
	_ =	sdelay $0x3  }
0x37: {  	[smem:$0x3FBA] =	sst s10  }
0x38: {  	s10 =	sld [smem:$0x3FBB]  }
0x39: {  	_ = 	snop;
	(pc) =	sbr.ind lr, $3  }
0x3a: {  	_ = 	snop  }
0x3b: {  	_ = 	snop  }
0x3c: {  	p2 =	seq.s32 s10, $0x1;
	s10 =	sld [smem:$0x3FBA]  }
0x3d: {  	_ =	shalt  }
0x3e: {  	_ =	shalt  }
0x3f: {  	_ =	shalt  }
0x40: {  	_ =	shalt  }
0x41: {  	_ =	shalt  }
0x42: {  	_ =	shalt  }
0x43: {  	_ =	shalt  }
0x44: {  	_ =	shalt  }
0x45: {  	_ =	shalt  }
0x46: {  	_ =	shalt  }
0x47: {  	_ =	shalt  }
0x48: {  	_ =	shalt  }
0x49: {  	_ =	shalt  }
0x4a: {  	_ =	shalt  }
0x4b: {  	_ =	shalt  }
0x4c: {  	_ =	shalt  }
0x4d: {  	_ =	shalt  }
0x4e: {  	_ =	shalt  }
0x4f: {  	_ =	shalt  }
0x50: {  	_ =	shalt  }
0x51: {  	_ =	shalt  }
0x52: {  	_ =	shalt  }
0x53: {  	_ =	shalt  }
0x54: {  	_ =	shalt  }
0x55: {  	_ =	shalt  }
0x56: {  	_ =	shalt  }
0x57: {  	_ =	shalt  }
0x58: {  	_ =	shalt  }
0x59: {  	_ =	shalt  }
0x5a: {  	_ =	shalt  }
0x5b: {  	_ =	shalt  }
0x5c: {  	_ =	shalt  }
0x5d: {  	_ =	shalt  }
0x5e: {  	_ =	shalt  }
0x5f: {  	_ =	shalt  }
0x60: {  	_ =	shalt  }
0x61: {  	_ =	shalt  }
0x62: {  	_ =	shalt  }
0x63: {  	_ =	shalt  }
0x64: {  	_ =	shalt  }
0x65: {  	_ =	shalt  }
0x66: {  	_ =	shalt  }
0x67: {  	_ =	shalt  }
0x68: {  	_ =	shalt  }
0x69: {  	_ =	shalt  }
0x6a: {  	_ =	shalt  }
0x6b: {  	_ =	shalt  }
0x6c: {  	_ =	shalt  }
0x6d: {  	_ =	shalt  }
0x6e: {  	_ =	shalt  }
0x6f: {  	_ =	shalt  }
0x70: {  	_ =	shalt  }
0x71: {  	_ =	shalt  }
0x72: {  	_ =	shalt  }
0x73: {  	_ =	shalt  }
0x74: {  	_ =	shalt  }
0x75: {  	_ =	shalt  }
0x76: {  	_ =	shalt  }
0x77: {  	_ =	shalt  }
0x78: {  	_ =	shalt  }
0x79: {  	_ =	shalt  }
0x7a: {  	_ =	shalt  }
0x7b: {  	_ =	shalt  }
0x7c: {  	_ =	shalt  }
0x7d: {  	_ =	shalt  }
0x7e: {  	_ =	shalt  }
0x7f: {  	_ =	shalt  }
0x80: {  	_ =	shalt  }
0x81: {  	_ =	shalt  }
0x82: {  	_ =	shalt  }
0x83: {  	_ =	shalt  }
0x84: {  	_ =	shalt  }
0x85: {  	_ =	shalt  }
0x86: {  	_ =	shalt  }
0x87: {  	_ =	shalt  }
.Lfunc_end0:
.L_simem_size_0:
called_computation_lowered:
.L_overlay_start_0:
0x88: {  	s2 =	sld [smem:$0x3FD9]  }
0x89: {  	s3 =	sld [smem:$0x3FFE];
	_ =	sdelay $0x1  }
0x8a: {  	s1 =	srdreg.scid  }
0x8b: {  	s0 =	sand.u32 $0x1, s1  }
0x8c: {  	s15 =	sshll.u32 s0, $0xA;
	s2 =	sadd.s32 s3, s2  }
0x8d: {  	s2 =	sadd.s32 s2, s15  }
0x8e: {  	[smem:$0x3FC6] =	sst s2  }
0x8f: {  	_ = 	snop  }
0x90: {  	s2 =	sld [smem:$0x3FD0];
	_ =	sdelay $0x2  }
0x91: {  	s16 =	simm.s32 $0xA;
	s4 =	simm.s32 $0x10  }
0x92: {  	[smem:s4], [sflag:s16] =	dma.local [hbm:s2], $0x1  }
0x93: {  	_ =	swait.eq [sflag:s16], $0x1  }
0x94: {  	s17 =	sld [smem:$0x10];
	[sflag:s16] =	ssyncset.done $0x0  }
0x95: {  	s18 =	sld [smem:$0x11];
	[sflag:s16] =	ssyncadd.s32 $0xFFFFFFFF  }
0x96: {  	s19 =	sld [smem:$0x12];
	(tm) =	ssettm $0x1  }
0x97: {  	s5 =	sld [smem:$0x3FFB];
	_ =	sdelay $0x3  }
0x98: {  	_ =	strace s5  }
0x99: {  	s5 =	sld [smem:$0x3FFC];
	_ =	sdelay $0x3  }
0x9a: {  	_ =	strace s5  }
0x9b: {  	s5 =	sld [smem:$0x3FFD];
	_ =	sdelay $0x3  }
0x9c: {  	_ =	strace s5  }
0x9d: {  	_ =	strace $0x8FFFFFFF  }
0x9e: {  	s20 =	sld [smem:$0x3FDB];
	_ =	sdelay $0x1  }
0x9f: {  	s6 =	simm.s32 $_scs_section_size  }
0xa0: {  	s7 =	simm.s32 $_size__tile_overlayer_lowered;
	s8 =	simm.s32 $_tile_overlayer_lowered  }
0xa1: {  	s23 =	simm.s32 $0x1BFF;
	s22 =	sshll.u32 s8, $0x1;
	s5 =	sadd.s32 s6, s20  }
0xa2: {  	s9 =	simm.s32 $0x0;
	s21 =	sshll.u32 s7, $0x1;
	s7 =	sadd.s32 s22, s5  }
0xa3: {  	[timem:s9], [sflag:s23] =	dma.local [hbm:s7], s21  }
0xa4: {  	_ =	swait.ge [sflag:s23], s21  }
0xa5: {  	s6 =	ssub.s32 $0x0, s21;
	[sflag:s23] =	ssyncset.done $0x0  }
0xa6: {  	[sflag:s23] =	ssyncadd.s32 s6;
	_ =	sdelay $0x1  }
0xa7: {  	s24 =	simm.s32 $0x1B8B  }
0xa8: {  	_ =	swait.ge [sflag:s24], $0x1  }
0xa9: {  	[sflag:s24] =	ssyncset.done $0x0  }
0xaa: {  	s25 =	simm.s32 $0x1B8E;
	[sflag:s24] =	ssyncadd.s32 $0xFFFFFFFF  }
0xab: {  	s26 =	simm.s32 $execute0_lowered;
	[smem:$0x3FD2] =	sst s25  }
0xac: {  	s6 =	sshll.u32 s26, $0x1;
	_ =	strace $0x80000046;
	[dreg:$0x1] =	wrdreg $0xFFFFFFFF  }
0xad: {  	s28 =	simm.s32 $_size_execute0_lowered;
	s5 =	sadd.s32 s5, s6;
	[dreg:$0x0] =	wrdreg $0x0  }
0xae: {  	s6 =	sshll.u32 s28, $0x1;
	[dreg:$0x2] =	wrdreg s5  }
0xaf: {  	[dreg:$0x3] =	wrdreg s6  }
0xb0: {  	[dreg:$0x4] =	wrdreg $0xC0  }
0xb1: {  	_ =	task [dreg:s9], $0x5FFFF  }
0xb2: {  	[dreg:$0x1] =	wrdreg $0xFFFFFFFF  }
0xb3: {  	[dreg:$0x0] =	wrdreg $0x60  }
0xb4: {  	[dreg:$0x2] =	wrdreg s19  }
0xb5: {  	[dreg:$0x3] =	wrdreg s17  }
0xb6: {  	[dreg:$0x4] =	wrdreg s18  }
0xb7: {  	[dreg:$0x5] =	wrdreg $0x9  }
0xb8: {  	_ =	task.clear_ibuf [dreg:s9], $0x6FFFF;
	_ =	strace $0x90000046  }
0xb9: {  	s29 =	simm.s32 $0x9;
	_ =	strace $0x80000048  }
0xba: {  	_ =	swait.ge [sflag:s29], $0x1  }
0xbb: {  	[sflag:s29] =	ssyncadd.s32 $0xFFFFFFFF  }
0xbc: {  	_ =	strace $0x90000048  }
0xbd: {  	_ =	sfence  }
0xbe: {  	s30 =	sld [smem:$0x0];
	_ =	sdelay $0x2  }
0xbf: {  	s31 =	sshll.u32 s1, $0xD;
	s1 =	sshrl.u32 s1, $0x2  }
0xc0: {  	s3 =	sand.u32 $0x4000, s31;
	s1 =	sadd.s32 s1, s30  }
0xc1: {  	s0 =	sor.u32 s3, s0;
	s1 =	sshll.u32 s1, $0x11  }
0xc2: {  	s0 =	sor.u32 s1, s0  }
0xc3: {  	s0 =	sadd.s32 $0x8F2B, s0  }
0xc4: {  	[sflag:s0] =	ssyncadd.remote.s32 $0x1  }
0xc5: {  	_ =	sfence.sel $0xFFFF  }
0xc6: {  	[dreg:$0x0] =	wrdreg $0xFFFFFFFF;
	(pc) =	sbr.abs _section_cstart, $3  }
0xc7: {  	[dreg:$0x1] =	wrdreg $0xFFFFFFFF  }
0xc8: {  	_ =	task.clear_ibuf [dreg:s9], $0x2FFFF;
	_ =	strace $0x9FFFFFFF  }
0xc9: {  	(tm) =	ssettm $0x7FFFFFFF  }
tec
execute0_lowered:
.L_overlay_start_1:
0x0: {  	(tag) =	ssettag $0x1  }
0x1: {  	s3 =	rddreg [dreg:$0x0]  }
0x2: {  	s4 =	rddreg [dreg:$0x1]  }
0x3: {  	s5 =	rddreg [dreg:$0x2]  }
0x4: {  	s0 =	rddreg [dreg:$0x3];
	s6 =	srdreg.scid  }
0x5: {  	s2 =	simm.s32 $0x0;
	s1 =	stileid.u32;
	s10 =	simm.s32 $0x0  }
0x6: {  	s6 =	sand.u32 $0x1, s6;
	[smem:$0x7FF] =	sst s2;
	s7 =	sshll.u32 s1, $0x4  }
0x7: {  	s8 =	sshll.u32 s6, $0x3;
	_ =	strace $0x80000047;
	s6 =	ssub.s32 $0x2, s6  }
0x8: {  	s7 =	sor.u32 s8, s7;
	s31 =	sshrl.u32 s6, $0x1;
	s8 =	simm.s32 $0x2000  }
0x9: {  	s9 =	sshll.u32 s7, $0x7;
	s7 =	sshll.u32 s7, $0x5;
	s6 =	ssub.s32 s6, s31  }
0xa: {  	s3 =	sadd.s32 s3, s9;
	s4 =	sadd.s32 s4, s7;
	s5 =	sadd.s32 s5, s7  }
0xb: {  	v0 =	vimm.s32 $0x0;
	s6 =	smax.u32 s6, $0x1;
	s7 =	simm.s32 $0x1;
	s9 =	simm.s32 $0x2800  }
.LBB2_1:
0xc: {  	[tilespmem:s2], [sflag:$0x1] =	stream.linear.gather [hbm4b:s3+s2], $0x2000, $0x38;
	[tilespmem:$0x3000] =	vst v63  }
0xd: {  	_ =	swait.ge [sflag:s7], $0x2000  }
0xe: {  	[sflag:s7] =	ssyncset.done $0x0  }
0xf: {  	s16 =	simm.s32 $0x200;
	[sflag:s7] =	ssyncadd.s32 $0xFFFFE000  }
0x10: {  	v1 =	vld [tilespmem:s16+$0xFFFFFE00]  }
0x11: {  	v2 =	vld [tilespmem:s16+$0xFFFFFE80];
	_ =	sdelay $0x1  }
0x12: {  	v3 =	vld [tilespmem:s16+$0xFFFFFF00];
	_ =	sdelay $0x1  }
0x13: {  	v4 =	vld [tilespmem:s16+$0xFFFFFF80]  }
0x14: {  	vm0 =	vgt.f32 v2, v1  }
0x15: {  	v5 =	vld [tilespmem:s16+$0x0];
	v6 =	vsel vm0, v2, v1  }
0x16: {  	vm1 =	vgt.f32 v3, v6  }
0x17: {  	v7 =	vld [tilespmem:s16+$0x80];
	v6 =	vsel vm1, v3, v6  }
0x18: {  	vm2 =	vgt.f32 v4, v6  }
0x19: {  	v8 =	vld [tilespmem:s16+$0x100];
	v6 =	vsel vm2, v4, v6  }
0x1a: {  	vm3 =	vgt.f32 v5, v6  }
0x1b: {  	v9 =	vld [tilespmem:s16+$0x180];
	v6 =	vsel vm3, v5, v6  }
0x1c: {  	v10 =	vsel vm0, $0x1, v0;
	vm0 =	vgt.f32 v7, v6  }
0x1d: {  	v10 =	vsel vm1, $0x2, v10;
	v6 =	vsel vm0, v7, v6  }
0x1e: {  	v10 =	vsel vm2, $0x3, v10;
	vm1 =	vgt.f32 v8, v6  }
0x1f: {  	v10 =	vsel vm3, $0x4, v10;
	v6 =	vsel vm1, v8, v6  }
0x20: {  	v10 =	vsel vm0, $0x5, v10;
	vm2 =	vgt.f32 v9, v6  }
0x21: {  	v10 =	vsel vm1, $0x6, v10;
	vm0 =	vmneg vm2  }
0x22: {  	v10 =	vnsel vm0, $0x7, v10  }
0x23: {  	vm2 =	veq.s32 v10, $0x0  }
0x24: {  	v1 =	vsel vm2, $0xF149F2CA, v1  }
0x25: {  	vm2 =	veq.s32 v10, $0x1;
	vm3 =	vgt.f32 v1, $-1.000000020e+30  }
0x26: {  	v2 =	vsel vm2, $0xF149F2CA, v2;
	v1 =	vnsel vm3, $0xF149F2CA, v1  }
0x27: {  	vm2 =	veq.s32 v10, $0x2;
	vm3 =	vgt.f32 v2, v1  }
0x28: {  	v3 =	vsel vm2, $0xF149F2CA, v3;
	v1 =	vsel vm3, v2, v1  }
0x29: {  	vm2 =	veq.s32 v10, $0x3;
	vm4 =	vgt.f32 v3, v1  }
0x2a: {  	v2 =	vsel vm2, $0xF149F2CA, v4;
	v1 =	vsel vm4, v3, v1  }
0x2b: {  	vm2 =	veq.s32 v10, $0x4;
	vm5 =	vgt.f32 v2, v1  }
0x2c: {  	v3 =	vsel vm2, $0xF149F2CA, v5;
	v1 =	vsel vm5, v2, v1  }
0x2d: {  	vm2 =	veq.s32 v10, $0x5;
	vm6 =	vgt.f32 v3, v1  }
0x2e: {  	v2 =	vsel vm2, $0xF149F2CA, v7;
	v1 =	vsel vm6, v3, v1  }
0x2f: {  	vm1 =	vmand vm1, vm0;
	vm2 =	vgt.f32 v2, v1  }
0x30: {  	v3 =	vsel vm1, $0xF149F2CA, v8;
	v1 =	vsel vm2, v2, v1  }
0x31: {  	vm1 =	vgt.f32 v3, v1  }
0x32: {  	v2 =	vnsel vm0, $0xF149F2CA, v9;
	v1 =	vsel vm1, v3, v1  }
0x33: {  	vm7 =	vgt.f32 v2, v1  }
0x34: {  	v3 =	vsel vm0, v6, v9;
	v1 =	vsel vm7, v2, v1  }
0x35: {  	v1 =	vsub.f32 v1, v3;
	_ =	sdelay $0x1  }
0x36: {  	v1 =	vmul.f32 $1.442695020e+00, v1;
	_ =	sdelay $0x1  }
0x37: {  	(erf) = vpow2.f32 v1;
	_ =	sdelay $0x8  }
0x38: {  	v1 =	vpop (erf)  }
0x39: {  	v2 =	vadd.f32 $1.000000000e+00, v1;
	_ =	sdelay $0x1  }
0x3a: {  	(erf) = vrcp.f32 v2;
	_ =	sdelay $0x2  }
0x3b: {  	v2 =	vsel vm3, $0x1, v0  }
0x3c: {  	v2 =	vsel vm4, $0x2, v2  }
0x3d: {  	v2 =	vsel vm5, $0x3, v2  }
0x3e: {  	v2 =	vsel vm6, $0x4, v2  }
0x3f: {  	v2 =	vsel vm2, $0x5, v2  }
0x40: {  	s11 =	simm.s32 $0x0;
	v2 =	vsel vm1, $0x6, v2  }
0x41: {  	[tilespmem:s11+$0x2800] =	vst v10;
	v2 =	vsel vm7, $0x7, v2;
	v3 =	vpop (erf)  }
0x42: {  	[tilespmem:s11+$0x2880] =	vst v2;
	v1 =	vmul.f32 v3, v1  }
0x43: {  	[tilespmem:s11+$0x2000] =	vst v3  }
0x44: {  	[tilespmem:s11+$0x2080] =	vst v1  }
0x45: {  	v1 =	vld [tilespmem:s16+$0xFFFFFE10]  }
0x46: {  	v2 =	vld [tilespmem:s16+$0xFFFFFE90];
	_ =	sdelay $0x1  }
0x47: {  	v3 =	vld [tilespmem:s16+$0xFFFFFF10];
	_ =	sdelay $0x1  }
0x48: {  	v4 =	vld [tilespmem:s16+$0xFFFFFF90]  }
0x49: {  	vm0 =	vgt.f32 v2, v1  }
0x4a: {  	v5 =	vld [tilespmem:s16+$0x10];
	v6 =	vsel vm0, v2, v1  }
0x4b: {  	vm1 =	vgt.f32 v3, v6  }
0x4c: {  	v7 =	vld [tilespmem:s16+$0x90];
	v6 =	vsel vm1, v3, v6  }
0x4d: {  	vm2 =	vgt.f32 v4, v6  }
0x4e: {  	v8 =	vld [tilespmem:s16+$0x110];
	v6 =	vsel vm2, v4, v6  }
0x4f: {  	vm3 =	vgt.f32 v5, v6  }
0x50: {  	v9 =	vld [tilespmem:s16+$0x190];
	v6 =	vsel vm3, v5, v6  }
0x51: {  	v10 =	vsel vm0, $0x1, v0;
	vm0 =	vgt.f32 v7, v6  }
0x52: {  	v10 =	vsel vm1, $0x2, v10;
	v6 =	vsel vm0, v7, v6  }
0x53: {  	v10 =	vsel vm2, $0x3, v10;
	vm1 =	vgt.f32 v8, v6  }
0x54: {  	v10 =	vsel vm3, $0x4, v10;
	v6 =	vsel vm1, v8, v6  }
0x55: {  	v10 =	vsel vm0, $0x5, v10;
	vm0 =	vgt.f32 v9, v6  }
0x56: {  	v10 =	vsel vm1, $0x6, v10;
	vm0 =	vmneg vm0  }
0x57: {  	v10 =	vnsel vm0, $0x7, v10  }
0x58: {  	vm2 =	veq.s32 v10, $0x0  }
0x59: {  	v1 =	vsel vm2, $0xF149F2CA, v1  }
0x5a: {  	vm2 =	veq.s32 v10, $0x1;
	vm3 =	vgt.f32 v1, $-1.000000020e+30  }
0x5b: {  	v2 =	vsel vm2, $0xF149F2CA, v2;
	v1 =	vnsel vm3, $0xF149F2CA, v1  }
0x5c: {  	vm2 =	veq.s32 v10, $0x2;
	vm3 =	vgt.f32 v2, v1  }
0x5d: {  	v3 =	vsel vm2, $0xF149F2CA, v3;
	v1 =	vsel vm3, v2, v1  }
0x5e: {  	vm2 =	veq.s32 v10, $0x3;
	vm4 =	vgt.f32 v3, v1  }
0x5f: {  	v2 =	vsel vm2, $0xF149F2CA, v4;
	v1 =	vsel vm4, v3, v1  }
0x60: {  	vm2 =	veq.s32 v10, $0x4;
	vm5 =	vgt.f32 v2, v1  }
0x61: {  	v3 =	vsel vm2, $0xF149F2CA, v5;
	v1 =	vsel vm5, v2, v1  }
0x62: {  	vm2 =	veq.s32 v10, $0x5;
	vm6 =	vgt.f32 v3, v1  }
0x63: {  	v2 =	vsel vm2, $0xF149F2CA, v7;
	v1 =	vsel vm6, v3, v1  }
0x64: {  	vm1 =	vmand vm1, vm0;
	vm2 =	vgt.f32 v2, v1  }
0x65: {  	v1 =	vsel vm2, v2, v1;
	v2 =	vsel vm1, $0xF149F2CA, v8  }
0x66: {  	vm1 =	vgt.f32 v2, v1  }
0x67: {  	v3 =	vnsel vm0, $0xF149F2CA, v9;
	v1 =	vsel vm1, v2, v1  }
0x68: {  	vm7 =	vgt.f32 v3, v1  }
0x69: {  	v2 =	vsel vm0, v6, v9;
	v1 =	vsel vm7, v3, v1  }
0x6a: {  	v1 =	vsub.f32 v1, v2;
	_ =	sdelay $0x1  }
0x6b: {  	v1 =	vmul.f32 $1.442695020e+00, v1;
	_ =	sdelay $0x1  }
0x6c: {  	(erf) = vpow2.f32 v1;
	_ =	sdelay $0x8  }
0x6d: {  	v1 =	vpop (erf)  }
0x6e: {  	v2 =	vadd.f32 $1.000000000e+00, v1;
	_ =	sdelay $0x1  }
0x6f: {  	(erf) = vrcp.f32 v2;
	_ =	sdelay $0x2  }
0x70: {  	v2 =	vsel vm3, $0x1, v0  }
0x71: {  	s15 =	simm.s32 $0x600;
	v2 =	vsel vm4, $0x2, v2  }
0x72: {  	v4 =	vld [tilespmem:s15+$0xFFFFFE80];
	v2 =	vsel vm5, $0x3, v2  }
0x73: {  	v3 =	vld [tilespmem:s15+$0xFFFFFE00];
	v2 =	vsel vm6, $0x4, v2  }
0x74: {  	v2 =	vsel vm2, $0x5, v2  }
0x75: {  	v5 =	vld [tilespmem:s15+$0xFFFFFF00];
	v2 =	vsel vm1, $0x6, v2  }
0x76: {  	[tilespmem:s11+$0x2810] =	vst v10;
	v2 =	vsel vm7, $0x7, v2;
	v6 =	vpop (erf)  }
0x77: {  	v7 =	vld [tilespmem:s15+$0xFFFFFF80];
	[tilespmem:s11+$0x2890] =	vst v2;
	v1 =	vmul.f32 v6, v1  }
0x78: {  	vm0 =	vgt.f32 v4, v3;
	v2 =	vld [tilespmem:s15+$0x80];
	[tilespmem:s11+$0x2010] =	vst v6  }
0x79: {  	v8 =	vsel vm0, v4, v3;
	v6 =	vld [tilespmem:s15+$0x0];
	[tilespmem:s11+$0x2090] =	vst v1  }
0x7a: {  	vm1 =	vgt.f32 v5, v8;
	v9 =	vld [tilespmem:s16+$0xFFFFFE20]  }
0x7b: {  	v1 =	vsel vm1, v5, v8;
	v8 =	vld [tilespmem:s16+$0xFFFFFEA0]  }
0x7c: {  	v10 =	vld [tilespmem:s15+$0x100];
	vm2 =	vgt.f32 v7, v1  }
0x7d: {  	v11 =	vld [tilespmem:s16+$0xFFFFFF20];
	v1 =	vsel vm2, v7, v1  }
0x7e: {  	vm3 =	vgt.f32 v6, v1  }
0x7f: {  	v13 =	vld [tilespmem:s16+$0xFFFFFFA0];
	v1 =	vsel vm3, v6, v1  }
0x80: {  	v12 =	vld [tilespmem:s15+$0x180];
	v14 =	vsel vm0, $0x1, v0;
	vm0 =	vgt.f32 v2, v1;
	vm4 =	vgt.f32 v8, v9  }
0x81: {  	v14 =	vsel vm1, $0x2, v14;
	v16 =	vld [tilespmem:s16+$0x20];
	v1 =	vsel vm0, v2, v1;
	v15 =	vsel vm4, v8, v9  }
0x82: {  	v14 =	vsel vm2, $0x3, v14;
	vm1 =	vgt.f32 v10, v1;
	vm2 =	vgt.f32 v11, v15  }
0x83: {  	v17 =	vsel vm1, v10, v1;
	v1 =	vsel vm3, $0x4, v14;
	v14 =	vsel vm2, v11, v15;
	v15 =	vld [tilespmem:s16+$0xA0]  }
0x84: {  	v20 =	vsel vm4, $0x1, v0;
	v1 =	vsel vm0, $0x5, v1;
	vm0 =	vgt.f32 v13, v14  }
0x85: {  	v18 =	vld [tilespmem:s16+$0x120];
	vm3 =	vgt.f32 v12, v17;
	v20 =	vsel vm2, $0x2, v20;
	v14 =	vsel vm0, v13, v14  }
0x86: {  	vm7 =	vmneg vm3;
	v1 =	vsel vm1, $0x6, v1;
	vm3 =	vgt.f32 v16, v14  }
0x87: {  	v19 =	vld [tilespmem:s16+$0x1A0];
	v1 =	vnsel vm7, $0x7, v1;
	vm1 =	vmand vm1, vm7;
	v14 =	vsel vm3, v16, v14  }
0x88: {  	v20 =	vsel vm0, $0x3, v20;
	vm6 =	veq.s32 v1, $0x5;
	vm4 =	vgt.f32 v15, v14  }
0x89: {  	v10 =	vsel vm1, $0xF149F2CA, v10;
	vm1 =	veq.s32 v1, $0x3;
	v14 =	vsel vm4, v15, v14  }
0x8a: {  	vm8 =	veq.s32 v1, $0x4;
	vm2 =	veq.s32 v1, $0x0;
	vm5 =	vgt.f32 v18, v14  }
0x8b: {  	vm0 =	veq.s32 v1, $0x1;
	v20 =	vsel vm3, $0x4, v20;
	v14 =	vsel vm5, v18, v14  }
0x8c: {  	vm3 =	veq.s32 v1, $0x2;
	v20 =	vsel vm4, $0x5, v20;
	vm4 =	vgt.f32 v19, v14  }
0x8d: {  	v6 =	vsel vm8, $0xF149F2CA, v6;
	v20 =	vsel vm5, $0x6, v20;
	vm8 =	vmneg vm4  }
0x8e: {  	v2 =	vsel vm6, $0xF149F2CA, v2;
	v7 =	vsel vm1, $0xF149F2CA, v7;
	v20 =	vnsel vm8, $0x7, v20  }
0x8f: {  	v3 =	vsel vm2, $0xF149F2CA, v3;
	v4 =	vsel vm0, $0xF149F2CA, v4;
	vm1 =	veq.s32 v20, $0x0  }
0x90: {  	v5 =	vsel vm3, $0xF149F2CA, v5;
	vm0 =	vgt.f32 v3, $-1.000000020e+30;
	v9 =	vsel vm1, $0xF149F2CA, v9  }
0x91: {  	v3 =	vnsel vm0, $0xF149F2CA, v3;
	vm1 =	veq.s32 v20, $0x1;
	vm2 =	vgt.f32 v9, $-1.000000020e+30  }
0x92: {  	vm0 =	vgt.f32 v4, v3;
	v8 =	vsel vm1, $0xF149F2CA, v8;
	v9 =	vnsel vm2, $0xF149F2CA, v9  }
0x93: {  	v3 =	vsel vm0, v4, v3;
	vm2 =	veq.s32 v20, $0x2;
	vm9 =	vgt.f32 v8, v9  }
0x94: {  	vm1 =	vgt.f32 v5, v3;
	v4 =	vsel vm9, v8, v9;
	v8 =	vsel vm2, $0xF149F2CA, v11  }
0x95: {  	vm3 =	veq.s32 v20, $0x3;
	v3 =	vsel vm1, v5, v3;
	vm10 =	vgt.f32 v8, v4  }
0x96: {  	v5 =	vsel vm3, $0xF149F2CA, v13;
	vm2 =	vgt.f32 v7, v3;
	v4 =	vsel vm10, v8, v4  }
0x97: {  	vm4 =	veq.s32 v20, $0x4;
	v3 =	vsel vm2, v7, v3;
	vm11 =	vgt.f32 v5, v4  }
0x98: {  	vm3 =	vgt.f32 v6, v3;
	v4 =	vsel vm11, v5, v4;
	v5 =	vsel vm4, $0xF149F2CA, v16  }
0x99: {  	vm6 =	veq.s32 v20, $0x5;
	v3 =	vsel vm3, v6, v3;
	vm12 =	vgt.f32 v5, v4  }
0x9a: {  	vm4 =	vgt.f32 v2, v3;
	v4 =	vsel vm12, v5, v4;
	v5 =	vsel vm6, $0xF149F2CA, v15  }
0x9b: {  	v2 =	vsel vm4, v2, v3;
	vm6 =	vmand vm5, vm8;
	vm13 =	vgt.f32 v5, v4  }
0x9c: {  	vm5 =	vgt.f32 v10, v2;
	v3 =	vsel vm13, v5, v4;
	v4 =	vsel vm6, $0xF149F2CA, v18  }
0x9d: {  	v2 =	vsel vm5, v10, v2;
	v5 =	vnsel vm7, $0xF149F2CA, v12;
	vm14 =	vgt.f32 v4, v3  }
0x9e: {  	vm6 =	vgt.f32 v5, v2;
	v3 =	vsel vm14, v4, v3;
	v4 =	vnsel vm8, $0xF149F2CA, v19  }
0x9f: {  	v6 =	vsel vm7, v17, v12;
	v2 =	vsel vm6, v5, v2;
	vm7 =	vgt.f32 v4, v3  }
0xa0: {  	v5 =	vsel vm8, v14, v19;
	v2 =	vsub.f32 v2, v6;
	v3 =	vsel vm7, v4, v3  }
0xa1: {  	v3 =	vsub.f32 v3, v5  }
0xa2: {  	v2 =	vmul.f32 $1.442695020e+00, v2  }
0xa3: {  	v3 =	vmul.f32 $1.442695020e+00, v3  }
0xa4: {  	(erf) = vpow2.f32 v2  }
0xa5: {  	(erf) = vpow2.f32 v3;
	_ =	sdelay $0x7  }
0xa6: {  	v2 =	vpop (erf)  }
0xa7: {  	v3 =	vadd.f32 $1.000000000e+00, v2;
	v4 =	vpop (erf)  }
0xa8: {  	v5 =	vadd.f32 $1.000000000e+00, v4  }
0xa9: {  	(erf) = vrcp.f32 v3  }
0xaa: {  	(erf) = vrcp.f32 v5;
	_ =	sdelay $0x2  }
0xab: {  	v3 =	vsel vm9, $0x1, v0  }
0xac: {  	v3 =	vsel vm10, $0x2, v3  }
0xad: {  	v3 =	vsel vm11, $0x3, v3  }
0xae: {  	v3 =	vsel vm12, $0x4, v3  }
0xaf: {  	v3 =	vsel vm13, $0x5, v3  }
0xb0: {  	v3 =	vsel vm14, $0x6, v3;
	v5 =	vpop (erf)  }
0xb1: {  	[tilespmem:s11+$0x2820] =	vst v20;
	v3 =	vsel vm7, $0x7, v3;
	v6 =	vpop (erf)  }
0xb2: {  	[tilespmem:s11+$0x28A0] =	vst v3;
	v4 =	vmul.f32 v6, v4  }
0xb3: {  	[tilespmem:s11+$0x2020] =	vst v6  }
0xb4: {  	[tilespmem:s11+$0x20A0] =	vst v4  }
0xb5: {  	v3 =	vld [tilespmem:s16+$0xFFFFFE30]  }
0xb6: {  	v4 =	vld [tilespmem:s16+$0xFFFFFEB0];
	_ =	sdelay $0x1  }
0xb7: {  	v6 =	vld [tilespmem:s16+$0xFFFFFF30];
	_ =	sdelay $0x1  }
0xb8: {  	v7 =	vld [tilespmem:s16+$0xFFFFFFB0]  }
0xb9: {  	vm7 =	vgt.f32 v4, v3  }
0xba: {  	v8 =	vld [tilespmem:s16+$0x30];
	v9 =	vsel vm7, v4, v3  }
0xbb: {  	vm8 =	vgt.f32 v6, v9  }
0xbc: {  	v10 =	vld [tilespmem:s16+$0xB0];
	v9 =	vsel vm8, v6, v9  }
0xbd: {  	vm9 =	vgt.f32 v7, v9  }
0xbe: {  	v11 =	vld [tilespmem:s16+$0x130];
	v9 =	vsel vm9, v7, v9  }
0xbf: {  	vm10 =	vgt.f32 v8, v9  }
0xc0: {  	v12 =	vld [tilespmem:s16+$0x1B0];
	v9 =	vsel vm10, v8, v9  }
0xc1: {  	v13 =	vsel vm7, $0x1, v0;
	vm7 =	vgt.f32 v10, v9  }
0xc2: {  	v13 =	vsel vm8, $0x2, v13;
	v9 =	vsel vm7, v10, v9  }
0xc3: {  	v13 =	vsel vm9, $0x3, v13;
	vm12 =	vgt.f32 v11, v9  }
0xc4: {  	v13 =	vsel vm10, $0x4, v13;
	v9 =	vsel vm12, v11, v9  }
0xc5: {  	v13 =	vsel vm7, $0x5, v13;
	vm7 =	vgt.f32 v12, v9  }
0xc6: {  	v13 =	vsel vm12, $0x6, v13;
	vm11 =	vmneg vm7  }
0xc7: {  	v13 =	vnsel vm11, $0x7, v13  }
0xc8: {  	vm7 =	veq.s32 v13, $0x0  }
0xc9: {  	v3 =	vsel vm7, $0xF149F2CA, v3  }
0xca: {  	vm8 =	veq.s32 v13, $0x1;
	vm7 =	vgt.f32 v3, $-1.000000020e+30  }
0xcb: {  	v4 =	vsel vm8, $0xF149F2CA, v4;
	v3 =	vnsel vm7, $0xF149F2CA, v3  }
0xcc: {  	vm8 =	veq.s32 v13, $0x2;
	vm7 =	vgt.f32 v4, v3  }
0xcd: {  	v3 =	vsel vm7, v4, v3;
	v4 =	vsel vm8, $0xF149F2CA, v6  }
0xce: {  	vm9 =	veq.s32 v13, $0x3;
	vm8 =	vgt.f32 v4, v3  }
0xcf: {  	v3 =	vsel vm8, v4, v3;
	v4 =	vsel vm9, $0xF149F2CA, v7  }
0xd0: {  	vm10 =	veq.s32 v13, $0x4;
	vm9 =	vgt.f32 v4, v3  }
0xd1: {  	v3 =	vsel vm9, v4, v3;
	v4 =	vsel vm10, $0xF149F2CA, v8  }
0xd2: {  	vm13 =	veq.s32 v13, $0x5;
	vm10 =	vgt.f32 v4, v3  }
0xd3: {  	v3 =	vsel vm10, v4, v3;
	v4 =	vsel vm13, $0xF149F2CA, v10  }
0xd4: {  	vm12 =	vmand vm12, vm11;
	v6 =	vsel vm0, $0x1, v0;
	vm0 =	vgt.f32 v4, v3  }
0xd5: {  	v3 =	vsel vm0, v4, v3;
	v4 =	vsel vm12, $0xF149F2CA, v11  }
0xd6: {  	v6 =	vsel vm1, $0x2, v6;
	vm1 =	vgt.f32 v4, v3  }
0xd7: {  	v6 =	vsel vm2, $0x3, v6;
	v3 =	vsel vm1, v4, v3;
	v4 =	vnsel vm11, $0xF149F2CA, v12  }
0xd8: {  	s12 =	simm.s32 $0x100;
	v2 =	vmul.f32 v5, v2;
	v6 =	vsel vm3, $0x4, v6;
	vm2 =	vgt.f32 v4, v3  }
0xd9: {  	[tilespmem:s12+$0x2800] =	vst v1;
	v7 =	vsel vm11, v9, v12;
	v6 =	vsel vm4, $0x5, v6;
	v3 =	vsel vm2, v4, v3  }
0xda: {  	[tilespmem:s12+$0x2000] =	vst v5;
	v6 =	vsel vm5, $0x6, v6;
	v1 =	vsub.f32 v3, v7  }
0xdb: {  	[tilespmem:s12+$0x2080] =	vst v2;
	v4 =	vsel vm6, $0x7, v6  }
0xdc: {  	[tilespmem:s12+$0x2880] =	vst v4;
	v1 =	vmul.f32 $1.442695020e+00, v1  }
0xdd: {  	v2 =	vld [tilespmem:s15+$0xFFFFFE10]  }
0xde: {  	v3 =	vld [tilespmem:s15+$0xFFFFFE90];
	(erf) = vpow2.f32 v1;
	_ =	sdelay $0x1  }
0xdf: {  	v4 =	vld [tilespmem:s15+$0xFFFFFF10];
	_ =	sdelay $0x1  }
0xe0: {  	v5 =	vld [tilespmem:s15+$0xFFFFFF90]  }
0xe1: {  	vm3 =	vgt.f32 v3, v2  }
0xe2: {  	v6 =	vld [tilespmem:s15+$0x10];
	v1 =	vsel vm3, v3, v2  }
0xe3: {  	vm4 =	vgt.f32 v4, v1  }
0xe4: {  	v7 =	vld [tilespmem:s15+$0x90];
	v1 =	vsel vm4, v4, v1  }
0xe5: {  	vm5 =	vgt.f32 v5, v1;
	v8 =	vpop (erf)  }
0xe6: {  	v10 =	vld [tilespmem:s15+$0x110];
	v1 =	vsel vm5, v5, v1;
	v9 =	vadd.f32 $1.000000000e+00, v8  }
0xe7: {  	vm6 =	vgt.f32 v6, v1  }
0xe8: {  	v1 =	vsel vm6, v6, v1;
	(erf) = vrcp.f32 v9  }
0xe9: {  	v11 =	vsel vm3, $0x1, v0;
	vm3 =	vgt.f32 v7, v1;
	v9 =	vld [tilespmem:s15+$0x190]  }
0xea: {  	v12 =	vsel vm7, $0x1, v0;
	v1 =	vsel vm3, v7, v1  }
0xeb: {  	v12 =	vsel vm8, $0x2, v12;
	v11 =	vsel vm4, $0x2, v11;
	vm4 =	vgt.f32 v10, v1  }
0xec: {  	v11 =	vsel vm5, $0x3, v11;
	v14 =	vsel vm4, v10, v1;
	v1 =	vsel vm9, $0x3, v12  }
0xed: {  	v11 =	vsel vm6, $0x4, v11;
	v1 =	vsel vm10, $0x4, v1  }
0xee: {  	v11 =	vsel vm3, $0x5, v11;
	v12 =	vsel vm0, $0x5, v1;
	vm3 =	vgt.f32 v9, v14  }
0xef: {  	v11 =	vsel vm4, $0x6, v11;
	vm3 =	vmneg vm3  }
0xf0: {  	v1 =	vnsel vm3, $0x7, v11;
	v11 =	vsel vm1, $0x6, v12  }
0xf1: {  	[tilespmem:s11+$0x2830] =	vst v13;
	vm0 =	veq.s32 v1, $0x0;
	v11 =	vsel vm2, $0x7, v11;
	v12 =	vpop (erf)  }
0xf2: {  	v2 =	vsel vm0, $0xF149F2CA, v2;
	[tilespmem:s11+$0x28B0] =	vst v11;
	v8 =	vmul.f32 v12, v8  }
0xf3: {  	vm0 =	veq.s32 v1, $0x1;
	vm1 =	vgt.f32 v2, $-1.000000020e+30;
	[tilespmem:s11+$0x2030] =	vst v12  }
0xf4: {  	v3 =	vsel vm0, $0xF149F2CA, v3;
	v2 =	vnsel vm1, $0xF149F2CA, v2;
	[tilespmem:s11+$0x20B0] =	vst v8  }
0xf5: {  	vm1 =	veq.s32 v1, $0x2;
	vm0 =	vgt.f32 v3, v2;
	v8 =	vld [tilespmem:s16+$0xFFFFFE40]  }
0xf6: {  	v4 =	vsel vm1, $0xF149F2CA, v4;
	v2 =	vsel vm0, v3, v2;
	v3 =	vld [tilespmem:s16+$0xFFFFFEC0]  }
0xf7: {  	vm2 =	veq.s32 v1, $0x3;
	vm1 =	vgt.f32 v4, v2  }
0xf8: {  	v5 =	vsel vm2, $0xF149F2CA, v5;
	v2 =	vsel vm1, v4, v2;
	v4 =	vld [tilespmem:s16+$0xFFFFFF40]  }
0xf9: {  	vm5 =	veq.s32 v1, $0x4;
	vm2 =	vgt.f32 v5, v2  }
0xfa: {  	v6 =	vsel vm5, $0xF149F2CA, v6;
	v2 =	vsel vm2, v5, v2;
	v5 =	vld [tilespmem:s16+$0xFFFFFFC0]  }
0xfb: {  	vm5 =	veq.s32 v1, $0x5;
	vm9 =	vgt.f32 v6, v2;
	vm6 =	vgt.f32 v3, v8  }
0xfc: {  	v2 =	vsel vm9, v6, v2;
	v6 =	vsel vm5, $0xF149F2CA, v7;
	v7 =	vld [tilespmem:s16+$0x40];
	v11 =	vsel vm6, v3, v8  }
0xfd: {  	vm4 =	vmand vm4, vm3;
	vm10 =	vgt.f32 v6, v2;
	vm5 =	vgt.f32 v4, v11  }
0xfe: {  	v2 =	vsel vm10, v6, v2;
	v6 =	vsel vm4, $0xF149F2CA, v10;
	v10 =	vld [tilespmem:s16+$0xC0];
	v11 =	vsel vm5, v4, v11  }
0xff: {  	vm11 =	vgt.f32 v6, v2;
	vm4 =	vgt.f32 v5, v11  }
0x100: {  	v12 =	vnsel vm3, $0xF149F2CA, v9;
	v2 =	vsel vm11, v6, v2;
	v6 =	vld [tilespmem:s16+$0x140];
	v11 =	vsel vm4, v5, v11  }
0x101: {  	vm12 =	vgt.f32 v12, v2;
	vm7 =	vgt.f32 v7, v11  }
0x102: {  	v9 =	vsel vm3, v14, v9;
	v2 =	vsel vm12, v12, v2;
	v12 =	vld [tilespmem:s16+$0x1C0];
	v11 =	vsel vm7, v7, v11  }
0x103: {  	v2 =	vsub.f32 v2, v9;
	v9 =	vsel vm6, $0x1, v0;
	vm3 =	vgt.f32 v10, v11  }
0x104: {  	v9 =	vsel vm5, $0x2, v9;
	v11 =	vsel vm3, v10, v11  }
0x105: {  	s14 =	simm.s32 $0xA00;
	v2 =	vmul.f32 $1.442695020e+00, v2;
	v9 =	vsel vm4, $0x3, v9;
	vm8 =	vgt.f32 v6, v11  }
0x106: {  	v13 =	vld [tilespmem:s14+$0xFFFFFE00];
	v9 =	vsel vm7, $0x4, v9;
	v11 =	vsel vm8, v6, v11  }
0x107: {  	(erf) = vpow2.f32 v2;
	v2 =	vsel vm3, $0x5, v9;
	vm3 =	vgt.f32 v12, v11;
	v9 =	vld [tilespmem:s14+$0xFFFFFE80]  }
0x108: {  	v2 =	vsel vm8, $0x6, v2;
	vm13 =	vmneg vm3  }
0x109: {  	v2 =	vnsel vm13, $0x7, v2  }
0x10a: {  	v14 =	vld [tilespmem:s14+$0xFFFFFF00];
	vm3 =	veq.s32 v2, $0x0  }
0x10b: {  	v8 =	vsel vm3, $0xF149F2CA, v8  }
0x10c: {  	vm4 =	veq.s32 v2, $0x1;
	vm3 =	vgt.f32 v8, $-1.000000020e+30;
	vm6 =	vgt.f32 v9, v13  }
0x10d: {  	v15 =	vld [tilespmem:s14+$0xFFFFFF80];
	v3 =	vsel vm4, $0xF149F2CA, v3;
	v8 =	vnsel vm3, $0xF149F2CA, v8;
	v16 =	vsel vm6, v9, v13  }
0x10e: {  	vm4 =	veq.s32 v2, $0x2;
	vm3 =	vgt.f32 v3, v8  }
0x10f: {  	v4 =	vsel vm4, $0xF149F2CA, v4;
	vm14 =	vgt.f32 v14, v16;
	v3 =	vsel vm3, v3, v8  }
0x110: {  	vm5 =	veq.s32 v2, $0x3;
	v8 =	vsel vm14, v14, v16;
	v16 =	vpop (erf);
	vm4 =	vgt.f32 v4, v3  }
0x111: {  	v17 =	vadd.f32 $1.000000000e+00, v16;
	v3 =	vsel vm4, v4, v3;
	v4 =	vsel vm5, $0xF149F2CA, v5  }
0x112: {  	vm7 =	veq.s32 v2, $0x4;
	vm15 =	vgt.f32 v15, v8;
	vm5 =	vgt.f32 v4, v3  }
0x113: {  	(erf) = vrcp.f32 v17;
	v3 =	vsel vm5, v4, v3;
	v4 =	vsel vm7, $0xF149F2CA, v7  }
0x114: {  	v5 =	vld [tilespmem:s14+$0x0];
	v7 =	vsel vm6, $0x1, v0;
	vm7 =	veq.s32 v2, $0x5;
	vm6 =	vgt.f32 v4, v3  }
0x115: {  	v3 =	vsel vm6, v4, v3;
	v4 =	vsel vm7, $0xF149F2CA, v10;
	v10 =	vsel vm0, $0x1, v0  }
0x116: {  	vm0 =	vmand vm8, vm13;
	vm7 =	vgt.f32 v4, v3;
	v10 =	vsel vm1, $0x2, v10  }
0x117: {  	v17 =	vld [tilespmem:s14+$0x80];
	v3 =	vsel vm7, v4, v3;
	v4 =	vsel vm0, $0xF149F2CA, v6;
	v6 =	vsel vm2, $0x3, v10  }
0x118: {  	v8 =	vsel vm15, v15, v8;
	v6 =	vsel vm9, $0x4, v6  }
0x119: {  	vm0 =	vgt.f32 v5, v8;
	v10 =	vld [tilespmem:s14+$0x100];
	vm8 =	vgt.f32 v4, v3;
	v6 =	vsel vm10, $0x5, v6  }
0x11a: {  	v3 =	vsel vm8, v4, v3;
	v4 =	vnsel vm13, $0xF149F2CA, v12;
	v6 =	vsel vm11, $0x6, v6  }
0x11b: {  	v18 =	vld [tilespmem:s14+$0x180];
	v11 =	vsel vm13, v11, v12;
	v8 =	vsel vm0, v5, v8;
	vm9 =	vgt.f32 v4, v3  }
0x11c: {  	vm1 =	vgt.f32 v17, v8;
	v3 =	vsel vm9, v4, v3;
	v4 =	vsel vm12, $0x7, v6  }
0x11d: {  	[tilespmem:s12+$0x2810] =	vst v1;
	v1 =	vsub.f32 v3, v11;
	v3 =	vsel vm14, $0x2, v7;
	v7 =	vsel vm1, v17, v8;
	v6 =	vpop (erf)  }
0x11e: {  	[tilespmem:s12+$0x2890] =	vst v4;
	v3 =	vsel vm15, $0x3, v3;
	vm2 =	vgt.f32 v10, v7;
	v8 =	vmul.f32 v6, v16  }
0x11f: {  	[tilespmem:s12+$0x2010] =	vst v6;
	v1 =	vmul.f32 $1.442695020e+00, v1;
	v4 =	vsel vm2, v10, v7;
	v3 =	vsel vm0, $0x4, v3  }
0x120: {  	vm0 =	vgt.f32 v18, v4;
	v3 =	vsel vm1, $0x5, v3;
	[tilespmem:s12+$0x2090] =	vst v8  }
0x121: {  	(erf) = vpow2.f32 v1;
	vm0 =	vmneg vm0;
	v1 =	vsel vm2, $0x6, v3;
	v6 =	vld [tilespmem:s15+$0xFFFFFE20]  }
0x122: {  	v51 =	vimm.s32 $0x0;
	v7 =	vld [tilespmem:s15+$0xFFFFFEA0];
	v1 =	vnsel vm0, $0x7, v1;
	v4 =	vsel vm0, v4, v18  }
0x123: {  	vm1 =	vmand vm2, vm0;
	v11 =	vnsel vm0, $0xF149F2CA, v18;
	v18 =	vimm.s32 $0x0  }
0x124: {  	v8 =	vld [tilespmem:s15+$0xFFFFFF20];
	v10 =	vsel vm1, $0xF149F2CA, v10;
	vm1 =	veq.s32 v1, $0x3;
	vm10 =	veq.s32 v1, $0x0  }
0x125: {  	vm0 =	veq.s32 v1, $0x4;
	vm11 =	veq.s32 v1, $0x1;
	v3 =	vsel vm10, $0xF149F2CA, v13  }
0x126: {  	vm12 =	veq.s32 v1, $0x2;
	v5 =	vsel vm0, $0xF149F2CA, v5;
	vm0 =	vgt.f32 v3, $-1.000000020e+30  }
0x127: {  	v12 =	vld [tilespmem:s15+$0xFFFFFFA0];
	v9 =	vsel vm11, $0xF149F2CA, v9;
	v3 =	vnsel vm0, $0xF149F2CA, v3;
	vm10 =	vgt.f32 v7, v6  }
0x128: {  	v14 =	vsel vm12, $0xF149F2CA, v14;
	vm0 =	vgt.f32 v9, v3;
	v13 =	vsel vm10, v7, v6  }
0x129: {  	v16 =	vld [tilespmem:s15+$0x20];
	v18 =	vsel vm0, $0xFFFFFFFF, v18;
	v3 =	vsel vm0, v9, v3;
	vm11 =	vgt.f32 v8, v13  }
0x12a: {  	v15 =	vsel vm1, $0xF149F2CA, v15;
	[tilespmem:$0x1FF40] =	vst v18;
	vm0 =	vgt.f32 v14, v3;
	v13 =	vsel vm11, v8, v13  }
0x12b: {  	v18 =	vld [tilespmem:s15+$0xA0];
	v19 =	vpop (erf);
	v20 =	vsel vm0, $0xFFFFFFFF, v51;
	v3 =	vsel vm0, v14, v3;
	v14 =	vimm.s32 $0x0  }
0x12c: {  	vm12 =	vgt.f32 v12, v13;
	v9 =	vadd.f32 $1.000000000e+00, v19;
	[tilespmem:$0x1FF50] =	vst v20;
	vm0 =	vgt.f32 v15, v3  }
0x12d: {  	v20 =	vld [tilespmem:s15+$0x120];
	v13 =	vsel vm12, v12, v13;
	v14 =	vsel vm0, $0xFFFFFFFF, v14  }
0x12e: {  	vm13 =	vgt.f32 v16, v13;
	(erf) = vrcp.f32 v9;
	[tilespmem:$0x1FF60] =	vst v14  }
0x12f: {  	vm2 =	veq.s32 v1, $0x5;
	v15 =	vsel vm0, v15, v3;
	v13 =	vsel vm13, v16, v13;
	v14 =	vld [tilespmem:s15+$0x1A0]  }
0x130: {  	v3 =	vsel vm10, $0x1, v0;
	v9 =	vsel vm2, $0xF149F2CA, v17;
	vm10 =	vgt.f32 v18, v13  }
0x131: {  	v3 =	vsel vm11, $0x2, v3;
	v17 =	vsel vm3, $0x1, v0;
	v13 =	vsel vm10, v18, v13  }
0x132: {  	v3 =	vsel vm12, $0x3, v3;
	v17 =	vsel vm4, $0x2, v17;
	vm12 =	vgt.f32 v20, v13  }
0x133: {  	v3 =	vsel vm13, $0x4, v3;
	v17 =	vsel vm5, $0x3, v17;
	v13 =	vsel vm12, v20, v13  }
0x134: {  	v3 =	vsel vm10, $0x5, v3;
	v17 =	vsel vm6, $0x4, v17;
	vm3 =	vgt.f32 v14, v13  }
0x135: {  	v17 =	vsel vm7, $0x5, v17;
	v3 =	vsel vm12, $0x6, v3;
	vm14 =	vmneg vm3  }
0x136: {  	vm4 =	vgt.f32 v5, v15;
	v17 =	vsel vm8, $0x6, v17;
	v3 =	vnsel vm14, $0x7, v3  }
0x137: {  	[tilespmem:s11+$0x2840] =	vst v2;
	v5 =	vsel vm4, v5, v15;
	v15 =	vsel vm9, $0x7, v17;
	vm3 =	veq.s32 v3, $0x0;
	v2 =	vpop (erf)  }
0x138: {  	vm5 =	vgt.f32 v9, v5;
	[tilespmem:s11+$0x28C0] =	vst v15;
	v6 =	vsel vm3, $0xF149F2CA, v6;
	v17 =	vmul.f32 v2, v19  }
0x139: {  	v5 =	vsel vm5, v9, v5;
	vm3 =	veq.s32 v3, $0x1;
	[tilespmem:s11+$0x2040] =	vst v2;
	vm6 =	vgt.f32 v6, $-1.000000020e+30  }
0x13a: {  	vm7 =	vgt.f32 v10, v5;
	v2 =	vnsel vm6, $0xF149F2CA, v6;
	v6 =	vsel vm3, $0xF149F2CA, v7;
	[tilespmem:s11+$0x20C0] =	vst v17  }
0x13b: {  	v5 =	vsel vm7, v10, v5;
	vm6 =	veq.s32 v3, $0x2;
	vm3 =	vgt.f32 v6, v2;
	v7 =	vld [tilespmem:s16+$0xFFFFFE50]  }
0x13c: {  	vm11 =	vgt.f32 v11, v5;
	v2 =	vsel vm3, v6, v2;
	v6 =	vsel vm6, $0xF149F2CA, v8;
	v8 =	vld [tilespmem:s16+$0xFFFFFED0]  }
0x13d: {  	v5 =	vsel vm11, v11, v5;
	vm8 =	veq.s32 v3, $0x3;
	vm6 =	vgt.f32 v6, v2  }
0x13e: {  	v4 =	vsub.f32 v5, v4;
	v5 =	vld [tilespmem:s16+$0xFFFFFF50];
	v2 =	vsel vm6, v6, v2;
	v6 =	vsel vm8, $0xF149F2CA, v12  }
0x13f: {  	vm12 =	vmand vm12, vm14;
	vm9 =	veq.s32 v3, $0x4;
	vm8 =	vgt.f32 v6, v2  }
0x140: {  	vm10 =	veq.s32 v3, $0x5;
	v9 =	vld [tilespmem:s16+$0xFFFFFFD0];
	v2 =	vsel vm8, v6, v2;
	v6 =	vsel vm9, $0xF149F2CA, v16  }
0x141: {  	v4 =	vmul.f32 $1.442695020e+00, v4;
	vm9 =	vgt.f32 v6, v2;
	vm15 =	vgt.f32 v8, v7  }
0x142: {  	v10 =	vld [tilespmem:s16+$0x50];
	v2 =	vsel vm9, v6, v2;
	v6 =	vsel vm10, $0xF149F2CA, v18;
	v11 =	vsel vm15, v8, v7  }
0x143: {  	(erf) = vpow2.f32 v4;
	vm10 =	vgt.f32 v6, v2;
	vm2 =	vgt.f32 v5, v11  }
0x144: {  	v12 =	vld [tilespmem:s16+$0xD0];
	v2 =	vsel vm10, v6, v2;
	v6 =	vsel vm12, $0xF149F2CA, v20;
	v11 =	vsel vm2, v5, v11  }
0x145: {  	vm12 =	vgt.f32 v6, v2;
	vm1 =	vgt.f32 v9, v11  }
0x146: {  	v4 =	vnsel vm14, $0xF149F2CA, v14;
	v2 =	vsel vm12, v6, v2;
	v11 =	vsel vm1, v9, v11  }
0x147: {  	v6 =	vld [tilespmem:s16+$0x150];
	vm13 =	vgt.f32 v4, v2;
	vm0 =	vgt.f32 v10, v11  }
0x148: {  	v13 =	vsel vm14, v13, v14;
	v2 =	vsel vm13, v4, v2;
	v4 =	vsel vm0, v10, v11  }
0x149: {  	v14 =	vld [tilespmem:s16+$0x1D0];
	v2 =	vsub.f32 v2, v13;
	vm14 =	vgt.f32 v12, v4  }
0x14a: {  	v11 =	vsel vm15, $0x1, v0;
	v4 =	vsel vm14, v12, v4  }
0x14b: {  	v11 =	vsel vm2, $0x2, v11;
	v2 =	vmul.f32 $1.442695020e+00, v2  }
0x14c: {  	v11 =	vsel vm1, $0x3, v11;
	vm15 =	vgt.f32 v6, v4  }
0x14d: {  	v11 =	vsel vm0, $0x4, v11;
	v13 =	vsel vm15, v6, v4;
	(erf) = vpow2.f32 v2;
	v4 =	vpop (erf)  }
0x14e: {  	v2 =	vsel vm14, $0x5, v11;
	vm0 =	vgt.f32 v14, v13;
	v15 =	vadd.f32 $1.000000000e+00, v4  }
0x14f: {  	v2 =	vsel vm15, $0x6, v2;
	vm14 =	vmneg vm0  }
0x150: {  	v11 =	vnsel vm14, $0x7, v2;
	(erf) = vrcp.f32 v15;
	v15 =	vld [tilespmem:$0x1FF50]  }
0x151: {  	vm0 =	veq.s32 v11, $0x0  }
0x152: {  	v2 =	vsel vm0, $0xF149F2CA, v7;
	v7 =	vld [tilespmem:$0x1FF40];
	_ =	sdelay $0x2  }
0x153: {  	vm2 =	vnez.u8 v15;
	v15 =	vld [tilespmem:$0x1FF60];
	_ =	sdelay $0x1  }
0x154: {  	vm1 =	veq.s32 v11, $0x1;
	vm0 =	vnez.u8 v7  }
0x155: {  	v8 =	vsel vm1, $0xF149F2CA, v8;
	v7 =	vsel vm0, $0x1, v0;
	vm0 =	vgt.f32 v2, $-1.000000020e+30  }
0x156: {  	v2 =	vnsel vm0, $0xF149F2CA, v2  }
0x157: {  	v7 =	vsel vm2, $0x2, v7;
	vm1 =	vgt.f32 v8, v2;
	vm0 =	vnez.u8 v15  }
0x158: {  	v2 =	vsel vm1, v8, v2;
	v8 =	vpop (erf);
	v7 =	vsel vm0, $0x3, v7;
	vm0 =	veq.s32 v11, $0x2  }
0x159: {  	v15 =	vadd.f32 $1.000000000e+00, v8;
	v5 =	vsel vm0, $0xF149F2CA, v5  }
0x15a: {  	v7 =	vsel vm4, $0x4, v7;
	vm0 =	veq.s32 v11, $0x3;
	vm2 =	vgt.f32 v5, v2  }
0x15b: {  	v7 =	vsel vm5, $0x5, v7;
	v2 =	vsel vm2, v5, v2;
	v5 =	vsel vm0, $0xF149F2CA, v9  }
0x15c: {  	(erf) = vrcp.f32 v15;
	vm0 =	veq.s32 v11, $0x4;
	vm4 =	vgt.f32 v5, v2  }
0x15d: {  	s13 =	simm.s32 $0x200;
	v7 =	vsel vm7, $0x6, v7;
	v2 =	vsel vm4, v5, v2;
	v5 =	vsel vm0, $0xF149F2CA, v10  }
0x15e: {  	[tilespmem:s13+$0x2800] =	vst v1;
	v9 =	vpop (erf);
	v7 =	vsel vm11, $0x7, v7;
	vm0 =	veq.s32 v11, $0x5;
	vm5 =	vgt.f32 v5, v2  }
0x15f: {  	v4 =	vmul.f32 v9, v4;
	[tilespmem:s13+$0x2000] =	vst v9;
	v1 =	vsel vm5, v5, v2;
	v5 =	vsel vm0, $0xF149F2CA, v12  }
0x160: {  	s17 =	simm.s32 $0xE00;
	[tilespmem:s13+$0x2880] =	vst v7;
	v7 =	vsel vm3, $0x1, v0;
	vm0 =	vmand vm15, vm14;
	vm7 =	vgt.f32 v5, v1  }
0x161: {  	v7 =	vsel vm6, $0x2, v7;
	[tilespmem:s13+$0x2080] =	vst v4;
	v2 =	vld [tilespmem:s17+$0xFFFFFE00];
	v6 =	vsel vm0, $0xF149F2CA, v6;
	v5 =	vsel vm7, v5, v1  }
0x162: {  	v4 =	vsel vm8, $0x3, v7;
	v15 =	vld [tilespmem:s14+$0xFFFFFE10];
	vm8 =	vgt.f32 v6, v5  }
0x163: {  	v16 =	vld [tilespmem:s14+$0xFFFFFE90];
	v4 =	vsel vm9, $0x4, v4;
	v5 =	vsel vm8, v6, v5;
	v6 =	vnsel vm14, $0xF149F2CA, v14  }
0x164: {  	v1 =	vld [tilespmem:s17+$0xFFFFFE80];
	v7 =	vsel vm10, $0x5, v4;
	vm9 =	vgt.f32 v6, v5  }
0x165: {  	v9 =	vsel vm14, v13, v14;
	v17 =	vld [tilespmem:s14+$0xFFFFFF10];
	v7 =	vsel vm12, $0x6, v7;
	v5 =	vsel vm9, v6, v5  }
0x166: {  	v4 =	vld [tilespmem:s17+$0xFFFFFF00];
	v6 =	vsel vm13, $0x7, v7;
	v7 =	vsub.f32 v5, v9  }
0x167: {  	[tilespmem:s12+$0x2820] =	vst v3;
	v3 =	vpop (erf)  }
0x168: {  	v8 =	vmul.f32 v3, v8;
	[tilespmem:s12+$0x2020] =	vst v3;
	v5 =	vld [tilespmem:s17+$0xFFFFFF80];
	v3 =	vmul.f32 $1.442695020e+00, v7  }
0x169: {  	vm0 =	vgt.f32 v16, v15;
	vm3 =	vgt.f32 v1, v2  }
0x16a: {  	v18 =	vld [tilespmem:s14+$0xFFFFFF90];
	[tilespmem:s12+$0x28A0] =	vst v6;
	v6 =	vsel vm0, v16, v15;
	(erf) = vpow2.f32 v3;
	v3 =	vsel vm3, v1, v2  }
0x16b: {  	v10 =	vld [tilespmem:s14+$0x10];
	[tilespmem:s12+$0x20A0] =	vst v8;
	vm6 =	vgt.f32 v17, v6;
	vm10 =	vgt.f32 v4, v3  }
0x16c: {  	v19 =	vld [tilespmem:s15+$0xFFFFFE30];
	v7 =	vsel vm6, v17, v6;
	v6 =	vsel vm10, v4, v3  }
0x16d: {  	v52 =	vld [tilespmem:s15+$0xFFFFFEB0];
	v3 =	vimm.s32 $0x0;
	vm12 =	vgt.f32 v5, v6  }
0x16e: {  	v63 =	vimm.s32 $0x0;
	v31 =	vimm.s32 $0x0;
	v9 =	vld [tilespmem:s14+$0x90];
	v3 =	vsel vm12, $0xFFFFFFFF, v3  }
0x16f: {  	v48 =	vimm.s32 $0x0;
	v29 =	vsel vm1, $0x1, v0;
	v21 =	vld [tilespmem:s15+$0xFFFFFF30];
	vm11 =	vgt.f32 v18, v7;
	[tilespmem:$0x1FF70] =	vst v3  }
0x170: {  	v29 =	vsel vm2, $0x2, v29;
	v8 =	vsel vm0, $0x1, v0;
	v7 =	vsel vm11, v18, v7;
	v14 =	vld [tilespmem:s14+$0x110]  }
0x171: {  	v8 =	vsel vm6, $0x2, v8;
	v3 =	vsel vm3, $0x1, v0;
	vm3 =	vgt.f32 v10, v7;
	v22 =	vld [tilespmem:s15+$0xFFFFFFB0]  }
0x172: {  	v8 =	vsel vm11, $0x3, v8;
	vm0 =	vgt.f32 v52, v19;
	v12 =	vld [tilespmem:s14+$0x190];
	v7 =	vsel vm3, v10, v7  }
0x173: {  	v13 =	vsel vm0, v52, v19;
	v54 =	vsel vm0, $0x1, v0;
	v23 =	vld [tilespmem:s15+$0x30];
	vm6 =	vgt.f32 v9, v7  }
0x174: {  	v3 =	vsel vm10, $0x2, v3;
	vm10 =	vgt.f32 v21, v13;
	v7 =	vsel vm6, v9, v7  }
0x175: {  	v8 =	vsel vm3, $0x4, v8;
	v24 =	vld [tilespmem:s15+$0xB0];
	v13 =	vsel vm10, v21, v13;
	v25 =	vpop (erf);
	vm3 =	vgt.f32 v14, v7  }
0x176: {  	v26 =	vadd.f32 $1.000000000e+00, v25;
	vm11 =	vgt.f32 v22, v13;
	v7 =	vsel vm3, v14, v7  }
0x177: {  	v8 =	vsel vm6, $0x5, v8;
	v13 =	vsel vm11, v22, v13;
	vm6 =	vgt.f32 v12, v7  }
0x178: {  	v28 =	vld [tilespmem:s15+$0x130];
	(erf) = vrcp.f32 v26;
	vm12 =	vgt.f32 v23, v13;
	vm6 =	vmneg vm6  }
0x179: {  	v27 =	vsel vm3, $0x6, v8;
	v13 =	vsel vm12, v23, v13;
	v8 =	vsel vm6, v7, v12  }
0x17a: {  	v53 =	vld [tilespmem:s15+$0x1B0];
	v12 =	vnsel vm6, $0xF149F2CA, v12;
	v7 =	vnsel vm6, $0x7, v27;
	vm13 =	vgt.f32 v24, v13  }
0x17b: {  	v27 =	vsel vm10, $0x2, v54;
	vm3 =	vmand vm3, vm6;
	v13 =	vsel vm13, v24, v13  }
0x17c: {  	v27 =	vsel vm11, $0x3, v27;
	vm10 =	veq.s32 v7, $0x0;
	v14 =	vsel vm3, $0xF149F2CA, v14  }
0x17d: {  	vm0 =	vgt.f32 v28, v13;
	v27 =	vsel vm12, $0x4, v27;
	v15 =	vsel vm10, $0xF149F2CA, v15  }
0x17e: {  	v30 =	vsel vm0, v28, v13;
	v13 =	vsel vm4, $0x3, v29;
	v27 =	vsel vm13, $0x5, v27  }
0x17f: {  	vm1 =	vgt.f32 v53, v30;
	v13 =	vsel vm5, $0x4, v13;
	v27 =	vsel vm0, $0x6, v27  }
0x180: {  	vm5 =	veq.s32 v7, $0x4;
	vm2 =	vmneg vm1;
	v55 =	vsel vm7, $0x5, v13  }
0x181: {  	[tilespmem:s11+$0x2850] =	vst v11;
	vm1 =	veq.s32 v7, $0x3;
	v13 =	vnsel vm2, $0x7, v27;
	v56 =	vsel vm8, $0x6, v55;
	v11 =	vpop (erf)  }
0x182: {  	vm4 =	veq.s32 v13, $0x0;
	v27 =	vsel vm9, $0x7, v56;
	v25 =	vmul.f32 v11, v25;
	[tilespmem:s11+$0x2050] =	vst v11  }
0x183: {  	v10 =	vsel vm5, $0xF149F2CA, v10;
	vm8 =	veq.s32 v7, $0x2;
	v19 =	vsel vm4, $0xF149F2CA, v19;
	[tilespmem:s11+$0x28D0] =	vst v27  }
0x184: {  	v18 =	vsel vm1, $0xF149F2CA, v18;
	vm9 =	veq.s32 v13, $0x1;
	vm7 =	vgt.f32 v19, $-1.000000020e+30;
	[tilespmem:s11+$0x20D0] =	vst v25  }
0x185: {  	vm0 =	vmand vm0, vm2;
	v11 =	vnsel vm7, $0xF149F2CA, v19;
	v19 =	vsel vm9, $0xF149F2CA, v52;
	v57 =	vld [tilespmem:s16+$0xFFFFFE60]  }
0x186: {  	v26 =	vsel vm2, v30, v53;
	vm9 =	veq.s32 v13, $0x2;
	v58 =	vld [tilespmem:s16+$0xFFFFFEE0];
	vm7 =	vgt.f32 v19, v11  }
0x187: {  	vm4 =	veq.s32 v7, $0x1;
	v11 =	vsel vm7, v19, v11;
	v19 =	vsel vm9, $0xF149F2CA, v21  }
0x188: {  	vm1 =	veq.s32 v13, $0x3;
	v16 =	vsel vm4, $0xF149F2CA, v16;
	v59 =	vld [tilespmem:s16+$0xFFFFFF60];
	vm9 =	vgt.f32 v19, v11  }
0x189: {  	vm4 =	vgt.f32 v15, $-1.000000020e+30;
	v11 =	vsel vm9, v19, v11;
	v19 =	vsel vm1, $0xF149F2CA, v22  }
0x18a: {  	v15 =	vnsel vm4, $0xF149F2CA, v15;
	vm1 =	veq.s32 v13, $0x4;
	vm11 =	vgt.f32 v19, v11  }
0x18b: {  	v60 =	vld [tilespmem:s16+$0xFFFFFFE0];
	vm4 =	vgt.f32 v58, v57;
	v11 =	vsel vm11, v19, v11;
	v19 =	vsel vm1, $0xF149F2CA, v23  }
0x18c: {  	vm1 =	veq.s32 v13, $0x5;
	v62 =	vsel vm4, v58, v57;
	vm10 =	vgt.f32 v19, v11  }
0x18d: {  	v61 =	vld [tilespmem:s16+$0x60];
	v11 =	vsel vm10, v19, v11;
	v19 =	vsel vm1, $0xF149F2CA, v24;
	vm1 =	vgt.f32 v59, v62  }
0x18e: {  	vm13 =	vgt.f32 v16, v15;
	vm12 =	vgt.f32 v19, v11;
	v25 =	vsel vm1, v59, v62  }
0x18f: {  	v27 =	vld [tilespmem:s16+$0xE0];
	v11 =	vsel vm12, v19, v11;
	v19 =	vsel vm0, $0xF149F2CA, v28;
	v28 =	vsel vm13, $0xFFFFFFFF, v63  }
0x190: {  	v17 =	vsel vm8, $0xF149F2CA, v17;
	vm0 =	vgt.f32 v60, v25;
	[tilespmem:$0x1FF80] =	vst v28;
	vm14 =	vgt.f32 v19, v11  }
0x191: {  	v25 =	vsel vm0, v60, v25;
	v11 =	vsel vm14, v19, v11;
	v19 =	vnsel vm2, $0xF149F2CA, v53;
	v28 =	vld [tilespmem:s16+$0x160]  }
0x192: {  	v15 =	vsel vm13, v16, v15;
	vm8 =	vgt.f32 v61, v25;
	vm15 =	vgt.f32 v19, v11  }
0x193: {  	v35 =	vsel vm7, $0x1, v0;
	v16 =	vld [tilespmem:s16+$0x1E0];
	v11 =	vsel vm15, v19, v11;
	v19 =	vsel vm8, v61, v25  }
0x194: {  	v30 =	vsel vm4, $0x1, v0;
	v11 =	vsub.f32 v11, v26;
	vm4 =	vgt.f32 v27, v19  }
0x195: {  	vm2 =	vgt.f32 v17, v15;
	v25 =	vsel vm1, $0x2, v30;
	v19 =	vsel vm4, v27, v19  }
0x196: {  	v36 =	vld [tilespmem:$0x1FF70];
	v25 =	vsel vm0, $0x3, v25;
	v11 =	vmul.f32 $1.442695020e+00, v11;
	vm1 =	vgt.f32 v28, v19  }
0x197: {  	v15 =	vsel vm2, v17, v15;
	v17 =	vsel vm8, $0x4, v25;
	v19 =	vsel vm1, v28, v19  }
0x198: {  	(erf) = vpow2.f32 v11;
	v11 =	vsel vm4, $0x5, v17;
	vm0 =	vgt.f32 v16, v19  }
0x199: {  	vm4 =	vgt.f32 v18, v15;
	v11 =	vsel vm1, $0x6, v11;
	vm0 =	vmneg vm0  }
0x19a: {  	v26 =	vsel vm2, $0xFFFFFFFF, v31;
	v15 =	vsel vm4, v18, v15;
	v11 =	vnsel vm0, $0x7, v11  }
0x19b: {  	vm2 =	vnez.u8 v36;
	vm5 =	vgt.f32 v10, v15;
	vm6 =	veq.s32 v11, $0x0  }
0x19c: {  	v10 =	vsel vm5, v10, v15;
	v17 =	vsel vm6, $0xF149F2CA, v57;
	vm6 =	veq.s32 v7, $0x5  }
0x19d: {  	vm7 =	veq.s32 v11, $0x5;
	v9 =	vsel vm6, $0xF149F2CA, v9;
	vm3 =	vgt.f32 v17, $-1.000000020e+30  }
0x19e: {  	vm6 =	veq.s32 v11, $0x1;
	v15 =	vnsel vm3, $0xF149F2CA, v17;
	vm3 =	veq.s32 v11, $0x2  }
0x19f: {  	v17 =	vsel vm6, $0xF149F2CA, v58;
	vm6 =	veq.s32 v11, $0x3;
	vm8 =	vgt.f32 v9, v10  }
0x1a0: {  	v18 =	vsel vm3, $0xF149F2CA, v59;
	vm3 =	vgt.f32 v17, v15;
	v32 =	vsel vm6, $0xF149F2CA, v60  }
0x1a1: {  	vm6 =	veq.s32 v11, $0x4;
	v9 =	vsel vm8, v9, v10;
	v15 =	vsel vm3, v17, v15;
	v34 =	vpop (erf)  }
0x1a2: {  	v33 =	vsel vm6, $0xF149F2CA, v61;
	vm6 =	vgt.f32 v18, v15;
	v17 =	vadd.f32 $1.000000000e+00, v34  }
0x1a3: {  	vm13 =	vgt.f32 v14, v9;
	v10 =	vsel vm6, v18, v15;
	v15 =	vsel vm9, $0x2, v35  }
0x1a4: {  	(erf) = vrcp.f32 v17;
	v17 =	vsel vm7, $0xF149F2CA, v27;
	vm7 =	vgt.f32 v32, v10  }
0x1a5: {  	[tilespmem:$0x1FF90] =	vst v26;
	v9 =	vsel vm13, v14, v9;
	v15 =	vsel vm11, $0x3, v15;
	v10 =	vsel vm7, v32, v10  }
0x1a6: {  	v18 =	vld [tilespmem:s17+$0x0];
	v15 =	vsel vm10, $0x4, v15;
	vm10 =	vgt.f32 v12, v9;
	vm9 =	vgt.f32 v33, v10  }
0x1a7: {  	v6 =	vsel vm2, v5, v6;
	v9 =	vsel vm10, v12, v9;
	v10 =	vsel vm9, v33, v10  }
0x1a8: {  	v37 =	vld [tilespmem:s17+$0x80];
	vm1 =	vmand vm1, vm0;
	v8 =	vsub.f32 v9, v8;
	vm11 =	vgt.f32 v17, v10  }
0x1a9: {  	v14 =	vsel vm1, $0xF149F2CA, v28;
	v12 =	vsel vm12, $0x5, v15;
	v9 =	vsel vm11, v17, v10  }
0x1aa: {  	v8 =	vmul.f32 $1.442695020e+00, v8;
	v10 =	vsel vm14, $0x6, v12;
	v12 =	vld [tilespmem:s17+$0x100];
	vm12 =	vgt.f32 v14, v9  }
0x1ab: {  	vm1 =	vgt.f32 v18, v6;
	v9 =	vsel vm12, v14, v9;
	v14 =	vnsel vm0, $0xF149F2CA, v16  }
0x1ac: {  	v15 =	vld [tilespmem:s17+$0x180];
	v6 =	vsel vm1, v18, v6;
	(erf) = vpow2.f32 v8;
	vm14 =	vgt.f32 v14, v9  }
0x1ad: {  	v16 =	vsel vm0, v19, v16;
	vm0 =	vgt.f32 v37, v6;
	v9 =	vsel vm14, v14, v9  }
0x1ae: {  	[tilespmem:s12+$0x2830] =	vst v13;
	v10 =	vsel vm15, $0x7, v10;
	v6 =	vsel vm0, v37, v6;
	v8 =	vpop (erf);
	v9 =	vsub.f32 v9, v16  }
0x1af: {  	v3 =	vsel vm2, $0x3, v3;
	[tilespmem:s12+$0x28B0] =	vst v10;
	v13 =	vmul.f32 v8, v34;
	vm15 =	vgt.f32 v12, v6  }
0x1b0: {  	v3 =	vsel vm1, $0x4, v3;
	[tilespmem:s12+$0x2030] =	vst v8;
	v6 =	vsel vm15, v12, v6;
	v8 =	vmul.f32 $1.442695020e+00, v9  }
0x1b1: {  	v46 =	vsel vm3, $0x1, v0;
	v3 =	vsel vm0, $0x5, v3;
	[tilespmem:s12+$0x20B0] =	vst v13;
	vm0 =	vgt.f32 v15, v6  }
0x1b2: {  	v3 =	vsel vm15, $0x6, v3;
	v13 =	vld [tilespmem:s15+$0xFFFFFE40];
	vm0 =	vmneg vm0;
	(erf) = vpow2.f32 v8  }
0x1b3: {  	v14 =	vld [tilespmem:s15+$0xFFFFFEC0];
	v3 =	vnsel vm0, $0x7, v3;
	vm1 =	vmand vm15, vm0;
	v6 =	vsel vm0, v6, v15  }
0x1b4: {  	v39 =	vld [tilespmem:$0x1FF80];
	v8 =	vnsel vm0, $0xF149F2CA, v15;
	v9 =	vsel vm1, $0xF149F2CA, v12;
	vm1 =	veq.s32 v3, $0x4  }
0x1b5: {  	v12 =	vld [tilespmem:s15+$0xFFFFFF40];
	vm0 =	veq.s32 v3, $0x5;
	vm15 =	veq.s32 v3, $0x1;
	v15 =	vsel vm1, $0xF149F2CA, v18  }
0x1b6: {  	v16 =	vpop (erf);
	v10 =	vsel vm0, $0xF149F2CA, v37;
	vm0 =	veq.s32 v3, $0x2;
	v40 =	vsel vm15, $0xF149F2CA, v1;
	v1 =	vld [tilespmem:$0x1FF90]  }
0x1b7: {  	v17 =	vld [tilespmem:s15+$0xFFFFFFC0];
	vm1 =	veq.s32 v3, $0x3;
	v18 =	vadd.f32 $1.000000000e+00, v16;
	v4 =	vsel vm0, $0xF149F2CA, v4  }
0x1b8: {  	v5 =	vsel vm1, $0xF149F2CA, v5;
	vm1 =	veq.s32 v3, $0x0;
	vm0 =	vgt.f32 v14, v13  }
0x1b9: {  	v19 =	vld [tilespmem:s15+$0x40];
	v2 =	vsel vm1, $0xF149F2CA, v2;
	vm1 =	vnez.u8 v39;
	v38 =	vsel vm0, v14, v13  }
0x1ba: {  	v26 =	vsel vm6, $0x2, v46;
	v21 =	vsel vm1, $0x1, v0;
	vm1 =	vgt.f32 v12, v38  }
0x1bb: {  	(erf) = vrcp.f32 v18;
	v18 =	vld [tilespmem:s15+$0xC0];
	v20 =	vsel vm1, v12, v38;
	vm2 =	vnez.u8 v1  }
0x1bc: {  	v26 =	vsel vm7, $0x3, v26;
	v1 =	vsel vm2, $0x2, v21;
	vm2 =	vgt.f32 v17, v20  }
0x1bd: {  	v26 =	vsel vm9, $0x4, v26;
	v42 =	vld [tilespmem:s15+$0x140];
	vm15 =	vgt.f32 v2, $-1.000000020e+30;
	v41 =	vpop (erf);
	v20 =	vsel vm2, v17, v20  }
0x1be: {  	v1 =	vsel vm4, $0x3, v1;
	v43 =	vadd.f32 $1.000000000e+00, v41;
	vm4 =	vgt.f32 v19, v20  }
0x1bf: {  	v44 =	vld [tilespmem:s15+$0x1C0];
	v45 =	vsel vm0, $0x1, v0;
	v2 =	vnsel vm15, $0xF149F2CA, v2;
	v20 =	vsel vm4, v19, v20  }
0x1c0: {  	v24 =	vsel vm1, $0x2, v45;
	(erf) = vrcp.f32 v43;
	vm0 =	vgt.f32 v18, v20  }
0x1c1: {  	vm1 =	vgt.f32 v40, v2;
	v1 =	vsel vm5, $0x4, v1;
	v20 =	vsel vm0, v18, v20  }
0x1c2: {  	v24 =	vsel vm2, $0x3, v24;
	v1 =	vsel vm8, $0x5, v1;
	vm8 =	vgt.f32 v42, v20  }
0x1c3: {  	v2 =	vsel vm1, v40, v2;
	v24 =	vsel vm4, $0x4, v24;
	v20 =	vsel vm8, v42, v20  }
0x1c4: {  	vm5 =	vgt.f32 v4, v2;
	v24 =	vsel vm0, $0x5, v24;
	vm0 =	vgt.f32 v44, v20  }
0x1c5: {  	v1 =	vsel vm13, $0x6, v1;
	v24 =	vsel vm8, $0x6, v24;
	vm13 =	vmneg vm0  }
0x1c6: {  	[tilespmem:s13+$0x2810] =	vst v7;
	v47 =	vsel vm10, $0x7, v1;
	v1 =	vnsel vm13, $0x7, v24;
	v24 =	vsel vm1, $0xFFFFFFFF, v48  }
0x1c7: {  	v7 =	vsel vm11, $0x5, v26;
	v2 =	vsel vm5, v4, v2;
	[tilespmem:$0x1FFF0] =	vst v24  }
0x1c8: {  	v7 =	vsel vm12, $0x6, v7;
	vm4 =	vgt.f32 v5, v2;
	v49 =	vpop (erf);
	vm0 =	veq.s32 v1, $0x0;
	[tilespmem:s13+$0x2890] =	vst v47  }
0x1c9: {  	v7 =	vsel vm14, $0x7, v7;
	v2 =	vsel vm4, v5, v2;
	v13 =	vsel vm0, $0xF149F2CA, v13;
	[tilespmem:s11+$0x2860] =	vst v11;
	v11 =	vpop (erf)  }
0x1ca: {  	vm2 =	veq.s32 v1, $0x1;
	[tilespmem:s11+$0x28E0] =	vst v7;
	vm0 =	vgt.f32 v13, $-1.000000020e+30;
	v21 =	vmul.f32 v11, v41  }
0x1cb: {  	vm7 =	vgt.f32 v15, v2;
	v14 =	vsel vm2, $0xF149F2CA, v14;
	v13 =	vnsel vm0, $0xF149F2CA, v13;
	[tilespmem:s11+$0x2060] =	vst v11  }
0x1cc: {  	v7 =	vmul.f32 v49, v16;
	vm2 =	veq.s32 v1, $0x2;
	vm0 =	vgt.f32 v14, v13;
	[tilespmem:s11+$0x20E0] =	vst v21  }
0x1cd: {  	v15 =	vsel vm7, v15, v2;
	[tilespmem:s13+$0x2010] =	vst v49;
	v11 =	vsel vm2, $0xF149F2CA, v12;
	v4 =	vsel vm0, v14, v13;
	v12 =	vld [tilespmem:s16+$0xFFFFFE70]  }
0x1ce: {  	vm1 =	vgt.f32 v10, v15;
	vm3 =	veq.s32 v1, $0x3;
	[tilespmem:s13+$0x2090] =	vst v7;
	vm2 =	vgt.f32 v11, v4;
	v7 =	vld [tilespmem:s16+$0xFFFFFEF0]  }
0x1cf: {  	v16 =	vimm.s32 $0x0;
	v5 =	vld [tilespmem:s14+$0xFFFFFEA0];
	v4 =	vsel vm2, v11, v4;
	v11 =	vsel vm3, $0xF149F2CA, v17  }
0x1d0: {  	vm6 =	veq.s32 v1, $0x4;
	v16 =	vsel vm7, $0xFFFFFFFF, v16;
	v14 =	vld [tilespmem:s16+$0xFFFFFF70];
	vm3 =	vgt.f32 v11, v4  }
0x1d1: {  	vm8 =	vmand vm8, vm13;
	v13 =	vld [tilespmem:s14+$0xFFFFFE20];
	[tilespmem:$0x1FFA0] =	vst v16;
	v2 =	vsel vm3, v11, v4;
	v4 =	vsel vm6, $0xF149F2CA, v19  }
0x1d2: {  	v20 =	vsel vm13, v20, v44;
	vm7 =	veq.s32 v1, $0x5;
	v11 =	vld [tilespmem:s16+$0xFFFFFFF0];
	vm6 =	vgt.f32 v4, v2  }
0x1d3: {  	v2 =	vsel vm6, v4, v2;
	v4 =	vsel vm7, $0xF149F2CA, v18;
	vm10 =	vgt.f32 v7, v12  }
0x1d4: {  	v10 =	vsel vm1, v10, v15;
	v16 =	vld [tilespmem:s16+$0x70];
	vm7 =	vgt.f32 v4, v2;
	v17 =	vsel vm10, v7, v12  }
0x1d5: {  	v2 =	vsel vm7, v4, v2;
	v4 =	vsel vm8, $0xF149F2CA, v42;
	vm11 =	vgt.f32 v14, v17  }
0x1d6: {  	v58 =	vsel vm0, $0x1, v0;
	v18 =	vld [tilespmem:s16+$0xF0];
	vm8 =	vgt.f32 v4, v2;
	v17 =	vsel vm11, v14, v17  }
0x1d7: {  	v19 =	vld [tilespmem:s14+$0xFFFFFF20];
	v2 =	vsel vm8, v4, v2;
	v4 =	vnsel vm13, $0xF149F2CA, v44;
	vm14 =	vgt.f32 v11, v17  }
0x1d8: {  	v21 =	vld [tilespmem:s16+$0x170];
	vm12 =	vgt.f32 v5, v13;
	vm9 =	vgt.f32 v4, v2;
	v17 =	vsel vm14, v11, v17  }
0x1d9: {  	v50 =	vld [tilespmem:s14+$0xFFFFFFA0];
	v2 =	vsel vm9, v4, v2;
	v4 =	vsel vm10, $0x1, v0;
	vm10 =	vgt.f32 v16, v17  }
0x1da: {  	v52 =	vld [tilespmem:s16+$0x1F0];
	v51 =	vsel vm12, $0x1, v0;
	v2 =	vsub.f32 v2, v20;
	v17 =	vsel vm10, v16, v17  }
0x1db: {  	v53 =	vsel vm12, v5, v13;
	v4 =	vsel vm11, $0x2, v4;
	vm12 =	vgt.f32 v18, v17  }
0x1dc: {  	v54 =	vld [tilespmem:s14+$0x20];
	vm11 =	vgt.f32 v19, v53;
	v2 =	vmul.f32 $1.442695020e+00, v2;
	v17 =	vsel vm12, v18, v17  }
0x1dd: {  	v24 =	vsel vm11, v19, v53;
	v4 =	vsel vm14, $0x3, v4;
	vm15 =	vgt.f32 v21, v17  }
0x1de: {  	v55 =	vld [tilespmem:s14+$0xA0];
	(erf) = vpow2.f32 v2;
	v2 =	vsel vm10, $0x4, v4;
	v17 =	vsel vm15, v21, v17  }
0x1df: {  	vm10 =	vgt.f32 v50, v24;
	v2 =	vsel vm12, $0x5, v2;
	vm12 =	vgt.f32 v52, v17  }
0x1e0: {  	v4 =	vsel vm10, v50, v24;
	v2 =	vsel vm15, $0x6, v2;
	vm12 =	vmneg vm12  }
0x1e1: {  	v23 =	vsel vm11, $0x2, v51;
	vm11 =	vgt.f32 v54, v4;
	v2 =	vnsel vm12, $0x7, v2  }
0x1e2: {  	v56 =	vld [tilespmem:s14+$0x120];
	v23 =	vsel vm10, $0x3, v23;
	v4 =	vsel vm11, v54, v4;
	vm10 =	veq.s32 v2, $0x0  }
0x1e3: {  	v23 =	vsel vm11, $0x4, v23;
	vm11 =	vgt.f32 v55, v4;
	v12 =	vsel vm10, $0xF149F2CA, v12  }
0x1e4: {  	v4 =	vsel vm11, v55, v4;
	v23 =	vsel vm11, $0x5, v23;
	vm11 =	veq.s32 v2, $0x1  }
0x1e5: {  	vm0 =	veq.s32 v2, $0x5;
	vm10 =	vgt.f32 v12, $-1.000000020e+30;
	v7 =	vsel vm11, $0xF149F2CA, v7  }
0x1e6: {  	vm11 =	veq.s32 v2, $0x3;
	v12 =	vnsel vm10, $0xF149F2CA, v12;
	vm10 =	veq.s32 v2, $0x2  }
0x1e7: {  	vm13 =	vgt.f32 v56, v4;
	v14 =	vsel vm10, $0xF149F2CA, v14;
	vm10 =	vgt.f32 v7, v12  }
0x1e8: {  	v11 =	vsel vm11, $0xF149F2CA, v11;
	vm11 =	veq.s32 v2, $0x4;
	v57 =	vpop (erf);
	v7 =	vsel vm10, v7, v12  }
0x1e9: {  	v16 =	vsel vm11, $0xF149F2CA, v16;
	v12 =	vadd.f32 $1.000000000e+00, v57;
	vm11 =	vgt.f32 v14, v7  }
0x1ea: {  	v15 =	vsel vm13, $0x6, v23;
	v7 =	vsel vm11, v14, v7;
	v14 =	vsel vm2, $0x2, v58  }
0x1eb: {  	v59 =	vld [tilespmem:s14+$0x1A0];
	(erf) = vrcp.f32 v12;
	v12 =	vsel vm0, $0xF149F2CA, v18;
	vm0 =	vgt.f32 v11, v7  }
0x1ec: {  	vm2 =	vmand vm15, vm12;
	v18 =	vimm.s32 $0x0;
	v7 =	vsel vm0, v11, v7  }
0x1ed: {  	v18 =	vsel vm1, $0xFFFFFFFF, v18;
	v11 =	vsel vm3, $0x3, v14;
	vm14 =	vgt.f32 v16, v7  }
0x1ee: {  	v14 =	vsel vm13, v56, v4;
	vm1 =	vgt.f32 v9, v10;
	v4 =	vsel vm14, v16, v7  }
0x1ef: {  	v11 =	vsel vm6, $0x4, v11;
	v9 =	vsel vm1, v9, v10;
	vm6 =	vgt.f32 v12, v4  }
0x1f0: {  	v7 =	vsel vm2, $0xF149F2CA, v21;
	vm2 =	vgt.f32 v59, v14;
	v12 =	vsel vm6, v12, v4  }
0x1f1: {  	v11 =	vsel vm7, $0x5, v11;
	vm15 =	vmneg vm2;
	vm2 =	vgt.f32 v7, v12  }
0x1f2: {  	v16 =	vimm.s32 $0x0;
	v7 =	vsel vm2, v7, v12;
	v12 =	vnsel vm12, $0xF149F2CA, v52  }
0x1f3: {  	[tilespmem:$0x1FFB0] =	vst v18;
	v11 =	vsel vm8, $0x6, v11;
	v4 =	vnsel vm15, $0x7, v15;
	vm3 =	vgt.f32 v12, v7  }
0x1f4: {  	[tilespmem:s12+$0x2840] =	vst v1;
	v11 =	vsel vm9, $0x7, v11;
	vm7 =	veq.s32 v4, $0x0;
	v16 =	vsel vm3, $0xFFFFFFFF, v16  }
0x1f5: {  	v15 =	vsel vm12, v17, v52;
	v13 =	vsel vm7, $0xF149F2CA, v13;
	vm7 =	veq.s32 v4, $0x1;
	v1 =	vpop (erf);
	[tilespmem:$0x1FFC0] =	vst v16  }
0x1f6: {  	vm8 =	vgt.f32 v13, $-1.000000020e+30;
	v7 =	vsel vm3, v12, v7;
	v12 =	vmul.f32 v1, v57;
	[tilespmem:s12+$0x28C0] =	vst v11  }
0x1f7: {  	v5 =	vsel vm7, $0xF149F2CA, v5;
	vm7 =	veq.s32 v4, $0x2;
	v7 =	vsub.f32 v7, v15;
	[tilespmem:s12+$0x2040] =	vst v1  }
0x1f8: {  	v1 =	vnsel vm8, $0xF149F2CA, v13;
	v11 =	vimm.s32 $0x0;
	vm8 =	veq.s32 v4, $0x5;
	[tilespmem:s12+$0x20C0] =	vst v12  }
0x1f9: {  	v13 =	vimm.s32 $0x0;
	v12 =	vsel vm7, $0xF149F2CA, v19;
	vm7 =	veq.s32 v4, $0x3;
	v15 =	vld [tilespmem:s15+$0xFFFFFE50]  }
0x1fa: {  	v7 =	vmul.f32 $1.442695020e+00, v7;
	v11 =	vsel vm1, $0xFFFFFFFF, v11;
	vm1 =	vgt.f32 v5, v1;
	v16 =	vld [tilespmem:s15+$0xFFFFFED0]  }
0x1fb: {  	v18 =	vsel vm8, $0xF149F2CA, v55;
	vm8 =	vmand vm13, vm15;
	v17 =	vsel vm7, $0xF149F2CA, v50;
	[tilespmem:$0x1FFD0] =	vst v11  }
0x1fc: {  	vm7 =	veq.s32 v4, $0x4;
	v13 =	vsel vm1, $0xFFFFFFFF, v13;
	(erf) = vpow2.f32 v7;
	v11 =	vld [tilespmem:s15+$0xFFFFFF50]  }
0x1fd: {  	v1 =	vsel vm1, v5, v1;
	v19 =	vsel vm8, $0xF149F2CA, v56;
	v10 =	vsel vm7, $0xF149F2CA, v54;
	[tilespmem:$0x1FFE0] =	vst v13  }
0x1fe: {  	v7 =	vsel vm10, $0x1, v0;
	vm10 =	vgt.f32 v8, v9;
	vm8 =	vgt.f32 v12, v1;
	v13 =	vld [tilespmem:s15+$0xFFFFFFD0]  }
0x1ff: {  	v8 =	vsel vm10, v8, v9;
	v1 =	vsel vm8, v12, v1;
	vm7 =	vgt.f32 v16, v15  }
0x200: {  	v5 =	vld [tilespmem:s15+$0x50];
	v12 =	vsel vm11, $0x2, v7;
	v6 =	vsub.f32 v8, v6;
	v9 =	vsel vm7, v16, v15  }
0x201: {  	vm9 =	vgt.f32 v17, v1;
	v8 =	vsel vm7, $0x1, v0;
	vm7 =	vgt.f32 v11, v9  }
0x202: {  	v7 =	vld [tilespmem:s15+$0xD0];
	v1 =	vsel vm9, v17, v1;
	v6 =	vmul.f32 $1.442695020e+00, v6;
	v61 =	vsel vm7, v11, v9  }
0x203: {  	vm11 =	vgt.f32 v10, v1;
	v8 =	vsel vm7, $0x2, v8;
	vm7 =	vgt.f32 v13, v61  }
0x204: {  	v60 =	vnsel vm15, $0xF149F2CA, v59;
	v1 =	vsel vm11, v10, v1;
	v9 =	vld [tilespmem:s15+$0x150];
	v17 =	vsel vm7, v13, v61  }
0x205: {  	(erf) = vpow2.f32 v6;
	v8 =	vsel vm7, $0x3, v8;
	v62 =	vpop (erf);
	vm7 =	vgt.f32 v5, v17  }
0x206: {  	vm12 =	vgt.f32 v18, v1;
	v6 =	vadd.f32 $1.000000000e+00, v62;
	v17 =	vsel vm7, v5, v17  }
0x207: {  	v14 =	vsel vm15, v14, v59;
	v10 =	vld [tilespmem:s15+$0x1D0];
	v1 =	vsel vm12, v18, v1;
	vm15 =	vgt.f32 v7, v17  }
0x208: {  	vm13 =	vgt.f32 v19, v1;
	(erf) = vrcp.f32 v6;
	v6 =	vsel vm15, v7, v17  }
0x209: {  	v63 =	vsel vm0, $0x3, v12;
	v1 =	vsel vm13, v19, v1;
	v17 =	vld [tilespmem:$0x1FFF0];
	vm0 =	vgt.f32 v9, v6  }
0x20a: {  	v12 =	vsel vm0, v9, v6;
	v6 =	vsel vm14, $0x4, v63;
	vm14 =	vgt.f32 v60, v1  }
0x20b: {  	v8 =	vsel vm7, $0x4, v8;
	v1 =	vsel vm14, v60, v1  }
0x20c: {  	v8 =	vsel vm15, $0x5, v8;
	vm7 =	vgt.f32 v10, v12;
	v1 =	vsub.f32 v1, v14  }
0x20d: {  	v8 =	vsel vm0, $0x6, v8;
	vm15 =	vmneg vm7  }
0x20e: {  	vm1 =	vnez.u8 v17;
	v8 =	vnsel vm15, $0x7, v8;
	v18 =	vmul.f32 $1.442695020e+00, v1  }
0x20f: {  	v6 =	vsel vm6, $0x5, v6;
	v14 =	vpop (erf);
	v17 =	vsel vm1, $0x1, v0;
	vm1 =	veq.s32 v8, $0x0  }
0x210: {  	v19 =	vadd.f32 $1.000000000e+00, v14;
	v1 =	vsel vm2, $0x6, v6;
	v15 =	vsel vm1, $0xF149F2CA, v15  }
0x211: {  	vm2 =	veq.s32 v8, $0x1;
	v17 =	vsel vm5, $0x2, v17;
	vm1 =	vgt.f32 v15, $-1.000000020e+30  }
0x212: {  	[tilespmem:s11+$0x2870] =	vst v2;
	(erf) = vpow2.f32 v18;
	v6 =	vnsel vm1, $0xF149F2CA, v15;
	v15 =	vsel vm2, $0xF149F2CA, v16;
	v18 =	vpop (erf)  }
0x213: {  	s18 =	simm.s32 $0xC00;
	s19 =	simm.s32 $0x1000;
	s16 =	simm.s32 $0xE00;
	v16 =	vsel vm4, $0x3, v17;
	(erf) = vrcp.f32 v19;
	v2 =	vmul.f32 v18, v62;
	[tilespmem:s11+$0x2070] =	vst v18  }
.LBB2_2:
0x214: {  	v17 =	vld [tilespmem:$0x1FFA0]  }
0x215: {  	[tilespmem:s11+$0x20F0] =	vst v2;
	v2 =	vld [tilespmem:$0x1FFB0];
	_ =	sdelay $0x3  }
0x216: {  	vm1 =	vnez.u8 v17  }
0x217: {  	vm2 =	vnez.u8 v2;
	v17 =	vsel vm1, $0x4, v16  }
0x218: {  	v2 =	vsel vm2, $0x5, v17;
	v17 =	vld [tilespmem:$0x1FFD0];
	_ =	sdelay $0x2  }
0x219: {  	vm4 =	vgt.f32 v15, v6;
	vm1 =	veq.s32 v8, $0x2  }
0x21a: {  	v6 =	vsel vm4, v15, v6;
	v11 =	vsel vm1, $0xF149F2CA, v11  }
0x21b: {  	vm1 =	veq.s32 v8, $0x3;
	vm2 =	vgt.f32 v11, v6;
	vm3 =	vnez.u8 v17  }
0x21c: {  	s20 =	sshra.s32 s18, $0x2;
	s17 =	sadd.s32 $0x400, s17;
	v16 =	vpop (erf);
	v6 =	vsel vm2, v11, v6;
	v11 =	vsel vm1, $0xF149F2CA, v13;
	v17 =	vsel vm3, $0x6, v2  }
0x21d: {  	v15 =	vadd.f32 $1.000000000e+00, v16;
	vm6 =	vgt.f32 v11, v6;
	v2 =	vld [tilespmem:s17+$0x80];
	[tilespmem:s20+$0x2800] =	vst v3;
	v13 =	vsel vm10, $0x7, v17  }
0x21e: {  	vm1 =	veq.s32 v8, $0x4;
	v11 =	vsel vm6, v11, v6;
	v6 =	vld [tilespmem:s17+$0x0];
	[tilespmem:s20+$0x2880] =	vst v13  }
0x21f: {  	(erf) = vrcp.f32 v15;
	v15 =	vsel vm1, $0xF149F2CA, v5;
	v3 =	vpop (erf);
	v5 =	vld [tilespmem:s17+$0xFFFFFE00]  }
0x220: {  	vm1 =	veq.s32 v8, $0x5;
	v14 =	vmul.f32 v3, v14;
	vm10 =	vgt.f32 v15, v11;
	[tilespmem:s20+$0x2000] =	vst v3;
	v3 =	vld [tilespmem:$0x1FFE0]  }
0x221: {  	v11 =	vsel vm10, v15, v11;
	v15 =	vsel vm1, $0xF149F2CA, v7;
	v7 =	vld [tilespmem:s17+$0xFFFFFE80]  }
0x222: {  	[tilespmem:s20+$0x2080] =	vst v14;
	v14 =	vld [tilespmem:$0x1FFC0];
	_ =	sdelay $0x1  }
0x223: {  	vm0 =	vmand vm0, vm15  }
0x224: {  	v41 =	vimm.s32 $0x0;
	v46 =	vimm.s32 $0x0;
	vm3 =	vnez.u8 v3  }
0x225: {  	v59 =	vimm.s32 $0x0;
	v9 =	vsel vm0, $0xF149F2CA, v9;
	v13 =	vld [tilespmem:s16+$0xFFFFFE10];
	v3 =	vsel vm3, $0x1, v0  }
0x226: {  	vm7 =	vgt.f32 v15, v11;
	v17 =	vld [tilespmem:s16+$0xFFFFFE90];
	vm0 =	vnez.u8 v14;
	v3 =	vsel vm8, $0x2, v3  }
0x227: {  	v11 =	vsel vm7, v15, v11;
	v14 =	vsel vm0, $0x7, v1;
	v3 =	vsel vm9, $0x3, v3  }
0x228: {  	v15 =	vnsel vm15, $0xF149F2CA, v10;
	v1 =	vld [tilespmem:s17+$0xFFFFFF00];
	vm9 =	vgt.f32 v9, v11;
	[tilespmem:s11+$0x28F0] =	vst v14;
	v3 =	vsel vm11, $0x4, v3  }
0x229: {  	v10 =	vsel vm15, v12, v10;
	v11 =	vsel vm9, v9, v11;
	v18 =	vld [tilespmem:s16+$0xFFFFFF10];
	v3 =	vsel vm12, $0x5, v3  }
0x22a: {  	vm3 =	vgt.f32 v7, v5;
	s11 =	smov.u32 s12;
	s12 =	smov.u32 s13;
	v9 =	vld [tilespmem:s17+$0xFFFFFF80];
	vm0 =	vgt.f32 v15, v11;
	v3 =	vsel vm13, $0x6, v3  }
0x22b: {  	vm1 =	vgt.f32 v17, v13;
	[tilespmem:s12+$0x2820] =	vst v4;
	v4 =	vpop (erf);
	v11 =	vsel vm0, v15, v11;
	v3 =	vsel vm14, $0x7, v3  }
0x22c: {  	v19 =	vld [tilespmem:s16+$0xFFFFFF90];
	v12 =	vmul.f32 v4, v16;
	[tilespmem:s12+$0x28A0] =	vst v3;
	v3 =	vsub.f32 v11, v10;
	v10 =	vsel vm3, v7, v5  }
0x22d: {  	v62 =	vimm.s32 $0x0;
	v11 =	vld [tilespmem:s16+$0x90];
	[tilespmem:s12+$0x2020] =	vst v4;
	vm5 =	vgt.f32 v1, v10;
	v4 =	vsel vm1, v17, v13  }
0x22e: {  	v20 =	vld [tilespmem:s16+$0x10];
	[tilespmem:s12+$0x20A0] =	vst v12;
	v3 =	vmul.f32 $1.442695020e+00, v3;
	v10 =	vsel vm5, v1, v10;
	vm8 =	vgt.f32 v18, v4  }
0x22f: {  	v14 =	vimm.s32 $0x0;
	v21 =	vld [tilespmem:s14+$0xFFFFFE30];
	vm11 =	vgt.f32 v9, v10;
	v4 =	vsel vm8, v18, v4  }
0x230: {  	v22 =	vld [tilespmem:s14+$0xFFFFFEB0];
	(erf) = vpow2.f32 v3;
	v3 =	vsel vm3, $0x1, v0;
	v10 =	vsel vm11, v9, v10  }
0x231: {  	vm3 =	vgt.f32 v19, v4;
	v3 =	vsel vm5, $0x2, v3;
	vm5 =	vgt.f32 v6, v10  }
0x232: {  	v15 =	vimm.s32 $0x0;
	v12 =	vld [tilespmem:s16+$0x110];
	v4 =	vsel vm3, v19, v4;
	v10 =	vsel vm5, v6, v10  }
0x233: {  	v23 =	vld [tilespmem:s14+$0xFFFFFF30];
	v14 =	vsel vm5, $0xFFFFFFFF, v14;
	v3 =	vsel vm11, $0x3, v3;
	vm11 =	vgt.f32 v2, v10  }
0x234: {  	v43 =	vsel vm4, $0x1, v0;
	v24 =	vld [tilespmem:s14+$0xFFFFFFB0];
	[tilespmem:$0x1FE60] =	vst v14;
	vm5 =	vgt.f32 v20, v4;
	v15 =	vsel vm11, $0xFFFFFFFF, v15  }
0x235: {  	v14 =	vld [tilespmem:s16+$0x190];
	v4 =	vsel vm5, v20, v4;
	[tilespmem:$0x1FE40] =	vst v15;
	v15 =	vsel vm1, $0x1, v0;
	vm1 =	vgt.f32 v22, v21  }
0x236: {  	v15 =	vsel vm8, $0x2, v15;
	vm8 =	vgt.f32 v11, v4;
	v16 =	vsel vm1, v22, v21  }
0x237: {  	v25 =	vld [tilespmem:s14+$0x30];
	v42 =	vsel vm1, $0x1, v0;
	v15 =	vsel vm3, $0x3, v15;
	v4 =	vsel vm8, v11, v4  }
0x238: {  	vm12 =	vgt.f32 v23, v16;
	v15 =	vsel vm5, $0x4, v15;
	vm11 =	vgt.f32 v12, v4  }
0x239: {  	v26 =	vld [tilespmem:s14+$0xB0];
	v16 =	vsel vm12, v23, v16;
	v15 =	vsel vm8, $0x5, v15;
	v4 =	vsel vm11, v12, v4  }
0x23a: {  	vm13 =	vgt.f32 v24, v16;
	v28 =	vpop (erf);
	v27 =	vsel vm11, $0x6, v15;
	vm3 =	vgt.f32 v14, v4  }
0x23b: {  	v29 =	vld [tilespmem:s14+$0x130];
	v30 =	vsel vm13, v24, v16;
	v31 =	vadd.f32 $1.000000000e+00, v28;
	vm5 =	vmneg vm3  }
0x23c: {  	vm14 =	vgt.f32 v25, v30;
	v15 =	vsel vm5, v4, v14;
	v16 =	vnsel vm5, $0xF149F2CA, v14  }
0x23d: {  	v4 =	vnsel vm5, $0x7, v27;
	v14 =	vsel vm14, v25, v30;
	(erf) = vrcp.f32 v31  }
0x23e: {  	v40 =	vld [tilespmem:s14+$0x1B0];
	vm3 =	veq.s32 v4, $0x5;
	vm15 =	vgt.f32 v26, v14;
	vm4 =	veq.s32 v4, $0x2  }
0x23f: {  	v30 =	vsel vm3, $0xFFFFFFFF, v41;
	vm3 =	veq.s32 v4, $0x4;
	v14 =	vsel vm15, v26, v14  }
0x240: {  	v18 =	vsel vm4, $0xF149F2CA, v18;
	[tilespmem:$0x1FE30] =	vst v30;
	v30 =	vsel vm12, $0x2, v42;
	vm1 =	vgt.f32 v29, v14  }
0x241: {  	vm12 =	veq.s32 v4, $0x0;
	v30 =	vsel vm13, $0x3, v30;
	v32 =	vsel vm1, v29, v14  }
0x242: {  	v14 =	vsel vm2, $0x2, v43;
	v13 =	vsel vm12, $0xF149F2CA, v13;
	v30 =	vsel vm14, $0x4, v30  }
0x243: {  	vm2 =	vgt.f32 v40, v32;
	v14 =	vsel vm6, $0x3, v14;
	v30 =	vsel vm15, $0x5, v30  }
0x244: {  	vm6 =	vmneg vm2;
	v44 =	vsel vm10, $0x4, v14;
	vm2 =	veq.s32 v4, $0x3  }
0x245: {  	v30 =	vsel vm1, $0x6, v30;
	v45 =	vsel vm7, $0x5, v44;
	v19 =	vsel vm2, $0xF149F2CA, v19  }
0x246: {  	vm2 =	vgt.f32 v13, $-1.000000020e+30;
	vm1 =	vmand vm1, vm6;
	v61 =	vnsel vm6, $0xF149F2CA, v40  }
0x247: {  	v27 =	vsel vm6, v32, v40;
	v14 =	vnsel vm6, $0x7, v30;
	v30 =	vsel vm9, $0x6, v45  }
0x248: {  	[tilespmem:s11+$0x2850] =	vst v8;
	vm9 =	veq.s32 v4, $0x1;
	vm7 =	veq.s32 v14, $0x0;
	v30 =	vsel vm0, $0x7, v30;
	v8 =	vpop (erf)  }
0x249: {  	v13 =	vnsel vm2, $0xF149F2CA, v13;
	v21 =	vsel vm7, $0xF149F2CA, v21;
	v28 =	vmul.f32 v8, v28;
	[tilespmem:s11+$0x28D0] =	vst v30  }
0x24a: {  	v58 =	vsel vm1, $0xF149F2CA, v29;
	vm7 =	veq.s32 v14, $0x1;
	[tilespmem:s11+$0x2050] =	vst v8;
	vm0 =	vgt.f32 v21, $-1.000000020e+30  }
0x24b: {  	v17 =	vsel vm9, $0xF149F2CA, v17;
	v22 =	vsel vm7, $0xF149F2CA, v22;
	v21 =	vnsel vm0, $0xF149F2CA, v21;
	[tilespmem:s11+$0x20D0] =	vst v28  }
0x24c: {  	v8 =	vsel vm3, $0xF149F2CA, v20;
	vm0 =	veq.s32 v14, $0x2;
	vm3 =	vgt.f32 v22, v21;
	v49 =	vld [tilespmem:s15+$0xFFFFFE60]  }
0x24d: {  	vm2 =	vgt.f32 v17, v13;
	v48 =	vsel vm0, $0xF149F2CA, v23;
	v50 =	vld [tilespmem:s15+$0xFFFFFEE0];
	v47 =	vsel vm3, v22, v21  }
0x24e: {  	vm0 =	veq.s32 v14, $0x3;
	v20 =	vsel vm3, $0xFFFFFFFF, v46;
	vm14 =	vgt.f32 v48, v47  }
0x24f: {  	v29 =	vsel vm2, $0xFFFFFFFF, v59;
	v52 =	vld [tilespmem:s15+$0xFFFFFF60];
	v51 =	vsel vm0, $0xF149F2CA, v24;
	[tilespmem:$0x1FE50] =	vst v20;
	v20 =	vsel vm14, v48, v47  }
0x250: {  	v13 =	vsel vm2, v17, v13;
	vm0 =	veq.s32 v14, $0x4;
	vm15 =	vgt.f32 v51, v20  }
0x251: {  	v54 =	vld [tilespmem:s15+$0xFFFFFFE0];
	v53 =	vsel vm0, $0xF149F2CA, v25;
	vm0 =	veq.s32 v14, $0x5;
	v20 =	vsel vm15, v51, v20  }
0x252: {  	v55 =	vsel vm0, $0xF149F2CA, v26;
	vm0 =	vgt.f32 v50, v49;
	vm10 =	vgt.f32 v53, v20  }
0x253: {  	vm2 =	vgt.f32 v18, v13;
	v56 =	vld [tilespmem:s15+$0x60];
	v57 =	vsel vm0, v50, v49;
	v20 =	vsel vm10, v53, v20  }
0x254: {  	v13 =	vsel vm2, v18, v13;
	vm1 =	vgt.f32 v52, v57;
	vm8 =	vgt.f32 v55, v20  }
0x255: {  	v60 =	vld [tilespmem:s15+$0xE0];
	v18 =	vsel vm0, $0x1, v0;
	v28 =	vsel vm1, v52, v57;
	v20 =	vsel vm8, v55, v20  }
0x256: {  	v18 =	vsel vm1, $0x2, v18;
	vm9 =	vgt.f32 v54, v28;
	vm7 =	vgt.f32 v58, v20  }
0x257: {  	v17 =	vld [tilespmem:s15+$0x160];
	vm1 =	vgt.f32 v19, v13;
	v28 =	vsel vm9, v54, v28;
	v20 =	vsel vm7, v58, v20  }
0x258: {  	v13 =	vsel vm1, v19, v13;
	vm6 =	vgt.f32 v56, v28;
	vm4 =	vgt.f32 v61, v20  }
0x259: {  	v63 =	vld [tilespmem:s15+$0x1E0];
	vm3 =	vgt.f32 v8, v13;
	v32 =	vsel vm6, v56, v28;
	v20 =	vsel vm4, v61, v20  }
0x25a: {  	v8 =	vsel vm3, v8, v13;
	v13 =	vld [tilespmem:$0x1FE30];
	vm0 =	vgt.f32 v60, v32;
	v20 =	vsub.f32 v20, v27  }
0x25b: {  	v21 =	vsel vm2, $0xFFFFFFFF, v62;
	v27 =	vsel vm0, v60, v32  }
0x25c: {  	v18 =	vsel vm9, $0x3, v18;
	vm2 =	vgt.f32 v17, v27;
	v20 =	vmul.f32 $1.442695020e+00, v20  }
0x25d: {  	v33 =	vimm.s32 $0x0;
	v18 =	vsel vm6, $0x4, v18;
	v34 =	vsel vm2, v17, v27  }
0x25e: {  	v18 =	vsel vm0, $0x5, v18;
	vm0 =	vgt.f32 v63, v34;
	(erf) = vpow2.f32 v20  }
0x25f: {  	v28 =	vsel vm1, $0xFFFFFFFF, v33;
	vm1 =	vmneg vm0;
	vm0 =	vnez.u8 v13  }
0x260: {  	v18 =	vsel vm2, $0x6, v18;
	v11 =	vsel vm0, $0xF149F2CA, v11  }
0x261: {  	v13 =	vnsel vm1, $0x7, v18;
	v18 =	vimm.s32 $0x0;
	vm0 =	vgt.f32 v11, v8  }
0x262: {  	vm5 =	vmand vm11, vm5;
	vm6 =	veq.s32 v13, $0x0;
	v18 =	vsel vm0, $0xFFFFFFFF, v18  }
0x263: {  	v8 =	vsel vm0, v11, v8;
	v11 =	vsel vm5, $0xF149F2CA, v12;
	v12 =	vsel vm6, $0xF149F2CA, v49  }
0x264: {  	vm6 =	veq.s32 v13, $0x1;
	vm9 =	vgt.f32 v11, v8;
	vm5 =	vgt.f32 v12, $-1.000000020e+30  }
0x265: {  	v8 =	vsel vm9, v11, v8;
	v11 =	vnsel vm5, $0xF149F2CA, v12;
	v12 =	vsel vm6, $0xF149F2CA, v50  }
0x266: {  	[tilespmem:$0x1FEB0] =	vst v18;
	v18 =	vimm.s32 $0x0;
	vm12 =	vgt.f32 v16, v8;
	vm0 =	vgt.f32 v12, v11  }
0x267: {  	v18 =	vsel vm0, $0xFFFFFFFF, v18;
	v8 =	vsel vm12, v16, v8;
	v16 =	vpop (erf)  }
0x268: {  	[tilespmem:$0x1FEC0] =	vst v18;
	v18 =	vadd.f32 $1.000000000e+00, v16  }
0x269: {  	vm5 =	veq.s32 v13, $0x2  }
0x26a: {  	v11 =	vsel vm0, v12, v11;
	v12 =	vsel vm5, $0xF149F2CA, v52;
	(erf) = vrcp.f32 v18;
	v18 =	vld [tilespmem:$0x1FE50]  }
0x26b: {  	v19 =	vimm.s32 $0x0;
	vm11 =	veq.s32 v13, $0x3;
	vm6 =	vgt.f32 v12, v11  }
0x26c: {  	v19 =	vsel vm3, $0xFFFFFFFF, v19;
	v11 =	vsel vm6, v12, v11;
	v12 =	vsel vm11, $0xF149F2CA, v54  }
0x26d: {  	vm13 =	veq.s32 v13, $0x4;
	v8 =	vsub.f32 v8, v15;
	vm11 =	vgt.f32 v12, v11  }
0x26e: {  	vm0 =	veq.s32 v13, $0x5;
	v11 =	vsel vm11, v12, v11;
	v12 =	vsel vm13, $0xF149F2CA, v56  }
0x26f: {  	v8 =	vmul.f32 $1.442695020e+00, v8;
	vm13 =	vgt.f32 v12, v11;
	vm5 =	vnez.u8 v18  }
0x270: {  	v15 =	vld [tilespmem:$0x1FE40];
	v11 =	vsel vm13, v12, v11;
	v12 =	vsel vm0, $0xF149F2CA, v60;
	v18 =	vsel vm5, $0x1, v0  }
0x271: {  	vm0 =	vmand vm2, vm1;
	vm5 =	vgt.f32 v12, v11;
	v18 =	vsel vm14, $0x2, v18  }
0x272: {  	v11 =	vsel vm5, v12, v11;
	v12 =	vsel vm0, $0xF149F2CA, v17;
	v18 =	vsel vm15, $0x3, v18  }
0x273: {  	(erf) = vpow2.f32 v8;
	vm14 =	vgt.f32 v12, v11;
	v8 =	vsel vm10, $0x4, v18  }
0x274: {  	v11 =	vsel vm14, v12, v11;
	v12 =	vnsel vm1, $0xF149F2CA, v63;
	v8 =	vsel vm8, $0x5, v8  }
0x275: {  	vm3 =	vnez.u8 v15;
	v15 =	vld [tilespmem:s17+$0x100];
	vm15 =	vgt.f32 v12, v11;
	v8 =	vsel vm7, $0x6, v8  }
0x276: {  	v17 =	vld [tilespmem:s17+$0x180];
	v18 =	vsel vm1, v34, v63;
	v11 =	vsel vm15, v12, v11;
	v8 =	vsel vm4, $0x7, v8  }
0x277: {  	[tilespmem:s12+$0x28B0] =	vst v8;
	v8 =	vsub.f32 v11, v18;
	v11 =	vld [tilespmem:$0x1FE60];
	_ =	sdelay $0x2  }
0x278: {  	v10 =	vsel vm3, v2, v10  }
0x279: {  	vm0 =	vgt.f32 v15, v10;
	[tilespmem:s12+$0x2830] =	vst v14;
	v14 =	vpop (erf)  }
0x27a: {  	v10 =	vsel vm0, v15, v10;
	v12 =	vmul.f32 v14, v16;
	vm1 =	vnez.u8 v11  }
0x27b: {  	[tilespmem:s12+$0x2030] =	vst v14;
	v11 =	vmul.f32 $1.442695020e+00, v8;
	v3 =	vsel vm1, $0x4, v3;
	vm1 =	vgt.f32 v17, v10  }
0x27c: {  	v38 =	vimm.s32 $0x0;
	[tilespmem:s12+$0x20B0] =	vst v12;
	v3 =	vsel vm3, $0x5, v3;
	vm1 =	vmneg vm1  }
0x27d: {  	v12 =	vld [tilespmem:s14+$0xFFFFFE40];
	(erf) = vpow2.f32 v11;
	v3 =	vsel vm0, $0x6, v3;
	v8 =	vsel vm1, v10, v17  }
0x27e: {  	[tilespmem:$0x1FE70] =	vst v29;
	v14 =	vld [tilespmem:s14+$0xFFFFFEC0];
	vm0 =	vmand vm0, vm1;
	v10 =	vnsel vm1, $0xF149F2CA, v17;
	v3 =	vnsel vm1, $0x7, v3  }
0x27f: {  	v35 =	vld [tilespmem:$0x1FE70];
	[tilespmem:$0x1FEA0] =	vst v19;
	v11 =	vsel vm0, $0xF149F2CA, v15;
	v15 =	vpop (erf);
	vm2 =	veq.s32 v3, $0x5;
	vm0 =	veq.s32 v3, $0x3  }
0x280: {  	[tilespmem:$0x1FE80] =	vst v21;
	v41 =	vld [tilespmem:$0x1FEA0];
	vm1 =	veq.s32 v3, $0x4;
	v16 =	vadd.f32 $1.000000000e+00, v15;
	vm3 =	veq.s32 v3, $0x0  }
0x281: {  	v36 =	vld [tilespmem:$0x1FE80];
	vm4 =	veq.s32 v3, $0x1;
	vm7 =	veq.s32 v3, $0x2;
	v6 =	vsel vm1, $0xF149F2CA, v6  }
0x282: {  	[tilespmem:$0x1FE90] =	vst v28;
	v17 =	vld [tilespmem:s14+$0xFFFFFF40];
	v18 =	vsel vm2, $0xF149F2CA, v2;
	v2 =	vsel vm7, $0xF149F2CA, v1;
	v1 =	vsel vm3, $0xF149F2CA, v5  }
0x283: {  	v39 =	vld [tilespmem:$0x1FE90];
	v9 =	vsel vm0, $0xF149F2CA, v9;
	vm0 =	vgt.f32 v14, v12;
	vm1 =	vgt.f32 v1, $-1.000000020e+30  }
0x284: {  	v47 =	vld [tilespmem:$0x1FEC0];
	v5 =	vsel vm4, $0xF149F2CA, v7;
	vm2 =	vnez.u8 v35;
	v1 =	vnsel vm1, $0xF149F2CA, v1  }
0x285: {  	vm4 =	vnez.u8 v41;
	(erf) = vrcp.f32 v16;
	v16 =	vld [tilespmem:s14+$0xFFFFFFC0];
	vm3 =	vgt.f32 v5, v1  }
0x286: {  	v19 =	vsel vm0, v14, v12;
	v20 =	vsel vm2, $0x1, v0;
	v5 =	vsel vm3, v5, v1;
	v1 =	vld [tilespmem:$0x1FEB0]  }
0x287: {  	v7 =	vld [tilespmem:s14+$0x40];
	v46 =	vsel vm0, $0x1, v0;
	vm2 =	vgt.f32 v17, v19;
	vm1 =	vnez.u8 v36  }
0x288: {  	v20 =	vsel vm1, $0x2, v20;
	v19 =	vsel vm2, v17, v19;
	vm1 =	vnez.u8 v39  }
0x289: {  	v37 =	vld [tilespmem:s14+$0xC0];
	v25 =	vsel vm2, $0x2, v46;
	v22 =	vsel vm3, $0xFFFFFFFF, v38;
	v20 =	vsel vm1, $0x3, v20;
	v40 =	vpop (erf)  }
0x28a: {  	v20 =	vsel vm4, $0x4, v20;
	vm1 =	vgt.f32 v16, v19;
	v43 =	vadd.f32 $1.000000000e+00, v40  }
0x28b: {  	v42 =	vld [tilespmem:s14+$0x140];
	v19 =	vsel vm1, v16, v19;
	v25 =	vsel vm1, $0x3, v25;
	vm3 =	vnez.u8 v1  }
0x28c: {  	vm1 =	vnez.u8 v47;
	v1 =	vsel vm3, $0x5, v20;
	vm3 =	vgt.f32 v7, v19  }
0x28d: {  	v44 =	vld [tilespmem:s14+$0x1C0];
	(erf) = vrcp.f32 v43;
	v26 =	vsel vm1, $0x1, v0;
	v19 =	vsel vm3, v7, v19  }
0x28e: {  	v49 =	vimm.s32 $0x0;
	v26 =	vsel vm6, $0x2, v26;
	vm0 =	vgt.f32 v37, v19  }
0x28f: {  	v45 =	vpop (erf);
	v48 =	vsel vm11, $0x3, v26;
	v1 =	vsel vm9, $0x6, v1;
	v19 =	vsel vm0, v37, v19  }
0x290: {  	s13 =	smov.u32 s20;
	v15 =	vmul.f32 v45, v15;
	v25 =	vsel vm3, $0x4, v25;
	vm4 =	vgt.f32 v42, v19  }
0x291: {  	[tilespmem:s13+$0x2810] =	vst v4;
	v1 =	vsel vm12, $0x7, v1;
	v4 =	vsel vm0, $0x5, v25;
	v19 =	vsel vm4, v42, v19  }
0x292: {  	[tilespmem:s13+$0x2890] =	vst v1;
	v1 =	vsel vm4, $0x6, v4;
	v4 =	vsel vm13, $0x4, v48;
	vm0 =	vgt.f32 v44, v19  }
0x293: {  	v4 =	vsel vm5, $0x5, v4;
	vm2 =	vmneg vm0;
	vm0 =	vgt.f32 v2, v5  }
0x294: {  	[tilespmem:s13+$0x2010] =	vst v45;
	v4 =	vsel vm14, $0x6, v4;
	v25 =	vsel vm0, $0xFFFFFFFF, v49  }
0x295: {  	[tilespmem:s13+$0x2090] =	vst v15;
	v1 =	vnsel vm2, $0x7, v1;
	v2 =	vsel vm0, v2, v5;
	v5 =	vimm.s32 $0x0  }
0x296: {  	[tilespmem:s11+$0x2860] =	vst v13;
	v13 =	vpop (erf);
	v4 =	vsel vm15, $0x7, v4;
	vm0 =	veq.s32 v1, $0x0;
	vm3 =	vgt.f32 v9, v2  }
0x297: {  	v15 =	vmul.f32 v13, v40;
	[tilespmem:s11+$0x28E0] =	vst v4;
	v5 =	vsel vm3, $0xFFFFFFFF, v5;
	v12 =	vsel vm0, $0xF149F2CA, v12  }
0x298: {  	vm1 =	veq.s32 v1, $0x1;
	v4 =	vsel vm3, v9, v2;
	[tilespmem:$0x1FF30] =	vst v5;
	vm0 =	vgt.f32 v12, $-1.000000020e+30  }
0x299: {  	v5 =	vld [tilespmem:s16+$0xFFFFFE20];
	[tilespmem:s11+$0x2060] =	vst v13;
	v13 =	vimm.s32 $0x0;
	v9 =	vnsel vm0, $0xF149F2CA, v12;
	v12 =	vsel vm1, $0xF149F2CA, v14  }
0x29a: {  	vm1 =	vgt.f32 v6, v4;
	vm0 =	veq.s32 v1, $0x2;
	vm3 =	vgt.f32 v12, v9  }
0x29b: {  	v4 =	vsel vm1, v6, v4;
	v9 =	vsel vm3, v12, v9;
	v12 =	vsel vm0, $0xF149F2CA, v17  }
0x29c: {  	v2 =	vld [tilespmem:s16+$0xFFFFFEA0];
	[tilespmem:s11+$0x20E0] =	vst v15;
	v6 =	vimm.s32 $0x0;
	v13 =	vsel vm3, $0xFFFFFFFF, v13;
	vm3 =	vgt.f32 v12, v9  }
0x29d: {  	v59 =	vimm.s32 $0x0;
	[tilespmem:$0x1FED0] =	vst v13;
	v13 =	vimm.s32 $0x0;
	v6 =	vsel vm3, $0xFFFFFFFF, v6  }
0x29e: {  	v13 =	vsel vm1, $0xFFFFFFFF, v13;
	vm1 =	vgt.f32 v18, v4;
	[tilespmem:$0x1FEE0] =	vst v6;
	v6 =	vimm.s32 $0x0  }
0x29f: {  	v62 =	vimm.s32 $0x0;
	v63 =	vimm.s32 $0x0;
	v50 =	vld [tilespmem:s15+$0xFFFFFEF0];
	v6 =	vsel vm1, $0xFFFFFFFF, v6  }
0x2a0: {  	v17 =	vld [tilespmem:s15+$0xFFFFFE70];
	vm0 =	veq.s32 v1, $0x3;
	[tilespmem:$0x1FFB0] =	vst v6;
	v6 =	vsel vm1, v18, v4;
	v4 =	vsel vm3, v12, v9  }
0x2a1: {  	v9 =	vsel vm0, $0xF149F2CA, v16;
	v12 =	vimm.s32 $0x0;
	vm0 =	vgt.f32 v11, v6  }
0x2a2: {  	v18 =	vld [tilespmem:s15+$0xFFFFFF70];
	vm8 =	vgt.f32 v9, v4;
	v12 =	vsel vm0, $0xFFFFFFFF, v12;
	vm0 =	veq.s32 v1, $0x4  }
0x2a3: {  	vm3 =	vgt.f32 v2, v5;
	v4 =	vsel vm8, v9, v4;
	v9 =	vsel vm0, $0xF149F2CA, v7  }
0x2a4: {  	v24 =	vld [tilespmem:s15+$0xFFFFFFF0];
	vm1 =	vmand vm4, vm2;
	vm0 =	veq.s32 v1, $0x5;
	vm9 =	vgt.f32 v9, v4  }
0x2a5: {  	v51 =	vld [tilespmem:s15+$0x70];
	v4 =	vsel vm9, v9, v4;
	v9 =	vsel vm0, $0xF149F2CA, v37;
	vm0 =	vgt.f32 v50, v17  }
0x2a6: {  	[tilespmem:$0x1FFA0] =	vst v13;
	v14 =	vsel vm1, $0xF149F2CA, v42;
	v7 =	vld [tilespmem:s16+$0xFFFFFF20];
	vm10 =	vgt.f32 v9, v4;
	v13 =	vsel vm0, v50, v17  }
0x2a7: {  	v15 =	vsel vm3, v2, v5;
	v4 =	vsel vm10, v9, v4;
	vm1 =	vgt.f32 v18, v13  }
0x2a8: {  	v52 =	vld [tilespmem:s15+$0xF0];
	[tilespmem:$0x1FFD0] =	vst v12;
	v12 =	vsel vm3, $0x1, v0;
	vm11 =	vgt.f32 v14, v4;
	v13 =	vsel vm1, v18, v13  }
0x2a9: {  	v53 =	vld [tilespmem:s15+$0x170];
	v4 =	vsel vm11, v14, v4;
	v14 =	vnsel vm2, $0xF149F2CA, v44;
	vm3 =	vgt.f32 v24, v13  }
0x2aa: {  	v16 =	vsel vm2, v19, v44;
	v9 =	vld [tilespmem:s16+$0xFFFFFFA0];
	vm12 =	vgt.f32 v14, v4;
	v13 =	vsel vm3, v24, v13  }
0x2ab: {  	vm4 =	vgt.f32 v7, v15;
	v4 =	vsel vm12, v14, v4;
	vm2 =	vgt.f32 v51, v13  }
0x2ac: {  	v19 =	vld [tilespmem:s15+$0x1F0];
	s15 =	smov.u32 s14;
	s14 =	smov.u32 s16;
	v12 =	vsel vm4, $0x2, v12;
	v4 =	vsub.f32 v4, v16;
	v14 =	vsel vm2, v51, v13  }
0x2ad: {  	v13 =	vld [tilespmem:s14+$0x20];
	v16 =	vsel vm4, v7, v15;
	v15 =	vsel vm0, $0x1, v0;
	vm0 =	vgt.f32 v52, v14  }
0x2ae: {  	v60 =	vld [tilespmem:$0x1FED0];
	v15 =	vsel vm1, $0x2, v15;
	v4 =	vmul.f32 $1.442695020e+00, v4;
	v54 =	vsel vm0, v52, v14  }
0x2af: {  	vm1 =	vgt.f32 v9, v16;
	v14 =	vld [tilespmem:s14+$0xA0];
	v15 =	vsel vm3, $0x3, v15;
	vm6 =	vgt.f32 v53, v54  }
0x2b0: {  	(erf) = vpow2.f32 v4;
	v4 =	vsel vm2, $0x4, v15;
	v20 =	vsel vm6, v53, v54  }
0x2b1: {  	v16 =	vsel vm1, v9, v16;
	v4 =	vsel vm0, $0x5, v4;
	vm0 =	vgt.f32 v19, v20  }
0x2b2: {  	v15 =	vld [tilespmem:s14+$0x120];
	vm2 =	vgt.f32 v13, v16;
	v4 =	vsel vm6, $0x6, v4;
	vm3 =	vmneg vm0  }
0x2b3: {  	vm4 =	vnez.u8 v60;
	v16 =	vsel vm2, v13, v16;
	v56 =	vnsel vm3, $0x7, v4  }
0x2b4: {  	v55 =	vsel vm1, $0x3, v12;
	vm0 =	vgt.f32 v14, v16;
	vm1 =	veq.s32 v56, $0x0  }
0x2b5: {  	v12 =	vld [tilespmem:s14+$0x1A0];
	v4 =	vsel vm2, $0x4, v55;
	v16 =	vsel vm0, v14, v16;
	v17 =	vsel vm1, $0xF149F2CA, v17  }
0x2b6: {  	v4 =	vsel vm0, $0x5, v4;
	vm1 =	veq.s32 v56, $0x1;
	vm0 =	vgt.f32 v17, $-1.000000020e+30  }
0x2b7: {  	[tilespmem:$0x1FF10] =	vst v22;
	vm13 =	vgt.f32 v15, v16;
	v22 =	vsel vm1, $0xF149F2CA, v50;
	v17 =	vnsel vm0, $0xF149F2CA, v17  }
0x2b8: {  	v4 =	vsel vm13, $0x6, v4;
	vm0 =	veq.s32 v56, $0x2;
	vm14 =	vgt.f32 v22, v17  }
0x2b9: {  	v16 =	vsel vm13, v15, v16;
	v18 =	vsel vm0, $0xF149F2CA, v18;
	v17 =	vsel vm14, v22, v17  }
0x2ba: {  	vm2 =	vgt.f32 v12, v16;
	vm0 =	veq.s32 v56, $0x3;
	vm7 =	vgt.f32 v18, v17  }
0x2bb: {  	v61 =	vld [tilespmem:$0x1FEE0];
	vm2 =	vmneg vm2;
	v17 =	vsel vm7, v18, v17;
	v18 =	vsel vm0, $0xF149F2CA, v24  }
0x2bc: {  	v57 =	vpop (erf);
	v4 =	vnsel vm2, $0x7, v4;
	vm0 =	veq.s32 v56, $0x4;
	vm15 =	vgt.f32 v18, v17  }
0x2bd: {  	v58 =	vadd.f32 $1.000000000e+00, v57;
	v17 =	vsel vm15, v18, v17;
	v18 =	vsel vm0, $0xF149F2CA, v51  }
0x2be: {  	vm1 =	veq.s32 v56, $0x5;
	vm5 =	veq.s32 v4, $0x1;
	vm0 =	vgt.f32 v18, v17  }
0x2bf: {  	(erf) = vrcp.f32 v58;
	v21 =	vsel vm0, $0xFFFFFFFF, v59;
	v17 =	vsel vm0, v18, v17  }
0x2c0: {  	v18 =	vsel vm1, $0xF149F2CA, v52;
	vm0 =	vnez.u8 v61;
	[tilespmem:$0x1FEF0] =	vst v21;
	v21 =	vsel vm4, $0x1, v0  }
0x2c1: {  	vm1 =	vgt.f32 v18, v17;
	v21 =	vsel vm0, $0x2, v21;
	vm0 =	vmand vm6, vm3  }
0x2c2: {  	v2 =	vsel vm5, $0xF149F2CA, v2;
	v17 =	vsel vm1, v18, v17;
	v18 =	vsel vm0, $0xF149F2CA, v53  }
0x2c3: {  	v21 =	vsel vm8, $0x3, v21;
	vm0 =	veq.s32 v4, $0x0;
	vm6 =	vgt.f32 v18, v17  }
0x2c4: {  	v21 =	vsel vm9, $0x4, v21;
	v17 =	vsel vm6, v18, v17;
	v18 =	vnsel vm3, $0xF149F2CA, v19  }
0x2c5: {  	v5 =	vsel vm0, $0xF149F2CA, v5;
	v21 =	vsel vm10, $0x5, v21;
	vm0 =	vgt.f32 v18, v17  }
0x2c6: {  	v19 =	vsel vm3, v20, v19;
	v21 =	vsel vm11, $0x6, v21;
	v17 =	vsel vm0, v18, v17  }
0x2c7: {  	[tilespmem:s11+$0x2870] =	vst v56;
	v20 =	vsel vm0, $0xFFFFFFFF, v63;
	vm0 =	vgt.f32 v5, $-1.000000020e+30;
	v17 =	vsub.f32 v17, v19;
	v19 =	vld [tilespmem:$0x1FFD0]  }
0x2c8: {  	[tilespmem:s12+$0x2840] =	vst v1;
	v22 =	vsel vm1, $0xFFFFFFFF, v62;
	v1 =	vpop (erf);
	v21 =	vsel vm12, $0x7, v21;
	v5 =	vnsel vm0, $0xF149F2CA, v5  }
0x2c9: {  	v18 =	vmul.f32 v1, v57;
	[tilespmem:s12+$0x2040] =	vst v1;
	vm0 =	veq.s32 v4, $0x2;
	vm1 =	vgt.f32 v2, v5  }
0x2ca: {  	[tilespmem:s12+$0x28C0] =	vst v21;
	v2 =	vsel vm1, v2, v5;
	v5 =	vsel vm0, $0xF149F2CA, v7  }
0x2cb: {  	[tilespmem:s12+$0x20C0] =	vst v18;
	v1 =	vmul.f32 $1.442695020e+00, v17;
	vm4 =	vgt.f32 v5, v2  }
0x2cc: {  	v17 =	vld [tilespmem:s15+$0xFFFFFE50];
	vm0 =	veq.s32 v4, $0x3;
	v2 =	vsel vm4, v5, v2;
	vm3 =	vnez.u8 v19  }
0x2cd: {  	v18 =	vld [tilespmem:s15+$0xFFFFFED0];
	v5 =	vsel vm0, $0xF149F2CA, v9;
	v6 =	vsel vm3, v11, v6;
	v11 =	vimm.s32 $0x0  }
0x2ce: {  	(erf) = vpow2.f32 v1;
	vm9 =	vgt.f32 v5, v2;
	v11 =	vsel vm1, $0xFFFFFFFF, v11  }
0x2cf: {  	vm0 =	veq.s32 v4, $0x4;
	v2 =	vsel vm9, v5, v2;
	vm10 =	vgt.f32 v10, v6;
	[tilespmem:$0x1FFE0] =	vst v11;
	v11 =	vld [tilespmem:s15+$0xFFFFFF50]  }
0x2d0: {  	v5 =	vsel vm0, $0xF149F2CA, v13;
	vm0 =	veq.s32 v4, $0x5;
	v1 =	vsel vm10, v10, v6  }
0x2d1: {  	v13 =	vld [tilespmem:s15+$0xFFFFFFD0];
	vm11 =	vgt.f32 v5, v2;
	v7 =	vsel vm0, $0xF149F2CA, v14;
	v1 =	vsub.f32 v1, v8  }
0x2d2: {  	vm0 =	vgt.f32 v18, v17;
	vm1 =	vmand vm13, vm2;
	v2 =	vsel vm11, v5, v2  }
0x2d3: {  	v5 =	vld [tilespmem:s15+$0x50];
	vm12 =	vgt.f32 v7, v2;
	v8 =	vsel vm0, v18, v17;
	v1 =	vmul.f32 $1.442695020e+00, v1  }
0x2d4: {  	v9 =	vsel vm1, $0xF149F2CA, v15;
	v2 =	vsel vm12, v7, v2;
	vm1 =	vgt.f32 v11, v8  }
0x2d5: {  	v7 =	vld [tilespmem:s15+$0xD0];
	vm13 =	vgt.f32 v9, v2;
	(erf) = vpow2.f32 v1;
	v1 =	vsel vm1, v11, v8  }
0x2d6: {  	v2 =	vsel vm13, v9, v2;
	v8 =	vnsel vm2, $0xF149F2CA, v12;
	vm3 =	vgt.f32 v13, v1  }
0x2d7: {  	v6 =	vsel vm14, $0x1, v0;
	v9 =	vld [tilespmem:s15+$0x150];
	vm14 =	vgt.f32 v8, v2;
	v1 =	vsel vm3, v13, v1  }
0x2d8: {  	v10 =	vsel vm2, v16, v12;
	v2 =	vsel vm14, v8, v2;
	vm2 =	vgt.f32 v5, v1  }
0x2d9: {  	v15 =	vpop (erf);
	v2 =	vsub.f32 v2, v10;
	v10 =	vld [tilespmem:s15+$0x1D0];
	v1 =	vsel vm2, v5, v1  }
0x2da: {  	v14 =	vadd.f32 $1.000000000e+00, v15;
	v8 =	vsel vm0, $0x1, v0;
	vm8 =	vgt.f32 v7, v1  }
0x2db: {  	v8 =	vsel vm1, $0x2, v8;
	v2 =	vmul.f32 $1.442695020e+00, v2;
	v1 =	vsel vm8, v7, v1  }
0x2dc: {  	(erf) = vrcp.f32 v14;
	v8 =	vsel vm3, $0x3, v8;
	vm0 =	vgt.f32 v9, v1  }
0x2dd: {  	(erf) = vpow2.f32 v2;
	v2 =	vsel vm2, $0x4, v8;
	v12 =	vsel vm0, v9, v1  }
0x2de: {  	v6 =	vsel vm7, $0x2, v6;
	v1 =	vsel vm8, $0x5, v2;
	vm1 =	vgt.f32 v10, v12  }
0x2df: {  	[tilespmem:$0x1FF00] =	vst v22;
	v6 =	vsel vm15, $0x3, v6;
	v2 =	vld [tilespmem:$0x1FEF0];
	v1 =	vsel vm0, $0x6, v1;
	vm15 =	vmneg vm1  }
0x2e0: {  	v8 =	vnsel vm15, $0x7, v1;
	v1 =	vld [tilespmem:$0x1FF00];
	_ =	sdelay $0x3  }
0x2e1: {  	v14 =	vpop (erf);
	vm2 =	vnez.u8 v2  }
0x2e2: {  	v2 =	vsel vm2, $0x4, v6;
	v6 =	vadd.f32 $1.000000000e+00, v14;
	vm1 =	vnez.u8 v1  }
0x2e3: {  	[tilespmem:$0x1FF20] =	vst v25;
	v1 =	vsel vm1, $0x5, v2;
	v2 =	vld [tilespmem:$0x1FF10]  }
0x2e4: {  	(erf) = vrcp.f32 v6;
	v6 =	vld [tilespmem:$0x1FF20];
	_ =	sdelay $0x3  }
0x2e5: {  	vm1 =	vnez.u8 v2  }
0x2e6: {  	v16 =	vpop (erf);
	vm2 =	vnez.u8 v6;
	v2 =	vsel vm1, $0x1, v0  }
0x2e7: {  	v6 =	vsel vm2, $0x2, v2;
	v2 =	vmul.f32 v16, v15;
	v15 =	vld [tilespmem:$0x1FF30]  }
0x2e8: {  	p0 =	sne.s32 s19, $0x1C00  }
.Ltmp0:
0x2e9: {  	_ = 	snop;
	(pc) =	sbr.rel @p0 .LBB2_2-.Ltmp0, $4  }
0x2ea: {  	vm1 =	veq.s32 v8, $0x0  }
0x2eb: {  	vm8 =	vmmov vm4;
	v1 =	vsel vm6, $0x6, v1;
	v17 =	vsel vm1, $0xF149F2CA, v17  }
0x2ec: {  	[tilespmem:$0x1FFC0] =	vst v20;
	vm2 =	veq.s32 v8, $0x1;
	vm1 =	vgt.f32 v17, $-1.000000020e+30;
	vm3 =	vnez.u8 v15  }
0x2ed: {  	s18 =	smov.u32 s19;
	s19 =	sadd.s32 $0x400, s19;
	s16 =	smov.u32 s17;
	[tilespmem:s11+$0x2070] =	vst v16;
	v15 =	vsel vm2, $0xF149F2CA, v18;
	v16 =	vsel vm3, $0x3, v6;
	v6 =	vnsel vm1, $0xF149F2CA, v17  }
0x2ee: {  	v17 =	vld [tilespmem:$0x1FFA0];
	_ =	sdelay $0x1  }
0x2ef: {  	v46 =	vld [tilespmem:$0x1FFB0]  }
0x2f0: {  	vm2 =	veq.s32 v8, $0x2  }
0x2f1: {  	v47 =	vpop (erf);
	vm7 =	veq.s32 v8, $0x4;
	v53 =	vld [tilespmem:$0x1FFE0];
	v11 =	vsel vm2, $0xF149F2CA, v11  }
0x2f2: {  	v18 =	vld [tilespmem:$0x1FFD0];
	v48 =	vadd.f32 $1.000000000e+00, v47;
	v51 =	vpop (erf);
	v5 =	vsel vm7, $0xF149F2CA, v5;
	vm1 =	vnez.u8 v17  }
0x2f3: {  	v52 =	vmul.f32 v51, v14;
	v16 =	vsel vm1, $0x4, v16;
	vm1 =	vgt.f32 v15, v6  }
0x2f4: {  	(erf) = vrcp.f32 v48;
	vm3 =	vnez.u8 v46;
	v6 =	vsel vm1, v15, v6  }
0x2f5: {  	v16 =	vsel vm3, $0x5, v16;
	vm3 =	veq.s32 v8, $0x3;
	vm2 =	vgt.f32 v11, v6  }
0x2f6: {  	vm5 =	vnez.u8 v53;
	v49 =	vsel vm3, $0xF149F2CA, v13;
	v6 =	vsel vm2, v11, v6  }
0x2f7: {  	vm4 =	vnez.u8 v18;
	v14 =	vsel vm5, $0x1, v0;
	vm6 =	vgt.f32 v49, v6  }
0x2f8: {  	v55 =	vsel vm8, $0x2, v14;
	v16 =	vsel vm4, $0x6, v16;
	v6 =	vsel vm6, v49, v6  }
0x2f9: {  	s17 =	sshra.s32 s18, $0x2;
	v50 =	vsel vm10, $0x7, v16;
	vm10 =	veq.s32 v8, $0x5;
	vm4 =	vgt.f32 v5, v6  }
0x2fa: {  	[tilespmem:s17+$0x2800] =	vst v3;
	v3 =	vsel vm9, $0x3, v55;
	v54 =	vsel vm10, $0xF149F2CA, v7;
	v5 =	vsel vm4, v5, v6  }
0x2fb: {  	vm0 =	vmand vm0, vm15;
	[tilespmem:s13+$0x2820] =	vst v4;
	v3 =	vsel vm11, $0x4, v3;
	vm5 =	vgt.f32 v54, v5  }
0x2fc: {  	v56 =	vsel vm0, $0xF149F2CA, v9;
	[tilespmem:s17+$0x2000] =	vst v51;
	v3 =	vsel vm12, $0x5, v3;
	v5 =	vsel vm5, v54, v5  }
0x2fd: {  	[tilespmem:s17+$0x2080] =	vst v52;
	v3 =	vsel vm13, $0x6, v3;
	vm7 =	vgt.f32 v56, v5  }
0x2fe: {  	v57 =	vnsel vm15, $0xF149F2CA, v10;
	[tilespmem:s17+$0x2880] =	vst v50;
	v3 =	vsel vm14, $0x7, v3;
	v58 =	vpop (erf);
	v5 =	vsel vm7, v56, v5  }
0x2ff: {  	v11 =	vld [tilespmem:s16+$0xFFFFFE10];
	v60 =	vmul.f32 v58, v47;
	[tilespmem:s13+$0x28A0] =	vst v3;
	vm8 =	vgt.f32 v57, v5  }
0x300: {  	v59 =	vsel vm15, v12, v10;
	v13 =	vld [tilespmem:s16+$0xFFFFFE90];
	[tilespmem:s13+$0x2020] =	vst v58;
	v5 =	vsel vm8, v57, v5  }
0x301: {  	v9 =	vld [tilespmem:s16+$0xFFFFFF10];
	[tilespmem:s13+$0x20A0] =	vst v60;
	v3 =	vsub.f32 v5, v59  }
0x302: {  	v62 =	vld [tilespmem:s14+$0xFFFFFE30]  }
0x303: {  	v63 =	vld [tilespmem:s14+$0xFFFFFEB0];
	v3 =	vmul.f32 $1.442695020e+00, v3  }
0x304: {  	v61 =	vld [tilespmem:s16+$0xFFFFFF90]  }
0x305: {  	v41 =	vimm.s32 $0x0;
	v45 =	vimm.s32 $0x0;
	v28 =	vld [tilespmem:s14+$0xFFFFFF30];
	(erf) = vpow2.f32 v3  }
0x306: {  	v25 =	vsel vm1, $0x1, v0;
	v55 =	vimm.s32 $0x0;
	v6 =	vld [tilespmem:s16+$0x10];
	vm0 =	vgt.f32 v13, v11  }
0x307: {  	v36 =	vsel vm2, $0x2, v25;
	v49 =	vimm.s32 $0x0;
	v30 =	vld [tilespmem:s14+$0xFFFFFFB0];
	v3 =	vsel vm0, v13, v11  }
0x308: {  	v29 =	vld [tilespmem:s16+$0x90];
	v47 =	vimm.s32 $0x0;
	vm10 =	vgt.f32 v63, v62;
	vm3 =	vgt.f32 v9, v3  }
0x309: {  	v54 =	vimm.s32 $0x0;
	v31 =	vld [tilespmem:s14+$0x30];
	v32 =	vsel vm10, v63, v62;
	v3 =	vsel vm3, v9, v3  }
0x30a: {  	v33 =	vld [tilespmem:s16+$0x110];
	v34 =	vsel vm0, $0x1, v0;
	vm12 =	vgt.f32 v28, v32;
	vm9 =	vgt.f32 v61, v3  }
0x30b: {  	v19 =	vld [tilespmem:s14+$0xB0];
	v35 =	vsel vm10, $0x1, v0;
	v4 =	vsel vm12, v28, v32;
	v3 =	vsel vm9, v61, v3  }
0x30c: {  	v18 =	vsel vm3, $0x2, v34;
	vm3 =	vgt.f32 v30, v4;
	vm11 =	vgt.f32 v6, v3  }
0x30d: {  	v21 =	vld [tilespmem:s14+$0x130];
	v4 =	vsel vm3, v30, v4;
	v18 =	vsel vm9, $0x3, v18;
	v3 =	vsel vm11, v6, v3  }
0x30e: {  	v18 =	vsel vm11, $0x4, v18;
	vm11 =	vgt.f32 v31, v4;
	vm0 =	vgt.f32 v29, v3;
	v20 =	vpop (erf)  }
0x30f: {  	v23 =	vld [tilespmem:s14+$0x1B0];
	v4 =	vsel vm11, v31, v4;
	v3 =	vsel vm0, v29, v3;
	v22 =	vadd.f32 $1.000000000e+00, v20  }
0x310: {  	v18 =	vsel vm0, $0x5, v18;
	vm15 =	vgt.f32 v19, v4;
	vm13 =	vgt.f32 v33, v3  }
0x311: {  	v24 =	vld [tilespmem:s16+$0x190];
	v4 =	vsel vm15, v19, v4;
	(erf) = vrcp.f32 v22;
	v22 =	vsel vm12, $0x2, v35  }
0x312: {  	v3 =	vsel vm13, v33, v3;
	vm9 =	vgt.f32 v21, v4;
	v22 =	vsel vm3, $0x3, v22  }
0x313: {  	v18 =	vsel vm13, $0x6, v18;
	v26 =	vsel vm9, v21, v4;
	v22 =	vsel vm11, $0x4, v22  }
0x314: {  	v4 =	vsel vm6, $0x3, v36;
	vm14 =	vgt.f32 v23, v26;
	v22 =	vsel vm15, $0x5, v22  }
0x315: {  	v37 =	vsel vm4, $0x4, v4;
	vm1 =	vmneg vm14;
	v22 =	vsel vm9, $0x6, v22  }
0x316: {  	v38 =	vsel vm5, $0x5, v37;
	vm15 =	vgt.f32 v24, v3;
	v4 =	vnsel vm1, $0x7, v22  }
0x317: {  	v57 =	vnsel vm1, $0xF149F2CA, v23;
	vm6 =	vmneg vm15;
	vm5 =	veq.s32 v4, $0x0  }
0x318: {  	v39 =	vsel vm6, v3, v24;
	v3 =	vsel vm7, $0x6, v38;
	v12 =	vsel vm5, $0xF149F2CA, v62  }
0x319: {  	v3 =	vsel vm8, $0x7, v3;
	vm7 =	veq.s32 v4, $0x1;
	vm0 =	vgt.f32 v12, $-1.000000020e+30  }
0x31a: {  	vm8 =	veq.s32 v4, $0x2;
	v14 =	vsel vm7, $0xF149F2CA, v63;
	v12 =	vnsel vm0, $0xF149F2CA, v12  }
0x31b: {  	vm11 =	veq.s32 v4, $0x3;
	[tilespmem:s12+$0x28D0] =	vst v3;
	v3 =	vnsel vm6, $0x7, v18;
	vm2 =	vgt.f32 v14, v12  }
0x31c: {  	[tilespmem:s12+$0x2850] =	vst v8;
	v43 =	vsel vm8, $0xF149F2CA, v28;
	v46 =	vsel vm11, $0xF149F2CA, v30;
	v40 =	vpop (erf);
	v42 =	vsel vm2, v14, v12  }
0x31d: {  	v20 =	vmul.f32 v40, v20;
	[tilespmem:s12+$0x2050] =	vst v40;
	v8 =	vsel vm2, $0xFFFFFFFF, v41;
	vm10 =	vgt.f32 v43, v42  }
0x31e: {  	vm8 =	veq.s32 v4, $0x4;
	vm14 =	veq.s32 v3, $0x1;
	[tilespmem:$0x1FD70] =	vst v8;
	v8 =	vsel vm10, v43, v42  }
0x31f: {  	vm15 =	veq.s32 v3, $0x0;
	[tilespmem:s12+$0x20D0] =	vst v20;
	v15 =	vsel vm10, $0xFFFFFFFF, v45;
	vm3 =	vgt.f32 v46, v8  }
0x320: {  	v48 =	vsel vm8, $0xF149F2CA, v31;
	v13 =	vsel vm14, $0xF149F2CA, v13;
	v44 =	vld [tilespmem:s15+$0xFFFFFE60];
	[tilespmem:$0x1FD80] =	vst v15;
	v8 =	vsel vm3, v46, v8  }
0x321: {  	vm10 =	veq.s32 v4, $0x5;
	v15 =	vld [tilespmem:s15+$0xFFFFFEE0];
	v16 =	vsel vm3, $0xFFFFFFFF, v47;
	vm3 =	vgt.f32 v48, v8  }
0x322: {  	v11 =	vsel vm15, $0xF149F2CA, v11;
	v50 =	vsel vm10, $0xF149F2CA, v19;
	[tilespmem:$0x1FD90] =	vst v16;
	v8 =	vsel vm3, v48, v8  }
0x323: {  	vm14 =	vmand vm9, vm1;
	v16 =	vld [tilespmem:s15+$0xFFFFFF60];
	v17 =	vsel vm3, $0xFFFFFFFF, v49;
	vm4 =	vgt.f32 v50, v8  }
0x324: {  	vm11 =	vgt.f32 v11, $-1.000000020e+30;
	v53 =	vsel vm14, $0xF149F2CA, v21;
	[tilespmem:$0x1FDA0] =	vst v17;
	v8 =	vsel vm4, v50, v8  }
0x325: {  	v58 =	vsel vm1, v26, v23;
	v11 =	vnsel vm11, $0xF149F2CA, v11;
	v17 =	vld [tilespmem:s15+$0xFFFFFFE0];
	vm7 =	vgt.f32 v53, v8  }
0x326: {  	vm10 =	vgt.f32 v13, v11;
	vm2 =	vgt.f32 v15, v44;
	v20 =	vsel vm7, $0xFFFFFFFF, v54  }
0x327: {  	vm12 =	veq.s32 v3, $0x5;
	v51 =	vld [tilespmem:s15+$0x60];
	v52 =	vsel vm2, v15, v44;
	[tilespmem:$0x1FDB0] =	vst v20;
	v20 =	vsel vm10, $0xFFFFFFFF, v55  }
0x328: {  	vm0 =	veq.s32 v3, $0x3;
	vm9 =	veq.s32 v3, $0x2;
	vm15 =	vgt.f32 v16, v52;
	[tilespmem:$0x1FDC0] =	vst v20  }
0x329: {  	v5 =	vsel vm12, $0xF149F2CA, v29;
	v10 =	vsel vm0, $0xF149F2CA, v61;
	v12 =	vsel vm15, v16, v52;
	v56 =	vld [tilespmem:s15+$0xE0]  }
0x32a: {  	vm14 =	veq.s32 v3, $0x4;
	v8 =	vsel vm7, v53, v8;
	vm7 =	vgt.f32 v17, v12  }
0x32b: {  	v11 =	vsel vm10, v13, v11;
	vm10 =	vgt.f32 v57, v8;
	v59 =	vld [tilespmem:s15+$0x160];
	v12 =	vsel vm7, v17, v12  }
0x32c: {  	v9 =	vsel vm9, $0xF149F2CA, v9;
	v8 =	vsel vm10, v57, v8;
	vm11 =	vgt.f32 v51, v12  }
0x32d: {  	v61 =	vsel vm2, $0x1, v0;
	v8 =	vsub.f32 v8, v58;
	v60 =	vld [tilespmem:s15+$0x1E0];
	v12 =	vsel vm11, v51, v12  }
0x32e: {  	v6 =	vsel vm14, $0xF149F2CA, v6;
	v20 =	vsel vm15, $0x2, v61;
	vm15 =	vgt.f32 v56, v12  }
0x32f: {  	vm9 =	vgt.f32 v9, v11;
	v8 =	vmul.f32 $1.442695020e+00, v8;
	v12 =	vsel vm15, v56, v12  }
0x330: {  	v9 =	vsel vm9, v9, v11;
	v20 =	vsel vm7, $0x3, v20;
	vm5 =	vgt.f32 v59, v12  }
0x331: {  	v20 =	vsel vm11, $0x4, v20;
	(erf) = vpow2.f32 v8;
	v12 =	vsel vm5, v59, v12  }
0x332: {  	v62 =	vsel vm15, $0x5, v20;
	v20 =	vnsel vm6, $0xF149F2CA, v24;
	vm11 =	vgt.f32 v60, v12  }
0x333: {  	vm15 =	vmand vm13, vm6;
	v63 =	vsel vm5, $0x6, v62;
	vm3 =	vmneg vm11  }
0x334: {  	v7 =	vsel vm15, $0xF149F2CA, v33;
	vm11 =	vgt.f32 v10, v9;
	v8 =	vnsel vm3, $0x7, v63  }
0x335: {  	v9 =	vsel vm11, v10, v9;
	v37 =	vnsel vm3, $0xF149F2CA, v60;
	vm14 =	veq.s32 v8, $0x0  }
0x336: {  	vm12 =	vgt.f32 v6, v9;
	vm7 =	veq.s32 v8, $0x1;
	vm8 =	veq.s32 v8, $0x2  }
0x337: {  	v33 =	vld [tilespmem:$0x1FD80];
	vm13 =	veq.s32 v8, $0x3;
	vm0 =	veq.s32 v8, $0x5;
	v22 =	vsel vm14, $0xF149F2CA, v44  }
0x338: {  	v6 =	vsel vm12, v6, v9;
	v24 =	vsel vm7, $0xF149F2CA, v15;
	vm6 =	vgt.f32 v22, $-1.000000020e+30  }
0x339: {  	v26 =	vsel vm8, $0xF149F2CA, v16;
	v27 =	vsel vm13, $0xF149F2CA, v17;
	v23 =	vnsel vm6, $0xF149F2CA, v22  }
0x33a: {  	vm14 =	veq.s32 v8, $0x4;
	v32 =	vsel vm0, $0xF149F2CA, v56;
	vm8 =	vgt.f32 v24, v23  }
0x33b: {  	v31 =	vld [tilespmem:$0x1FD70];
	vm0 =	vmand vm5, vm3;
	vm15 =	vgt.f32 v5, v6;
	v9 =	vsel vm8, v24, v23  }
0x33c: {  	v28 =	vpop (erf);
	vm5 =	vnez.u8 v33;
	v5 =	vsel vm15, v5, v6;
	vm7 =	vgt.f32 v26, v9  }
0x33d: {  	v29 =	vadd.f32 $1.000000000e+00, v28;
	vm2 =	vgt.f32 v7, v5;
	v6 =	vsel vm7, v26, v9  }
0x33e: {  	v35 =	vld [tilespmem:$0x1FD90];
	v30 =	vsel vm14, $0xF149F2CA, v51;
	v5 =	vsel vm2, v7, v5;
	vm13 =	vgt.f32 v27, v6  }
0x33f: {  	v36 =	vld [tilespmem:$0x1FDA0];
	(erf) = vrcp.f32 v29;
	vm1 =	vgt.f32 v20, v5;
	v6 =	vsel vm13, v27, v6  }
0x340: {  	vm6 =	vnez.u8 v31;
	v5 =	vsel vm1, v20, v5;
	vm14 =	vgt.f32 v30, v6  }
0x341: {  	v10 =	vsel vm6, $0x1, v0;
	v5 =	vsub.f32 v5, v39;
	v6 =	vsel vm14, v30, v6  }
0x342: {  	v38 =	vld [tilespmem:$0x1FDB0];
	v34 =	vsel vm0, $0xF149F2CA, v59;
	v9 =	vsel vm5, $0x2, v10;
	vm6 =	vgt.f32 v32, v6  }
0x343: {  	vm5 =	vnez.u8 v35;
	v5 =	vmul.f32 $1.442695020e+00, v5;
	v6 =	vsel vm6, v32, v6  }
0x344: {  	vm0 =	vnez.u8 v36;
	v9 =	vsel vm5, $0x3, v9;
	vm5 =	vgt.f32 v34, v6  }
0x345: {  	(erf) = vpow2.f32 v5;
	v5 =	vsel vm0, $0x4, v9;
	v6 =	vsel vm5, v34, v6  }
0x346: {  	v5 =	vsel vm4, $0x5, v5;
	vm4 =	vgt.f32 v37, v6  }
0x347: {  	v39 =	vsel vm3, v12, v60;
	vm0 =	vnez.u8 v38;
	v6 =	vsel vm4, v37, v6  }
0x348: {  	[tilespmem:s13+$0x2830] =	vst v4;
	v40 =	vpop (erf);
	v5 =	vsel vm0, $0x6, v5;
	v6 =	vsub.f32 v6, v39  }
0x349: {  	v7 =	vmul.f32 v40, v28;
	[tilespmem:s13+$0x2030] =	vst v40;
	v5 =	vsel vm10, $0x7, v5  }
0x34a: {  	[tilespmem:s13+$0x28B0] =	vst v5;
	v41 =	vmul.f32 $1.442695020e+00, v6  }
0x34b: {  	[tilespmem:s13+$0x20B0] =	vst v7  }
0x34c: {  	v42 =	vld [tilespmem:s14+$0xFFFFFE40];
	(erf) = vpow2.f32 v41  }
0x34d: {  	v43 =	vld [tilespmem:s14+$0xFFFFFEC0]  }
0x34e: {  	v46 =	vld [tilespmem:s14+$0xFFFFFF40]  }
0x34f: {  	v50 =	vld [tilespmem:$0x1FDC0];
	_ =	sdelay $0x1  }
0x350: {  	v47 =	vld [tilespmem:s14+$0xFFFFFFC0]  }
0x351: {  	v44 =	vpop (erf);
	vm0 =	vgt.f32 v43, v42  }
0x352: {  	v60 =	vsel vm8, $0x1, v0;
	v48 =	vld [tilespmem:s14+$0x40];
	v45 =	vadd.f32 $1.000000000e+00, v44;
	v49 =	vsel vm0, v43, v42  }
0x353: {  	v18 =	vsel vm7, $0x2, v60;
	vm10 =	vnez.u8 v50;
	vm3 =	vgt.f32 v46, v49  }
0x354: {  	v51 =	vld [tilespmem:s14+$0xC0];
	v12 =	vsel vm10, $0x1, v0;
	(erf) = vrcp.f32 v45;
	v11 =	vsel vm3, v46, v49;
	v52 =	vpop (erf)  }
0x355: {  	v12 =	vsel vm9, $0x2, v12;
	vm9 =	vgt.f32 v47, v11;
	v53 =	vadd.f32 $1.000000000e+00, v52  }
0x356: {  	v54 =	vld [tilespmem:s14+$0x140];
	[tilespmem:s17+$0x2810] =	vst v3;
	v3 =	vsel vm13, $0x3, v18;
	v11 =	vsel vm9, v47, v11  }
0x357: {  	v3 =	vsel vm14, $0x4, v3;
	vm10 =	vgt.f32 v48, v11;
	(erf) = vrcp.f32 v53  }
0x358: {  	v55 =	vld [tilespmem:s14+$0x1C0];
	v3 =	vsel vm6, $0x5, v3;
	v12 =	vsel vm11, $0x3, v12;
	v11 =	vsel vm10, v48, v11  }
0x359: {  	v57 =	vsel vm0, $0x1, v0;
	v12 =	vsel vm12, $0x4, v12;
	vm12 =	vgt.f32 v51, v11  }
0x35a: {  	v3 =	vsel vm5, $0x6, v3;
	v59 =	vsel vm3, $0x2, v57;
	v11 =	vsel vm12, v51, v11  }
0x35b: {  	v12 =	vsel vm15, $0x5, v12;
	v5 =	vsel vm9, $0x3, v59;
	vm15 =	vgt.f32 v54, v11  }
0x35c: {  	v3 =	vsel vm4, $0x7, v3;
	v5 =	vsel vm10, $0x4, v5;
	v11 =	vsel vm15, v54, v11  }
0x35d: {  	[tilespmem:s12+$0x2860] =	vst v8;
	v12 =	vsel vm2, $0x6, v12;
	v5 =	vsel vm12, $0x5, v5;
	vm7 =	vgt.f32 v55, v11  }
0x35e: {  	[tilespmem:s12+$0x28E0] =	vst v3;
	v12 =	vsel vm1, $0x7, v12;
	v56 =	vpop (erf);
	v5 =	vsel vm15, $0x6, v5;
	vm1 =	vmneg vm7  }
0x35f: {  	[tilespmem:s17+$0x2890] =	vst v12;
	v58 =	vmul.f32 v56, v44;
	v5 =	vnsel vm1, $0x7, v5  }
0x360: {  	v57 =	vimm.s32 $0x0;
	[tilespmem:s17+$0x2010] =	vst v56;
	vm8 =	veq.s32 v5, $0x0;
	v61 =	vpop (erf)  }
0x361: {  	v59 =	vimm.s32 $0x0;
	[tilespmem:s17+$0x2090] =	vst v58;
	v6 =	vsel vm8, $0xF149F2CA, v42;
	v62 =	vmul.f32 v61, v52  }
0x362: {  	vm0 =	vmand vm15, vm1;
	v40 =	vnsel vm1, $0xF149F2CA, v55;
	v63 =	vld [tilespmem:s16+$0xFFFFFE20];
	vm2 =	vgt.f32 v6, $-1.000000020e+30;
	[tilespmem:s12+$0x2060] =	vst v61  }
0x363: {  	v11 =	vsel vm1, v11, v55;
	vm9 =	veq.s32 v5, $0x1;
	v3 =	vnsel vm2, $0xF149F2CA, v6;
	v6 =	vld [tilespmem:s16+$0xFFFFFEA0];
	[tilespmem:s12+$0x20E0] =	vst v62  }
0x364: {  	v55 =	vimm.s32 $0x0;
	vm10 =	veq.s32 v5, $0x2;
	v4 =	vsel vm9, $0xF149F2CA, v43;
	v8 =	vld [tilespmem:s15+$0xFFFFFE70]  }
0x365: {  	vm11 =	veq.s32 v5, $0x3;
	vm12 =	veq.s32 v5, $0x4;
	vm4 =	vgt.f32 v4, v3;
	v28 =	vld [tilespmem:s15+$0xFFFFFEF0]  }
0x366: {  	vm14 =	veq.s32 v5, $0x5;
	v19 =	vld [tilespmem:s16+$0xFFFFFF20];
	v27 =	vsel vm10, $0xF149F2CA, v46;
	v3 =	vsel vm4, v4, v3  }
0x367: {  	v37 =	vsel vm0, $0xF149F2CA, v54;
	v29 =	vsel vm11, $0xF149F2CA, v47;
	vm8 =	vgt.f32 v27, v3;
	v30 =	vld [tilespmem:s15+$0xFFFFFF70]  }
0x368: {  	v10 =	vsel vm12, $0xF149F2CA, v48;
	v35 =	vsel vm14, $0xF149F2CA, v51;
	v3 =	vsel vm8, v27, v3  }
0x369: {  	v51 =	vimm.s32 $0x0;
	v52 =	vimm.s32 $0x0;
	vm9 =	vgt.f32 v29, v3;
	v31 =	vld [tilespmem:s15+$0xFFFFFFF0]  }
0x36a: {  	v42 =	vld [tilespmem:s16+$0xFFFFFFA0];
	vm13 =	vgt.f32 v6, v63;
	v3 =	vsel vm9, v29, v3;
	vm2 =	vgt.f32 v28, v8  }
0x36b: {  	v32 =	vsel vm13, $0x1, v0;
	v38 =	vsel vm13, v6, v63;
	v33 =	vld [tilespmem:s15+$0x70];
	v34 =	vsel vm2, v28, v8  }
0x36c: {  	vm10 =	vgt.f32 v10, v3;
	vm6 =	vgt.f32 v19, v38;
	vm5 =	vgt.f32 v30, v34  }
0x36d: {  	v36 =	vld [tilespmem:s15+$0xF0];
	v3 =	vsel vm10, v10, v3;
	v16 =	vsel vm6, v19, v38;
	v18 =	vsel vm5, v30, v34  }
0x36e: {  	v12 =	vsel vm6, $0x2, v32;
	vm11 =	vgt.f32 v35, v3;
	vm0 =	vgt.f32 v31, v18  }
0x36f: {  	v39 =	vld [tilespmem:s15+$0x170];
	vm1 =	vgt.f32 v42, v16;
	v3 =	vsel vm11, v35, v3;
	v18 =	vsel vm0, v31, v18  }
0x370: {  	v46 =	vld [tilespmem:s16+$0x20];
	v16 =	vsel vm1, v42, v16;
	vm12 =	vgt.f32 v37, v3;
	vm3 =	vgt.f32 v33, v18  }
0x371: {  	v41 =	vld [tilespmem:s15+$0x1F0];
	v12 =	vsel vm1, $0x3, v12;
	v3 =	vsel vm12, v37, v3;
	v18 =	vsel vm3, v33, v18  }
0x372: {  	vm13 =	vgt.f32 v40, v3;
	v43 =	vsel vm2, $0x1, v0;
	vm15 =	vgt.f32 v36, v18  }
0x373: {  	v3 =	vsel vm13, v40, v3;
	v44 =	vsel vm5, $0x2, v43;
	v45 =	vsel vm15, v36, v18  }
0x374: {  	v3 =	vsub.f32 v3, v11;
	v10 =	vsel vm0, $0x3, v44;
	vm2 =	vgt.f32 v39, v45  }
0x375: {  	vm14 =	vgt.f32 v46, v16;
	v10 =	vsel vm3, $0x4, v10;
	v15 =	vsel vm2, v39, v45  }
0x376: {  	v48 =	vld [tilespmem:s16+$0xA0];
	v47 =	vmul.f32 $1.442695020e+00, v3;
	v3 =	vsel vm15, $0x5, v10;
	vm7 =	vgt.f32 v41, v15  }
0x377: {  	v16 =	vsel vm14, v46, v16;
	v3 =	vsel vm2, $0x6, v3;
	vm3 =	vmneg vm7  }
0x378: {  	v12 =	vsel vm14, $0x4, v12;
	(erf) = vpow2.f32 v47;
	v3 =	vnsel vm3, $0x7, v3  }
0x379: {  	vm2 =	vmand vm2, vm3;
	v62 =	vnsel vm3, $0xF149F2CA, v41;
	vm15 =	veq.s32 v3, $0x0  }
0x37a: {  	vm14 =	veq.s32 v3, $0x1;
	vm7 =	veq.s32 v3, $0x3;
	v8 =	vsel vm15, $0xF149F2CA, v8  }
0x37b: {  	v49 =	vld [tilespmem:s16+$0x120];
	v60 =	vsel vm2, $0xF149F2CA, v39;
	vm15 =	vgt.f32 v48, v16;
	vm0 =	vgt.f32 v8, $-1.000000020e+30  }
0x37c: {  	v9 =	vsel vm14, $0xF149F2CA, v28;
	vm14 =	veq.s32 v3, $0x2;
	v8 =	vnsel vm0, $0xF149F2CA, v8  }
0x37d: {  	v4 =	vsel vm7, $0xF149F2CA, v31;
	v16 =	vsel vm15, v48, v16;
	vm1 =	vgt.f32 v9, v8  }
0x37e: {  	v50 =	vld [tilespmem:s16+$0x1A0];
	v7 =	vsel vm14, $0xF149F2CA, v30;
	vm14 =	veq.s32 v3, $0x4;
	v8 =	vsel vm1, v9, v8  }
0x37f: {  	v12 =	vsel vm15, $0x5, v12;
	v56 =	vsel vm14, $0xF149F2CA, v33;
	vm15 =	vgt.f32 v7, v8  }
0x380: {  	v24 =	vsel vm1, $0xFFFFFFFF, v51;
	vm1 =	vgt.f32 v49, v16;
	v7 =	vsel vm15, v7, v8  }
0x381: {  	vm14 =	veq.s32 v3, $0x5;
	v53 =	vsel vm1, $0x6, v12;
	vm6 =	vgt.f32 v4, v7  }
0x382: {  	v54 =	vsel vm1, v49, v16;
	v9 =	vsel vm15, $0xFFFFFFFF, v52;
	v4 =	vsel vm6, v4, v7  }
0x383: {  	vm15 =	vgt.f32 v50, v54;
	v12 =	vsel vm6, $0xFFFFFFFF, v55;
	vm6 =	vgt.f32 v56, v4  }
0x384: {  	v58 =	vsel vm14, $0xF149F2CA, v36;
	[tilespmem:$0x1FDE0] =	vst v9;
	vm0 =	vmneg vm15;
	v4 =	vsel vm6, v56, v4  }
0x385: {  	v25 =	vpop (erf);
	v9 =	vnsel vm0, $0x7, v53;
	[tilespmem:$0x1FDF0] =	vst v12;
	v12 =	vsel vm6, $0xFFFFFFFF, v57;
	vm6 =	vgt.f32 v58, v4  }
0x386: {  	v26 =	vadd.f32 $1.000000000e+00, v25;
	vm15 =	veq.s32 v9, $0x0;
	v4 =	vsel vm6, v58, v4  }
0x387: {  	vm7 =	veq.s32 v9, $0x1;
	v61 =	vsel vm15, $0xF149F2CA, v63;
	vm2 =	vgt.f32 v60, v4  }
0x388: {  	v63 =	vsel vm3, v15, v41;
	vm14 =	vgt.f32 v61, $-1.000000020e+30;
	v4 =	vsel vm2, v60, v4  }
0x389: {  	v6 =	vsel vm7, $0xF149F2CA, v6;
	v21 =	vnsel vm14, $0xF149F2CA, v61;
	vm7 =	vgt.f32 v62, v4  }
0x38a: {  	vm15 =	veq.s32 v9, $0x2;
	vm14 =	vgt.f32 v6, v21;
	v4 =	vsel vm7, v62, v4  }
0x38b: {  	[tilespmem:$0x1FDD0] =	vst v24;
	v24 =	vsel vm15, $0xF149F2CA, v19;
	v6 =	vsel vm14, v6, v21;
	v4 =	vsub.f32 v4, v63  }
0x38c: {  	(erf) = vrcp.f32 v26;
	vm5 =	veq.s32 v9, $0x3;
	vm15 =	vgt.f32 v24, v6  }
0x38d: {  	v27 =	vsel vm5, $0xF149F2CA, v42;
	v6 =	vsel vm15, v24, v6;
	v4 =	vmul.f32 $1.442695020e+00, v4  }
0x38e: {  	v7 =	vsel vm6, $0xFFFFFFFF, v59;
	vm6 =	veq.s32 v9, $0x4;
	vm5 =	vgt.f32 v27, v6  }
0x38f: {  	v28 =	vsel vm6, $0xF149F2CA, v46;
	v29 =	vsel vm5, v27, v6;
	(erf) = vpow2.f32 v4  }
0x390: {  	vm6 =	veq.s32 v9, $0x5;
	vm3 =	vgt.f32 v28, v29  }
0x391: {  	v20 =	vimm.s32 $0x0;
	v30 =	vsel vm6, $0xF149F2CA, v48;
	v4 =	vsel vm3, v28, v29  }
0x392: {  	vm1 =	vmand vm1, vm0;
	v15 =	vsel vm2, $0xFFFFFFFF, v20;
	vm2 =	vgt.f32 v30, v4  }
0x393: {  	v31 =	vsel vm1, $0xF149F2CA, v49;
	v4 =	vsel vm2, v30, v4  }
0x394: {  	vm1 =	vgt.f32 v31, v4  }
0x395: {  	v33 =	vnsel vm0, $0xF149F2CA, v50;
	v4 =	vsel vm1, v31, v4  }
0x396: {  	v32 =	vsel vm4, $0x1, v0;
	vm4 =	vgt.f32 v33, v4  }
0x397: {  	v8 =	vsel vm0, v54, v50;
	v34 =	vpop (erf);
	[tilespmem:$0x1FE10] =	vst v7;
	v7 =	vsel vm4, v33, v4  }
0x398: {  	v7 =	vsub.f32 v7, v8;
	v4 =	vpop (erf)  }
0x399: {  	v35 =	vadd.f32 $1.000000000e+00, v4  }
0x39a: {  	v7 =	vmul.f32 $1.442695020e+00, v7  }
0x39b: {  	v6 =	vsel vm8, $0x2, v32;
	(erf) = vrcp.f32 v35  }
0x39c: {  	[tilespmem:$0x1FE00] =	vst v12;
	v6 =	vsel vm9, $0x3, v6;
	(erf) = vpow2.f32 v7  }
0x39d: {  	[tilespmem:$0x1FE20] =	vst v15;
	v6 =	vsel vm10, $0x4, v6  }
0x39e: {  	v36 =	vmul.f32 v34, v25;
	[tilespmem:s13+$0x2840] =	vst v5;
	v6 =	vsel vm11, $0x5, v6  }
0x39f: {  	[tilespmem:s13+$0x2040] =	vst v34;
	v6 =	vsel vm12, $0x6, v6  }
0x3a0: {  	[tilespmem:s13+$0x20C0] =	vst v36;
	v6 =	vsel vm13, $0x7, v6  }
0x3a1: {  	[tilespmem:s13+$0x28C0] =	vst v6  }
0x3a2: {  	v6 =	vld [tilespmem:s14+$0xFFFFFE50]  }
0x3a3: {  	v37 =	vld [tilespmem:s14+$0xFFFFFED0]  }
0x3a4: {  	v5 =	vpop (erf)  }
0x3a5: {  	v38 =	vld [tilespmem:s14+$0xFFFFFF50];
	v39 =	vpop (erf)  }
0x3a6: {  	v42 =	vadd.f32 $1.000000000e+00, v39  }
0x3a7: {  	v10 =	vld [tilespmem:s14+$0xFFFFFFD0]  }
0x3a8: {  	vm0 =	vgt.f32 v37, v6;
	(erf) = vrcp.f32 v42  }
0x3a9: {  	v40 =	vld [tilespmem:s14+$0x50];
	v41 =	vsel vm0, v37, v6  }
0x3aa: {  	vm6 =	vgt.f32 v38, v41  }
0x3ab: {  	v44 =	vsel vm14, $0x1, v0;
	v15 =	vld [tilespmem:s14+$0xD0];
	v13 =	vsel vm6, v38, v41  }
0x3ac: {  	v16 =	vsel vm15, $0x2, v44;
	vm12 =	vgt.f32 v10, v13  }
0x3ad: {  	v16 =	vsel vm5, $0x3, v16;
	v43 =	vld [tilespmem:s14+$0x150];
	v13 =	vsel vm12, v10, v13  }
0x3ae: {  	v16 =	vsel vm3, $0x4, v16;
	vm13 =	vgt.f32 v40, v13  }
0x3af: {  	v16 =	vsel vm2, $0x5, v16;
	v45 =	vld [tilespmem:s14+$0x1D0];
	v13 =	vsel vm13, v40, v13  }
0x3b0: {  	v16 =	vsel vm1, $0x6, v16;
	v46 =	vsel vm0, $0x1, v0;
	vm14 =	vgt.f32 v15, v13  }
0x3b1: {  	[tilespmem:s17+$0x2820] =	vst v9;
	v16 =	vsel vm4, $0x7, v16;
	v18 =	vsel vm6, $0x2, v46;
	v13 =	vsel vm14, v15, v13;
	v47 =	vpop (erf)  }
0x3b2: {  	[tilespmem:s17+$0x28A0] =	vst v16;
	v18 =	vsel vm12, $0x3, v18;
	vm15 =	vgt.f32 v43, v13;
	v11 =	vmul.f32 v47, v39  }
0x3b3: {  	v18 =	vsel vm13, $0x4, v18;
	v13 =	vsel vm15, v43, v13;
	[tilespmem:s17+$0x2020] =	vst v47  }
0x3b4: {  	v18 =	vsel vm14, $0x5, v18;
	vm6 =	vgt.f32 v45, v13;
	[tilespmem:s17+$0x20A0] =	vst v11  }
0x3b5: {  	v18 =	vsel vm15, $0x6, v18;
	vm1 =	vmneg vm6;
	v9 =	vld [tilespmem:s16+$0xFFFFFE30]  }
0x3b6: {  	v48 =	vnsel vm1, $0x7, v18;
	v11 =	vld [tilespmem:s16+$0xFFFFFEB0]  }
0x3b7: {  	vm8 =	veq.s32 v48, $0x0  }
0x3b8: {  	vm3 =	vmand vm15, vm1;
	v58 =	vnsel vm1, $0xF149F2CA, v45;
	v6 =	vsel vm8, $0xF149F2CA, v6;
	v49 =	vld [tilespmem:s16+$0xFFFFFF30]  }
0x3b9: {  	v13 =	vsel vm1, v13, v45;
	vm9 =	veq.s32 v48, $0x1;
	vm0 =	vgt.f32 v6, $-1.000000020e+30  }
0x3ba: {  	vm10 =	veq.s32 v48, $0x2;
	v7 =	vsel vm9, $0xF149F2CA, v37;
	v6 =	vnsel vm0, $0xF149F2CA, v6;
	v51 =	vld [tilespmem:s16+$0xFFFFFFB0]  }
0x3bb: {  	vm11 =	veq.s32 v48, $0x3;
	vm0 =	vgt.f32 v7, v6;
	vm2 =	vgt.f32 v11, v9  }
0x3bc: {  	v50 =	vsel vm10, $0xF149F2CA, v38;
	v6 =	vsel vm0, v7, v6;
	v53 =	vld [tilespmem:s16+$0x30];
	v54 =	vsel vm2, v11, v9  }
0x3bd: {  	vm12 =	veq.s32 v48, $0x4;
	vm8 =	vgt.f32 v50, v6;
	vm13 =	vgt.f32 v49, v54  }
0x3be: {  	v52 =	vsel vm11, $0xF149F2CA, v10;
	v6 =	vsel vm8, v50, v6;
	v56 =	vld [tilespmem:s16+$0xB0];
	v19 =	vsel vm13, v49, v54  }
0x3bf: {  	vm14 =	veq.s32 v48, $0x5;
	vm9 =	vgt.f32 v52, v6;
	vm15 =	vgt.f32 v51, v19  }
0x3c0: {  	v55 =	vsel vm12, $0xF149F2CA, v40;
	v6 =	vsel vm9, v52, v6;
	v57 =	vld [tilespmem:s16+$0x130];
	v19 =	vsel vm15, v51, v19  }
0x3c1: {  	v14 =	vsel vm3, $0xF149F2CA, v43;
	vm10 =	vgt.f32 v55, v6;
	vm6 =	vgt.f32 v53, v19  }
0x3c2: {  	v15 =	vsel vm14, $0xF149F2CA, v15;
	v6 =	vsel vm10, v55, v6;
	v59 =	vld [tilespmem:s16+$0x1B0];
	v19 =	vsel vm6, v53, v19  }
0x3c3: {  	vm11 =	vgt.f32 v15, v6;
	v60 =	vsel vm2, $0x1, v0;
	vm2 =	vgt.f32 v56, v19  }
0x3c4: {  	v6 =	vsel vm11, v15, v6;
	v61 =	vsel vm13, $0x2, v60;
	v19 =	vsel vm2, v56, v19  }
0x3c5: {  	vm1 =	vgt.f32 v14, v6;
	v15 =	vsel vm15, $0x3, v61;
	vm13 =	vgt.f32 v57, v19  }
0x3c6: {  	v6 =	vsel vm1, v14, v6;
	v62 =	vsel vm6, $0x4, v15;
	v63 =	vsel vm13, v57, v19  }
0x3c7: {  	vm5 =	vgt.f32 v58, v6;
	v14 =	vsel vm2, $0x5, v62;
	vm15 =	vgt.f32 v59, v63  }
0x3c8: {  	v6 =	vsel vm5, v58, v6;
	v14 =	vsel vm13, $0x6, v14;
	vm6 =	vmneg vm15  }
0x3c9: {  	v6 =	vsub.f32 v6, v13;
	v7 =	vnsel vm6, $0x7, v14  }
0x3ca: {  	vm4 =	veq.s32 v7, $0x0  }
0x3cb: {  	v6 =	vmul.f32 $1.442695020e+00, v6;
	v9 =	vsel vm4, $0xF149F2CA, v9  }
0x3cc: {  	vm12 =	veq.s32 v7, $0x1;
	vm2 =	vgt.f32 v9, $-1.000000020e+30  }
0x3cd: {  	(erf) = vpow2.f32 v6;
	v21 =	vsel vm12, $0xF149F2CA, v11;
	v19 =	vnsel vm2, $0xF149F2CA, v9  }
0x3ce: {  	vm14 =	veq.s32 v7, $0x2;
	vm2 =	vgt.f32 v21, v19  }
0x3cf: {  	v22 =	vsel vm14, $0xF149F2CA, v49;
	v6 =	vsel vm2, v21, v19  }
0x3d0: {  	vm15 =	veq.s32 v7, $0x3;
	vm3 =	vgt.f32 v22, v6  }
0x3d1: {  	v8 =	vsel vm15, $0xF149F2CA, v51;
	v6 =	vsel vm3, v22, v6  }
0x3d2: {  	vm12 =	veq.s32 v7, $0x4;
	vm4 =	vgt.f32 v8, v6  }
0x3d3: {  	v23 =	vsel vm12, $0xF149F2CA, v53;
	v6 =	vsel vm4, v8, v6  }
0x3d4: {  	vm14 =	veq.s32 v7, $0x5;
	vm12 =	vgt.f32 v23, v6  }
0x3d5: {  	v24 =	vsel vm14, $0xF149F2CA, v56;
	v6 =	vsel vm12, v23, v6  }
0x3d6: {  	v25 =	vpop (erf);
	vm14 =	vmand vm13, vm6;
	vm13 =	vgt.f32 v24, v6  }
0x3d7: {  	v26 =	vadd.f32 $1.000000000e+00, v25;
	v27 =	vsel vm14, $0xF149F2CA, v57;
	v6 =	vsel vm13, v24, v6  }
0x3d8: {  	vm14 =	vgt.f32 v27, v6  }
0x3d9: {  	v28 =	vnsel vm6, $0xF149F2CA, v59;
	(erf) = vrcp.f32 v26;
	v6 =	vsel vm14, v27, v6  }
0x3da: {  	vm15 =	vgt.f32 v28, v6  }
0x3db: {  	v30 =	vsel vm6, v63, v59;
	v6 =	vsel vm15, v28, v6  }
0x3dc: {  	v6 =	vsub.f32 v6, v30;
	_ =	sdelay $0x1  }
0x3dd: {  	v6 =	vmul.f32 $1.442695020e+00, v6  }
0x3de: {  	v29 =	vsel vm0, $0x1, v0  }
0x3df: {  	v31 =	vsel vm8, $0x2, v29;
	(erf) = vpow2.f32 v6  }
0x3e0: {  	v8 =	vsel vm9, $0x3, v31  }
0x3e1: {  	v33 =	vpop (erf);
	v8 =	vsel vm10, $0x4, v8  }
0x3e2: {  	[tilespmem:s13+$0x2850] =	vst v48;
	v34 =	vmul.f32 v33, v25;
	v8 =	vsel vm11, $0x5, v8  }
0x3e3: {  	[tilespmem:s13+$0x2050] =	vst v33;
	v8 =	vsel vm1, $0x6, v8  }
0x3e4: {  	[tilespmem:s13+$0x20D0] =	vst v34;
	v32 =	vsel vm5, $0x7, v8  }
0x3e5: {  	[tilespmem:s13+$0x28D0] =	vst v32  }
0x3e6: {  	v8 =	vld [tilespmem:s14+$0xFFFFFEE0]  }
0x3e7: {  	v6 =	vld [tilespmem:s14+$0xFFFFFE60]  }
0x3e8: {  	v35 =	vpop (erf)  }
0x3e9: {  	v9 =	vld [tilespmem:s14+$0xFFFFFF60];
	v37 =	vadd.f32 $1.000000000e+00, v35;
	_ =	sdelay $0x1  }
0x3ea: {  	v36 =	vld [tilespmem:s14+$0xFFFFFFE0];
	(erf) = vrcp.f32 v37  }
0x3eb: {  	vm8 =	vgt.f32 v8, v6  }
0x3ec: {  	v38 =	vld [tilespmem:s14+$0x60];
	v39 =	vsel vm8, v8, v6  }
0x3ed: {  	v41 =	vsel vm2, $0x1, v0;
	vm9 =	vgt.f32 v9, v39  }
0x3ee: {  	v15 =	vsel vm3, $0x2, v41;
	v40 =	vld [tilespmem:s14+$0xE0];
	v14 =	vsel vm9, v9, v39  }
0x3ef: {  	v15 =	vsel vm4, $0x3, v15;
	vm10 =	vgt.f32 v36, v14  }
0x3f0: {  	v15 =	vsel vm12, $0x4, v15;
	v16 =	vld [tilespmem:s14+$0x160];
	v14 =	vsel vm10, v36, v14  }
0x3f1: {  	v15 =	vsel vm13, $0x5, v15;
	vm11 =	vgt.f32 v38, v14  }
0x3f2: {  	v42 =	vld [tilespmem:s14+$0x1E0];
	v15 =	vsel vm14, $0x6, v15;
	v14 =	vsel vm11, v38, v14  }
0x3f3: {  	[tilespmem:s17+$0x2830] =	vst v7;
	v15 =	vsel vm15, $0x7, v15;
	v43 =	vsel vm8, $0x1, v0;
	vm5 =	vgt.f32 v40, v14;
	v44 =	vpop (erf)  }
0x3f4: {  	[tilespmem:s17+$0x28B0] =	vst v15;
	v18 =	vsel vm9, $0x2, v43;
	v14 =	vsel vm5, v40, v14;
	v10 =	vmul.f32 v44, v35  }
0x3f5: {  	v18 =	vsel vm10, $0x3, v18;
	vm1 =	vgt.f32 v16, v14;
	[tilespmem:s17+$0x2030] =	vst v44  }
0x3f6: {  	v18 =	vsel vm11, $0x4, v18;
	v14 =	vsel vm1, v16, v14;
	[tilespmem:s17+$0x20B0] =	vst v10  }
0x3f7: {  	v45 =	vsel vm5, $0x5, v18;
	vm6 =	vgt.f32 v42, v14;
	v10 =	vld [tilespmem:s16+$0xFFFFFE40]  }
0x3f8: {  	v46 =	vsel vm1, $0x6, v45;
	vm11 =	vmneg vm6;
	v47 =	vld [tilespmem:s16+$0xFFFFFEC0]  }
0x3f9: {  	v7 =	vnsel vm11, $0x7, v46  }
0x3fa: {  	vm8 =	veq.s32 v7, $0x0;
	v48 =	vld [tilespmem:s16+$0xFFFFFF40]  }
0x3fb: {  	v6 =	vsel vm8, $0xF149F2CA, v6  }
0x3fc: {  	vm1 =	vmand vm1, vm11;
	vm9 =	veq.s32 v7, $0x1;
	vm0 =	vgt.f32 v6, $-1.000000020e+30;
	v49 =	vld [tilespmem:s16+$0xFFFFFFC0]  }
0x3fd: {  	vm10 =	veq.s32 v7, $0x2;
	v6 =	vnsel vm0, $0xF149F2CA, v6;
	vm0 =	vgt.f32 v47, v10  }
0x3fe: {  	vm12 =	veq.s32 v7, $0x3;
	vm14 =	veq.s32 v7, $0x4;
	v51 =	vld [tilespmem:s16+$0x40];
	v52 =	vsel vm0, v47, v10  }
0x3ff: {  	vm15 =	veq.s32 v7, $0x5;
	v8 =	vsel vm9, $0xF149F2CA, v8;
	vm13 =	vgt.f32 v48, v52  }
0x400: {  	v56 =	vsel vm1, $0xF149F2CA, v16;
	vm6 =	vgt.f32 v8, v6;
	v54 =	vld [tilespmem:s16+$0xC0];
	v20 =	vsel vm13, v48, v52  }
0x401: {  	v50 =	vsel vm10, $0xF149F2CA, v9;
	v6 =	vsel vm6, v8, v6;
	vm4 =	vgt.f32 v49, v20  }
0x402: {  	v53 =	vsel vm12, $0xF149F2CA, v36;
	v55 =	vld [tilespmem:s16+$0x140];
	vm8 =	vgt.f32 v50, v6;
	v20 =	vsel vm4, v49, v20  }
0x403: {  	v13 =	vsel vm14, $0xF149F2CA, v38;
	v6 =	vsel vm8, v50, v6;
	vm2 =	vgt.f32 v51, v20  }
0x404: {  	v12 =	vsel vm15, $0xF149F2CA, v40;
	v57 =	vld [tilespmem:s16+$0x1C0];
	vm9 =	vgt.f32 v53, v6;
	v20 =	vsel vm2, v51, v20  }
0x405: {  	v6 =	vsel vm9, v53, v6;
	v58 =	vsel vm0, $0x1, v0;
	vm5 =	vgt.f32 v54, v20  }
0x406: {  	vm10 =	vgt.f32 v13, v6;
	v59 =	vsel vm13, $0x2, v58;
	v20 =	vsel vm5, v54, v20  }
0x407: {  	v6 =	vsel vm10, v13, v6;
	v13 =	vsel vm4, $0x3, v59;
	vm13 =	vgt.f32 v55, v20  }
0x408: {  	vm12 =	vgt.f32 v12, v6;
	v60 =	vsel vm2, $0x4, v13;
	v61 =	vsel vm13, v55, v20  }
0x409: {  	v6 =	vsel vm12, v12, v6;
	v12 =	vsel vm5, $0x5, v60;
	vm5 =	vgt.f32 v57, v61  }
0x40a: {  	vm1 =	vgt.f32 v56, v6;
	v12 =	vsel vm13, $0x6, v12;
	vm0 =	vmneg vm5  }
0x40b: {  	v62 =	vnsel vm11, $0xF149F2CA, v42;
	v6 =	vsel vm1, v56, v6;
	v12 =	vnsel vm0, $0x7, v12  }
0x40c: {  	vm5 =	vgt.f32 v62, v6;
	vm14 =	veq.s32 v12, $0x0  }
0x40d: {  	v14 =	vsel vm11, v14, v42;
	v6 =	vsel vm5, v62, v6;
	v63 =	vsel vm14, $0xF149F2CA, v10  }
0x40e: {  	v6 =	vsub.f32 v6, v14;
	vm15 =	veq.s32 v12, $0x1;
	vm2 =	vgt.f32 v63, $-1.000000020e+30  }
0x40f: {  	v17 =	vsel vm15, $0xF149F2CA, v47;
	v8 =	vnsel vm2, $0xF149F2CA, v63  }
0x410: {  	vm11 =	veq.s32 v12, $0x2;
	v6 =	vmul.f32 $1.442695020e+00, v6;
	vm2 =	vgt.f32 v17, v8  }
0x411: {  	v18 =	vsel vm11, $0xF149F2CA, v48;
	v20 =	vsel vm2, v17, v8  }
0x412: {  	vm14 =	veq.s32 v12, $0x3;
	(erf) = vpow2.f32 v6;
	vm3 =	vgt.f32 v18, v20  }
0x413: {  	v22 =	vsel vm14, $0xF149F2CA, v49;
	v6 =	vsel vm3, v18, v20  }
0x414: {  	vm15 =	veq.s32 v12, $0x4;
	vm4 =	vgt.f32 v22, v6  }
0x415: {  	v9 =	vsel vm15, $0xF149F2CA, v51;
	v6 =	vsel vm4, v22, v6  }
0x416: {  	vm14 =	veq.s32 v12, $0x5;
	vm11 =	vgt.f32 v9, v6  }
0x417: {  	v23 =	vsel vm14, $0xF149F2CA, v54;
	v6 =	vsel vm11, v9, v6  }
0x418: {  	vm14 =	vmand vm13, vm0;
	vm13 =	vgt.f32 v23, v6  }
0x419: {  	v24 =	vsel vm14, $0xF149F2CA, v55;
	v6 =	vsel vm13, v23, v6  }
0x41a: {  	vm14 =	vgt.f32 v24, v6  }
0x41b: {  	v27 =	vnsel vm0, $0xF149F2CA, v57;
	v25 =	vpop (erf);
	v6 =	vsel vm14, v24, v6  }
0x41c: {  	v26 =	vadd.f32 $1.000000000e+00, v25;
	vm15 =	vgt.f32 v27, v6  }
0x41d: {  	v28 =	vsel vm0, v61, v57;
	v6 =	vsel vm15, v27, v6  }
0x41e: {  	(erf) = vrcp.f32 v26;
	v6 =	vsub.f32 v6, v28;
	_ =	sdelay $0x1  }
0x41f: {  	v6 =	vmul.f32 $1.442695020e+00, v6  }
0x420: {  	v29 =	vsel vm6, $0x1, v0  }
0x421: {  	v9 =	vsel vm8, $0x2, v29;
	(erf) = vpow2.f32 v6  }
0x422: {  	v9 =	vsel vm9, $0x3, v9  }
0x423: {  	v30 =	vsel vm10, $0x4, v9  }
0x424: {  	v6 =	vsel vm12, $0x5, v30  }
0x425: {  	v6 =	vsel vm1, $0x6, v6  }
0x426: {  	[tilespmem:s13+$0x2860] =	vst v7;
	v6 =	vsel vm5, $0x7, v6;
	v31 =	vpop (erf)  }
0x427: {  	[tilespmem:s13+$0x28E0] =	vst v6;
	v8 =	vmul.f32 v31, v25  }
0x428: {  	[tilespmem:s13+$0x2060] =	vst v31  }
0x429: {  	[tilespmem:s13+$0x20E0] =	vst v8  }
0x42a: {  	v7 =	vld [tilespmem:s14+$0xFFFFFE70];
	v32 =	vpop (erf)  }
0x42b: {  	v8 =	vld [tilespmem:s14+$0xFFFFFEF0];
	v33 =	vadd.f32 $1.000000000e+00, v32;
	_ =	sdelay $0x1  }
0x42c: {  	v34 =	vld [tilespmem:s14+$0xFFFFFF70];
	(erf) = vrcp.f32 v33;
	_ =	sdelay $0x1  }
0x42d: {  	v35 =	vld [tilespmem:s14+$0xFFFFFFF0]  }
0x42e: {  	v38 =	vsel vm2, $0x1, v0;
	vm9 =	vgt.f32 v8, v7  }
0x42f: {  	v14 =	vsel vm3, $0x2, v38;
	v36 =	vld [tilespmem:s14+$0x70];
	v37 =	vsel vm9, v8, v7  }
0x430: {  	v14 =	vsel vm4, $0x3, v14;
	vm10 =	vgt.f32 v34, v37  }
0x431: {  	v14 =	vsel vm11, $0x4, v14;
	v39 =	vld [tilespmem:s14+$0xF0];
	v13 =	vsel vm10, v34, v37  }
0x432: {  	v14 =	vsel vm13, $0x5, v14;
	vm12 =	vgt.f32 v35, v13  }
0x433: {  	v14 =	vsel vm14, $0x6, v14;
	v40 =	vld [tilespmem:s14+$0x170];
	v13 =	vsel vm12, v35, v13  }
0x434: {  	[tilespmem:s17+$0x2840] =	vst v12;
	v14 =	vsel vm15, $0x7, v14;
	vm8 =	vgt.f32 v36, v13;
	v42 =	vpop (erf)  }
0x435: {  	[tilespmem:s17+$0x28C0] =	vst v14;
	v41 =	vld [tilespmem:s14+$0x1F0];
	v13 =	vsel vm8, v36, v13;
	v6 =	vmul.f32 v42, v32  }
0x436: {  	v43 =	vsel vm9, $0x1, v0;
	vm9 =	vgt.f32 v39, v13;
	[tilespmem:s17+$0x2040] =	vst v42  }
0x437: {  	v44 =	vsel vm10, $0x2, v43;
	v13 =	vsel vm9, v39, v13;
	[tilespmem:s17+$0x20C0] =	vst v6  }
0x438: {  	v45 =	vsel vm12, $0x3, v44;
	vm0 =	vgt.f32 v40, v13;
	v48 =	vld [tilespmem:s16+$0xFFFFFE50]  }
0x439: {  	v46 =	vsel vm8, $0x4, v45;
	v47 =	vsel vm0, v40, v13;
	v49 =	vld [tilespmem:s16+$0xFFFFFED0]  }
0x43a: {  	v6 =	vsel vm9, $0x5, v46;
	vm10 =	vgt.f32 v41, v47  }
0x43b: {  	v6 =	vsel vm0, $0x6, v6;
	vm1 =	vmneg vm10;
	v50 =	vld [tilespmem:s16+$0xFFFFFF50]  }
0x43c: {  	v6 =	vnsel vm1, $0x7, v6  }
0x43d: {  	v51 =	vld [tilespmem:s16+$0xFFFFFFD0];
	vm11 =	veq.s32 v6, $0x0  }
0x43e: {  	vm12 =	veq.s32 v6, $0x1;
	v7 =	vsel vm11, $0xF149F2CA, v7;
	vm4 =	vgt.f32 v49, v48  }
0x43f: {  	v52 =	vld [tilespmem:s16+$0x50];
	vm13 =	veq.s32 v6, $0x2;
	vm2 =	vgt.f32 v7, $-1.000000020e+30;
	v53 =	vsel vm4, v49, v48  }
0x440: {  	vm14 =	veq.s32 v6, $0x3;
	v7 =	vnsel vm2, $0xF149F2CA, v7;
	vm2 =	vgt.f32 v50, v53  }
0x441: {  	v54 =	vld [tilespmem:s16+$0xD0];
	v8 =	vsel vm12, $0xF149F2CA, v8;
	v10 =	vsel vm13, $0xF149F2CA, v34;
	v21 =	vsel vm2, v50, v53  }
0x442: {  	v9 =	vsel vm14, $0xF149F2CA, v35;
	vm11 =	veq.s32 v6, $0x4;
	vm15 =	vgt.f32 v51, v21  }
0x443: {  	v55 =	vld [tilespmem:s16+$0x150];
	vm12 =	veq.s32 v6, $0x5;
	v11 =	vsel vm11, $0xF149F2CA, v36;
	v21 =	vsel vm15, v51, v21  }
0x444: {  	v15 =	vsel vm12, $0xF149F2CA, v39;
	vm8 =	vgt.f32 v8, v7;
	vm13 =	vgt.f32 v52, v21  }
0x445: {  	v56 =	vld [tilespmem:s16+$0x1D0];
	vm12 =	vmand vm0, vm1;
	v7 =	vsel vm8, v8, v7;
	v21 =	vsel vm13, v52, v21  }
0x446: {  	v57 =	vsel vm4, $0x1, v0;
	vm9 =	vgt.f32 v10, v7;
	vm14 =	vgt.f32 v54, v21  }
0x447: {  	v7 =	vsel vm9, v10, v7;
	v10 =	vsel vm2, $0x2, v57;
	v21 =	vsel vm14, v54, v21  }
0x448: {  	vm10 =	vgt.f32 v9, v7;
	v58 =	vsel vm15, $0x3, v10;
	vm2 =	vgt.f32 v55, v21  }
0x449: {  	v7 =	vsel vm10, v9, v7;
	v9 =	vsel vm13, $0x4, v58;
	v59 =	vsel vm2, v55, v21  }
0x44a: {  	vm11 =	vgt.f32 v11, v7;
	v9 =	vsel vm14, $0x5, v9;
	vm15 =	vgt.f32 v56, v59  }
0x44b: {  	v7 =	vsel vm11, v11, v7;
	v9 =	vsel vm2, $0x6, v9;
	vm0 =	vmneg vm15  }
0x44c: {  	v60 =	vsel vm12, $0xF149F2CA, v40;
	vm12 =	vgt.f32 v15, v7;
	v9 =	vnsel vm0, $0x7, v9  }
0x44d: {  	v12 =	vsel vm1, v47, v41;
	v7 =	vsel vm12, v15, v7;
	vm13 =	veq.s32 v9, $0x0  }
0x44e: {  	v61 =	vnsel vm1, $0xF149F2CA, v41;
	v13 =	vsel vm13, $0xF149F2CA, v48;
	vm13 =	vgt.f32 v60, v7  }
0x44f: {  	vm15 =	veq.s32 v9, $0x1;
	v7 =	vsel vm13, v60, v7;
	vm14 =	vgt.f32 v13, $-1.000000020e+30  }
0x450: {  	v63 =	vsel vm15, $0xF149F2CA, v49;
	v62 =	vnsel vm14, $0xF149F2CA, v13;
	vm14 =	vgt.f32 v61, v7  }
0x451: {  	vm6 =	veq.s32 v9, $0x2;
	v7 =	vsel vm14, v61, v7;
	vm1 =	vgt.f32 v63, v62  }
0x452: {  	v16 =	vsel vm6, $0xF149F2CA, v50;
	v7 =	vsub.f32 v7, v12;
	v11 =	vsel vm1, v63, v62  }
0x453: {  	vm15 =	veq.s32 v9, $0x3;
	vm3 =	vgt.f32 v16, v11  }
0x454: {  	v17 =	vsel vm15, $0xF149F2CA, v51;
	v7 =	vmul.f32 $1.442695020e+00, v7;
	v11 =	vsel vm3, v16, v11  }
0x455: {  	vm15 =	veq.s32 v9, $0x4;
	vm4 =	vgt.f32 v17, v11  }
0x456: {  	v18 =	vsel vm15, $0xF149F2CA, v52;
	(erf) = vpow2.f32 v7;
	v19 =	vsel vm4, v17, v11  }
0x457: {  	vm15 =	veq.s32 v9, $0x5;
	vm5 =	vgt.f32 v18, v19  }
0x458: {  	v8 =	vsel vm15, $0xF149F2CA, v54;
	v7 =	vsel vm5, v18, v19  }
0x459: {  	vm2 =	vmand vm2, vm0;
	vm6 =	vgt.f32 v8, v7  }
0x45a: {  	v20 =	vsel vm2, $0xF149F2CA, v55;
	v7 =	vsel vm6, v8, v7  }
0x45b: {  	vm2 =	vgt.f32 v20, v7  }
0x45c: {  	v21 =	vnsel vm0, $0xF149F2CA, v56;
	v7 =	vsel vm2, v20, v7  }
0x45d: {  	vm15 =	vgt.f32 v21, v7  }
0x45e: {  	v10 =	vsel vm0, v59, v56;
	v8 =	vsel vm15, v21, v7  }
0x45f: {  	v22 =	vpop (erf);
	v8 =	vsub.f32 v8, v10  }
0x460: {  	v23 =	vadd.f32 $1.000000000e+00, v22  }
0x461: {  	v8 =	vmul.f32 $1.442695020e+00, v8  }
0x462: {  	(erf) = vrcp.f32 v23  }
0x463: {  	(erf) = vpow2.f32 v8;
	_ =	sdelay $0x7  }
0x464: {  	v24 =	vpop (erf)  }
0x465: {  	v25 =	vpop (erf)  }
0x466: {  	v26 =	vadd.f32 $1.000000000e+00, v25;
	_ =	sdelay $0x1  }
0x467: {  	(erf) = vrcp.f32 v26;
	_ =	sdelay $0x2  }
0x468: {  	v27 =	vsel vm1, $0x1, v0  }
0x469: {  	v11 =	vsel vm3, $0x2, v27  }
0x46a: {  	v11 =	vsel vm4, $0x3, v11  }
0x46b: {  	v11 =	vsel vm5, $0x4, v11  }
0x46c: {  	v11 =	vsel vm6, $0x5, v11  }
0x46d: {  	v11 =	vsel vm2, $0x6, v11  }
0x46e: {  	[tilespmem:s17+$0x2850] =	vst v9;
	v11 =	vsel vm15, $0x7, v11;
	v28 =	vpop (erf)  }
0x46f: {  	[tilespmem:s17+$0x28D0] =	vst v11;
	v10 =	vmul.f32 v28, v25  }
0x470: {  	[tilespmem:s17+$0x2050] =	vst v28  }
0x471: {  	[tilespmem:s17+$0x20D0] =	vst v10  }
0x472: {  	v9 =	vld [tilespmem:s16+$0xFFFFFE60]  }
0x473: {  	v10 =	vld [tilespmem:s16+$0xFFFFFEE0];
	_ =	sdelay $0x1  }
0x474: {  	v11 =	vld [tilespmem:s16+$0xFFFFFF60];
	_ =	sdelay $0x1  }
0x475: {  	v29 =	vld [tilespmem:s16+$0xFFFFFFE0]  }
0x476: {  	vm0 =	vgt.f32 v10, v9  }
0x477: {  	v30 =	vld [tilespmem:s16+$0x60];
	v31 =	vsel vm0, v10, v9  }
0x478: {  	vm1 =	vgt.f32 v11, v31  }
0x479: {  	v32 =	vld [tilespmem:s16+$0xE0];
	v14 =	vsel vm1, v11, v31  }
0x47a: {  	vm6 =	vgt.f32 v29, v14  }
0x47b: {  	v33 =	vld [tilespmem:s16+$0x160];
	v14 =	vsel vm6, v29, v14  }
0x47c: {  	vm15 =	vgt.f32 v30, v14  }
0x47d: {  	v34 =	vld [tilespmem:s16+$0x1E0];
	v14 =	vsel vm15, v30, v14  }
0x47e: {  	v35 =	vsel vm0, $0x1, v0;
	vm4 =	vgt.f32 v32, v14  }
0x47f: {  	v18 =	vsel vm1, $0x2, v35;
	v14 =	vsel vm4, v32, v14  }
0x480: {  	v18 =	vsel vm6, $0x3, v18;
	vm1 =	vgt.f32 v33, v14  }
0x481: {  	v18 =	vsel vm15, $0x4, v18;
	v14 =	vsel vm1, v33, v14  }
0x482: {  	v18 =	vsel vm4, $0x5, v18;
	vm5 =	vgt.f32 v34, v14  }
0x483: {  	v18 =	vsel vm1, $0x6, v18;
	vm0 =	vmneg vm5  }
0x484: {  	v18 =	vnsel vm0, $0x7, v18  }
0x485: {  	vm6 =	veq.s32 v18, $0x0  }
0x486: {  	v9 =	vsel vm6, $0xF149F2CA, v9  }
0x487: {  	vm15 =	veq.s32 v18, $0x1;
	vm2 =	vgt.f32 v9, $-1.000000020e+30  }
0x488: {  	v10 =	vsel vm15, $0xF149F2CA, v10;
	v9 =	vnsel vm2, $0xF149F2CA, v9  }
0x489: {  	vm6 =	veq.s32 v18, $0x2;
	vm2 =	vgt.f32 v10, v9  }
0x48a: {  	v11 =	vsel vm6, $0xF149F2CA, v11;
	v9 =	vsel vm2, v10, v9  }
0x48b: {  	vm15 =	veq.s32 v18, $0x3;
	vm3 =	vgt.f32 v11, v9  }
0x48c: {  	v36 =	vsel vm15, $0xF149F2CA, v29;
	v9 =	vsel vm3, v11, v9  }
0x48d: {  	vm15 =	veq.s32 v18, $0x4;
	vm4 =	vgt.f32 v36, v9  }
0x48e: {  	v37 =	vsel vm15, $0xF149F2CA, v30;
	v9 =	vsel vm4, v36, v9  }
0x48f: {  	vm15 =	veq.s32 v18, $0x5;
	vm5 =	vgt.f32 v37, v9  }
0x490: {  	v38 =	vsel vm15, $0xF149F2CA, v32;
	v9 =	vsel vm5, v37, v9  }
0x491: {  	vm1 =	vmand vm1, vm0;
	vm6 =	vgt.f32 v38, v9  }
0x492: {  	v39 =	vsel vm1, $0xF149F2CA, v33;
	v9 =	vsel vm6, v38, v9  }
0x493: {  	vm1 =	vgt.f32 v39, v9  }
0x494: {  	v40 =	vnsel vm0, $0xF149F2CA, v34;
	v9 =	vsel vm1, v39, v9  }
0x495: {  	vm15 =	vgt.f32 v40, v9  }
0x496: {  	v41 =	vsel vm0, v14, v34;
	v9 =	vsel vm15, v40, v9  }
0x497: {  	v9 =	vsub.f32 v9, v41;
	_ =	sdelay $0x1  }
0x498: {  	v9 =	vmul.f32 $1.442695020e+00, v9;
	_ =	sdelay $0x1  }
0x499: {  	(erf) = vpow2.f32 v9;
	_ =	sdelay $0x8  }
0x49a: {  	v9 =	vpop (erf)  }
0x49b: {  	v42 =	vadd.f32 $1.000000000e+00, v9;
	_ =	sdelay $0x1  }
0x49c: {  	(erf) = vrcp.f32 v42;
	_ =	sdelay $0x2  }
0x49d: {  	v43 =	vsel vm2, $0x1, v0  }
0x49e: {  	v10 =	vsel vm3, $0x2, v43  }
0x49f: {  	v10 =	vsel vm4, $0x3, v10  }
0x4a0: {  	v10 =	vsel vm5, $0x4, v10  }
0x4a1: {  	v10 =	vsel vm6, $0x5, v10  }
0x4a2: {  	v10 =	vsel vm1, $0x6, v10  }
0x4a3: {  	[tilespmem:s17+$0x2860] =	vst v18;
	v10 =	vsel vm15, $0x7, v10;
	v44 =	vpop (erf)  }
0x4a4: {  	[tilespmem:s17+$0x28E0] =	vst v10;
	v9 =	vmul.f32 v44, v9  }
0x4a5: {  	[tilespmem:s17+$0x2060] =	vst v44  }
0x4a6: {  	[tilespmem:s17+$0x20E0] =	vst v9  }
0x4a7: {  	v9 =	vld [tilespmem:s16+$0xFFFFFE70]  }
0x4a8: {  	v10 =	vld [tilespmem:s16+$0xFFFFFEF0];
	_ =	sdelay $0x1  }
0x4a9: {  	v11 =	vld [tilespmem:s16+$0xFFFFFF70];
	_ =	sdelay $0x1  }
0x4aa: {  	v45 =	vld [tilespmem:s16+$0xFFFFFFF0]  }
0x4ab: {  	vm15 =	vgt.f32 v10, v9  }
0x4ac: {  	v46 =	vld [tilespmem:s16+$0x70];
	v47 =	vsel vm15, v10, v9  }
0x4ad: {  	vm1 =	vgt.f32 v11, v47  }
0x4ae: {  	v48 =	vld [tilespmem:s16+$0xF0];
	v14 =	vsel vm1, v11, v47  }
0x4af: {  	vm6 =	vgt.f32 v45, v14  }
0x4b0: {  	v49 =	vld [tilespmem:s16+$0x170];
	v14 =	vsel vm6, v45, v14  }
0x4b1: {  	vm3 =	vgt.f32 v46, v14  }
0x4b2: {  	v50 =	vld [tilespmem:s16+$0x1F0];
	v14 =	vsel vm3, v46, v14  }
0x4b3: {  	v51 =	vsel vm15, $0x1, v0;
	vm15 =	vgt.f32 v48, v14  }
0x4b4: {  	v18 =	vsel vm1, $0x2, v51;
	v14 =	vsel vm15, v48, v14  }
0x4b5: {  	v18 =	vsel vm6, $0x3, v18;
	vm4 =	vgt.f32 v49, v14  }
0x4b6: {  	v18 =	vsel vm3, $0x4, v18;
	v14 =	vsel vm4, v49, v14  }
0x4b7: {  	v18 =	vsel vm15, $0x5, v18;
	vm6 =	vgt.f32 v50, v14  }
0x4b8: {  	v18 =	vsel vm4, $0x6, v18;
	vm6 =	vmneg vm6  }
0x4b9: {  	v18 =	vnsel vm6, $0x7, v18  }
0x4ba: {  	vm15 =	veq.s32 v18, $0x0  }
0x4bb: {  	v9 =	vsel vm15, $0xF149F2CA, v9  }
0x4bc: {  	vm5 =	veq.s32 v18, $0x1;
	vm0 =	vgt.f32 v9, $-1.000000020e+30  }
0x4bd: {  	v10 =	vsel vm5, $0xF149F2CA, v10;
	v9 =	vnsel vm0, $0xF149F2CA, v9  }
0x4be: {  	vm15 =	veq.s32 v18, $0x2;
	vm0 =	vgt.f32 v10, v9  }
0x4bf: {  	v11 =	vsel vm15, $0xF149F2CA, v11;
	v9 =	vsel vm0, v10, v9  }
0x4c0: {  	vm5 =	veq.s32 v18, $0x3;
	vm1 =	vgt.f32 v11, v9  }
0x4c1: {  	v52 =	vsel vm5, $0xF149F2CA, v45;
	v9 =	vsel vm1, v11, v9  }
0x4c2: {  	vm15 =	veq.s32 v18, $0x4;
	vm2 =	vgt.f32 v52, v9  }
0x4c3: {  	v53 =	vsel vm15, $0xF149F2CA, v46;
	v9 =	vsel vm2, v52, v9  }
0x4c4: {  	vm15 =	veq.s32 v18, $0x5;
	vm3 =	vgt.f32 v53, v9  }
0x4c5: {  	v54 =	vsel vm15, $0xF149F2CA, v48;
	v9 =	vsel vm3, v53, v9  }
0x4c6: {  	vm15 =	vmand vm4, vm6;
	vm4 =	vgt.f32 v54, v9  }
0x4c7: {  	v55 =	vsel vm15, $0xF149F2CA, v49;
	v9 =	vsel vm4, v54, v9  }
0x4c8: {  	vm5 =	vgt.f32 v55, v9  }
0x4c9: {  	v56 =	vnsel vm6, $0xF149F2CA, v50;
	v9 =	vsel vm5, v55, v9  }
0x4ca: {  	vm15 =	vgt.f32 v56, v9  }
0x4cb: {  	v57 =	vsel vm6, v14, v50;
	v9 =	vsel vm15, v56, v9  }
0x4cc: {  	v58 =	vld [tilespmem:$0x1FDD0];
	v9 =	vsub.f32 v9, v57  }
0x4cd: {  	v60 =	vld [tilespmem:$0x1FDE0]  }
0x4ce: {  	v61 =	vld [tilespmem:$0x1FFC0];
	v9 =	vmul.f32 $1.442695020e+00, v9;
	_ =	sdelay $0x1  }
0x4cf: {  	(erf) = vpow2.f32 v9  }
0x4d0: {  	vm6 =	vnez.u8 v58  }
0x4d1: {  	v10 =	vsel vm6, $0x1, v0;
	vm6 =	vnez.u8 v60  }
0x4d2: {  	v10 =	vsel vm6, $0x2, v10;
	vm6 =	vnez.u8 v61  }
0x4d3: {  	v62 =	vld [tilespmem:$0x1FDF0];
	[tilespmem:s11+$0x20F0] =	vst v2;
	v1 =	vsel vm6, $0x7, v1  }
0x4d4: {  	v2 =	vld [tilespmem:$0x1FE00];
	[tilespmem:s11+$0x28F0] =	vst v1  }
0x4d5: {  	v1 =	vld [tilespmem:$0x1FE10]  }
0x4d6: {  	[tilespmem:s12+$0x2870] =	vst v3  }
0x4d7: {  	v63 =	vld [tilespmem:$0x1FE20]  }
0x4d8: {  	vm6 =	vnez.u8 v62;
	v9 =	vpop (erf)  }
0x4d9: {  	v10 =	vsel vm6, $0x3, v10;
	vm6 =	vnez.u8 v2;
	v59 =	vadd.f32 $1.000000000e+00, v9  }
0x4da: {  	v2 =	vsel vm6, $0x4, v10;
	vm6 =	vnez.u8 v1  }
0x4db: {  	v1 =	vsel vm6, $0x5, v2;
	v2 =	vsel vm8, $0x1, v0;
	(erf) = vrcp.f32 v59  }
0x4dc: {  	vm6 =	vnez.u8 v63;
	v2 =	vsel vm9, $0x2, v2  }
0x4dd: {  	[tilespmem:s12+$0x2070] =	vst v5;
	v1 =	vsel vm6, $0x6, v1;
	v2 =	vsel vm10, $0x3, v2  }
0x4de: {  	[tilespmem:s13+$0x2870] =	vst v6;
	v1 =	vsel vm7, $0x7, v1;
	v2 =	vsel vm11, $0x4, v2  }
0x4df: {  	v3 =	vmul.f32 v5, v4;
	[tilespmem:s12+$0x28F0] =	vst v1;
	v1 =	vsel vm12, $0x5, v2;
	v2 =	vsel vm0, $0x1, v0  }
0x4e0: {  	[tilespmem:s13+$0x2070] =	vst v24;
	v1 =	vsel vm13, $0x6, v1;
	v2 =	vsel vm1, $0x2, v2  }
0x4e1: {  	[tilespmem:s12+$0x20F0] =	vst v3;
	v3 =	vmul.f32 v24, v22;
	v1 =	vsel vm14, $0x7, v1;
	v2 =	vsel vm2, $0x3, v2  }
0x4e2: {  	[tilespmem:s17+$0x2870] =	vst v18;
	v2 =	vsel vm3, $0x4, v2  }
0x4e3: {  	[tilespmem:s13+$0x20F0] =	vst v3;
	v2 =	vsel vm4, $0x5, v2  }
0x4e4: {  	[tilespmem:s13+$0x28F0] =	vst v1;
	v2 =	vsel vm5, $0x6, v2;
	v1 =	vpop (erf)  }
0x4e5: {  	v3 =	vmul.f32 v1, v9;
	[tilespmem:s17+$0x2070] =	vst v1;
	v1 =	vsel vm15, $0x7, v2  }
0x4e6: {  	[tilespmem:s17+$0x28F0] =	vst v1  }
0x4e7: {  	[tilespmem:s17+$0x20F0] =	vst v3  }
0x4e8: {  	[hbm4b:s4+s2] =	stream.linear.scatter [tilespmem:s8], [sflag:$0x1], $0x800, $0x38;
	[tilespmem:$0x3000] =	vst v63  }
0x4e9: {  	s10 =	sadd.s32 $0x1, s10;
	_ =	swait.ge [sflag:s7], $0x800  }
0x4ea: {  	p0 =	sne.s32 s10, s6;
	[sflag:s7] =	ssyncset.done $0x0  }
.Ltmp1:
0x4eb: {  	[sflag:s7] =	ssyncadd.s32 $0xFFFFF800;
	(pc) =	sbr.rel @p0 .LBB2_1-.Ltmp1, $4  }
0x4ec: {  	[hbm4b:s5+s2] =	stream.linear.scatter [tilespmem:s9], [sflag:$0x1], $0x800, $0x38;
	[tilespmem:$0x3000] =	vst v63  }
0x4ed: {  	_ =	swait.ge [sflag:s7], $0x800  }
0x4ee: {  	[sflag:s7] =	ssyncset.done $0x0  }
0x4ef: {  	[sflag:s7] =	ssyncadd.s32 $0xFFFFF800  }
0x4f0: {  	_ =	sfence.sel $0x180000  }
0x4f1: {  	[bflag:$0x0] =	sbarrier.arrive $0xFFFF  }
0x4f2: {  	p0 =	sne.s32 s1, $0x0;
	_ =	strace $0x90000047  }
0x4f3: {  	s0 =	sadd.s32 @!p0 $0x100000, s0;
	[bflag:$0x2] =	sbarrier.arrive $0xFFFF  }
0x4f4: {  	[sflag:s0] =	ssyncadd.tile.s32 @!p0 $0x1;
	_ =	shalt  }
.Lfunc_end2:
_tile_overlayer_lowered:
.L_overlay_start_2:
0x4f5: {  	(tag) =	ssettag $0x2  }
0x4f6: {  	s0 =	rddreg [dreg:$0x0];
	s2 =	stileid.u32  }
0x4f7: {  	s1 =	rddreg [dreg:$0x1];
	p0 =	sne.s32 s2, $0x0  }
0x4f8: {  	s3 =	rddreg [dreg:$0x2];
	[bflag:$0x3] =	sbarrier.arrive $0xFFFF;
	s2 =	simm.s32 @!p0 $0x1C01  }
0x4f9: {  	[timem:s3], [sflag:s2] =	dma.local @!p0 [hbm:s0], s1  }
0x4fa: {  	s0 =	simm.s32 @!p0 $0x1  }
0x4fb: {  	_ =	swait.ge @!p0 [sflag:s0], s1  }
0x4fc: {  	s1 =	ssub.s32 @!p0 $0x0, s1;
	[sflag:s0] =	ssyncset.done @!p0 $0x0  }
0x4fd: {  	[sflag:s0] =	ssyncadd.s32 @!p0 s1  }
0x4fe: {  	[bflag:$0x3] =	sbarrier.arrive $0xFFFF  }
0x4ff: {  	_ =	shalt  }

</sc_bundles>
